<compile_context>
chip_gen: v7x
topology: tpu7x:2x2x1
jax: 0.10.2.dev20260603
libtpu: 0.0.44.dev20260713+nightly
codegen_flags: <defaults>
</compile_context>

<pallas_src>
import functools
import jax
import jax.numpy as jnp
from jax import lax
from jax.experimental import pallas as pl
from jax.experimental.pallas import tpu as pltpu
from jax.experimental.pallas import tpu_sc as plsc

DIM = 64
SEQ = 200
BATCH = 4096
NC = 2
NS = 16
NW = NC * NS
NT = BATCH // 128
NTASK = SEQ * NT
TPW = NTASK // NW
NG = DIM // 8
TBL_ROWS = 500000


def _splat(v):
    return jnp.full((16,), v, dtype=jnp.int32)


def _sc_body(xt_hbm, tbl_hbm, pe_hbm, out_hbm,
             pe_v, x0, x1, i0, i1, p0, p1, r0, r1, opad, o0, o1,
             xs0, xs1, gs0, gs1, ss0, ss1):
    xbuf = (x0, x1)
    ibuf = (i0, i1)
    pbuf = (p0, p1)
    rows = (r0, r1)
    obuf = (o0, o1)
    xsem = (xs0, xs1)
    gsem = (gs0, gs1)
    ssem = (ss0, ss1)

    wid = lax.axis_index("s") * NC + lax.axis_index("c")
    t0 = wid * TPW
    pltpu.sync_copy(pe_hbm, pe_v)
    iota = lax.iota(jnp.int32, 16)
    colbase = [(iota + 16 * m) * 137 for m in range(8)]

    def task_st(tau):
        return tau >> 5, jnp.bitwise_and(tau, NT - 1)

    def x_desc(tau, p):
        s, t = task_st(tau)
        return pltpu.make_async_copy(
            xt_hbm.at[pl.ds(s, 1), pl.ds(t * 128, 128)], xbuf[p], xsem[p])

    def g_desc(p):
        return pltpu.make_async_copy(tbl_hbm.at[ibuf[p]], rows[p], gsem[p])

    def s_descs(tau, p):
        s, t = task_st(tau)
        return [
            pltpu.make_async_copy(
                obuf[p].at[pl.ds(g * 8, 8)],
                out_hbm.at[s, pl.ds(g * 8, 8), pl.ds(t * 128, 128)],
                ssem[p])
            for g in range(NG)
        ]

    def idxpar(p):
        for j in range(8):
            xv = xbuf[p][0, pl.ds(16 * j, 16)]
            ibuf[p][pl.ds(16 * j, 16)] = lax.shift_right_logical(xv, 1)
            pbuf[p][pl.ds(16 * j, 16)] = lax.shift_left(
                jnp.bitwise_and(xv, 1), 6)

    def compute(tau, p, po):
        s, _ = task_st(tau)
        pe_vecs = [pe_v[s, pl.ds(16 * m, 16)] for m in range(4)]

        @pl.loop(0, 128)
        def _r(r):
            r_spl = jnp.full((16,), r, dtype=jnp.int32)
            pv = plsc.load_gather(pbuf[p], [r_spl])
            pv137 = pv * 137
            mlo = pv == 0
            mhi = jnp.logical_not(mlo)
            for m in range(8):
                v = rows[p][r, pl.ds(16 * m, 16)]
                plsc.store_scatter(
                    opad, [colbase[m] - pv137 + r_spl],
                    v * 8.0 + pe_vecs[m % 4],
                    mask=mlo if m < 4 else mhi)

        @pl.loop(0, DIM, unroll=8)
        def _c(c):
            for k in range(8):
                obuf[po][c, pl.ds(16 * k, 16)] = opad[
                    pl.ds(c * 137 + 16 * k, 16)]

    x_desc(t0, 0).start()
    x_desc(t0 + 1, 1).start()
    x_desc(t0, 0).wait()
    idxpar(0)
    g_desc(0).start()

    @pl.loop(0, TPW // 2)
    def _main(k2):
        for half in range(2):
            tau = t0 + 2 * k2 + half
            rel = 2 * k2 + half
            p = half
            q = 1 - half

            @pl.when(rel < TPW - 1)
            def _():
                x_desc(tau + 1, q).wait()
                idxpar(q)
                g_desc(q).start()

            @pl.when(rel < TPW - 2)
            def _():
                x_desc(tau + 2, p).start()

            g_desc(p).wait()

            @pl.when(rel >= 2)
            def _():
                for d in s_descs(tau - 2, p):
                    d.wait()

            compute(tau, p, p)
            for d in s_descs(tau, p):
                d.start()

    for d in s_descs(t0 + TPW - 2, 0):
        d.wait()
    for d in s_descs(t0 + TPW - 1, 1):
        d.wait()


_mesh = plsc.VectorSubcoreMesh(core_axis_name="c", subcore_axis_name="s")

_pe_call = functools.partial(
    pl.kernel,
    mesh=_mesh,
    out_type=jax.ShapeDtypeStruct((SEQ, DIM, BATCH), jnp.float32),
    scratch_types=[
        pltpu.VMEM((SEQ, 128), jnp.float32),
        pltpu.VMEM((1, 128), jnp.int32),
        pltpu.VMEM((1, 128), jnp.int32),
        pltpu.VMEM((128,), jnp.int32),
        pltpu.VMEM((128,), jnp.int32),
        pltpu.VMEM((144,), jnp.int32),
        pltpu.VMEM((144,), jnp.int32),
        pltpu.VMEM((128, 128), jnp.float32),
        pltpu.VMEM((128, 128), jnp.float32),
        pltpu.VMEM((DIM * 137,), jnp.float32),
        pltpu.VMEM((DIM, 128), jnp.float32),
        pltpu.VMEM((DIM, 128), jnp.float32),
        pltpu.SemaphoreType.DMA,
        pltpu.SemaphoreType.DMA,
        pltpu.SemaphoreType.DMA,
        pltpu.SemaphoreType.DMA,
        pltpu.SemaphoreType.DMA,
        pltpu.SemaphoreType.DMA,
    ],
    compiler_params=pltpu.CompilerParams(
        use_tc_tiling_on_sc=True, needs_layout_passes=False),
)(_sc_body)


@jax.jit
def kernel(x, table, pe):
    xt = x.T
    tbl2 = table.reshape(TBL_ROWS, 128)
    pe_pad = jnp.pad(pe[0, :SEQ, :], ((0, 0), (0, 128 - DIM)))
    out_t = _pe_call(xt, tbl2, pe_pad)
    return out_t.transpose(2, 0, 1)

# --- scband reference (transcript-rebuilt; emitter-appended) ---
"""Pipeline reference for scband-positional-encoding-1726576857857 (READ-ONLY COPY).

The authoritative reference and input builder live on the scoring server;
editing this copy changes nothing except your own understanding.
"""

import jax, jax.numpy as jnp
import numpy as np
import math

NUM_EMB = 1000000
DIM = 64
MAX_LEN = 5000
BATCH = 4096
SEQ = 200


def _make_pe(max_len, dim):
    pe = np.zeros((max_len, dim), dtype=np.float32)
    position = np.arange(0, max_len, dtype=np.float32)[:, None]
    div_term = np.exp(np.arange(0, dim, 2, dtype=np.float32) * -(math.log(10000.0) / dim))
    pe[:, 0::2] = np.sin(position * div_term)
    pe[:, 1::2] = np.cos(position * div_term)
    return jnp.asarray(pe)[None, :, :]  # [1, max_len, dim]


def setup_inputs(seed: int = 0) -> dict:
    key = jax.random.key(seed)
    k1, k2 = jax.random.split(key)
    x = jax.random.randint(k1, (BATCH, SEQ), 0, NUM_EMB, dtype=jnp.int32)
    table = jax.random.normal(k2, (NUM_EMB, DIM), dtype=jnp.float32)
    table = table.at[0].set(0.0)  # padding_idx = 0
    pe = _make_pe(MAX_LEN, DIM)
    return {"x": x, "table": table, "pe": pe}


def reference(x, table, pe):
    emb = jnp.take(table, x, axis=0)              # gather: [B, S, DIM]
    emb = emb * math.sqrt(DIM)
    emb = emb + pe[:, : emb.shape[1]]             # add sinusoidal PE (step=None path)
    # dropout_prob = 0.0 -> identity
    return emb

if __name__ == "__main__":
    import jax
    _d = setup_inputs()
    print(jax.jit(kernel)(*tuple(_d.values())))

</pallas_src>

<mosaic_0001>
#map = affine_map<(d0, d1) -> (0, 0)>
#map1 = affine_map<(d0, d1) -> (0, 0, 0)>
module attributes {stable_mosaic.version = 14 : i64} {
  func.func @_sc_body(%arg0: i32, %arg1: i32, %arg2: memref<200x4096xi32, #tpu.memory_space<hbm>>, %arg3: memref<500000x128xf32, #tpu.memory_space<hbm>>, %arg4: memref<200x128xf32, #tpu.memory_space<hbm>>, %arg5: memref<200x64x4096xf32, #tpu.memory_space<hbm>>, %arg6: memref<200x128xf32, #tpu.memory_space<vmem>>, %arg7: memref<1x128xi32, #tpu.memory_space<vmem>>, %arg8: memref<1x128xi32, #tpu.memory_space<vmem>>, %arg9: memref<128xi32, #tpu.memory_space<vmem>>, %arg10: memref<128xi32, #tpu.memory_space<vmem>>, %arg11: memref<144xi32, #tpu.memory_space<vmem>>, %arg12: memref<144xi32, #tpu.memory_space<vmem>>, %arg13: memref<128x128xf32, #tpu.memory_space<vmem>>, %arg14: memref<128x128xf32, #tpu.memory_space<vmem>>, %arg15: memref<8768xf32, #tpu.memory_space<vmem>>, %arg16: memref<64x128xf32, #tpu.memory_space<vmem>>, %arg17: memref<64x128xf32, #tpu.memory_space<vmem>>, %arg18: memref<!tpu.dma_semaphore, #tpu.memory_space<semaphore_mem>>, %arg19: memref<!tpu.dma_semaphore, #tpu.memory_space<semaphore_mem>>, %arg20: memref<!tpu.dma_semaphore, #tpu.memory_space<semaphore_mem>>, %arg21: memref<!tpu.dma_semaphore, #tpu.memory_space<semaphore_mem>>, %arg22: memref<!tpu.dma_semaphore, #tpu.memory_space<semaphore_mem>>, %arg23: memref<!tpu.dma_semaphore, #tpu.memory_space<semaphore_mem>>) attributes {dimension_semantics = [#tpu.dimension_semantics<core_parallel>, #tpu.dimension_semantics<subcore_parallel>], iteration_bounds = array<i64: 2, 16>, scalar_prefetch = 0 : i64, scratch_operands = 18 : i64, tpu.core_type = #tpu.core_type<sc_vector_subcore>, window_params = [{transform_indices = #map}, {transform_indices = #map}, {transform_indices = #map}, {transform_indices = #map1}]} {
    %mul3A = arith.constant 2 : i32
    %mul3A_0 = arith.muli %arg1, %mul3A : i32
    %add3A = arith.addi %mul3A_0, %arg0 : i32
    %mul3A_1 = arith.constant 200 : i32
    %mul3A_2 = arith.muli %add3A, %mul3A_1 : i32
    "tpu.region"() ({
      %run_scoped3A = tpu.sem_alloc : memref<!tpu.dma_semaphore, #tpu.memory_space<semaphore_mem>>
      tpu.enqueue_dma source(%arg4 : memref<200x128xf32, #tpu.memory_space<hbm>>) target(%arg6 : memref<200x128xf32, #tpu.memory_space<vmem>>) target_semaphore(%run_scoped3A : memref<!tpu.dma_semaphore, #tpu.memory_space<semaphore_mem>>)
      tpu.wait_dma2 semaphore(%run_scoped3A : memref<!tpu.dma_semaphore, #tpu.memory_space<semaphore_mem>>) src(%arg4 : memref<200x128xf32, #tpu.memory_space<hbm>>) dst(%arg6 : memref<200x128xf32, #tpu.memory_space<vmem>>)
      tpu.yield
    }) : () -> ()
    %iota3A = tpu.iota {dimensions = array<i32: 0>} : vector<16xi32>
    %add3A_3 = arith.constant 0 : i32
    %add3A_4 = vector.broadcast %add3A_3 : i32 to vector<16xi32>
    %add3A_5 = arith.addi %iota3A, %add3A_4 : vector<16xi32>
    %mul3A_6 = arith.constant 137 : i32
    %mul3A_7 = vector.broadcast %mul3A_6 : i32 to vector<16xi32>
    %mul3A_8 = arith.muli %add3A_5, %mul3A_7 : vector<16xi32>
    %add3A_9 = arith.constant 16 : i32
    %add3A_10 = vector.broadcast %add3A_9 : i32 to vector<16xi32>
    %add3A_11 = arith.addi %iota3A, %add3A_10 : vector<16xi32>
    %mul3A_12 = arith.constant 137 : i32
    %mul3A_13 = vector.broadcast %mul3A_12 : i32 to vector<16xi32>
    %mul3A_14 = arith.muli %add3A_11, %mul3A_13 : vector<16xi32>
    %add3A_15 = arith.constant 32 : i32
    %add3A_16 = vector.broadcast %add3A_15 : i32 to vector<16xi32>
    %add3A_17 = arith.addi %iota3A, %add3A_16 : vector<16xi32>
    %mul3A_18 = arith.constant 137 : i32
    %mul3A_19 = vector.broadcast %mul3A_18 : i32 to vector<16xi32>
    %mul3A_20 = arith.muli %add3A_17, %mul3A_19 : vector<16xi32>
    %add3A_21 = arith.constant 48 : i32
    %add3A_22 = vector.broadcast %add3A_21 : i32 to vector<16xi32>
    %add3A_23 = arith.addi %iota3A, %add3A_22 : vector<16xi32>
    %mul3A_24 = arith.constant 137 : i32
    %mul3A_25 = vector.broadcast %mul3A_24 : i32 to vector<16xi32>
    %mul3A_26 = arith.muli %add3A_23, %mul3A_25 : vector<16xi32>
    %add3A_27 = arith.constant 64 : i32
    %add3A_28 = vector.broadcast %add3A_27 : i32 to vector<16xi32>
    %add3A_29 = arith.addi %iota3A, %add3A_28 : vector<16xi32>
    %mul3A_30 = arith.constant 137 : i32
    %mul3A_31 = vector.broadcast %mul3A_30 : i32 to vector<16xi32>
    %mul3A_32 = arith.muli %add3A_29, %mul3A_31 : vector<16xi32>
    %add3A_33 = arith.constant 80 : i32
    %add3A_34 = vector.broadcast %add3A_33 : i32 to vector<16xi32>
    %add3A_35 = arith.addi %iota3A, %add3A_34 : vector<16xi32>
    %mul3A_36 = arith.constant 137 : i32
    %mul3A_37 = vector.broadcast %mul3A_36 : i32 to vector<16xi32>
    %mul3A_38 = arith.muli %add3A_35, %mul3A_37 : vector<16xi32>
    %add3A_39 = arith.constant 96 : i32
    %add3A_40 = vector.broadcast %add3A_39 : i32 to vector<16xi32>
    %add3A_41 = arith.addi %iota3A, %add3A_40 : vector<16xi32>
    %mul3A_42 = arith.constant 137 : i32
    %mul3A_43 = vector.broadcast %mul3A_42 : i32 to vector<16xi32>
    %mul3A_44 = arith.muli %add3A_41, %mul3A_43 : vector<16xi32>
    %add3A_45 = arith.constant 112 : i32
    %add3A_46 = vector.broadcast %add3A_45 : i32 to vector<16xi32>
    %add3A_47 = arith.addi %iota3A, %add3A_46 : vector<16xi32>
    %mul3A_48 = arith.constant 137 : i32
    %mul3A_49 = vector.broadcast %mul3A_48 : i32 to vector<16xi32>
    %mul3A_50 = arith.muli %add3A_47, %mul3A_49 : vector<16xi32>
    %shift_right_arithmetic3A = arith.constant 5 : i32
    %shift_right_arithmetic3A_51 = arith.shrsi %mul3A_2, %shift_right_arithmetic3A : i32
    %and3A = arith.constant 31 : i32
    %and3A_52 = arith.andi %mul3A_2, %and3A : i32
    %mul3A_53 = arith.constant 128 : i32
    %mul3A_54 = arith.muli %and3A_52, %mul3A_53 : i32
    %dma_start3A = tpu.memref_slice %arg2[%shift_right_arithmetic3A_51, %mul3A_54] : memref<200x4096xi32, #tpu.memory_space<hbm>> -> memref<1x128xi32, #tpu.memory_space<hbm>>
    %dma_start3A_55 = tpu.memref_slice %arg2[%shift_right_arithmetic3A_51, %mul3A_54] : memref<200x4096xi32, #tpu.memory_space<hbm>> -> memref<1x128xi32, #tpu.memory_space<hbm>>
    tpu.enqueue_dma source(%dma_start3A_55 : memref<1x128xi32, #tpu.memory_space<hbm>>) target(%arg7 : memref<1x128xi32, #tpu.memory_space<vmem>>) target_semaphore(%arg18 : memref<!tpu.dma_semaphore, #tpu.memory_space<semaphore_mem>>)
    %add3A_56 = arith.constant 1 : i32
    %add3A_57 = arith.addi %mul3A_2, %add3A_56 : i32
    %shift_right_arithmetic3A_58 = arith.constant 5 : i32
    %shift_right_arithmetic3A_59 = arith.shrsi %add3A_57, %shift_right_arithmetic3A_58 : i32
    %and3A_60 = arith.constant 31 : i32
    %and3A_61 = arith.andi %add3A_57, %and3A_60 : i32
    %mul3A_62 = arith.constant 128 : i32
    %mul3A_63 = arith.muli %and3A_61, %mul3A_62 : i32
    %dma_start3A_64 = tpu.memref_slice %arg2[%shift_right_arithmetic3A_59, %mul3A_63] : memref<200x4096xi32, #tpu.memory_space<hbm>> -> memref<1x128xi32, #tpu.memory_space<hbm>>
    %dma_start3A_65 = tpu.memref_slice %arg2[%shift_right_arithmetic3A_59, %mul3A_63] : memref<200x4096xi32, #tpu.memory_space<hbm>> -> memref<1x128xi32, #tpu.memory_space<hbm>>
    tpu.enqueue_dma source(%dma_start3A_65 : memref<1x128xi32, #tpu.memory_space<hbm>>) target(%arg8 : memref<1x128xi32, #tpu.memory_space<vmem>>) target_semaphore(%arg19 : memref<!tpu.dma_semaphore, #tpu.memory_space<semaphore_mem>>)
    %shift_right_arithmetic3A_66 = arith.constant 5 : i32
    %shift_right_arithmetic3A_67 = arith.shrsi %mul3A_2, %shift_right_arithmetic3A_66 : i32
    %and3A_68 = arith.constant 31 : i32
    %and3A_69 = arith.andi %mul3A_2, %and3A_68 : i32
    %mul3A_70 = arith.constant 128 : i32
    %mul3A_71 = arith.muli %and3A_69, %mul3A_70 : i32
    %dma_wait3A = tpu.memref_slice %arg2[%shift_right_arithmetic3A_67, %mul3A_71] : memref<200x4096xi32, #tpu.memory_space<hbm>> -> memref<1x128xi32, #tpu.memory_space<hbm>>
    %dma_wait3A_72 = tpu.memref_slice %arg2[%shift_right_arithmetic3A_67, %mul3A_71] : memref<200x4096xi32, #tpu.memory_space<hbm>> -> memref<1x128xi32, #tpu.memory_space<hbm>>
    tpu.wait_dma2 semaphore(%arg18 : memref<!tpu.dma_semaphore, #tpu.memory_space<semaphore_mem>>) src(%dma_wait3A_72 : memref<1x128xi32, #tpu.memory_space<hbm>>) dst(%arg7 : memref<1x128xi32, #tpu.memory_space<vmem>>)
    %get3A = arith.constant 0 : i32
    %get3A_73 = arith.index_cast %get3A : i32 to index
    %get3A_74 = arith.constant 0 : index
    %get3A_75 = tpu.vector_load %arg7[%get3A_73, %get3A_74] {strides = array<i32>} : memref<1x128xi32, #tpu.memory_space<vmem>>, vector<16xi32>,
    %shift_right_logical3A = arith.constant 1 : i32
    %shift_right_logical3A_76 = vector.broadcast %shift_right_logical3A : i32 to vector<16xi32>
    %shift_right_logical3A_77 = arith.shrui %get3A_75, %shift_right_logical3A_76 : vector<16xi32>
    %swap3A = arith.constant 0 : index
    %swap3A_78 = tpu.vector_load %arg9[%swap3A] {strides = array<i32>} : memref<128xi32, #tpu.memory_space<vmem>>, vector<16xi32>,
    tpu.vector_store %arg9[%swap3A], %shift_right_logical3A_77 {strides = array<i32>} : memref<128xi32, #tpu.memory_space<vmem>>, vector<16xi32>,
    %and3A_79 = arith.constant 1 : i32
    %and3A_80 = vector.broadcast %and3A_79 : i32 to vector<16xi32>
    %and3A_81 = arith.andi %get3A_75, %and3A_80 : vector<16xi32>
    %shift_left3A = arith.constant 6 : i32
    %shift_left3A_82 = vector.broadcast %shift_left3A : i32 to vector<16xi32>
    %shift_left3A_83 = arith.shli %and3A_81, %shift_left3A_82 : vector<16xi32>
    %swap3A_84 = arith.constant 0 : index
    %swap3A_85 = tpu.vector_load %arg11[%swap3A_84] {strides = array<i32>} : memref<144xi32, #tpu.memory_space<vmem>>, vector<16xi32>,
    tpu.vector_store %arg11[%swap3A_84], %shift_left3A_83 {strides = array<i32>} : memref<144xi32, #tpu.memory_space<vmem>>, vector<16xi32>,
    %get3A_86 = arith.constant 0 : i32
    %get3A_87 = arith.index_cast %get3A_86 : i32 to index
    %get3A_88 = arith.constant 16 : index
    %get3A_89 = tpu.vector_load %arg7[%get3A_87, %get3A_88] {strides = array<i32>} : memref<1x128xi32, #tpu.memory_space<vmem>>, vector<16xi32>,
    %shift_right_logical3A_90 = arith.constant 1 : i32
    %shift_right_logical3A_91 = vector.broadcast %shift_right_logical3A_90 : i32 to vector<16xi32>
    %shift_right_logical3A_92 = arith.shrui %get3A_89, %shift_right_logical3A_91 : vector<16xi32>
    %swap3A_93 = arith.constant 16 : index
    %swap3A_94 = tpu.vector_load %arg9[%swap3A_93] {strides = array<i32>} : memref<128xi32, #tpu.memory_space<vmem>>, vector<16xi32>,
    tpu.vector_store %arg9[%swap3A_93], %shift_right_logical3A_92 {strides = array<i32>} : memref<128xi32, #tpu.memory_space<vmem>>, vector<16xi32>,
    %and3A_95 = arith.constant 1 : i32
    %and3A_96 = vector.broadcast %and3A_95 : i32 to vector<16xi32>
    %and3A_97 = arith.andi %get3A_89, %and3A_96 : vector<16xi32>
    %shift_left3A_98 = arith.constant 6 : i32
    %shift_left3A_99 = vector.broadcast %shift_left3A_98 : i32 to vector<16xi32>
    %shift_left3A_100 = arith.shli %and3A_97, %shift_left3A_99 : vector<16xi32>
    %swap3A_101 = arith.constant 16 : index
    %swap3A_102 = tpu.vector_load %arg11[%swap3A_101] {strides = array<i32>} : memref<144xi32, #tpu.memory_space<vmem>>, vector<16xi32>,
    tpu.vector_store %arg11[%swap3A_101], %shift_left3A_100 {strides = array<i32>} : memref<144xi32, #tpu.memory_space<vmem>>, vector<16xi32>,
    %get3A_103 = arith.constant 0 : i32
    %get3A_104 = arith.index_cast %get3A_103 : i32 to index
    %get3A_105 = arith.constant 32 : index
    %get3A_106 = tpu.vector_load %arg7[%get3A_104, %get3A_105] {strides = array<i32>} : memref<1x128xi32, #tpu.memory_space<vmem>>, vector<16xi32>,
    %shift_right_logical3A_107 = arith.constant 1 : i32
    %shift_right_logical3A_108 = vector.broadcast %shift_right_logical3A_107 : i32 to vector<16xi32>
    %shift_right_logical3A_109 = arith.shrui %get3A_106, %shift_right_logical3A_108 : vector<16xi32>
    %swap3A_110 = arith.constant 32 : index
    %swap3A_111 = tpu.vector_load %arg9[%swap3A_110] {strides = array<i32>} : memref<128xi32, #tpu.memory_space<vmem>>, vector<16xi32>,
    tpu.vector_store %arg9[%swap3A_110], %shift_right_logical3A_109 {strides = array<i32>} : memref<128xi32, #tpu.memory_space<vmem>>, vector<16xi32>,
    %and3A_112 = arith.constant 1 : i32
    %and3A_113 = vector.broadcast %and3A_112 : i32 to vector<16xi32>
    %and3A_114 = arith.andi %get3A_106, %and3A_113 : vector<16xi32>
    %shift_left3A_115 = arith.constant 6 : i32
    %shift_left3A_116 = vector.broadcast %shift_left3A_115 : i32 to vector<16xi32>
    %shift_left3A_117 = arith.shli %and3A_114, %shift_left3A_116 : vector<16xi32>
    %swap3A_118 = arith.constant 32 : index
    %swap3A_119 = tpu.vector_load %arg11[%swap3A_118] {strides = array<i32>} : memref<144xi32, #tpu.memory_space<vmem>>, vector<16xi32>,
    tpu.vector_store %arg11[%swap3A_118], %shift_left3A_117 {strides = array<i32>} : memref<144xi32, #tpu.memory_space<vmem>>, vector<16xi32>,
    %get3A_120 = arith.constant 0 : i32
    %get3A_121 = arith.index_cast %get3A_120 : i32 to index
    %get3A_122 = arith.constant 48 : index
    %get3A_123 = tpu.vector_load %arg7[%get3A_121, %get3A_122] {strides = array<i32>} : memref<1x128xi32, #tpu.memory_space<vmem>>, vector<16xi32>,
    %shift_right_logical3A_124 = arith.constant 1 : i32
    %shift_right_logical3A_125 = vector.broadcast %shift_right_logical3A_124 : i32 to vector<16xi32>
    %shift_right_logical3A_126 = arith.shrui %get3A_123, %shift_right_logical3A_125 : vector<16xi32>
    %swap3A_127 = arith.constant 48 : index
    %swap3A_128 = tpu.vector_load %arg9[%swap3A_127] {strides = array<i32>} : memref<128xi32, #tpu.memory_space<vmem>>, vector<16xi32>,
    tpu.vector_store %arg9[%swap3A_127], %shift_right_logical3A_126 {strides = array<i32>} : memref<128xi32, #tpu.memory_space<vmem>>, vector<16xi32>,
    %and3A_129 = arith.constant 1 : i32
    %and3A_130 = vector.broadcast %and3A_129 : i32 to vector<16xi32>
    %and3A_131 = arith.andi %get3A_123, %and3A_130 : vector<16xi32>
    %shift_left3A_132 = arith.constant 6 : i32
    %shift_left3A_133 = vector.broadcast %shift_left3A_132 : i32 to vector<16xi32>
    %shift_left3A_134 = arith.shli %and3A_131, %shift_left3A_133 : vector<16xi32>
    %swap3A_135 = arith.constant 48 : index
    %swap3A_136 = tpu.vector_load %arg11[%swap3A_135] {strides = array<i32>} : memref<144xi32, #tpu.memory_space<vmem>>, vector<16xi32>,
    tpu.vector_store %arg11[%swap3A_135], %shift_left3A_134 {strides = array<i32>} : memref<144xi32, #tpu.memory_space<vmem>>, vector<16xi32>,
    %get3A_137 = arith.constant 0 : i32
    %get3A_138 = arith.index_cast %get3A_137 : i32 to index
    %get3A_139 = arith.constant 64 : index
    %get3A_140 = tpu.vector_load %arg7[%get3A_138, %get3A_139] {strides = array<i32>} : memref<1x128xi32, #tpu.memory_space<vmem>>, vector<16xi32>,
    %shift_right_logical3A_141 = arith.constant 1 : i32
    %shift_right_logical3A_142 = vector.broadcast %shift_right_logical3A_141 : i32 to vector<16xi32>
    %shift_right_logical3A_143 = arith.shrui %get3A_140, %shift_right_logical3A_142 : vector<16xi32>
    %swap3A_144 = arith.constant 64 : index
    %swap3A_145 = tpu.vector_load %arg9[%swap3A_144] {strides = array<i32>} : memref<128xi32, #tpu.memory_space<vmem>>, vector<16xi32>,
    tpu.vector_store %arg9[%swap3A_144], %shift_right_logical3A_143 {strides = array<i32>} : memref<128xi32, #tpu.memory_space<vmem>>, vector<16xi32>,
    %and3A_146 = arith.constant 1 : i32
    %and3A_147 = vector.broadcast %and3A_146 : i32 to vector<16xi32>
    %and3A_148 = arith.andi %get3A_140, %and3A_147 : vector<16xi32>
    %shift_left3A_149 = arith.constant 6 : i32
    %shift_left3A_150 = vector.broadcast %shift_left3A_149 : i32 to vector<16xi32>
    %shift_left3A_151 = arith.shli %and3A_148, %shift_left3A_150 : vector<16xi32>
    %swap3A_152 = arith.constant 64 : index
    %swap3A_153 = tpu.vector_load %arg11[%swap3A_152] {strides = array<i32>} : memref<144xi32, #tpu.memory_space<vmem>>, vector<16xi32>,
    tpu.vector_store %arg11[%swap3A_152], %shift_left3A_151 {strides = array<i32>} : memref<144xi32, #tpu.memory_space<vmem>>, vector<16xi32>,
    %get3A_154 = arith.constant 0 : i32
    %get3A_155 = arith.index_cast %get3A_154 : i32 to index
    %get3A_156 = arith.constant 80 : index
    %get3A_157 = tpu.vector_load %arg7[%get3A_155, %get3A_156] {strides = array<i32>} : memref<1x128xi32, #tpu.memory_space<vmem>>, vector<16xi32>,
    %shift_right_logical3A_158 = arith.constant 1 : i32
    %shift_right_logical3A_159 = vector.broadcast %shift_right_logical3A_158 : i32 to vector<16xi32>
    %shift_right_logical3A_160 = arith.shrui %get3A_157, %shift_right_logical3A_159 : vector<16xi32>
    %swap3A_161 = arith.constant 80 : index
    %swap3A_162 = tpu.vector_load %arg9[%swap3A_161] {strides = array<i32>} : memref<128xi32, #tpu.memory_space<vmem>>, vector<16xi32>,
    tpu.vector_store %arg9[%swap3A_161], %shift_right_logical3A_160 {strides = array<i32>} : memref<128xi32, #tpu.memory_space<vmem>>, vector<16xi32>,
    %and3A_163 = arith.constant 1 : i32
    %and3A_164 = vector.broadcast %and3A_163 : i32 to vector<16xi32>
    %and3A_165 = arith.andi %get3A_157, %and3A_164 : vector<16xi32>
    %shift_left3A_166 = arith.constant 6 : i32
    %shift_left3A_167 = vector.broadcast %shift_left3A_166 : i32 to vector<16xi32>
    %shift_left3A_168 = arith.shli %and3A_165, %shift_left3A_167 : vector<16xi32>
    %swap3A_169 = arith.constant 80 : index
    %swap3A_170 = tpu.vector_load %arg11[%swap3A_169] {strides = array<i32>} : memref<144xi32, #tpu.memory_space<vmem>>, vector<16xi32>,
    tpu.vector_store %arg11[%swap3A_169], %shift_left3A_168 {strides = array<i32>} : memref<144xi32, #tpu.memory_space<vmem>>, vector<16xi32>,
    %get3A_171 = arith.constant 0 : i32
    %get3A_172 = arith.index_cast %get3A_171 : i32 to index
    %get3A_173 = arith.constant 96 : index
    %get3A_174 = tpu.vector_load %arg7[%get3A_172, %get3A_173] {strides = array<i32>} : memref<1x128xi32, #tpu.memory_space<vmem>>, vector<16xi32>,
    %shift_right_logical3A_175 = arith.constant 1 : i32
    %shift_right_logical3A_176 = vector.broadcast %shift_right_logical3A_175 : i32 to vector<16xi32>
    %shift_right_logical3A_177 = arith.shrui %get3A_174, %shift_right_logical3A_176 : vector<16xi32>
    %swap3A_178 = arith.constant 96 : index
    %swap3A_179 = tpu.vector_load %arg9[%swap3A_178] {strides = array<i32>} : memref<128xi32, #tpu.memory_space<vmem>>, vector<16xi32>,
    tpu.vector_store %arg9[%swap3A_178], %shift_right_logical3A_177 {strides = array<i32>} : memref<128xi32, #tpu.memory_space<vmem>>, vector<16xi32>,
    %and3A_180 = arith.constant 1 : i32
    %and3A_181 = vector.broadcast %and3A_180 : i32 to vector<16xi32>
    %and3A_182 = arith.andi %get3A_174, %and3A_181 : vector<16xi32>
    %shift_left3A_183 = arith.constant 6 : i32
    %shift_left3A_184 = vector.broadcast %shift_left3A_183 : i32 to vector<16xi32>
    %shift_left3A_185 = arith.shli %and3A_182, %shift_left3A_184 : vector<16xi32>
    %swap3A_186 = arith.constant 96 : index
    %swap3A_187 = tpu.vector_load %arg11[%swap3A_186] {strides = array<i32>} : memref<144xi32, #tpu.memory_space<vmem>>, vector<16xi32>,
    tpu.vector_store %arg11[%swap3A_186], %shift_left3A_185 {strides = array<i32>} : memref<144xi32, #tpu.memory_space<vmem>>, vector<16xi32>,
    %get3A_188 = arith.constant 0 : i32
    %get3A_189 = arith.index_cast %get3A_188 : i32 to index
    %get3A_190 = arith.constant 112 : index
    %get3A_191 = tpu.vector_load %arg7[%get3A_189, %get3A_190] {strides = array<i32>} : memref<1x128xi32, #tpu.memory_space<vmem>>, vector<16xi32>,
    %shift_right_logical3A_192 = arith.constant 1 : i32
    %shift_right_logical3A_193 = vector.broadcast %shift_right_logical3A_192 : i32 to vector<16xi32>
    %shift_right_logical3A_194 = arith.shrui %get3A_191, %shift_right_logical3A_193 : vector<16xi32>
    %swap3A_195 = arith.constant 112 : index
    %swap3A_196 = tpu.vector_load %arg9[%swap3A_195] {strides = array<i32>} : memref<128xi32, #tpu.memory_space<vmem>>, vector<16xi32>,
    tpu.vector_store %arg9[%swap3A_195], %shift_right_logical3A_194 {strides = array<i32>} : memref<128xi32, #tpu.memory_space<vmem>>, vector<16xi32>,
    %and3A_197 = arith.constant 1 : i32
    %and3A_198 = vector.broadcast %and3A_197 : i32 to vector<16xi32>
    %and3A_199 = arith.andi %get3A_191, %and3A_198 : vector<16xi32>
    %shift_left3A_200 = arith.constant 6 : i32
    %shift_left3A_201 = vector.broadcast %shift_left3A_200 : i32 to vector<16xi32>
    %shift_left3A_202 = arith.shli %and3A_199, %shift_left3A_201 : vector<16xi32>
    %swap3A_203 = arith.constant 112 : index
    %swap3A_204 = tpu.vector_load %arg11[%swap3A_203] {strides = array<i32>} : memref<144xi32, #tpu.memory_space<vmem>>, vector<16xi32>,
    tpu.vector_store %arg11[%swap3A_203], %shift_left3A_202 {strides = array<i32>} : memref<144xi32, #tpu.memory_space<vmem>>, vector<16xi32>,
    %dma_start3A_205 = arith.constant 0 : i32
    %dma_start3A_206 = arith.constant 0 : i32
    %dma_start3A_207 = tpu.memref_slice %arg3[%dma_start3A_205, %dma_start3A_206] : memref<500000x128xf32, #tpu.memory_space<hbm>> -> memref<500000x128xf32, #tpu.memory_space<hbm>>
    tpu.enqueue_indirect_dma source(%dma_start3A_207 : memref<500000x128xf32, #tpu.memory_space<hbm>>) target(%arg13 : memref<128x128xf32, #tpu.memory_space<vmem>>) offsets(%arg9 : memref<128xi32, #tpu.memory_space<vmem>>) semaphore(%arg20 : memref<!tpu.dma_semaphore, #tpu.memory_space<semaphore_mem>>)
    %scan3A = arith.constant 0 : i32
    %scan3A_208 = arith.constant 100 : i32
    %scan3A_209 = arith.addi %scan3A, %scan3A_208 : i32
    %scan3A_210 = arith.constant 1 : i32
    scf.for %scan3A_451 = %scan3A to %scan3A_209 step %scan3A_210  : i32 {
      %mul3A_452 = arith.constant 1 : i32
      %mul3A_453 = arith.muli %scan3A_451, %mul3A_452 : i32
      %add3A_454 = arith.constant 0 : i32
      %add3A_455 = arith.addi %add3A_454, %mul3A_453 : i32
      %mul3A_456 = arith.constant 2 : i32
      %mul3A_457 = arith.muli %mul3A_456, %add3A_455 : i32
      %add3A_458 = arith.addi %mul3A_2, %mul3A_457 : i32
      %add3A_459 = arith.constant 0 : i32
      %add3A_460 = arith.addi %add3A_458, %add3A_459 : i32
      %mul3A_461 = arith.constant 2 : i32
      %mul3A_462 = arith.muli %mul3A_461, %add3A_455 : i32
      %add3A_463 = arith.constant 0 : i32
      %add3A_464 = arith.addi %mul3A_462, %add3A_463 : i32
      %lt3A = arith.constant 199 : i32
      %lt3A_465 = arith.cmpi slt, %add3A_464, %lt3A : i32
      %convert_element_type3A = arith.extui %lt3A_465 : i1 to i32
      %cond3A = arith.constant 0 : i32
      %cond3A_466 = arith.cmpi ne, %convert_element_type3A, %cond3A : i32
      scf.if %cond3A_466 {
        %add3A_790 = arith.constant 1 : i32
        %add3A_791 = arith.addi %add3A_460, %add3A_790 : i32
        %shift_right_arithmetic3A_792 = arith.constant 5 : i32
        %shift_right_arithmetic3A_793 = arith.shrsi %add3A_791, %shift_right_arithmetic3A_792 : i32
        %and3A_794 = arith.constant 31 : i32
        %and3A_795 = arith.andi %add3A_791, %and3A_794 : i32
        %mul3A_796 = arith.constant 128 : i32
        %mul3A_797 = arith.muli %and3A_795, %mul3A_796 : i32
        %dma_wait3A_798 = tpu.memref_slice %arg2[%shift_right_arithmetic3A_793, %mul3A_797] : memref<200x4096xi32, #tpu.memory_space<hbm>> -> memref<1x128xi32, #tpu.memory_space<hbm>>
        %dma_wait3A_799 = tpu.memref_slice %arg2[%shift_right_arithmetic3A_793, %mul3A_797] : memref<200x4096xi32, #tpu.memory_space<hbm>> -> memref<1x128xi32, #tpu.memory_space<hbm>>
        tpu.wait_dma2 semaphore(%arg19 : memref<!tpu.dma_semaphore, #tpu.memory_space<semaphore_mem>>) src(%dma_wait3A_799 : memref<1x128xi32, #tpu.memory_space<hbm>>) dst(%arg8 : memref<1x128xi32, #tpu.memory_space<vmem>>)
        %get3A_800 = arith.constant 0 : i32
        %get3A_801 = arith.index_cast %get3A_800 : i32 to index
        %get3A_802 = arith.constant 0 : index
        %get3A_803 = tpu.vector_load %arg8[%get3A_801, %get3A_802] {strides = array<i32>} : memref<1x128xi32, #tpu.memory_space<vmem>>, vector<16xi32>,
        %shift_right_logical3A_804 = arith.constant 1 : i32
        %shift_right_logical3A_805 = vector.broadcast %shift_right_logical3A_804 : i32 to vector<16xi32>
        %shift_right_logical3A_806 = arith.shrui %get3A_803, %shift_right_logical3A_805 : vector<16xi32>
        %swap3A_807 = arith.constant 0 : index
        %swap3A_808 = tpu.vector_load %arg10[%swap3A_807] {strides = array<i32>} : memref<128xi32, #tpu.memory_space<vmem>>, vector<16xi32>,
        tpu.vector_store %arg10[%swap3A_807], %shift_right_logical3A_806 {strides = array<i32>} : memref<128xi32, #tpu.memory_space<vmem>>, vector<16xi32>,
        %and3A_809 = arith.constant 1 : i32
        %and3A_810 = vector.broadcast %and3A_809 : i32 to vector<16xi32>
        %and3A_811 = arith.andi %get3A_803, %and3A_810 : vector<16xi32>
        %shift_left3A_812 = arith.constant 6 : i32
        %shift_left3A_813 = vector.broadcast %shift_left3A_812 : i32 to vector<16xi32>
        %shift_left3A_814 = arith.shli %and3A_811, %shift_left3A_813 : vector<16xi32>
        %swap3A_815 = arith.constant 0 : index
        %swap3A_816 = tpu.vector_load %arg12[%swap3A_815] {strides = array<i32>} : memref<144xi32, #tpu.memory_space<vmem>>, vector<16xi32>,
        tpu.vector_store %arg12[%swap3A_815], %shift_left3A_814 {strides = array<i32>} : memref<144xi32, #tpu.memory_space<vmem>>, vector<16xi32>,
        %get3A_817 = arith.constant 0 : i32
        %get3A_818 = arith.index_cast %get3A_817 : i32 to index
        %get3A_819 = arith.constant 16 : index
        %get3A_820 = tpu.vector_load %arg8[%get3A_818, %get3A_819] {strides = array<i32>} : memref<1x128xi32, #tpu.memory_space<vmem>>, vector<16xi32>,
        %shift_right_logical3A_821 = arith.constant 1 : i32
        %shift_right_logical3A_822 = vector.broadcast %shift_right_logical3A_821 : i32 to vector<16xi32>
        %shift_right_logical3A_823 = arith.shrui %get3A_820, %shift_right_logical3A_822 : vector<16xi32>
        %swap3A_824 = arith.constant 16 : index
        %swap3A_825 = tpu.vector_load %arg10[%swap3A_824] {strides = array<i32>} : memref<128xi32, #tpu.memory_space<vmem>>, vector<16xi32>,
        tpu.vector_store %arg10[%swap3A_824], %shift_right_logical3A_823 {strides = array<i32>} : memref<128xi32, #tpu.memory_space<vmem>>, vector<16xi32>,
        %and3A_826 = arith.constant 1 : i32
        %and3A_827 = vector.broadcast %and3A_826 : i32 to vector<16xi32>
        %and3A_828 = arith.andi %get3A_820, %and3A_827 : vector<16xi32>
        %shift_left3A_829 = arith.constant 6 : i32
        %shift_left3A_830 = vector.broadcast %shift_left3A_829 : i32 to vector<16xi32>
        %shift_left3A_831 = arith.shli %and3A_828, %shift_left3A_830 : vector<16xi32>
        %swap3A_832 = arith.constant 16 : index
        %swap3A_833 = tpu.vector_load %arg12[%swap3A_832] {strides = array<i32>} : memref<144xi32, #tpu.memory_space<vmem>>, vector<16xi32>,
        tpu.vector_store %arg12[%swap3A_832], %shift_left3A_831 {strides = array<i32>} : memref<144xi32, #tpu.memory_space<vmem>>, vector<16xi32>,
        %get3A_834 = arith.constant 0 : i32
        %get3A_835 = arith.index_cast %get3A_834 : i32 to index
        %get3A_836 = arith.constant 32 : index
        %get3A_837 = tpu.vector_load %arg8[%get3A_835, %get3A_836] {strides = array<i32>} : memref<1x128xi32, #tpu.memory_space<vmem>>, vector<16xi32>,
        %shift_right_logical3A_838 = arith.constant 1 : i32
        %shift_right_logical3A_839 = vector.broadcast %shift_right_logical3A_838 : i32 to vector<16xi32>
        %shift_right_logical3A_840 = arith.shrui %get3A_837, %shift_right_logical3A_839 : vector<16xi32>
        %swap3A_841 = arith.constant 32 : index
        %swap3A_842 = tpu.vector_load %arg10[%swap3A_841] {strides = array<i32>} : memref<128xi32, #tpu.memory_space<vmem>>, vector<16xi32>,
        tpu.vector_store %arg10[%swap3A_841], %shift_right_logical3A_840 {strides = array<i32>} : memref<128xi32, #tpu.memory_space<vmem>>, vector<16xi32>,
        %and3A_843 = arith.constant 1 : i32
        %and3A_844 = vector.broadcast %and3A_843 : i32 to vector<16xi32>
        %and3A_845 = arith.andi %get3A_837, %and3A_844 : vector<16xi32>
        %shift_left3A_846 = arith.constant 6 : i32
        %shift_left3A_847 = vector.broadcast %shift_left3A_846 : i32 to vector<16xi32>
        %shift_left3A_848 = arith.shli %and3A_845, %shift_left3A_847 : vector<16xi32>
        %swap3A_849 = arith.constant 32 : index
        %swap3A_850 = tpu.vector_load %arg12[%swap3A_849] {strides = array<i32>} : memref<144xi32, #tpu.memory_space<vmem>>, vector<16xi32>,
        tpu.vector_store %arg12[%swap3A_849], %shift_left3A_848 {strides = array<i32>} : memref<144xi32, #tpu.memory_space<vmem>>, vector<16xi32>,
        %get3A_851 = arith.constant 0 : i32
        %get3A_852 = arith.index_cast %get3A_851 : i32 to index
        %get3A_853 = arith.constant 48 : index
        %get3A_854 = tpu.vector_load %arg8[%get3A_852, %get3A_853] {strides = array<i32>} : memref<1x128xi32, #tpu.memory_space<vmem>>, vector<16xi32>,
        %shift_right_logical3A_855 = arith.constant 1 : i32
        %shift_right_logical3A_856 = vector.broadcast %shift_right_logical3A_855 : i32 to vector<16xi32>
        %shift_right_logical3A_857 = arith.shrui %get3A_854, %shift_right_logical3A_856 : vector<16xi32>
        %swap3A_858 = arith.constant 48 : index
        %swap3A_859 = tpu.vector_load %arg10[%swap3A_858] {strides = array<i32>} : memref<128xi32, #tpu.memory_space<vmem>>, vector<16xi32>,
        tpu.vector_store %arg10[%swap3A_858], %shift_right_logical3A_857 {strides = array<i32>} : memref<128xi32, #tpu.memory_space<vmem>>, vector<16xi32>,
        %and3A_860 = arith.constant 1 : i32
        %and3A_861 = vector.broadcast %and3A_860 : i32 to vector<16xi32>
        %and3A_862 = arith.andi %get3A_854, %and3A_861 : vector<16xi32>
        %shift_left3A_863 = arith.constant 6 : i32
        %shift_left3A_864 = vector.broadcast %shift_left3A_863 : i32 to vector<16xi32>
        %shift_left3A_865 = arith.shli %and3A_862, %shift_left3A_864 : vector<16xi32>
        %swap3A_866 = arith.constant 48 : index
        %swap3A_867 = tpu.vector_load %arg12[%swap3A_866] {strides = array<i32>} : memref<144xi32, #tpu.memory_space<vmem>>, vector<16xi32>,
        tpu.vector_store %arg12[%swap3A_866], %shift_left3A_865 {strides = array<i32>} : memref<144xi32, #tpu.memory_space<vmem>>, vector<16xi32>,
        %get3A_868 = arith.constant 0 : i32
        %get3A_869 = arith.index_cast %get3A_868 : i32 to index
        %get3A_870 = arith.constant 64 : index
        %get3A_871 = tpu.vector_load %arg8[%get3A_869, %get3A_870] {strides = array<i32>} : memref<1x128xi32, #tpu.memory_space<vmem>>, vector<16xi32>,
        %shift_right_logical3A_872 = arith.constant 1 : i32
        %shift_right_logical3A_873 = vector.broadcast %shift_right_logical3A_872 : i32 to vector<16xi32>
        %shift_right_logical3A_874 = arith.shrui %get3A_871, %shift_right_logical3A_873 : vector<16xi32>
        %swap3A_875 = arith.constant 64 : index
        %swap3A_876 = tpu.vector_load %arg10[%swap3A_875] {strides = array<i32>} : memref<128xi32, #tpu.memory_space<vmem>>, vector<16xi32>,
        tpu.vector_store %arg10[%swap3A_875], %shift_right_logical3A_874 {strides = array<i32>} : memref<128xi32, #tpu.memory_space<vmem>>, vector<16xi32>,
        %and3A_877 = arith.constant 1 : i32
        %and3A_878 = vector.broadcast %and3A_877 : i32 to vector<16xi32>
        %and3A_879 = arith.andi %get3A_871, %and3A_878 : vector<16xi32>
        %shift_left3A_880 = arith.constant 6 : i32
        %shift_left3A_881 = vector.broadcast %shift_left3A_880 : i32 to vector<16xi32>
        %shift_left3A_882 = arith.shli %and3A_879, %shift_left3A_881 : vector<16xi32>
        %swap3A_883 = arith.constant 64 : index
        %swap3A_884 = tpu.vector_load %arg12[%swap3A_883] {strides = array<i32>} : memref<144xi32, #tpu.memory_space<vmem>>, vector<16xi32>,
        tpu.vector_store %arg12[%swap3A_883], %shift_left3A_882 {strides = array<i32>} : memref<144xi32, #tpu.memory_space<vmem>>, vector<16xi32>,
        %get3A_885 = arith.constant 0 : i32
        %get3A_886 = arith.index_cast %get3A_885 : i32 to index
        %get3A_887 = arith.constant 80 : index
        %get3A_888 = tpu.vector_load %arg8[%get3A_886, %get3A_887] {strides = array<i32>} : memref<1x128xi32, #tpu.memory_space<vmem>>, vector<16xi32>,
        %shift_right_logical3A_889 = arith.constant 1 : i32
        %shift_right_logical3A_890 = vector.broadcast %shift_right_logical3A_889 : i32 to vector<16xi32>
        %shift_right_logical3A_891 = arith.shrui %get3A_888, %shift_right_logical3A_890 : vector<16xi32>
        %swap3A_892 = arith.constant 80 : index
        %swap3A_893 = tpu.vector_load %arg10[%swap3A_892] {strides = array<i32>} : memref<128xi32, #tpu.memory_space<vmem>>, vector<16xi32>,
        tpu.vector_store %arg10[%swap3A_892], %shift_right_logical3A_891 {strides = array<i32>} : memref<128xi32, #tpu.memory_space<vmem>>, vector<16xi32>,
        %and3A_894 = arith.constant 1 : i32
        %and3A_895 = vector.broadcast %and3A_894 : i32 to vector<16xi32>
        %and3A_896 = arith.andi %get3A_888, %and3A_895 : vector<16xi32>
        %shift_left3A_897 = arith.constant 6 : i32
        %shift_left3A_898 = vector.broadcast %shift_left3A_897 : i32 to vector<16xi32>
        %shift_left3A_899 = arith.shli %and3A_896, %shift_left3A_898 : vector<16xi32>
        %swap3A_900 = arith.constant 80 : index
        %swap3A_901 = tpu.vector_load %arg12[%swap3A_900] {strides = array<i32>} : memref<144xi32, #tpu.memory_space<vmem>>, vector<16xi32>,
        tpu.vector_store %arg12[%swap3A_900], %shift_left3A_899 {strides = array<i32>} : memref<144xi32, #tpu.memory_space<vmem>>, vector<16xi32>,
        %get3A_902 = arith.constant 0 : i32
        %get3A_903 = arith.index_cast %get3A_902 : i32 to index
        %get3A_904 = arith.constant 96 : index
        %get3A_905 = tpu.vector_load %arg8[%get3A_903, %get3A_904] {strides = array<i32>} : memref<1x128xi32, #tpu.memory_space<vmem>>, vector<16xi32>,
        %shift_right_logical3A_906 = arith.constant 1 : i32
        %shift_right_logical3A_907 = vector.broadcast %shift_right_logical3A_906 : i32 to vector<16xi32>
        %shift_right_logical3A_908 = arith.shrui %get3A_905, %shift_right_logical3A_907 : vector<16xi32>
        %swap3A_909 = arith.constant 96 : index
        %swap3A_910 = tpu.vector_load %arg10[%swap3A_909] {strides = array<i32>} : memref<128xi32, #tpu.memory_space<vmem>>, vector<16xi32>,
        tpu.vector_store %arg10[%swap3A_909], %shift_right_logical3A_908 {strides = array<i32>} : memref<128xi32, #tpu.memory_space<vmem>>, vector<16xi32>,
        %and3A_911 = arith.constant 1 : i32
        %and3A_912 = vector.broadcast %and3A_911 : i32 to vector<16xi32>
        %and3A_913 = arith.andi %get3A_905, %and3A_912 : vector<16xi32>
        %shift_left3A_914 = arith.constant 6 : i32
        %shift_left3A_915 = vector.broadcast %shift_left3A_914 : i32 to vector<16xi32>
        %shift_left3A_916 = arith.shli %and3A_913, %shift_left3A_915 : vector<16xi32>
        %swap3A_917 = arith.constant 96 : index
        %swap3A_918 = tpu.vector_load %arg12[%swap3A_917] {strides = array<i32>} : memref<144xi32, #tpu.memory_space<vmem>>, vector<16xi32>,
        tpu.vector_store %arg12[%swap3A_917], %shift_left3A_916 {strides = array<i32>} : memref<144xi32, #tpu.memory_space<vmem>>, vector<16xi32>,
        %get3A_919 = arith.constant 0 : i32
        %get3A_920 = arith.index_cast %get3A_919 : i32 to index
        %get3A_921 = arith.constant 112 : index
        %get3A_922 = tpu.vector_load %arg8[%get3A_920, %get3A_921] {strides = array<i32>} : memref<1x128xi32, #tpu.memory_space<vmem>>, vector<16xi32>,
        %shift_right_logical3A_923 = arith.constant 1 : i32
        %shift_right_logical3A_924 = vector.broadcast %shift_right_logical3A_923 : i32 to vector<16xi32>
        %shift_right_logical3A_925 = arith.shrui %get3A_922, %shift_right_logical3A_924 : vector<16xi32>
        %swap3A_926 = arith.constant 112 : index
        %swap3A_927 = tpu.vector_load %arg10[%swap3A_926] {strides = array<i32>} : memref<128xi32, #tpu.memory_space<vmem>>, vector<16xi32>,
        tpu.vector_store %arg10[%swap3A_926], %shift_right_logical3A_925 {strides = array<i32>} : memref<128xi32, #tpu.memory_space<vmem>>, vector<16xi32>,
        %and3A_928 = arith.constant 1 : i32
        %and3A_929 = vector.broadcast %and3A_928 : i32 to vector<16xi32>
        %and3A_930 = arith.andi %get3A_922, %and3A_929 : vector<16xi32>
        %shift_left3A_931 = arith.constant 6 : i32
        %shift_left3A_932 = vector.broadcast %shift_left3A_931 : i32 to vector<16xi32>
        %shift_left3A_933 = arith.shli %and3A_930, %shift_left3A_932 : vector<16xi32>
        %swap3A_934 = arith.constant 112 : index
        %swap3A_935 = tpu.vector_load %arg12[%swap3A_934] {strides = array<i32>} : memref<144xi32, #tpu.memory_space<vmem>>, vector<16xi32>,
        tpu.vector_store %arg12[%swap3A_934], %shift_left3A_933 {strides = array<i32>} : memref<144xi32, #tpu.memory_space<vmem>>, vector<16xi32>,
        %dma_start3A_936 = arith.constant 0 : i32
        %dma_start3A_937 = arith.constant 0 : i32
        %dma_start3A_938 = tpu.memref_slice %arg3[%dma_start3A_936, %dma_start3A_937] : memref<500000x128xf32, #tpu.memory_space<hbm>> -> memref<500000x128xf32, #tpu.memory_space<hbm>>
        tpu.enqueue_indirect_dma source(%dma_start3A_938 : memref<500000x128xf32, #tpu.memory_space<hbm>>) target(%arg14 : memref<128x128xf32, #tpu.memory_space<vmem>>) offsets(%arg10 : memref<128xi32, #tpu.memory_space<vmem>>) semaphore(%arg21 : memref<!tpu.dma_semaphore, #tpu.memory_space<semaphore_mem>>)
      } else {
      }
      %lt3A_467 = arith.constant 198 : i32
      %lt3A_468 = arith.cmpi slt, %add3A_464, %lt3A_467 : i32
      %convert_element_type3A_469 = arith.extui %lt3A_468 : i1 to i32
      %cond3A_470 = arith.constant 0 : i32
      %cond3A_471 = arith.cmpi ne, %convert_element_type3A_469, %cond3A_470 : i32
      scf.if %cond3A_471 {
        %add3A_790 = arith.constant 2 : i32
        %add3A_791 = arith.addi %add3A_460, %add3A_790 : i32
        %shift_right_arithmetic3A_792 = arith.constant 5 : i32
        %shift_right_arithmetic3A_793 = arith.shrsi %add3A_791, %shift_right_arithmetic3A_792 : i32
        %and3A_794 = arith.constant 31 : i32
        %and3A_795 = arith.andi %add3A_791, %and3A_794 : i32
        %mul3A_796 = arith.constant 128 : i32
        %mul3A_797 = arith.muli %and3A_795, %mul3A_796 : i32
        %dma_start3A_798 = tpu.memref_slice %arg2[%shift_right_arithmetic3A_793, %mul3A_797] : memref<200x4096xi32, #tpu.memory_space<hbm>> -> memref<1x128xi32, #tpu.memory_space<hbm>>
        %dma_start3A_799 = tpu.memref_slice %arg2[%shift_right_arithmetic3A_793, %mul3A_797] : memref<200x4096xi32, #tpu.memory_space<hbm>> -> memref<1x128xi32, #tpu.memory_space<hbm>>
        tpu.enqueue_dma source(%dma_start3A_799 : memref<1x128xi32, #tpu.memory_space<hbm>>) target(%arg7 : memref<1x128xi32, #tpu.memory_space<vmem>>) target_semaphore(%arg18 : memref<!tpu.dma_semaphore, #tpu.memory_space<semaphore_mem>>)
      } else {
      }
      %dma_wait3A_472 = arith.constant 0 : i32
      %dma_wait3A_473 = arith.constant 0 : i32
      %dma_wait3A_474 = tpu.memref_slice %arg3[%dma_wait3A_472, %dma_wait3A_473] : memref<500000x128xf32, #tpu.memory_space<hbm>> -> memref<500000x128xf32, #tpu.memory_space<hbm>>
      tpu.wait_indirect_dma semaphore(%arg20 : memref<!tpu.dma_semaphore, #tpu.memory_space<semaphore_mem>>) src(%dma_wait3A_474 : memref<500000x128xf32, #tpu.memory_space<hbm>>) dst(%arg13 : memref<128x128xf32, #tpu.memory_space<vmem>>)
      %ge3A = arith.constant 2 : i32
      %ge3A_475 = arith.cmpi sge, %add3A_464, %ge3A : i32
      %convert_element_type3A_476 = arith.extui %ge3A_475 : i1 to i32
      %cond3A_477 = arith.constant 0 : i32
      %cond3A_478 = arith.cmpi ne, %convert_element_type3A_476, %cond3A_477 : i32
      scf.if %cond3A_478 {
        %sub3A_790 = arith.constant 2 : i32
        %sub3A_791 = arith.subi %add3A_460, %sub3A_790 : i32
        %shift_right_arithmetic3A_792 = arith.constant 5 : i32
        %shift_right_arithmetic3A_793 = arith.shrsi %sub3A_791, %shift_right_arithmetic3A_792 : i32
        %and3A_794 = arith.constant 31 : i32
        %and3A_795 = arith.andi %sub3A_791, %and3A_794 : i32
        %mul3A_796 = arith.constant 128 : i32
        %mul3A_797 = arith.muli %and3A_795, %mul3A_796 : i32
        %mul3A_798 = arith.constant 128 : i32
        %mul3A_799 = arith.muli %and3A_795, %mul3A_798 : i32
        %mul3A_800 = arith.constant 128 : i32
        %mul3A_801 = arith.muli %and3A_795, %mul3A_800 : i32
        %mul3A_802 = arith.constant 128 : i32
        %mul3A_803 = arith.muli %and3A_795, %mul3A_802 : i32
        %mul3A_804 = arith.constant 128 : i32
        %mul3A_805 = arith.muli %and3A_795, %mul3A_804 : i32
        %mul3A_806 = arith.constant 128 : i32
        %mul3A_807 = arith.muli %and3A_795, %mul3A_806 : i32
        %mul3A_808 = arith.constant 128 : i32
        %mul3A_809 = arith.muli %and3A_795, %mul3A_808 : i32
        %mul3A_810 = arith.constant 128 : i32
        %mul3A_811 = arith.muli %and3A_795, %mul3A_810 : i32
        %dma_wait3A_812 = arith.constant 0 : i32
        %dma_wait3A_813 = arith.constant 0 : i32
        %dma_wait3A_814 = tpu.memref_slice %arg16[%dma_wait3A_812, %dma_wait3A_813] : memref<64x128xf32, #tpu.memory_space<vmem>> -> memref<8x128xf32, #tpu.memory_space<vmem>>
        %dma_wait3A_815 = arith.constant 0 : i32
        %dma_wait3A_816 = tpu.memref_slice %arg5[%shift_right_arithmetic3A_793, %dma_wait3A_815, %mul3A_797] : memref<200x64x4096xf32, #tpu.memory_space<hbm>> -> memref<1x8x128xf32, #tpu.memory_space<hbm>>
        %dma_wait3A_817 = tpu.memref_squeeze %dma_wait3A_816 : memref<1x8x128xf32, #tpu.memory_space<hbm>> -> memref<8x128xf32, #tpu.memory_space<hbm>>
        %dma_wait3A_818 = arith.constant 0 : i32
        %dma_wait3A_819 = tpu.memref_slice %arg5[%shift_right_arithmetic3A_793, %dma_wait3A_818, %mul3A_797] : memref<200x64x4096xf32, #tpu.memory_space<hbm>> -> memref<1x8x128xf32, #tpu.memory_space<hbm>>
        %dma_wait3A_820 = tpu.memref_squeeze %dma_wait3A_819 : memref<1x8x128xf32, #tpu.memory_space<hbm>> -> memref<8x128xf32, #tpu.memory_space<hbm>>
        %dma_wait3A_821 = arith.constant 0 : i32
        %dma_wait3A_822 = arith.constant 0 : i32
        %dma_wait3A_823 = tpu.memref_slice %arg16[%dma_wait3A_821, %dma_wait3A_822] : memref<64x128xf32, #tpu.memory_space<vmem>> -> memref<8x128xf32, #tpu.memory_space<vmem>>
        tpu.wait_dma2 semaphore(%arg22 : memref<!tpu.dma_semaphore, #tpu.memory_space<semaphore_mem>>) src(%dma_wait3A_823 : memref<8x128xf32, #tpu.memory_space<vmem>>) dst(%dma_wait3A_820 : memref<8x128xf32, #tpu.memory_space<hbm>>)
        %dma_wait3A_824 = arith.constant 8 : i32
        %dma_wait3A_825 = arith.constant 0 : i32
        %dma_wait3A_826 = tpu.memref_slice %arg16[%dma_wait3A_824, %dma_wait3A_825] : memref<64x128xf32, #tpu.memory_space<vmem>> -> memref<8x128xf32, #tpu.memory_space<vmem>>
        %dma_wait3A_827 = arith.constant 8 : i32
        %dma_wait3A_828 = tpu.memref_slice %arg5[%shift_right_arithmetic3A_793, %dma_wait3A_827, %mul3A_799] : memref<200x64x4096xf32, #tpu.memory_space<hbm>> -> memref<1x8x128xf32, #tpu.memory_space<hbm>>
        %dma_wait3A_829 = tpu.memref_squeeze %dma_wait3A_828 : memref<1x8x128xf32, #tpu.memory_space<hbm>> -> memref<8x128xf32, #tpu.memory_space<hbm>>
        %dma_wait3A_830 = arith.constant 8 : i32
        %dma_wait3A_831 = tpu.memref_slice %arg5[%shift_right_arithmetic3A_793, %dma_wait3A_830, %mul3A_799] : memref<200x64x4096xf32, #tpu.memory_space<hbm>> -> memref<1x8x128xf32, #tpu.memory_space<hbm>>
        %dma_wait3A_832 = tpu.memref_squeeze %dma_wait3A_831 : memref<1x8x128xf32, #tpu.memory_space<hbm>> -> memref<8x128xf32, #tpu.memory_space<hbm>>
        %dma_wait3A_833 = arith.constant 8 : i32
        %dma_wait3A_834 = arith.constant 0 : i32
        %dma_wait3A_835 = tpu.memref_slice %arg16[%dma_wait3A_833, %dma_wait3A_834] : memref<64x128xf32, #tpu.memory_space<vmem>> -> memref<8x128xf32, #tpu.memory_space<vmem>>
        tpu.wait_dma2 semaphore(%arg22 : memref<!tpu.dma_semaphore, #tpu.memory_space<semaphore_mem>>) src(%dma_wait3A_835 : memref<8x128xf32, #tpu.memory_space<vmem>>) dst(%dma_wait3A_832 : memref<8x128xf32, #tpu.memory_space<hbm>>)
        %dma_wait3A_836 = arith.constant 16 : i32
        %dma_wait3A_837 = arith.constant 0 : i32
        %dma_wait3A_838 = tpu.memref_slice %arg16[%dma_wait3A_836, %dma_wait3A_837] : memref<64x128xf32, #tpu.memory_space<vmem>> -> memref<8x128xf32, #tpu.memory_space<vmem>>
        %dma_wait3A_839 = arith.constant 16 : i32
        %dma_wait3A_840 = tpu.memref_slice %arg5[%shift_right_arithmetic3A_793, %dma_wait3A_839, %mul3A_801] : memref<200x64x4096xf32, #tpu.memory_space<hbm>> -> memref<1x8x128xf32, #tpu.memory_space<hbm>>
        %dma_wait3A_841 = tpu.memref_squeeze %dma_wait3A_840 : memref<1x8x128xf32, #tpu.memory_space<hbm>> -> memref<8x128xf32, #tpu.memory_space<hbm>>
        %dma_wait3A_842 = arith.constant 16 : i32
        %dma_wait3A_843 = tpu.memref_slice %arg5[%shift_right_arithmetic3A_793, %dma_wait3A_842, %mul3A_801] : memref<200x64x4096xf32, #tpu.memory_space<hbm>> -> memref<1x8x128xf32, #tpu.memory_space<hbm>>
        %dma_wait3A_844 = tpu.memref_squeeze %dma_wait3A_843 : memref<1x8x128xf32, #tpu.memory_space<hbm>> -> memref<8x128xf32, #tpu.memory_space<hbm>>
        %dma_wait3A_845 = arith.constant 16 : i32
        %dma_wait3A_846 = arith.constant 0 : i32
        %dma_wait3A_847 = tpu.memref_slice %arg16[%dma_wait3A_845, %dma_wait3A_846] : memref<64x128xf32, #tpu.memory_space<vmem>> -> memref<8x128xf32, #tpu.memory_space<vmem>>
        tpu.wait_dma2 semaphore(%arg22 : memref<!tpu.dma_semaphore, #tpu.memory_space<semaphore_mem>>) src(%dma_wait3A_847 : memref<8x128xf32, #tpu.memory_space<vmem>>) dst(%dma_wait3A_844 : memref<8x128xf32, #tpu.memory_space<hbm>>)
        %dma_wait3A_848 = arith.constant 24 : i32
        %dma_wait3A_849 = arith.constant 0 : i32
        %dma_wait3A_850 = tpu.memref_slice %arg16[%dma_wait3A_848, %dma_wait3A_849] : memref<64x128xf32, #tpu.memory_space<vmem>> -> memref<8x128xf32, #tpu.memory_space<vmem>>
        %dma_wait3A_851 = arith.constant 24 : i32
        %dma_wait3A_852 = tpu.memref_slice %arg5[%shift_right_arithmetic3A_793, %dma_wait3A_851, %mul3A_803] : memref<200x64x4096xf32, #tpu.memory_space<hbm>> -> memref<1x8x128xf32, #tpu.memory_space<hbm>>
        %dma_wait3A_853 = tpu.memref_squeeze %dma_wait3A_852 : memref<1x8x128xf32, #tpu.memory_space<hbm>> -> memref<8x128xf32, #tpu.memory_space<hbm>>
        %dma_wait3A_854 = arith.constant 24 : i32
        %dma_wait3A_855 = tpu.memref_slice %arg5[%shift_right_arithmetic3A_793, %dma_wait3A_854, %mul3A_803] : memref<200x64x4096xf32, #tpu.memory_space<hbm>> -> memref<1x8x128xf32, #tpu.memory_space<hbm>>
        %dma_wait3A_856 = tpu.memref_squeeze %dma_wait3A_855 : memref<1x8x128xf32, #tpu.memory_space<hbm>> -> memref<8x128xf32, #tpu.memory_space<hbm>>
        %dma_wait3A_857 = arith.constant 24 : i32
        %dma_wait3A_858 = arith.constant 0 : i32
        %dma_wait3A_859 = tpu.memref_slice %arg16[%dma_wait3A_857, %dma_wait3A_858] : memref<64x128xf32, #tpu.memory_space<vmem>> -> memref<8x128xf32, #tpu.memory_space<vmem>>
        tpu.wait_dma2 semaphore(%arg22 : memref<!tpu.dma_semaphore, #tpu.memory_space<semaphore_mem>>) src(%dma_wait3A_859 : memref<8x128xf32, #tpu.memory_space<vmem>>) dst(%dma_wait3A_856 : memref<8x128xf32, #tpu.memory_space<hbm>>)
        %dma_wait3A_860 = arith.constant 32 : i32
        %dma_wait3A_861 = arith.constant 0 : i32
        %dma_wait3A_862 = tpu.memref_slice %arg16[%dma_wait3A_860, %dma_wait3A_861] : memref<64x128xf32, #tpu.memory_space<vmem>> -> memref<8x128xf32, #tpu.memory_space<vmem>>
        %dma_wait3A_863 = arith.constant 32 : i32
        %dma_wait3A_864 = tpu.memref_slice %arg5[%shift_right_arithmetic3A_793, %dma_wait3A_863, %mul3A_805] : memref<200x64x4096xf32, #tpu.memory_space<hbm>> -> memref<1x8x128xf32, #tpu.memory_space<hbm>>
        %dma_wait3A_865 = tpu.memref_squeeze %dma_wait3A_864 : memref<1x8x128xf32, #tpu.memory_space<hbm>> -> memref<8x128xf32, #tpu.memory_space<hbm>>
        %dma_wait3A_866 = arith.constant 32 : i32
        %dma_wait3A_867 = tpu.memref_slice %arg5[%shift_right_arithmetic3A_793, %dma_wait3A_866, %mul3A_805] : memref<200x64x4096xf32, #tpu.memory_space<hbm>> -> memref<1x8x128xf32, #tpu.memory_space<hbm>>
        %dma_wait3A_868 = tpu.memref_squeeze %dma_wait3A_867 : memref<1x8x128xf32, #tpu.memory_space<hbm>> -> memref<8x128xf32, #tpu.memory_space<hbm>>
        %dma_wait3A_869 = arith.constant 32 : i32
        %dma_wait3A_870 = arith.constant 0 : i32
        %dma_wait3A_871 = tpu.memref_slice %arg16[%dma_wait3A_869, %dma_wait3A_870] : memref<64x128xf32, #tpu.memory_space<vmem>> -> memref<8x128xf32, #tpu.memory_space<vmem>>
        tpu.wait_dma2 semaphore(%arg22 : memref<!tpu.dma_semaphore, #tpu.memory_space<semaphore_mem>>) src(%dma_wait3A_871 : memref<8x128xf32, #tpu.memory_space<vmem>>) dst(%dma_wait3A_868 : memref<8x128xf32, #tpu.memory_space<hbm>>)
        %dma_wait3A_872 = arith.constant 40 : i32
        %dma_wait3A_873 = arith.constant 0 : i32
        %dma_wait3A_874 = tpu.memref_slice %arg16[%dma_wait3A_872, %dma_wait3A_873] : memref<64x128xf32, #tpu.memory_space<vmem>> -> memref<8x128xf32, #tpu.memory_space<vmem>>
        %dma_wait3A_875 = arith.constant 40 : i32
        %dma_wait3A_876 = tpu.memref_slice %arg5[%shift_right_arithmetic3A_793, %dma_wait3A_875, %mul3A_807] : memref<200x64x4096xf32, #tpu.memory_space<hbm>> -> memref<1x8x128xf32, #tpu.memory_space<hbm>>
        %dma_wait3A_877 = tpu.memref_squeeze %dma_wait3A_876 : memref<1x8x128xf32, #tpu.memory_space<hbm>> -> memref<8x128xf32, #tpu.memory_space<hbm>>
        %dma_wait3A_878 = arith.constant 40 : i32
        %dma_wait3A_879 = tpu.memref_slice %arg5[%shift_right_arithmetic3A_793, %dma_wait3A_878, %mul3A_807] : memref<200x64x4096xf32, #tpu.memory_space<hbm>> -> memref<1x8x128xf32, #tpu.memory_space<hbm>>
        %dma_wait3A_880 = tpu.memref_squeeze %dma_wait3A_879 : memref<1x8x128xf32, #tpu.memory_space<hbm>> -> memref<8x128xf32, #tpu.memory_space<hbm>>
        %dma_wait3A_881 = arith.constant 40 : i32
        %dma_wait3A_882 = arith.constant 0 : i32
        %dma_wait3A_883 = tpu.memref_slice %arg16[%dma_wait3A_881, %dma_wait3A_882] : memref<64x128xf32, #tpu.memory_space<vmem>> -> memref<8x128xf32, #tpu.memory_space<vmem>>
        tpu.wait_dma2 semaphore(%arg22 : memref<!tpu.dma_semaphore, #tpu.memory_space<semaphore_mem>>) src(%dma_wait3A_883 : memref<8x128xf32, #tpu.memory_space<vmem>>) dst(%dma_wait3A_880 : memref<8x128xf32, #tpu.memory_space<hbm>>)
        %dma_wait3A_884 = arith.constant 48 : i32
        %dma_wait3A_885 = arith.constant 0 : i32
        %dma_wait3A_886 = tpu.memref_slice %arg16[%dma_wait3A_884, %dma_wait3A_885] : memref<64x128xf32, #tpu.memory_space<vmem>> -> memref<8x128xf32, #tpu.memory_space<vmem>>
        %dma_wait3A_887 = arith.constant 48 : i32
        %dma_wait3A_888 = tpu.memref_slice %arg5[%shift_right_arithmetic3A_793, %dma_wait3A_887, %mul3A_809] : memref<200x64x4096xf32, #tpu.memory_space<hbm>> -> memref<1x8x128xf32, #tpu.memory_space<hbm>>
        %dma_wait3A_889 = tpu.memref_squeeze %dma_wait3A_888 : memref<1x8x128xf32, #tpu.memory_space<hbm>> -> memref<8x128xf32, #tpu.memory_space<hbm>>
        %dma_wait3A_890 = arith.constant 48 : i32
        %dma_wait3A_891 = tpu.memref_slice %arg5[%shift_right_arithmetic3A_793, %dma_wait3A_890, %mul3A_809] : memref<200x64x4096xf32, #tpu.memory_space<hbm>> -> memref<1x8x128xf32, #tpu.memory_space<hbm>>
        %dma_wait3A_892 = tpu.memref_squeeze %dma_wait3A_891 : memref<1x8x128xf32, #tpu.memory_space<hbm>> -> memref<8x128xf32, #tpu.memory_space<hbm>>
        %dma_wait3A_893 = arith.constant 48 : i32
        %dma_wait3A_894 = arith.constant 0 : i32
        %dma_wait3A_895 = tpu.memref_slice %arg16[%dma_wait3A_893, %dma_wait3A_894] : memref<64x128xf32, #tpu.memory_space<vmem>> -> memref<8x128xf32, #tpu.memory_space<vmem>>
        tpu.wait_dma2 semaphore(%arg22 : memref<!tpu.dma_semaphore, #tpu.memory_space<semaphore_mem>>) src(%dma_wait3A_895 : memref<8x128xf32, #tpu.memory_space<vmem>>) dst(%dma_wait3A_892 : memref<8x128xf32, #tpu.memory_space<hbm>>)
        %dma_wait3A_896 = arith.constant 56 : i32
        %dma_wait3A_897 = arith.constant 0 : i32
        %dma_wait3A_898 = tpu.memref_slice %arg16[%dma_wait3A_896, %dma_wait3A_897] : memref<64x128xf32, #tpu.memory_space<vmem>> -> memref<8x128xf32, #tpu.memory_space<vmem>>
        %dma_wait3A_899 = arith.constant 56 : i32
        %dma_wait3A_900 = tpu.memref_slice %arg5[%shift_right_arithmetic3A_793, %dma_wait3A_899, %mul3A_811] : memref<200x64x4096xf32, #tpu.memory_space<hbm>> -> memref<1x8x128xf32, #tpu.memory_space<hbm>>
        %dma_wait3A_901 = tpu.memref_squeeze %dma_wait3A_900 : memref<1x8x128xf32, #tpu.memory_space<hbm>> -> memref<8x128xf32, #tpu.memory_space<hbm>>
        %dma_wait3A_902 = arith.constant 56 : i32
        %dma_wait3A_903 = tpu.memref_slice %arg5[%shift_right_arithmetic3A_793, %dma_wait3A_902, %mul3A_811] : memref<200x64x4096xf32, #tpu.memory_space<hbm>> -> memref<1x8x128xf32, #tpu.memory_space<hbm>>
        %dma_wait3A_904 = tpu.memref_squeeze %dma_wait3A_903 : memref<1x8x128xf32, #tpu.memory_space<hbm>> -> memref<8x128xf32, #tpu.memory_space<hbm>>
        %dma_wait3A_905 = arith.constant 56 : i32
        %dma_wait3A_906 = arith.constant 0 : i32
        %dma_wait3A_907 = tpu.memref_slice %arg16[%dma_wait3A_905, %dma_wait3A_906] : memref<64x128xf32, #tpu.memory_space<vmem>> -> memref<8x128xf32, #tpu.memory_space<vmem>>
        tpu.wait_dma2 semaphore(%arg22 : memref<!tpu.dma_semaphore, #tpu.memory_space<semaphore_mem>>) src(%dma_wait3A_907 : memref<8x128xf32, #tpu.memory_space<vmem>>) dst(%dma_wait3A_904 : memref<8x128xf32, #tpu.memory_space<hbm>>)
      } else {
      }
      %shift_right_arithmetic3A_479 = arith.constant 5 : i32
      %shift_right_arithmetic3A_480 = arith.shrsi %add3A_460, %shift_right_arithmetic3A_479 : i32
      %and3A_481 = arith.constant 31 : i32
      %and3A_482 = arith.andi %add3A_460, %and3A_481 : i32
      %get3A_483 = arith.index_cast %shift_right_arithmetic3A_480 : i32 to index
      %get3A_484 = arith.constant 0 : index
      %get3A_485 = tpu.vector_load %arg6[%get3A_483, %get3A_484] {strides = array<i32>} : memref<200x128xf32, #tpu.memory_space<vmem>>, vector<16xf32>,
      %get3A_486 = arith.index_cast %shift_right_arithmetic3A_480 : i32 to index
      %get3A_487 = arith.constant 16 : index
      %get3A_488 = tpu.vector_load %arg6[%get3A_486, %get3A_487] {strides = array<i32>} : memref<200x128xf32, #tpu.memory_space<vmem>>, vector<16xf32>,
      %get3A_489 = arith.index_cast %shift_right_arithmetic3A_480 : i32 to index
      %get3A_490 = arith.constant 32 : index
      %get3A_491 = tpu.vector_load %arg6[%get3A_489, %get3A_490] {strides = array<i32>} : memref<200x128xf32, #tpu.memory_space<vmem>>, vector<16xf32>,
      %get3A_492 = arith.index_cast %shift_right_arithmetic3A_480 : i32 to index
      %get3A_493 = arith.constant 48 : index
      %get3A_494 = tpu.vector_load %arg6[%get3A_492, %get3A_493] {strides = array<i32>} : memref<200x128xf32, #tpu.memory_space<vmem>>, vector<16xf32>,
      %scan3A_495 = arith.constant 0 : i32
      %scan3A_496 = arith.constant 128 : i32
      %scan3A_497 = arith.addi %scan3A_495, %scan3A_496 : i32
      %scan3A_498 = arith.constant 1 : i32
      scf.for %scan3A_790 = %scan3A_495 to %scan3A_497 step %scan3A_498  : i32 {
        %mul3A_791 = arith.constant 1 : i32
        %mul3A_792 = arith.muli %scan3A_790, %mul3A_791 : i32
        %add3A_793 = arith.constant 0 : i32
        %add3A_794 = arith.addi %add3A_793, %mul3A_792 : i32
        %broadcast_in_dim3A = vector.broadcast %add3A_794 : i32 to vector<16xi32>
        %gather3A = tpu.vector_load_idx %arg11[%broadcast_in_dim3A] : memref<144xi32, #tpu.memory_space<vmem>>[vector<16xi32>], vector<16xi32>,
        %mul3A_795 = arith.constant 137 : i32
        %mul3A_796 = vector.broadcast %mul3A_795 : i32 to vector<16xi32>
        %mul3A_797 = arith.muli %gather3A, %mul3A_796 : vector<16xi32>
        %eq3A = arith.constant 0 : i32
        %eq3A_798 = vector.broadcast %eq3A : i32 to vector<16xi32>
        %eq3A_799 = arith.cmpi eq, %gather3A, %eq3A_798 : vector<16xi32>
        %not3A = arith.constant dense<true> : vector<16xi1>
        %not3A_800 = arith.xori %eq3A_799, %not3A : vector<16xi1>
        %get3A_801 = arith.index_cast %add3A_794 : i32 to index
        %get3A_802 = arith.constant 0 : index
        %get3A_803 = tpu.vector_load %arg13[%get3A_801, %get3A_802] {strides = array<i32>} : memref<128x128xf32, #tpu.memory_space<vmem>>, vector<16xf32>,
        %sub3A_804 = arith.subi %mul3A_8, %mul3A_797 : vector<16xi32>
        %add3A_805 = arith.addi %sub3A_804, %broadcast_in_dim3A : vector<16xi32>
        %mul3A_806 = arith.constant 8.000000e+00 : f32
        %mul3A_807 = vector.broadcast %mul3A_806 : f32 to vector<16xf32>
        %mul3A_808 = arith.mulf %get3A_803, %mul3A_807 : vector<16xf32>
        %add3A_809 = arith.addf %mul3A_808, %get3A_485 : vector<16xf32>
        tpu.vector_store_idx %arg15[%add3A_805], %add3A_809 masked %eq3A_799 : memref<8768xf32, #tpu.memory_space<vmem>>[vector<16xi32>], vector<16xf32>, vector<16xi1>
        %get3A_810 = arith.index_cast %add3A_794 : i32 to index
        %get3A_811 = arith.constant 16 : index
        %get3A_812 = tpu.vector_load %arg13[%get3A_810, %get3A_811] {strides = array<i32>} : memref<128x128xf32, #tpu.memory_space<vmem>>, vector<16xf32>,
        %sub3A_813 = arith.subi %mul3A_14, %mul3A_797 : vector<16xi32>
        %add3A_814 = arith.addi %sub3A_813, %broadcast_in_dim3A : vector<16xi32>
        %mul3A_815 = arith.constant 8.000000e+00 : f32
        %mul3A_816 = vector.broadcast %mul3A_815 : f32 to vector<16xf32>
        %mul3A_817 = arith.mulf %get3A_812, %mul3A_816 : vector<16xf32>
        %add3A_818 = arith.addf %mul3A_817, %get3A_488 : vector<16xf32>
        tpu.vector_store_idx %arg15[%add3A_814], %add3A_818 masked %eq3A_799 : memref<8768xf32, #tpu.memory_space<vmem>>[vector<16xi32>], vector<16xf32>, vector<16xi1>
        %get3A_819 = arith.index_cast %add3A_794 : i32 to index
        %get3A_820 = arith.constant 32 : index
        %get3A_821 = tpu.vector_load %arg13[%get3A_819, %get3A_820] {strides = array<i32>} : memref<128x128xf32, #tpu.memory_space<vmem>>, vector<16xf32>,
        %sub3A_822 = arith.subi %mul3A_20, %mul3A_797 : vector<16xi32>
        %add3A_823 = arith.addi %sub3A_822, %broadcast_in_dim3A : vector<16xi32>
        %mul3A_824 = arith.constant 8.000000e+00 : f32
        %mul3A_825 = vector.broadcast %mul3A_824 : f32 to vector<16xf32>
        %mul3A_826 = arith.mulf %get3A_821, %mul3A_825 : vector<16xf32>
        %add3A_827 = arith.addf %mul3A_826, %get3A_491 : vector<16xf32>
        tpu.vector_store_idx %arg15[%add3A_823], %add3A_827 masked %eq3A_799 : memref<8768xf32, #tpu.memory_space<vmem>>[vector<16xi32>], vector<16xf32>, vector<16xi1>
        %get3A_828 = arith.index_cast %add3A_794 : i32 to index
        %get3A_829 = arith.constant 48 : index
        %get3A_830 = tpu.vector_load %arg13[%get3A_828, %get3A_829] {strides = array<i32>} : memref<128x128xf32, #tpu.memory_space<vmem>>, vector<16xf32>,
        %sub3A_831 = arith.subi %mul3A_26, %mul3A_797 : vector<16xi32>
        %add3A_832 = arith.addi %sub3A_831, %broadcast_in_dim3A : vector<16xi32>
        %mul3A_833 = arith.constant 8.000000e+00 : f32
        %mul3A_834 = vector.broadcast %mul3A_833 : f32 to vector<16xf32>
        %mul3A_835 = arith.mulf %get3A_830, %mul3A_834 : vector<16xf32>
        %add3A_836 = arith.addf %mul3A_835, %get3A_494 : vector<16xf32>
        tpu.vector_store_idx %arg15[%add3A_832], %add3A_836 masked %eq3A_799 : memref<8768xf32, #tpu.memory_space<vmem>>[vector<16xi32>], vector<16xf32>, vector<16xi1>
        %get3A_837 = arith.index_cast %add3A_794 : i32 to index
        %get3A_838 = arith.constant 64 : index
        %get3A_839 = tpu.vector_load %arg13[%get3A_837, %get3A_838] {strides = array<i32>} : memref<128x128xf32, #tpu.memory_space<vmem>>, vector<16xf32>,
        %sub3A_840 = arith.subi %mul3A_32, %mul3A_797 : vector<16xi32>
        %add3A_841 = arith.addi %sub3A_840, %broadcast_in_dim3A : vector<16xi32>
        %mul3A_842 = arith.constant 8.000000e+00 : f32
        %mul3A_843 = vector.broadcast %mul3A_842 : f32 to vector<16xf32>
        %mul3A_844 = arith.mulf %get3A_839, %mul3A_843 : vector<16xf32>
        %add3A_845 = arith.addf %mul3A_844, %get3A_485 : vector<16xf32>
        tpu.vector_store_idx %arg15[%add3A_841], %add3A_845 masked %not3A_800 : memref<8768xf32, #tpu.memory_space<vmem>>[vector<16xi32>], vector<16xf32>, vector<16xi1>
        %get3A_846 = arith.index_cast %add3A_794 : i32 to index
        %get3A_847 = arith.constant 80 : index
        %get3A_848 = tpu.vector_load %arg13[%get3A_846, %get3A_847] {strides = array<i32>} : memref<128x128xf32, #tpu.memory_space<vmem>>, vector<16xf32>,
        %sub3A_849 = arith.subi %mul3A_38, %mul3A_797 : vector<16xi32>
        %add3A_850 = arith.addi %sub3A_849, %broadcast_in_dim3A : vector<16xi32>
        %mul3A_851 = arith.constant 8.000000e+00 : f32
        %mul3A_852 = vector.broadcast %mul3A_851 : f32 to vector<16xf32>
        %mul3A_853 = arith.mulf %get3A_848, %mul3A_852 : vector<16xf32>
        %add3A_854 = arith.addf %mul3A_853, %get3A_488 : vector<16xf32>
        tpu.vector_store_idx %arg15[%add3A_850], %add3A_854 masked %not3A_800 : memref<8768xf32, #tpu.memory_space<vmem>>[vector<16xi32>], vector<16xf32>, vector<16xi1>
        %get3A_855 = arith.index_cast %add3A_794 : i32 to index
        %get3A_856 = arith.constant 96 : index
        %get3A_857 = tpu.vector_load %arg13[%get3A_855, %get3A_856] {strides = array<i32>} : memref<128x128xf32, #tpu.memory_space<vmem>>, vector<16xf32>,
        %sub3A_858 = arith.subi %mul3A_44, %mul3A_797 : vector<16xi32>
        %add3A_859 = arith.addi %sub3A_858, %broadcast_in_dim3A : vector<16xi32>
        %mul3A_860 = arith.constant 8.000000e+00 : f32
        %mul3A_861 = vector.broadcast %mul3A_860 : f32 to vector<16xf32>
        %mul3A_862 = arith.mulf %get3A_857, %mul3A_861 : vector<16xf32>
        %add3A_863 = arith.addf %mul3A_862, %get3A_491 : vector<16xf32>
        tpu.vector_store_idx %arg15[%add3A_859], %add3A_863 masked %not3A_800 : memref<8768xf32, #tpu.memory_space<vmem>>[vector<16xi32>], vector<16xf32>, vector<16xi1>
        %get3A_864 = arith.index_cast %add3A_794 : i32 to index
        %get3A_865 = arith.constant 112 : index
        %get3A_866 = tpu.vector_load %arg13[%get3A_864, %get3A_865] {strides = array<i32>} : memref<128x128xf32, #tpu.memory_space<vmem>>, vector<16xf32>,
        %sub3A_867 = arith.subi %mul3A_50, %mul3A_797 : vector<16xi32>
        %add3A_868 = arith.addi %sub3A_867, %broadcast_in_dim3A : vector<16xi32>
        %mul3A_869 = arith.constant 8.000000e+00 : f32
        %mul3A_870 = vector.broadcast %mul3A_869 : f32 to vector<16xf32>
        %mul3A_871 = arith.mulf %get3A_866, %mul3A_870 : vector<16xf32>
        %add3A_872 = arith.addf %mul3A_871, %get3A_494 : vector<16xf32>
        tpu.vector_store_idx %arg15[%add3A_868], %add3A_872 masked %not3A_800 : memref<8768xf32, #tpu.memory_space<vmem>>[vector<16xi32>], vector<16xf32>, vector<16xi1>
      }
      %scan3A_499 = arith.constant 128 : i32
      %scan3A_500 = arith.constant 0 : i32
      %scan3A_501 = arith.constant 64 : i32
      %scan3A_502 = arith.addi %scan3A_500, %scan3A_501 : i32
      %scan3A_503 = arith.constant 8 : i32
      scf.for %scan3A_790 = %scan3A_500 to %scan3A_502 step %scan3A_503  : i32 {
        %mul3A_791 = arith.constant 1 : i32
        %mul3A_792 = arith.muli %scan3A_790, %mul3A_791 : i32
        %add3A_793 = arith.constant 0 : i32
        %add3A_794 = arith.addi %add3A_793, %mul3A_792 : i32
        %mul3A_795 = arith.constant 137 : i32
        %mul3A_796 = arith.muli %add3A_794, %mul3A_795 : i32
        %add3A_797 = arith.constant 0 : i32
        %add3A_798 = arith.addi %mul3A_796, %add3A_797 : i32
        %get3A_799 = arith.index_cast %add3A_798 : i32 to index
        %get3A_800 = tpu.vector_load %arg15[%get3A_799] {strides = array<i32>} : memref<8768xf32, #tpu.memory_space<vmem>>, vector<16xf32>,
        %swap3A_801 = arith.index_cast %add3A_794 : i32 to index
        %swap3A_802 = arith.constant 0 : index
        %swap3A_803 = tpu.vector_load %arg16[%swap3A_801, %swap3A_802] {strides = array<i32>} : memref<64x128xf32, #tpu.memory_space<vmem>>, vector<16xf32>,
        tpu.vector_store %arg16[%swap3A_801, %swap3A_802], %get3A_800 {strides = array<i32>} : memref<64x128xf32, #tpu.memory_space<vmem>>, vector<16xf32>,
        %mul3A_804 = arith.constant 137 : i32
        %mul3A_805 = arith.muli %add3A_794, %mul3A_804 : i32
        %add3A_806 = arith.constant 16 : i32
        %add3A_807 = arith.addi %mul3A_805, %add3A_806 : i32
        %get3A_808 = arith.index_cast %add3A_807 : i32 to index
        %get3A_809 = tpu.vector_load %arg15[%get3A_808] {strides = array<i32>} : memref<8768xf32, #tpu.memory_space<vmem>>, vector<16xf32>,
        %swap3A_810 = arith.index_cast %add3A_794 : i32 to index
        %swap3A_811 = arith.constant 16 : index
        %swap3A_812 = tpu.vector_load %arg16[%swap3A_810, %swap3A_811] {strides = array<i32>} : memref<64x128xf32, #tpu.memory_space<vmem>>, vector<16xf32>,
        tpu.vector_store %arg16[%swap3A_810, %swap3A_811], %get3A_809 {strides = array<i32>} : memref<64x128xf32, #tpu.memory_space<vmem>>, vector<16xf32>,
        %mul3A_813 = arith.constant 137 : i32
        %mul3A_814 = arith.muli %add3A_794, %mul3A_813 : i32
        %add3A_815 = arith.constant 32 : i32
        %add3A_816 = arith.addi %mul3A_814, %add3A_815 : i32
        %get3A_817 = arith.index_cast %add3A_816 : i32 to index
        %get3A_818 = tpu.vector_load %arg15[%get3A_817] {strides = array<i32>} : memref<8768xf32, #tpu.memory_space<vmem>>, vector<16xf32>,
        %swap3A_819 = arith.index_cast %add3A_794 : i32 to index
        %swap3A_820 = arith.constant 32 : index
        %swap3A_821 = tpu.vector_load %arg16[%swap3A_819, %swap3A_820] {strides = array<i32>} : memref<64x128xf32, #tpu.memory_space<vmem>>, vector<16xf32>,
        tpu.vector_store %arg16[%swap3A_819, %swap3A_820], %get3A_818 {strides = array<i32>} : memref<64x128xf32, #tpu.memory_space<vmem>>, vector<16xf32>,
        %mul3A_822 = arith.constant 137 : i32
        %mul3A_823 = arith.muli %add3A_794, %mul3A_822 : i32
        %add3A_824 = arith.constant 48 : i32
        %add3A_825 = arith.addi %mul3A_823, %add3A_824 : i32
        %get3A_826 = arith.index_cast %add3A_825 : i32 to index
        %get3A_827 = tpu.vector_load %arg15[%get3A_826] {strides = array<i32>} : memref<8768xf32, #tpu.memory_space<vmem>>, vector<16xf32>,
        %swap3A_828 = arith.index_cast %add3A_794 : i32 to index
        %swap3A_829 = arith.constant 48 : index
        %swap3A_830 = tpu.vector_load %arg16[%swap3A_828, %swap3A_829] {strides = array<i32>} : memref<64x128xf32, #tpu.memory_space<vmem>>, vector<16xf32>,
        tpu.vector_store %arg16[%swap3A_828, %swap3A_829], %get3A_827 {strides = array<i32>} : memref<64x128xf32, #tpu.memory_space<vmem>>, vector<16xf32>,
        %mul3A_831 = arith.constant 137 : i32
        %mul3A_832 = arith.muli %add3A_794, %mul3A_831 : i32
        %add3A_833 = arith.constant 64 : i32
        %add3A_834 = arith.addi %mul3A_832, %add3A_833 : i32
        %get3A_835 = arith.index_cast %add3A_834 : i32 to index
        %get3A_836 = tpu.vector_load %arg15[%get3A_835] {strides = array<i32>} : memref<8768xf32, #tpu.memory_space<vmem>>, vector<16xf32>,
        %swap3A_837 = arith.index_cast %add3A_794 : i32 to index
        %swap3A_838 = arith.constant 64 : index
        %swap3A_839 = tpu.vector_load %arg16[%swap3A_837, %swap3A_838] {strides = array<i32>} : memref<64x128xf32, #tpu.memory_space<vmem>>, vector<16xf32>,
        tpu.vector_store %arg16[%swap3A_837, %swap3A_838], %get3A_836 {strides = array<i32>} : memref<64x128xf32, #tpu.memory_space<vmem>>, vector<16xf32>,
        %mul3A_840 = arith.constant 137 : i32
        %mul3A_841 = arith.muli %add3A_794, %mul3A_840 : i32
        %add3A_842 = arith.constant 80 : i32
        %add3A_843 = arith.addi %mul3A_841, %add3A_842 : i32
        %get3A_844 = arith.index_cast %add3A_843 : i32 to index
        %get3A_845 = tpu.vector_load %arg15[%get3A_844] {strides = array<i32>} : memref<8768xf32, #tpu.memory_space<vmem>>, vector<16xf32>,
        %swap3A_846 = arith.index_cast %add3A_794 : i32 to index
        %swap3A_847 = arith.constant 80 : index
        %swap3A_848 = tpu.vector_load %arg16[%swap3A_846, %swap3A_847] {strides = array<i32>} : memref<64x128xf32, #tpu.memory_space<vmem>>, vector<16xf32>,
        tpu.vector_store %arg16[%swap3A_846, %swap3A_847], %get3A_845 {strides = array<i32>} : memref<64x128xf32, #tpu.memory_space<vmem>>, vector<16xf32>,
        %mul3A_849 = arith.constant 137 : i32
        %mul3A_850 = arith.muli %add3A_794, %mul3A_849 : i32
        %add3A_851 = arith.constant 96 : i32
        %add3A_852 = arith.addi %mul3A_850, %add3A_851 : i32
        %get3A_853 = arith.index_cast %add3A_852 : i32 to index
        %get3A_854 = tpu.vector_load %arg15[%get3A_853] {strides = array<i32>} : memref<8768xf32, #tpu.memory_space<vmem>>, vector<16xf32>,
        %swap3A_855 = arith.index_cast %add3A_794 : i32 to index
        %swap3A_856 = arith.constant 96 : index
        %swap3A_857 = tpu.vector_load %arg16[%swap3A_855, %swap3A_856] {strides = array<i32>} : memref<64x128xf32, #tpu.memory_space<vmem>>, vector<16xf32>,
        tpu.vector_store %arg16[%swap3A_855, %swap3A_856], %get3A_854 {strides = array<i32>} : memref<64x128xf32, #tpu.memory_space<vmem>>, vector<16xf32>,
        %mul3A_858 = arith.constant 137 : i32
        %mul3A_859 = arith.muli %add3A_794, %mul3A_858 : i32
        %add3A_860 = arith.constant 112 : i32
        %add3A_861 = arith.addi %mul3A_859, %add3A_860 : i32
        %get3A_862 = arith.index_cast %add3A_861 : i32 to index
        %get3A_863 = tpu.vector_load %arg15[%get3A_862] {strides = array<i32>} : memref<8768xf32, #tpu.memory_space<vmem>>, vector<16xf32>,
        %swap3A_864 = arith.index_cast %add3A_794 : i32 to index
        %swap3A_865 = arith.constant 112 : index
        %swap3A_866 = tpu.vector_load %arg16[%swap3A_864, %swap3A_865] {strides = array<i32>} : memref<64x128xf32, #tpu.memory_space<vmem>>, vector<16xf32>,
        tpu.vector_store %arg16[%swap3A_864, %swap3A_865], %get3A_863 {strides = array<i32>} : memref<64x128xf32, #tpu.memory_space<vmem>>, vector<16xf32>,
        %scan3A_867 = arith.constant 1 : i32
        %scan3A_868 = arith.addi %scan3A_790, %scan3A_867 : i32
        %mul3A_869 = arith.constant 1 : i32
        %mul3A_870 = arith.muli %scan3A_868, %mul3A_869 : i32
        %add3A_871 = arith.constant 0 : i32
        %add3A_872 = arith.addi %add3A_871, %mul3A_870 : i32
        %mul3A_873 = arith.constant 137 : i32
        %mul3A_874 = arith.muli %add3A_872, %mul3A_873 : i32
        %add3A_875 = arith.constant 0 : i32
        %add3A_876 = arith.addi %mul3A_874, %add3A_875 : i32
        %get3A_877 = arith.index_cast %add3A_876 : i32 to index
        %get3A_878 = tpu.vector_load %arg15[%get3A_877] {strides = array<i32>} : memref<8768xf32, #tpu.memory_space<vmem>>, vector<16xf32>,
        %swap3A_879 = arith.index_cast %add3A_872 : i32 to index
        %swap3A_880 = arith.constant 0 : index
        %swap3A_881 = tpu.vector_load %arg16[%swap3A_879, %swap3A_880] {strides = array<i32>} : memref<64x128xf32, #tpu.memory_space<vmem>>, vector<16xf32>,
        tpu.vector_store %arg16[%swap3A_879, %swap3A_880], %get3A_878 {strides = array<i32>} : memref<64x128xf32, #tpu.memory_space<vmem>>, vector<16xf32>,
        %mul3A_882 = arith.constant 137 : i32
        %mul3A_883 = arith.muli %add3A_872, %mul3A_882 : i32
        %add3A_884 = arith.constant 16 : i32
        %add3A_885 = arith.addi %mul3A_883, %add3A_884 : i32
        %get3A_886 = arith.index_cast %add3A_885 : i32 to index
        %get3A_887 = tpu.vector_load %arg15[%get3A_886] {strides = array<i32>} : memref<8768xf32, #tpu.memory_space<vmem>>, vector<16xf32>,
        %swap3A_888 = arith.index_cast %add3A_872 : i32 to index
        %swap3A_889 = arith.constant 16 : index
        %swap3A_890 = tpu.vector_load %arg16[%swap3A_888, %swap3A_889] {strides = array<i32>} : memref<64x128xf32, #tpu.memory_space<vmem>>, vector<16xf32>,
        tpu.vector_store %arg16[%swap3A_888, %swap3A_889], %get3A_887 {strides = array<i32>} : memref<64x128xf32, #tpu.memory_space<vmem>>, vector<16xf32>,
        %mul3A_891 = arith.constant 137 : i32
        %mul3A_892 = arith.muli %add3A_872, %mul3A_891 : i32
        %add3A_893 = arith.constant 32 : i32
        %add3A_894 = arith.addi %mul3A_892, %add3A_893 : i32
        %get3A_895 = arith.index_cast %add3A_894 : i32 to index
        %get3A_896 = tpu.vector_load %arg15[%get3A_895] {strides = array<i32>} : memref<8768xf32, #tpu.memory_space<vmem>>, vector<16xf32>,
        %swap3A_897 = arith.index_cast %add3A_872 : i32 to index
        %swap3A_898 = arith.constant 32 : index
        %swap3A_899 = tpu.vector_load %arg16[%swap3A_897, %swap3A_898] {strides = array<i32>} : memref<64x128xf32, #tpu.memory_space<vmem>>, vector<16xf32>,
        tpu.vector_store %arg16[%swap3A_897, %swap3A_898], %get3A_896 {strides = array<i32>} : memref<64x128xf32, #tpu.memory_space<vmem>>, vector<16xf32>,
        %mul3A_900 = arith.constant 137 : i32
        %mul3A_901 = arith.muli %add3A_872, %mul3A_900 : i32
        %add3A_902 = arith.constant 48 : i32
        %add3A_903 = arith.addi %mul3A_901, %add3A_902 : i32
        %get3A_904 = arith.index_cast %add3A_903 : i32 to index
        %get3A_905 = tpu.vector_load %arg15[%get3A_904] {strides = array<i32>} : memref<8768xf32, #tpu.memory_space<vmem>>, vector<16xf32>,
        %swap3A_906 = arith.index_cast %add3A_872 : i32 to index
        %swap3A_907 = arith.constant 48 : index
        %swap3A_908 = tpu.vector_load %arg16[%swap3A_906, %swap3A_907] {strides = array<i32>} : memref<64x128xf32, #tpu.memory_space<vmem>>, vector<16xf32>,
        tpu.vector_store %arg16[%swap3A_906, %swap3A_907], %get3A_905 {strides = array<i32>} : memref<64x128xf32, #tpu.memory_space<vmem>>, vector<16xf32>,
        %mul3A_909 = arith.constant 137 : i32
        %mul3A_910 = arith.muli %add3A_872, %mul3A_909 : i32
        %add3A_911 = arith.constant 64 : i32
        %add3A_912 = arith.addi %mul3A_910, %add3A_911 : i32
        %get3A_913 = arith.index_cast %add3A_912 : i32 to index
        %get3A_914 = tpu.vector_load %arg15[%get3A_913] {strides = array<i32>} : memref<8768xf32, #tpu.memory_space<vmem>>, vector<16xf32>,
        %swap3A_915 = arith.index_cast %add3A_872 : i32 to index
        %swap3A_916 = arith.constant 64 : index
        %swap3A_917 = tpu.vector_load %arg16[%swap3A_915, %swap3A_916] {strides = array<i32>} : memref<64x128xf32, #tpu.memory_space<vmem>>, vector<16xf32>,
        tpu.vector_store %arg16[%swap3A_915, %swap3A_916], %get3A_914 {strides = array<i32>} : memref<64x128xf32, #tpu.memory_space<vmem>>, vector<16xf32>,
        %mul3A_918 = arith.constant 137 : i32
        %mul3A_919 = arith.muli %add3A_872, %mul3A_918 : i32
        %add3A_920 = arith.constant 80 : i32
        %add3A_921 = arith.addi %mul3A_919, %add3A_920 : i32
        %get3A_922 = arith.index_cast %add3A_921 : i32 to index
        %get3A_923 = tpu.vector_load %arg15[%get3A_922] {strides = array<i32>} : memref<8768xf32, #tpu.memory_space<vmem>>, vector<16xf32>,
        %swap3A_924 = arith.index_cast %add3A_872 : i32 to index
        %swap3A_925 = arith.constant 80 : index
        %swap3A_926 = tpu.vector_load %arg16[%swap3A_924, %swap3A_925] {strides = array<i32>} : memref<64x128xf32, #tpu.memory_space<vmem>>, vector<16xf32>,
        tpu.vector_store %arg16[%swap3A_924, %swap3A_925], %get3A_923 {strides = array<i32>} : memref<64x128xf32, #tpu.memory_space<vmem>>, vector<16xf32>,
        %mul3A_927 = arith.constant 137 : i32
        %mul3A_928 = arith.muli %add3A_872, %mul3A_927 : i32
        %add3A_929 = arith.constant 96 : i32
        %add3A_930 = arith.addi %mul3A_928, %add3A_929 : i32
        %get3A_931 = arith.index_cast %add3A_930 : i32 to index
        %get3A_932 = tpu.vector_load %arg15[%get3A_931] {strides = array<i32>} : memref<8768xf32, #tpu.memory_space<vmem>>, vector<16xf32>,
        %swap3A_933 = arith.index_cast %add3A_872 : i32 to index
        %swap3A_934 = arith.constant 96 : index
        %swap3A_935 = tpu.vector_load %arg16[%swap3A_933, %swap3A_934] {strides = array<i32>} : memref<64x128xf32, #tpu.memory_space<vmem>>, vector<16xf32>,
        tpu.vector_store %arg16[%swap3A_933, %swap3A_934], %get3A_932 {strides = array<i32>} : memref<64x128xf32, #tpu.memory_space<vmem>>, vector<16xf32>,
        %mul3A_936 = arith.constant 137 : i32
        %mul3A_937 = arith.muli %add3A_872, %mul3A_936 : i32
        %add3A_938 = arith.constant 112 : i32
        %add3A_939 = arith.addi %mul3A_937, %add3A_938 : i32
        %get3A_940 = arith.index_cast %add3A_939 : i32 to index
        %get3A_941 = tpu.vector_load %arg15[%get3A_940] {strides = array<i32>} : memref<8768xf32, #tpu.memory_space<vmem>>, vector<16xf32>,
        %swap3A_942 = arith.index_cast %add3A_872 : i32 to index
        %swap3A_943 = arith.constant 112 : index
        %swap3A_944 = tpu.vector_load %arg16[%swap3A_942, %swap3A_943] {strides = array<i32>} : memref<64x128xf32, #tpu.memory_space<vmem>>, vector<16xf32>,
        tpu.vector_store %arg16[%swap3A_942, %swap3A_943], %get3A_941 {strides = array<i32>} : memref<64x128xf32, #tpu.memory_space<vmem>>, vector<16xf32>,
        %scan3A_945 = arith.constant 2 : i32
        %scan3A_946 = arith.addi %scan3A_790, %scan3A_945 : i32
        %mul3A_947 = arith.constant 1 : i32
        %mul3A_948 = arith.muli %scan3A_946, %mul3A_947 : i32
        %add3A_949 = arith.constant 0 : i32
        %add3A_950 = arith.addi %add3A_949, %mul3A_948 : i32
        %mul3A_951 = arith.constant 137 : i32
        %mul3A_952 = arith.muli %add3A_950, %mul3A_951 : i32
        %add3A_953 = arith.constant 0 : i32
        %add3A_954 = arith.addi %mul3A_952, %add3A_953 : i32
        %get3A_955 = arith.index_cast %add3A_954 : i32 to index
        %get3A_956 = tpu.vector_load %arg15[%get3A_955] {strides = array<i32>} : memref<8768xf32, #tpu.memory_space<vmem>>, vector<16xf32>,
        %swap3A_957 = arith.index_cast %add3A_950 : i32 to index
        %swap3A_958 = arith.constant 0 : index
        %swap3A_959 = tpu.vector_load %arg16[%swap3A_957, %swap3A_958] {strides = array<i32>} : memref<64x128xf32, #tpu.memory_space<vmem>>, vector<16xf32>,
        tpu.vector_store %arg16[%swap3A_957, %swap3A_958], %get3A_956 {strides = array<i32>} : memref<64x128xf32, #tpu.memory_space<vmem>>, vector<16xf32>,
        %mul3A_960 = arith.constant 137 : i32
        %mul3A_961 = arith.muli %add3A_950, %mul3A_960 : i32
        %add3A_962 = arith.constant 16 : i32
        %add3A_963 = arith.addi %mul3A_961, %add3A_962 : i32
        %get3A_964 = arith.index_cast %add3A_963 : i32 to index
        %get3A_965 = tpu.vector_load %arg15[%get3A_964] {strides = array<i32>} : memref<8768xf32, #tpu.memory_space<vmem>>, vector<16xf32>,
        %swap3A_966 = arith.index_cast %add3A_950 : i32 to index
        %swap3A_967 = arith.constant 16 : index
        %swap3A_968 = tpu.vector_load %arg16[%swap3A_966, %swap3A_967] {strides = array<i32>} : memref<64x128xf32, #tpu.memory_space<vmem>>, vector<16xf32>,
        tpu.vector_store %arg16[%swap3A_966, %swap3A_967], %get3A_965 {strides = array<i32>} : memref<64x128xf32, #tpu.memory_space<vmem>>, vector<16xf32>,
        %mul3A_969 = arith.constant 137 : i32
        %mul3A_970 = arith.muli %add3A_950, %mul3A_969 : i32
        %add3A_971 = arith.constant 32 : i32
        %add3A_972 = arith.addi %mul3A_970, %add3A_971 : i32
        %get3A_973 = arith.index_cast %add3A_972 : i32 to index
        %get3A_974 = tpu.vector_load %arg15[%get3A_973] {strides = array<i32>} : memref<8768xf32, #tpu.memory_space<vmem>>, vector<16xf32>,
        %swap3A_975 = arith.index_cast %add3A_950 : i32 to index
        %swap3A_976 = arith.constant 32 : index
        %swap3A_977 = tpu.vector_load %arg16[%swap3A_975, %swap3A_976] {strides = array<i32>} : memref<64x128xf32, #tpu.memory_space<vmem>>, vector<16xf32>,
        tpu.vector_store %arg16[%swap3A_975, %swap3A_976], %get3A_974 {strides = array<i32>} : memref<64x128xf32, #tpu.memory_space<vmem>>, vector<16xf32>,
        %mul3A_978 = arith.constant 137 : i32
        %mul3A_979 = arith.muli %add3A_950, %mul3A_978 : i32
        %add3A_980 = arith.constant 48 : i32
        %add3A_981 = arith.addi %mul3A_979, %add3A_980 : i32
        %get3A_982 = arith.index_cast %add3A_981 : i32 to index
        %get3A_983 = tpu.vector_load %arg15[%get3A_982] {strides = array<i32>} : memref<8768xf32, #tpu.memory_space<vmem>>, vector<16xf32>,
        %swap3A_984 = arith.index_cast %add3A_950 : i32 to index
        %swap3A_985 = arith.constant 48 : index
        %swap3A_986 = tpu.vector_load %arg16[%swap3A_984, %swap3A_985] {strides = array<i32>} : memref<64x128xf32, #tpu.memory_space<vmem>>, vector<16xf32>,
        tpu.vector_store %arg16[%swap3A_984, %swap3A_985], %get3A_983 {strides = array<i32>} : memref<64x128xf32, #tpu.memory_space<vmem>>, vector<16xf32>,
        %mul3A_987 = arith.constant 137 : i32
        %mul3A_988 = arith.muli %add3A_950, %mul3A_987 : i32
        %add3A_989 = arith.constant 64 : i32
        %add3A_990 = arith.addi %mul3A_988, %add3A_989 : i32
        %get3A_991 = arith.index_cast %add3A_990 : i32 to index
        %get3A_992 = tpu.vector_load %arg15[%get3A_991] {strides = array<i32>} : memref<8768xf32, #tpu.memory_space<vmem>>, vector<16xf32>,
        %swap3A_993 = arith.index_cast %add3A_950 : i32 to index
        %swap3A_994 = arith.constant 64 : index
        %swap3A_995 = tpu.vector_load %arg16[%swap3A_993, %swap3A_994] {strides = array<i32>} : memref<64x128xf32, #tpu.memory_space<vmem>>, vector<16xf32>,
        tpu.vector_store %arg16[%swap3A_993, %swap3A_994], %get3A_992 {strides = array<i32>} : memref<64x128xf32, #tpu.memory_space<vmem>>, vector<16xf32>,
        %mul3A_996 = arith.constant 137 : i32
        %mul3A_997 = arith.muli %add3A_950, %mul3A_996 : i32
        %add3A_998 = arith.constant 80 : i32
        %add3A_999 = arith.addi %mul3A_997, %add3A_998 : i32
        %get3A_1000 = arith.index_cast %add3A_999 : i32 to index
        %get3A_1001 = tpu.vector_load %arg15[%get3A_1000] {strides = array<i32>} : memref<8768xf32, #tpu.memory_space<vmem>>, vector<16xf32>,
        %swap3A_1002 = arith.index_cast %add3A_950 : i32 to index
        %swap3A_1003 = arith.constant 80 : index
        %swap3A_1004 = tpu.vector_load %arg16[%swap3A_1002, %swap3A_1003] {strides = array<i32>} : memref<64x128xf32, #tpu.memory_space<vmem>>, vector<16xf32>,
        tpu.vector_store %arg16[%swap3A_1002, %swap3A_1003], %get3A_1001 {strides = array<i32>} : memref<64x128xf32, #tpu.memory_space<vmem>>, vector<16xf32>,
        %mul3A_1005 = arith.constant 137 : i32
        %mul3A_1006 = arith.muli %add3A_950, %mul3A_1005 : i32
        %add3A_1007 = arith.constant 96 : i32
        %add3A_1008 = arith.addi %mul3A_1006, %add3A_1007 : i32
        %get3A_1009 = arith.index_cast %add3A_1008 : i32 to index
        %get3A_1010 = tpu.vector_load %arg15[%get3A_1009] {strides = array<i32>} : memref<8768xf32, #tpu.memory_space<vmem>>, vector<16xf32>,
        %swap3A_1011 = arith.index_cast %add3A_950 : i32 to index
        %swap3A_1012 = arith.constant 96 : index
        %swap3A_1013 = tpu.vector_load %arg16[%swap3A_1011, %swap3A_1012] {strides = array<i32>} : memref<64x128xf32, #tpu.memory_space<vmem>>, vector<16xf32>,
        tpu.vector_store %arg16[%swap3A_1011, %swap3A_1012], %get3A_1010 {strides = array<i32>} : memref<64x128xf32, #tpu.memory_space<vmem>>, vector<16xf32>,
        %mul3A_1014 = arith.constant 137 : i32
        %mul3A_1015 = arith.muli %add3A_950, %mul3A_1014 : i32
        %add3A_1016 = arith.constant 112 : i32
        %add3A_1017 = arith.addi %mul3A_1015, %add3A_1016 : i32
        %get3A_1018 = arith.index_cast %add3A_1017 : i32 to index
        %get3A_1019 = tpu.vector_load %arg15[%get3A_1018] {strides = array<i32>} : memref<8768xf32, #tpu.memory_space<vmem>>, vector<16xf32>,
        %swap3A_1020 = arith.index_cast %add3A_950 : i32 to index
        %swap3A_1021 = arith.constant 112 : index
        %swap3A_1022 = tpu.vector_load %arg16[%swap3A_1020, %swap3A_1021] {strides = array<i32>} : memref<64x128xf32, #tpu.memory_space<vmem>>, vector<16xf32>,
        tpu.vector_store %arg16[%swap3A_1020, %swap3A_1021], %get3A_1019 {strides = array<i32>} : memref<64x128xf32, #tpu.memory_space<vmem>>, vector<16xf32>,
        %scan3A_1023 = arith.constant 3 : i32
        %scan3A_1024 = arith.addi %scan3A_790, %scan3A_1023 : i32
        %mul3A_1025 = arith.constant 1 : i32
        %mul3A_1026 = arith.muli %scan3A_1024, %mul3A_1025 : i32
        %add3A_1027 = arith.constant 0 : i32
        %add3A_1028 = arith.addi %add3A_1027, %mul3A_1026 : i32
        %mul3A_1029 = arith.constant 137 : i32
        %mul3A_1030 = arith.muli %add3A_1028, %mul3A_1029 : i32
        %add3A_1031 = arith.constant 0 : i32
        %add3A_1032 = arith.addi %mul3A_1030, %add3A_1031 : i32
        %get3A_1033 = arith.index_cast %add3A_1032 : i32 to index
        %get3A_1034 = tpu.vector_load %arg15[%get3A_1033] {strides = array<i32>} : memref<8768xf32, #tpu.memory_space<vmem>>, vector<16xf32>,
        %swap3A_1035 = arith.index_cast %add3A_1028 : i32 to index
        %swap3A_1036 = arith.constant 0 : index
        %swap3A_1037 = tpu.vector_load %arg16[%swap3A_1035, %swap3A_1036] {strides = array<i32>} : memref<64x128xf32, #tpu.memory_space<vmem>>, vector<16xf32>,
        tpu.vector_store %arg16[%swap3A_1035, %swap3A_1036], %get3A_1034 {strides = array<i32>} : memref<64x128xf32, #tpu.memory_space<vmem>>, vector<16xf32>,
        %mul3A_1038 = arith.constant 137 : i32
        %mul3A_1039 = arith.muli %add3A_1028, %mul3A_1038 : i32
        %add3A_1040 = arith.constant 16 : i32
        %add3A_1041 = arith.addi %mul3A_1039, %add3A_1040 : i32
        %get3A_1042 = arith.index_cast %add3A_1041 : i32 to index
        %get3A_1043 = tpu.vector_load %arg15[%get3A_1042] {strides = array<i32>} : memref<8768xf32, #tpu.memory_space<vmem>>, vector<16xf32>,
        %swap3A_1044 = arith.index_cast %add3A_1028 : i32 to index
        %swap3A_1045 = arith.constant 16 : index
        %swap3A_1046 = tpu.vector_load %arg16[%swap3A_1044, %swap3A_1045] {strides = array<i32>} : memref<64x128xf32, #tpu.memory_space<vmem>>, vector<16xf32>,
        tpu.vector_store %arg16[%swap3A_1044, %swap3A_1045], %get3A_1043 {strides = array<i32>} : memref<64x128xf32, #tpu.memory_space<vmem>>, vector<16xf32>,
        %mul3A_1047 = arith.constant 137 : i32
        %mul3A_1048 = arith.muli %add3A_1028, %mul3A_1047 : i32
        %add3A_1049 = arith.constant 32 : i32
        %add3A_1050 = arith.addi %mul3A_1048, %add3A_1049 : i32
        %get3A_1051 = arith.index_cast %add3A_1050 : i32 to index
        %get3A_1052 = tpu.vector_load %arg15[%get3A_1051] {strides = array<i32>} : memref<8768xf32, #tpu.memory_space<vmem>>, vector<16xf32>,
        %swap3A_1053 = arith.index_cast %add3A_1028 : i32 to index
        %swap3A_1054 = arith.constant 32 : index
        %swap3A_1055 = tpu.vector_load %arg16[%swap3A_1053, %swap3A_1054] {strides = array<i32>} : memref<64x128xf32, #tpu.memory_space<vmem>>, vector<16xf32>,
        tpu.vector_store %arg16[%swap3A_1053, %swap3A_1054], %get3A_1052 {strides = array<i32>} : memref<64x128xf32, #tpu.memory_space<vmem>>, vector<16xf32>,
        %mul3A_1056 = arith.constant 137 : i32
        %mul3A_1057 = arith.muli %add3A_1028, %mul3A_1056 : i32
        %add3A_1058 = arith.constant 48 : i32
        %add3A_1059 = arith.addi %mul3A_1057, %add3A_1058 : i32
        %get3A_1060 = arith.index_cast %add3A_1059 : i32 to index
        %get3A_1061 = tpu.vector_load %arg15[%get3A_1060] {strides = array<i32>} : memref<8768xf32, #tpu.memory_space<vmem>>, vector<16xf32>,
        %swap3A_1062 = arith.index_cast %add3A_1028 : i32 to index
        %swap3A_1063 = arith.constant 48 : index
        %swap3A_1064 = tpu.vector_load %arg16[%swap3A_1062, %swap3A_1063] {strides = array<i32>} : memref<64x128xf32, #tpu.memory_space<vmem>>, vector<16xf32>,
        tpu.vector_store %arg16[%swap3A_1062, %swap3A_1063], %get3A_1061 {strides = array<i32>} : memref<64x128xf32, #tpu.memory_space<vmem>>, vector<16xf32>,
        %mul3A_1065 = arith.constant 137 : i32
        %mul3A_1066 = arith.muli %add3A_1028, %mul3A_1065 : i32
        %add3A_1067 = arith.constant 64 : i32
        %add3A_1068 = arith.addi %mul3A_1066, %add3A_1067 : i32
        %get3A_1069 = arith.index_cast %add3A_1068 : i32 to index
        %get3A_1070 = tpu.vector_load %arg15[%get3A_1069] {strides = array<i32>} : memref<8768xf32, #tpu.memory_space<vmem>>, vector<16xf32>,
        %swap3A_1071 = arith.index_cast %add3A_1028 : i32 to index
        %swap3A_1072 = arith.constant 64 : index
        %swap3A_1073 = tpu.vector_load %arg16[%swap3A_1071, %swap3A_1072] {strides = array<i32>} : memref<64x128xf32, #tpu.memory_space<vmem>>, vector<16xf32>,
        tpu.vector_store %arg16[%swap3A_1071, %swap3A_1072], %get3A_1070 {strides = array<i32>} : memref<64x128xf32, #tpu.memory_space<vmem>>, vector<16xf32>,
        %mul3A_1074 = arith.constant 137 : i32
        %mul3A_1075 = arith.muli %add3A_1028, %mul3A_1074 : i32
        %add3A_1076 = arith.constant 80 : i32
        %add3A_1077 = arith.addi %mul3A_1075, %add3A_1076 : i32
        %get3A_1078 = arith.index_cast %add3A_1077 : i32 to index
        %get3A_1079 = tpu.vector_load %arg15[%get3A_1078] {strides = array<i32>} : memref<8768xf32, #tpu.memory_space<vmem>>, vector<16xf32>,
        %swap3A_1080 = arith.index_cast %add3A_1028 : i32 to index
        %swap3A_1081 = arith.constant 80 : index
        %swap3A_1082 = tpu.vector_load %arg16[%swap3A_1080, %swap3A_1081] {strides = array<i32>} : memref<64x128xf32, #tpu.memory_space<vmem>>, vector<16xf32>,
        tpu.vector_store %arg16[%swap3A_1080, %swap3A_1081], %get3A_1079 {strides = array<i32>} : memref<64x128xf32, #tpu.memory_space<vmem>>, vector<16xf32>,
        %mul3A_1083 = arith.constant 137 : i32
        %mul3A_1084 = arith.muli %add3A_1028, %mul3A_1083 : i32
        %add3A_1085 = arith.constant 96 : i32
        %add3A_1086 = arith.addi %mul3A_1084, %add3A_1085 : i32
        %get3A_1087 = arith.index_cast %add3A_1086 : i32 to index
        %get3A_1088 = tpu.vector_load %arg15[%get3A_1087] {strides = array<i32>} : memref<8768xf32, #tpu.memory_space<vmem>>, vector<16xf32>,
        %swap3A_1089 = arith.index_cast %add3A_1028 : i32 to index
        %swap3A_1090 = arith.constant 96 : index
        %swap3A_1091 = tpu.vector_load %arg16[%swap3A_1089, %swap3A_1090] {strides = array<i32>} : memref<64x128xf32, #tpu.memory_space<vmem>>, vector<16xf32>,
        tpu.vector_store %arg16[%swap3A_1089, %swap3A_1090], %get3A_1088 {strides = array<i32>} : memref<64x128xf32, #tpu.memory_space<vmem>>, vector<16xf32>,
        %mul3A_1092 = arith.constant 137 : i32
        %mul3A_1093 = arith.muli %add3A_1028, %mul3A_1092 : i32
        %add3A_1094 = arith.constant 112 : i32
        %add3A_1095 = arith.addi %mul3A_1093, %add3A_1094 : i32
        %get3A_1096 = arith.index_cast %add3A_1095 : i32 to index
        %get3A_1097 = tpu.vector_load %arg15[%get3A_1096] {strides = array<i32>} : memref<8768xf32, #tpu.memory_space<vmem>>, vector<16xf32>,
        %swap3A_1098 = arith.index_cast %add3A_1028 : i32 to index
        %swap3A_1099 = arith.constant 112 : index
        %swap3A_1100 = tpu.vector_load %arg16[%swap3A_1098, %swap3A_1099] {strides = array<i32>} : memref<64x128xf32, #tpu.memory_space<vmem>>, vector<16xf32>,
        tpu.vector_store %arg16[%swap3A_1098, %swap3A_1099], %get3A_1097 {strides = array<i32>} : memref<64x128xf32, #tpu.memory_space<vmem>>, vector<16xf32>,
        %scan3A_1101 = arith.constant 4 : i32
        %scan3A_1102 = arith.addi %scan3A_790, %scan3A_1101 : i32
        %mul3A_1103 = arith.constant 1 : i32
        %mul3A_1104 = arith.muli %scan3A_1102, %mul3A_1103 : i32
        %add3A_1105 = arith.constant 0 : i32
        %add3A_1106 = arith.addi %add3A_1105, %mul3A_1104 : i32
        %mul3A_1107 = arith.constant 137 : i32
        %mul3A_1108 = arith.muli %add3A_1106, %mul3A_1107 : i32
        %add3A_1109 = arith.constant 0 : i32
        %add3A_1110 = arith.addi %mul3A_1108, %add3A_1109 : i32
        %get3A_1111 = arith.index_cast %add3A_1110 : i32 to index
        %get3A_1112 = tpu.vector_load %arg15[%get3A_1111] {strides = array<i32>} : memref<8768xf32, #tpu.memory_space<vmem>>, vector<16xf32>,
        %swap3A_1113 = arith.index_cast %add3A_1106 : i32 to index
        %swap3A_1114 = arith.constant 0 : index
        %swap3A_1115 = tpu.vector_load %arg16[%swap3A_1113, %swap3A_1114] {strides = array<i32>} : memref<64x128xf32, #tpu.memory_space<vmem>>, vector<16xf32>,
        tpu.vector_store %arg16[%swap3A_1113, %swap3A_1114], %get3A_1112 {strides = array<i32>} : memref<64x128xf32, #tpu.memory_space<vmem>>, vector<16xf32>,
        %mul3A_1116 = arith.constant 137 : i32
        %mul3A_1117 = arith.muli %add3A_1106, %mul3A_1116 : i32
        %add3A_1118 = arith.constant 16 : i32
        %add3A_1119 = arith.addi %mul3A_1117, %add3A_1118 : i32
        %get3A_1120 = arith.index_cast %add3A_1119 : i32 to index
        %get3A_1121 = tpu.vector_load %arg15[%get3A_1120] {strides = array<i32>} : memref<8768xf32, #tpu.memory_space<vmem>>, vector<16xf32>,
        %swap3A_1122 = arith.index_cast %add3A_1106 : i32 to index
        %swap3A_1123 = arith.constant 16 : index
        %swap3A_1124 = tpu.vector_load %arg16[%swap3A_1122, %swap3A_1123] {strides = array<i32>} : memref<64x128xf32, #tpu.memory_space<vmem>>, vector<16xf32>,
        tpu.vector_store %arg16[%swap3A_1122, %swap3A_1123], %get3A_1121 {strides = array<i32>} : memref<64x128xf32, #tpu.memory_space<vmem>>, vector<16xf32>,
        %mul3A_1125 = arith.constant 137 : i32
        %mul3A_1126 = arith.muli %add3A_1106, %mul3A_1125 : i32
        %add3A_1127 = arith.constant 32 : i32
        %add3A_1128 = arith.addi %mul3A_1126, %add3A_1127 : i32
        %get3A_1129 = arith.index_cast %add3A_1128 : i32 to index
        %get3A_1130 = tpu.vector_load %arg15[%get3A_1129] {strides = array<i32>} : memref<8768xf32, #tpu.memory_space<vmem>>, vector<16xf32>,
        %swap3A_1131 = arith.index_cast %add3A_1106 : i32 to index
        %swap3A_1132 = arith.constant 32 : index
        %swap3A_1133 = tpu.vector_load %arg16[%swap3A_1131, %swap3A_1132] {strides = array<i32>} : memref<64x128xf32, #tpu.memory_space<vmem>>, vector<16xf32>,
        tpu.vector_store %arg16[%swap3A_1131, %swap3A_1132], %get3A_1130 {strides = array<i32>} : memref<64x128xf32, #tpu.memory_space<vmem>>, vector<16xf32>,
        %mul3A_1134 = arith.constant 137 : i32
        %mul3A_1135 = arith.muli %add3A_1106, %mul3A_1134 : i32
        %add3A_1136 = arith.constant 48 : i32
        %add3A_1137 = arith.addi %mul3A_1135, %add3A_1136 : i32
        %get3A_1138 = arith.index_cast %add3A_1137 : i32 to index
        %get3A_1139 = tpu.vector_load %arg15[%get3A_1138] {strides = array<i32>} : memref<8768xf32, #tpu.memory_space<vmem>>, vector<16xf32>,
        %swap3A_1140 = arith.index_cast %add3A_1106 : i32 to index
        %swap3A_1141 = arith.constant 48 : index
        %swap3A_1142 = tpu.vector_load %arg16[%swap3A_1140, %swap3A_1141] {strides = array<i32>} : memref<64x128xf32, #tpu.memory_space<vmem>>, vector<16xf32>,
        tpu.vector_store %arg16[%swap3A_1140, %swap3A_1141], %get3A_1139 {strides = array<i32>} : memref<64x128xf32, #tpu.memory_space<vmem>>, vector<16xf32>,
        %mul3A_1143 = arith.constant 137 : i32
        %mul3A_1144 = arith.muli %add3A_1106, %mul3A_1143 : i32
        %add3A_1145 = arith.constant 64 : i32
        %add3A_1146 = arith.addi %mul3A_1144, %add3A_1145 : i32
        %get3A_1147 = arith.index_cast %add3A_1146 : i32 to index
        %get3A_1148 = tpu.vector_load %arg15[%get3A_1147] {strides = array<i32>} : memref<8768xf32, #tpu.memory_space<vmem>>, vector<16xf32>,
        %swap3A_1149 = arith.index_cast %add3A_1106 : i32 to index
        %swap3A_1150 = arith.constant 64 : index
        %swap3A_1151 = tpu.vector_load %arg16[%swap3A_1149, %swap3A_1150] {strides = array<i32>} : memref<64x128xf32, #tpu.memory_space<vmem>>, vector<16xf32>,
        tpu.vector_store %arg16[%swap3A_1149, %swap3A_1150], %get3A_1148 {strides = array<i32>} : memref<64x128xf32, #tpu.memory_space<vmem>>, vector<16xf32>,
        %mul3A_1152 = arith.constant 137 : i32
        %mul3A_1153 = arith.muli %add3A_1106, %mul3A_1152 : i32
        %add3A_1154 = arith.constant 80 : i32
        %add3A_1155 = arith.addi %mul3A_1153, %add3A_1154 : i32
        %get3A_1156 = arith.index_cast %add3A_1155 : i32 to index
        %get3A_1157 = tpu.vector_load %arg15[%get3A_1156] {strides = array<i32>} : memref<8768xf32, #tpu.memory_space<vmem>>, vector<16xf32>,
        %swap3A_1158 = arith.index_cast %add3A_1106 : i32 to index
        %swap3A_1159 = arith.constant 80 : index
        %swap3A_1160 = tpu.vector_load %arg16[%swap3A_1158, %swap3A_1159] {strides = array<i32>} : memref<64x128xf32, #tpu.memory_space<vmem>>, vector<16xf32>,
        tpu.vector_store %arg16[%swap3A_1158, %swap3A_1159], %get3A_1157 {strides = array<i32>} : memref<64x128xf32, #tpu.memory_space<vmem>>, vector<16xf32>,
        %mul3A_1161 = arith.constant 137 : i32
        %mul3A_1162 = arith.muli %add3A_1106, %mul3A_1161 : i32
        %add3A_1163 = arith.constant 96 : i32
        %add3A_1164 = arith.addi %mul3A_1162, %add3A_1163 : i32
        %get3A_1165 = arith.index_cast %add3A_1164 : i32 to index
        %get3A_1166 = tpu.vector_load %arg15[%get3A_1165] {strides = array<i32>} : memref<8768xf32, #tpu.memory_space<vmem>>, vector<16xf32>,
        %swap3A_1167 = arith.index_cast %add3A_1106 : i32 to index
        %swap3A_1168 = arith.constant 96 : index
        %swap3A_1169 = tpu.vector_load %arg16[%swap3A_1167, %swap3A_1168] {strides = array<i32>} : memref<64x128xf32, #tpu.memory_space<vmem>>, vector<16xf32>,
        tpu.vector_store %arg16[%swap3A_1167, %swap3A_1168], %get3A_1166 {strides = array<i32>} : memref<64x128xf32, #tpu.memory_space<vmem>>, vector<16xf32>,
        %mul3A_1170 = arith.constant 137 : i32
        %mul3A_1171 = arith.muli %add3A_1106, %mul3A_1170 : i32
        %add3A_1172 = arith.constant 112 : i32
        %add3A_1173 = arith.addi %mul3A_1171, %add3A_1172 : i32
        %get3A_1174 = arith.index_cast %add3A_1173 : i32 to index
        %get3A_1175 = tpu.vector_load %arg15[%get3A_1174] {strides = array<i32>} : memref<8768xf32, #tpu.memory_space<vmem>>, vector<16xf32>,
        %swap3A_1176 = arith.index_cast %add3A_1106 : i32 to index
        %swap3A_1177 = arith.constant 112 : index
        %swap3A_1178 = tpu.vector_load %arg16[%swap3A_1176, %swap3A_1177] {strides = array<i32>} : memref<64x128xf32, #tpu.memory_space<vmem>>, vector<16xf32>,
        tpu.vector_store %arg16[%swap3A_1176, %swap3A_1177], %get3A_1175 {strides = array<i32>} : memref<64x128xf32, #tpu.memory_space<vmem>>, vector<16xf32>,
        %scan3A_1179 = arith.constant 5 : i32
        %scan3A_1180 = arith.addi %scan3A_790, %scan3A_1179 : i32
        %mul3A_1181 = arith.constant 1 : i32
        %mul3A_1182 = arith.muli %scan3A_1180, %mul3A_1181 : i32
        %add3A_1183 = arith.constant 0 : i32
        %add3A_1184 = arith.addi %add3A_1183, %mul3A_1182 : i32
        %mul3A_1185 = arith.constant 137 : i32
        %mul3A_1186 = arith.muli %add3A_1184, %mul3A_1185 : i32
        %add3A_1187 = arith.constant 0 : i32
        %add3A_1188 = arith.addi %mul3A_1186, %add3A_1187 : i32
        %get3A_1189 = arith.index_cast %add3A_1188 : i32 to index
        %get3A_1190 = tpu.vector_load %arg15[%get3A_1189] {strides = array<i32>} : memref<8768xf32, #tpu.memory_space<vmem>>, vector<16xf32>,
        %swap3A_1191 = arith.index_cast %add3A_1184 : i32 to index
        %swap3A_1192 = arith.constant 0 : index
        %swap3A_1193 = tpu.vector_load %arg16[%swap3A_1191, %swap3A_1192] {strides = array<i32>} : memref<64x128xf32, #tpu.memory_space<vmem>>, vector<16xf32>,
        tpu.vector_store %arg16[%swap3A_1191, %swap3A_1192], %get3A_1190 {strides = array<i32>} : memref<64x128xf32, #tpu.memory_space<vmem>>, vector<16xf32>,
        %mul3A_1194 = arith.constant 137 : i32
        %mul3A_1195 = arith.muli %add3A_1184, %mul3A_1194 : i32
        %add3A_1196 = arith.constant 16 : i32
        %add3A_1197 = arith.addi %mul3A_1195, %add3A_1196 : i32
        %get3A_1198 = arith.index_cast %add3A_1197 : i32 to index
        %get3A_1199 = tpu.vector_load %arg15[%get3A_1198] {strides = array<i32>} : memref<8768xf32, #tpu.memory_space<vmem>>, vector<16xf32>,
        %swap3A_1200 = arith.index_cast %add3A_1184 : i32 to index
        %swap3A_1201 = arith.constant 16 : index
        %swap3A_1202 = tpu.vector_load %arg16[%swap3A_1200, %swap3A_1201] {strides = array<i32>} : memref<64x128xf32, #tpu.memory_space<vmem>>, vector<16xf32>,
        tpu.vector_store %arg16[%swap3A_1200, %swap3A_1201], %get3A_1199 {strides = array<i32>} : memref<64x128xf32, #tpu.memory_space<vmem>>, vector<16xf32>,
        %mul3A_1203 = arith.constant 137 : i32
        %mul3A_1204 = arith.muli %add3A_1184, %mul3A_1203 : i32
        %add3A_1205 = arith.constant 32 : i32
        %add3A_1206 = arith.addi %mul3A_1204, %add3A_1205 : i32
        %get3A_1207 = arith.index_cast %add3A_1206 : i32 to index
        %get3A_1208 = tpu.vector_load %arg15[%get3A_1207] {strides = array<i32>} : memref<8768xf32, #tpu.memory_space<vmem>>, vector<16xf32>,
        %swap3A_1209 = arith.index_cast %add3A_1184 : i32 to index
        %swap3A_1210 = arith.constant 32 : index
        %swap3A_1211 = tpu.vector_load %arg16[%swap3A_1209, %swap3A_1210] {strides = array<i32>} : memref<64x128xf32, #tpu.memory_space<vmem>>, vector<16xf32>,
        tpu.vector_store %arg16[%swap3A_1209, %swap3A_1210], %get3A_1208 {strides = array<i32>} : memref<64x128xf32, #tpu.memory_space<vmem>>, vector<16xf32>,
        %mul3A_1212 = arith.constant 137 : i32
        %mul3A_1213 = arith.muli %add3A_1184, %mul3A_1212 : i32
        %add3A_1214 = arith.constant 48 : i32
        %add3A_1215 = arith.addi %mul3A_1213, %add3A_1214 : i32
        %get3A_1216 = arith.index_cast %add3A_1215 : i32 to index
        %get3A_1217 = tpu.vector_load %arg15[%get3A_1216] {strides = array<i32>} : memref<8768xf32, #tpu.memory_space<vmem>>, vector<16xf32>,
        %swap3A_1218 = arith.index_cast %add3A_1184 : i32 to index
        %swap3A_1219 = arith.constant 48 : index
        %swap3A_1220 = tpu.vector_load %arg16[%swap3A_1218, %swap3A_1219] {strides = array<i32>} : memref<64x128xf32, #tpu.memory_space<vmem>>, vector<16xf32>,
        tpu.vector_store %arg16[%swap3A_1218, %swap3A_1219], %get3A_1217 {strides = array<i32>} : memref<64x128xf32, #tpu.memory_space<vmem>>, vector<16xf32>,
        %mul3A_1221 = arith.constant 137 : i32
        %mul3A_1222 = arith.muli %add3A_1184, %mul3A_1221 : i32
        %add3A_1223 = arith.constant 64 : i32
        %add3A_1224 = arith.addi %mul3A_1222, %add3A_1223 : i32
        %get3A_1225 = arith.index_cast %add3A_1224 : i32 to index
        %get3A_1226 = tpu.vector_load %arg15[%get3A_1225] {strides = array<i32>} : memref<8768xf32, #tpu.memory_space<vmem>>, vector<16xf32>,
        %swap3A_1227 = arith.index_cast %add3A_1184 : i32 to index
        %swap3A_1228 = arith.constant 64 : index
        %swap3A_1229 = tpu.vector_load %arg16[%swap3A_1227, %swap3A_1228] {strides = array<i32>} : memref<64x128xf32, #tpu.memory_space<vmem>>, vector<16xf32>,
        tpu.vector_store %arg16[%swap3A_1227, %swap3A_1228], %get3A_1226 {strides = array<i32>} : memref<64x128xf32, #tpu.memory_space<vmem>>, vector<16xf32>,
        %mul3A_1230 = arith.constant 137 : i32
        %mul3A_1231 = arith.muli %add3A_1184, %mul3A_1230 : i32
        %add3A_1232 = arith.constant 80 : i32
        %add3A_1233 = arith.addi %mul3A_1231, %add3A_1232 : i32
        %get3A_1234 = arith.index_cast %add3A_1233 : i32 to index
        %get3A_1235 = tpu.vector_load %arg15[%get3A_1234] {strides = array<i32>} : memref<8768xf32, #tpu.memory_space<vmem>>, vector<16xf32>,
        %swap3A_1236 = arith.index_cast %add3A_1184 : i32 to index
        %swap3A_1237 = arith.constant 80 : index
        %swap3A_1238 = tpu.vector_load %arg16[%swap3A_1236, %swap3A_1237] {strides = array<i32>} : memref<64x128xf32, #tpu.memory_space<vmem>>, vector<16xf32>,
        tpu.vector_store %arg16[%swap3A_1236, %swap3A_1237], %get3A_1235 {strides = array<i32>} : memref<64x128xf32, #tpu.memory_space<vmem>>, vector<16xf32>,
        %mul3A_1239 = arith.constant 137 : i32
        %mul3A_1240 = arith.muli %add3A_1184, %mul3A_1239 : i32
        %add3A_1241 = arith.constant 96 : i32
        %add3A_1242 = arith.addi %mul3A_1240, %add3A_1241 : i32
        %get3A_1243 = arith.index_cast %add3A_1242 : i32 to index
        %get3A_1244 = tpu.vector_load %arg15[%get3A_1243] {strides = array<i32>} : memref<8768xf32, #tpu.memory_space<vmem>>, vector<16xf32>,
        %swap3A_1245 = arith.index_cast %add3A_1184 : i32 to index
        %swap3A_1246 = arith.constant 96 : index
        %swap3A_1247 = tpu.vector_load %arg16[%swap3A_1245, %swap3A_1246] {strides = array<i32>} : memref<64x128xf32, #tpu.memory_space<vmem>>, vector<16xf32>,
        tpu.vector_store %arg16[%swap3A_1245, %swap3A_1246], %get3A_1244 {strides = array<i32>} : memref<64x128xf32, #tpu.memory_space<vmem>>, vector<16xf32>,
        %mul3A_1248 = arith.constant 137 : i32
        %mul3A_1249 = arith.muli %add3A_1184, %mul3A_1248 : i32
        %add3A_1250 = arith.constant 112 : i32
        %add3A_1251 = arith.addi %mul3A_1249, %add3A_1250 : i32
        %get3A_1252 = arith.index_cast %add3A_1251 : i32 to index
        %get3A_1253 = tpu.vector_load %arg15[%get3A_1252] {strides = array<i32>} : memref<8768xf32, #tpu.memory_space<vmem>>, vector<16xf32>,
        %swap3A_1254 = arith.index_cast %add3A_1184 : i32 to index
        %swap3A_1255 = arith.constant 112 : index
        %swap3A_1256 = tpu.vector_load %arg16[%swap3A_1254, %swap3A_1255] {strides = array<i32>} : memref<64x128xf32, #tpu.memory_space<vmem>>, vector<16xf32>,
        tpu.vector_store %arg16[%swap3A_1254, %swap3A_1255], %get3A_1253 {strides = array<i32>} : memref<64x128xf32, #tpu.memory_space<vmem>>, vector<16xf32>,
        %scan3A_1257 = arith.constant 6 : i32
        %scan3A_1258 = arith.addi %scan3A_790, %scan3A_1257 : i32
        %mul3A_1259 = arith.constant 1 : i32
        %mul3A_1260 = arith.muli %scan3A_1258, %mul3A_1259 : i32
        %add3A_1261 = arith.constant 0 : i32
        %add3A_1262 = arith.addi %add3A_1261, %mul3A_1260 : i32
        %mul3A_1263 = arith.constant 137 : i32
        %mul3A_1264 = arith.muli %add3A_1262, %mul3A_1263 : i32
        %add3A_1265 = arith.constant 0 : i32
        %add3A_1266 = arith.addi %mul3A_1264, %add3A_1265 : i32
        %get3A_1267 = arith.index_cast %add3A_1266 : i32 to index
        %get3A_1268 = tpu.vector_load %arg15[%get3A_1267] {strides = array<i32>} : memref<8768xf32, #tpu.memory_space<vmem>>, vector<16xf32>,
        %swap3A_1269 = arith.index_cast %add3A_1262 : i32 to index
        %swap3A_1270 = arith.constant 0 : index
        %swap3A_1271 = tpu.vector_load %arg16[%swap3A_1269, %swap3A_1270] {strides = array<i32>} : memref<64x128xf32, #tpu.memory_space<vmem>>, vector<16xf32>,
        tpu.vector_store %arg16[%swap3A_1269, %swap3A_1270], %get3A_1268 {strides = array<i32>} : memref<64x128xf32, #tpu.memory_space<vmem>>, vector<16xf32>,
        %mul3A_1272 = arith.constant 137 : i32
        %mul3A_1273 = arith.muli %add3A_1262, %mul3A_1272 : i32
        %add3A_1274 = arith.constant 16 : i32
        %add3A_1275 = arith.addi %mul3A_1273, %add3A_1274 : i32
        %get3A_1276 = arith.index_cast %add3A_1275 : i32 to index
        %get3A_1277 = tpu.vector_load %arg15[%get3A_1276] {strides = array<i32>} : memref<8768xf32, #tpu.memory_space<vmem>>, vector<16xf32>,
        %swap3A_1278 = arith.index_cast %add3A_1262 : i32 to index
        %swap3A_1279 = arith.constant 16 : index
        %swap3A_1280 = tpu.vector_load %arg16[%swap3A_1278, %swap3A_1279] {strides = array<i32>} : memref<64x128xf32, #tpu.memory_space<vmem>>, vector<16xf32>,
        tpu.vector_store %arg16[%swap3A_1278, %swap3A_1279], %get3A_1277 {strides = array<i32>} : memref<64x128xf32, #tpu.memory_space<vmem>>, vector<16xf32>,
        %mul3A_1281 = arith.constant 137 : i32
        %mul3A_1282 = arith.muli %add3A_1262, %mul3A_1281 : i32
        %add3A_1283 = arith.constant 32 : i32
        %add3A_1284 = arith.addi %mul3A_1282, %add3A_1283 : i32
        %get3A_1285 = arith.index_cast %add3A_1284 : i32 to index
        %get3A_1286 = tpu.vector_load %arg15[%get3A_1285] {strides = array<i32>} : memref<8768xf32, #tpu.memory_space<vmem>>, vector<16xf32>,
        %swap3A_1287 = arith.index_cast %add3A_1262 : i32 to index
        %swap3A_1288 = arith.constant 32 : index
        %swap3A_1289 = tpu.vector_load %arg16[%swap3A_1287, %swap3A_1288] {strides = array<i32>} : memref<64x128xf32, #tpu.memory_space<vmem>>, vector<16xf32>,
        tpu.vector_store %arg16[%swap3A_1287, %swap3A_1288], %get3A_1286 {strides = array<i32>} : memref<64x128xf32, #tpu.memory_space<vmem>>, vector<16xf32>,
        %mul3A_1290 = arith.constant 137 : i32
        %mul3A_1291 = arith.muli %add3A_1262, %mul3A_1290 : i32
        %add3A_1292 = arith.constant 48 : i32
        %add3A_1293 = arith.addi %mul3A_1291, %add3A_1292 : i32
        %get3A_1294 = arith.index_cast %add3A_1293 : i32 to index
        %get3A_1295 = tpu.vector_load %arg15[%get3A_1294] {strides = array<i32>} : memref<8768xf32, #tpu.memory_space<vmem>>, vector<16xf32>,
        %swap3A_1296 = arith.index_cast %add3A_1262 : i32 to index
        %swap3A_1297 = arith.constant 48 : index
        %swap3A_1298 = tpu.vector_load %arg16[%swap3A_1296, %swap3A_1297] {strides = array<i32>} : memref<64x128xf32, #tpu.memory_space<vmem>>, vector<16xf32>,
        tpu.vector_store %arg16[%swap3A_1296, %swap3A_1297], %get3A_1295 {strides = array<i32>} : memref<64x128xf32, #tpu.memory_space<vmem>>, vector<16xf32>,
        %mul3A_1299 = arith.constant 137 : i32
        %mul3A_1300 = arith.muli %add3A_1262, %mul3A_1299 : i32
        %add3A_1301 = arith.constant 64 : i32
        %add3A_1302 = arith.addi %mul3A_1300, %add3A_1301 : i32
        %get3A_1303 = arith.index_cast %add3A_1302 : i32 to index
        %get3A_1304 = tpu.vector_load %arg15[%get3A_1303] {strides = array<i32>} : memref<8768xf32, #tpu.memory_space<vmem>>, vector<16xf32>,
        %swap3A_1305 = arith.index_cast %add3A_1262 : i32 to index
        %swap3A_1306 = arith.constant 64 : index
        %swap3A_1307 = tpu.vector_load %arg16[%swap3A_1305, %swap3A_1306] {strides = array<i32>} : memref<64x128xf32, #tpu.memory_space<vmem>>, vector<16xf32>,
        tpu.vector_store %arg16[%swap3A_1305, %swap3A_1306], %get3A_1304 {strides = array<i32>} : memref<64x128xf32, #tpu.memory_space<vmem>>, vector<16xf32>,
        %mul3A_1308 = arith.constant 137 : i32
        %mul3A_1309 = arith.muli %add3A_1262, %mul3A_1308 : i32
        %add3A_1310 = arith.constant 80 : i32
        %add3A_1311 = arith.addi %mul3A_1309, %add3A_1310 : i32
        %get3A_1312 = arith.index_cast %add3A_1311 : i32 to index
        %get3A_1313 = tpu.vector_load %arg15[%get3A_1312] {strides = array<i32>} : memref<8768xf32, #tpu.memory_space<vmem>>, vector<16xf32>,
        %swap3A_1314 = arith.index_cast %add3A_1262 : i32 to index
        %swap3A_1315 = arith.constant 80 : index
        %swap3A_1316 = tpu.vector_load %arg16[%swap3A_1314, %swap3A_1315] {strides = array<i32>} : memref<64x128xf32, #tpu.memory_space<vmem>>, vector<16xf32>,
        tpu.vector_store %arg16[%swap3A_1314, %swap3A_1315], %get3A_1313 {strides = array<i32>} : memref<64x128xf32, #tpu.memory_space<vmem>>, vector<16xf32>,
        %mul3A_1317 = arith.constant 137 : i32
        %mul3A_1318 = arith.muli %add3A_1262, %mul3A_1317 : i32
        %add3A_1319 = arith.constant 96 : i32
        %add3A_1320 = arith.addi %mul3A_1318, %add3A_1319 : i32
        %get3A_1321 = arith.index_cast %add3A_1320 : i32 to index
        %get3A_1322 = tpu.vector_load %arg15[%get3A_1321] {strides = array<i32>} : memref<8768xf32, #tpu.memory_space<vmem>>, vector<16xf32>,
        %swap3A_1323 = arith.index_cast %add3A_1262 : i32 to index
        %swap3A_1324 = arith.constant 96 : index
        %swap3A_1325 = tpu.vector_load %arg16[%swap3A_1323, %swap3A_1324] {strides = array<i32>} : memref<64x128xf32, #tpu.memory_space<vmem>>, vector<16xf32>,
        tpu.vector_store %arg16[%swap3A_1323, %swap3A_1324], %get3A_1322 {strides = array<i32>} : memref<64x128xf32, #tpu.memory_space<vmem>>, vector<16xf32>,
        %mul3A_1326 = arith.constant 137 : i32
        %mul3A_1327 = arith.muli %add3A_1262, %mul3A_1326 : i32
        %add3A_1328 = arith.constant 112 : i32
        %add3A_1329 = arith.addi %mul3A_1327, %add3A_1328 : i32
        %get3A_1330 = arith.index_cast %add3A_1329 : i32 to index
        %get3A_1331 = tpu.vector_load %arg15[%get3A_1330] {strides = array<i32>} : memref<8768xf32, #tpu.memory_space<vmem>>, vector<16xf32>,
        %swap3A_1332 = arith.index_cast %add3A_1262 : i32 to index
        %swap3A_1333 = arith.constant 112 : index
        %swap3A_1334 = tpu.vector_load %arg16[%swap3A_1332, %swap3A_1333] {strides = array<i32>} : memref<64x128xf32, #tpu.memory_space<vmem>>, vector<16xf32>,
        tpu.vector_store %arg16[%swap3A_1332, %swap3A_1333], %get3A_1331 {strides = array<i32>} : memref<64x128xf32, #tpu.memory_space<vmem>>, vector<16xf32>,
        %scan3A_1335 = arith.constant 7 : i32
        %scan3A_1336 = arith.addi %scan3A_790, %scan3A_1335 : i32
        %mul3A_1337 = arith.constant 1 : i32
        %mul3A_1338 = arith.muli %scan3A_1336, %mul3A_1337 : i32
        %add3A_1339 = arith.constant 0 : i32
        %add3A_1340 = arith.addi %add3A_1339, %mul3A_1338 : i32
        %mul3A_1341 = arith.constant 137 : i32
        %mul3A_1342 = arith.muli %add3A_1340, %mul3A_1341 : i32
        %add3A_1343 = arith.constant 0 : i32
        %add3A_1344 = arith.addi %mul3A_1342, %add3A_1343 : i32
        %get3A_1345 = arith.index_cast %add3A_1344 : i32 to index
        %get3A_1346 = tpu.vector_load %arg15[%get3A_1345] {strides = array<i32>} : memref<8768xf32, #tpu.memory_space<vmem>>, vector<16xf32>,
        %swap3A_1347 = arith.index_cast %add3A_1340 : i32 to index
        %swap3A_1348 = arith.constant 0 : index
        %swap3A_1349 = tpu.vector_load %arg16[%swap3A_1347, %swap3A_1348] {strides = array<i32>} : memref<64x128xf32, #tpu.memory_space<vmem>>, vector<16xf32>,
        tpu.vector_store %arg16[%swap3A_1347, %swap3A_1348], %get3A_1346 {strides = array<i32>} : memref<64x128xf32, #tpu.memory_space<vmem>>, vector<16xf32>,
        %mul3A_1350 = arith.constant 137 : i32
        %mul3A_1351 = arith.muli %add3A_1340, %mul3A_1350 : i32
        %add3A_1352 = arith.constant 16 : i32
        %add3A_1353 = arith.addi %mul3A_1351, %add3A_1352 : i32
        %get3A_1354 = arith.index_cast %add3A_1353 : i32 to index
        %get3A_1355 = tpu.vector_load %arg15[%get3A_1354] {strides = array<i32>} : memref<8768xf32, #tpu.memory_space<vmem>>, vector<16xf32>,
        %swap3A_1356 = arith.index_cast %add3A_1340 : i32 to index
        %swap3A_1357 = arith.constant 16 : index
        %swap3A_1358 = tpu.vector_load %arg16[%swap3A_1356, %swap3A_1357] {strides = array<i32>} : memref<64x128xf32, #tpu.memory_space<vmem>>, vector<16xf32>,
        tpu.vector_store %arg16[%swap3A_1356, %swap3A_1357], %get3A_1355 {strides = array<i32>} : memref<64x128xf32, #tpu.memory_space<vmem>>, vector<16xf32>,
        %mul3A_1359 = arith.constant 137 : i32
        %mul3A_1360 = arith.muli %add3A_1340, %mul3A_1359 : i32
        %add3A_1361 = arith.constant 32 : i32
        %add3A_1362 = arith.addi %mul3A_1360, %add3A_1361 : i32
        %get3A_1363 = arith.index_cast %add3A_1362 : i32 to index
        %get3A_1364 = tpu.vector_load %arg15[%get3A_1363] {strides = array<i32>} : memref<8768xf32, #tpu.memory_space<vmem>>, vector<16xf32>,
        %swap3A_1365 = arith.index_cast %add3A_1340 : i32 to index
        %swap3A_1366 = arith.constant 32 : index
        %swap3A_1367 = tpu.vector_load %arg16[%swap3A_1365, %swap3A_1366] {strides = array<i32>} : memref<64x128xf32, #tpu.memory_space<vmem>>, vector<16xf32>,
        tpu.vector_store %arg16[%swap3A_1365, %swap3A_1366], %get3A_1364 {strides = array<i32>} : memref<64x128xf32, #tpu.memory_space<vmem>>, vector<16xf32>,
        %mul3A_1368 = arith.constant 137 : i32
        %mul3A_1369 = arith.muli %add3A_1340, %mul3A_1368 : i32
        %add3A_1370 = arith.constant 48 : i32
        %add3A_1371 = arith.addi %mul3A_1369, %add3A_1370 : i32
        %get3A_1372 = arith.index_cast %add3A_1371 : i32 to index
        %get3A_1373 = tpu.vector_load %arg15[%get3A_1372] {strides = array<i32>} : memref<8768xf32, #tpu.memory_space<vmem>>, vector<16xf32>,
        %swap3A_1374 = arith.index_cast %add3A_1340 : i32 to index
        %swap3A_1375 = arith.constant 48 : index
        %swap3A_1376 = tpu.vector_load %arg16[%swap3A_1374, %swap3A_1375] {strides = array<i32>} : memref<64x128xf32, #tpu.memory_space<vmem>>, vector<16xf32>,
        tpu.vector_store %arg16[%swap3A_1374, %swap3A_1375], %get3A_1373 {strides = array<i32>} : memref<64x128xf32, #tpu.memory_space<vmem>>, vector<16xf32>,
        %mul3A_1377 = arith.constant 137 : i32
        %mul3A_1378 = arith.muli %add3A_1340, %mul3A_1377 : i32
        %add3A_1379 = arith.constant 64 : i32
        %add3A_1380 = arith.addi %mul3A_1378, %add3A_1379 : i32
        %get3A_1381 = arith.index_cast %add3A_1380 : i32 to index
        %get3A_1382 = tpu.vector_load %arg15[%get3A_1381] {strides = array<i32>} : memref<8768xf32, #tpu.memory_space<vmem>>, vector<16xf32>,
        %swap3A_1383 = arith.index_cast %add3A_1340 : i32 to index
        %swap3A_1384 = arith.constant 64 : index
        %swap3A_1385 = tpu.vector_load %arg16[%swap3A_1383, %swap3A_1384] {strides = array<i32>} : memref<64x128xf32, #tpu.memory_space<vmem>>, vector<16xf32>,
        tpu.vector_store %arg16[%swap3A_1383, %swap3A_1384], %get3A_1382 {strides = array<i32>} : memref<64x128xf32, #tpu.memory_space<vmem>>, vector<16xf32>,
        %mul3A_1386 = arith.constant 137 : i32
        %mul3A_1387 = arith.muli %add3A_1340, %mul3A_1386 : i32
        %add3A_1388 = arith.constant 80 : i32
        %add3A_1389 = arith.addi %mul3A_1387, %add3A_1388 : i32
        %get3A_1390 = arith.index_cast %add3A_1389 : i32 to index
        %get3A_1391 = tpu.vector_load %arg15[%get3A_1390] {strides = array<i32>} : memref<8768xf32, #tpu.memory_space<vmem>>, vector<16xf32>,
        %swap3A_1392 = arith.index_cast %add3A_1340 : i32 to index
        %swap3A_1393 = arith.constant 80 : index
        %swap3A_1394 = tpu.vector_load %arg16[%swap3A_1392, %swap3A_1393] {strides = array<i32>} : memref<64x128xf32, #tpu.memory_space<vmem>>, vector<16xf32>,
        tpu.vector_store %arg16[%swap3A_1392, %swap3A_1393], %get3A_1391 {strides = array<i32>} : memref<64x128xf32, #tpu.memory_space<vmem>>, vector<16xf32>,
        %mul3A_1395 = arith.constant 137 : i32
        %mul3A_1396 = arith.muli %add3A_1340, %mul3A_1395 : i32
        %add3A_1397 = arith.constant 96 : i32
        %add3A_1398 = arith.addi %mul3A_1396, %add3A_1397 : i32
        %get3A_1399 = arith.index_cast %add3A_1398 : i32 to index
        %get3A_1400 = tpu.vector_load %arg15[%get3A_1399] {strides = array<i32>} : memref<8768xf32, #tpu.memory_space<vmem>>, vector<16xf32>,
        %swap3A_1401 = arith.index_cast %add3A_1340 : i32 to index
        %swap3A_1402 = arith.constant 96 : index
        %swap3A_1403 = tpu.vector_load %arg16[%swap3A_1401, %swap3A_1402] {strides = array<i32>} : memref<64x128xf32, #tpu.memory_space<vmem>>, vector<16xf32>,
        tpu.vector_store %arg16[%swap3A_1401, %swap3A_1402], %get3A_1400 {strides = array<i32>} : memref<64x128xf32, #tpu.memory_space<vmem>>, vector<16xf32>,
        %mul3A_1404 = arith.constant 137 : i32
        %mul3A_1405 = arith.muli %add3A_1340, %mul3A_1404 : i32
        %add3A_1406 = arith.constant 112 : i32
        %add3A_1407 = arith.addi %mul3A_1405, %add3A_1406 : i32
        %get3A_1408 = arith.index_cast %add3A_1407 : i32 to index
        %get3A_1409 = tpu.vector_load %arg15[%get3A_1408] {strides = array<i32>} : memref<8768xf32, #tpu.memory_space<vmem>>, vector<16xf32>,
        %swap3A_1410 = arith.index_cast %add3A_1340 : i32 to index
        %swap3A_1411 = arith.constant 112 : index
        %swap3A_1412 = tpu.vector_load %arg16[%swap3A_1410, %swap3A_1411] {strides = array<i32>} : memref<64x128xf32, #tpu.memory_space<vmem>>, vector<16xf32>,
        tpu.vector_store %arg16[%swap3A_1410, %swap3A_1411], %get3A_1409 {strides = array<i32>} : memref<64x128xf32, #tpu.memory_space<vmem>>, vector<16xf32>,
      }
      %scan3A_504 = arith.constant 64 : i32
      %shift_right_arithmetic3A_505 = arith.constant 5 : i32
      %shift_right_arithmetic3A_506 = arith.shrsi %add3A_460, %shift_right_arithmetic3A_505 : i32
      %and3A_507 = arith.constant 31 : i32
      %and3A_508 = arith.andi %add3A_460, %and3A_507 : i32
      %mul3A_509 = arith.constant 128 : i32
      %mul3A_510 = arith.muli %and3A_508, %mul3A_509 : i32
      %mul3A_511 = arith.constant 128 : i32
      %mul3A_512 = arith.muli %and3A_508, %mul3A_511 : i32
      %mul3A_513 = arith.constant 128 : i32
      %mul3A_514 = arith.muli %and3A_508, %mul3A_513 : i32
      %mul3A_515 = arith.constant 128 : i32
      %mul3A_516 = arith.muli %and3A_508, %mul3A_515 : i32
      %mul3A_517 = arith.constant 128 : i32
      %mul3A_518 = arith.muli %and3A_508, %mul3A_517 : i32
      %mul3A_519 = arith.constant 128 : i32
      %mul3A_520 = arith.muli %and3A_508, %mul3A_519 : i32
      %mul3A_521 = arith.constant 128 : i32
      %mul3A_522 = arith.muli %and3A_508, %mul3A_521 : i32
      %mul3A_523 = arith.constant 128 : i32
      %mul3A_524 = arith.muli %and3A_508, %mul3A_523 : i32
      %dma_start3A_525 = arith.constant 0 : i32
      %dma_start3A_526 = arith.constant 0 : i32
      %dma_start3A_527 = tpu.memref_slice %arg16[%dma_start3A_525, %dma_start3A_526] : memref<64x128xf32, #tpu.memory_space<vmem>> -> memref<8x128xf32, #tpu.memory_space<vmem>>
      %dma_start3A_528 = arith.constant 0 : i32
      %dma_start3A_529 = tpu.memref_slice %arg5[%shift_right_arithmetic3A_506, %dma_start3A_528, %mul3A_510] : memref<200x64x4096xf32, #tpu.memory_space<hbm>> -> memref<1x8x128xf32, #tpu.memory_space<hbm>>
      %dma_start3A_530 = tpu.memref_squeeze %dma_start3A_529 : memref<1x8x128xf32, #tpu.memory_space<hbm>> -> memref<8x128xf32, #tpu.memory_space<hbm>>
      %dma_start3A_531 = arith.constant 0 : i32
      %dma_start3A_532 = tpu.memref_slice %arg5[%shift_right_arithmetic3A_506, %dma_start3A_531, %mul3A_510] : memref<200x64x4096xf32, #tpu.memory_space<hbm>> -> memref<1x8x128xf32, #tpu.memory_space<hbm>>
      %dma_start3A_533 = tpu.memref_squeeze %dma_start3A_532 : memref<1x8x128xf32, #tpu.memory_space<hbm>> -> memref<8x128xf32, #tpu.memory_space<hbm>>
      %dma_start3A_534 = arith.constant 0 : i32
      %dma_start3A_535 = arith.constant 0 : i32
      %dma_start3A_536 = tpu.memref_slice %arg16[%dma_start3A_534, %dma_start3A_535] : memref<64x128xf32, #tpu.memory_space<vmem>> -> memref<8x128xf32, #tpu.memory_space<vmem>>
      tpu.enqueue_dma source(%dma_start3A_536 : memref<8x128xf32, #tpu.memory_space<vmem>>) target(%dma_start3A_533 : memref<8x128xf32, #tpu.memory_space<hbm>>) target_semaphore(%arg22 : memref<!tpu.dma_semaphore, #tpu.memory_space<semaphore_mem>>)
      %dma_start3A_537 = arith.constant 8 : i32
      %dma_start3A_538 = arith.constant 0 : i32
      %dma_start3A_539 = tpu.memref_slice %arg16[%dma_start3A_537, %dma_start3A_538] : memref<64x128xf32, #tpu.memory_space<vmem>> -> memref<8x128xf32, #tpu.memory_space<vmem>>
      %dma_start3A_540 = arith.constant 8 : i32
      %dma_start3A_541 = tpu.memref_slice %arg5[%shift_right_arithmetic3A_506, %dma_start3A_540, %mul3A_512] : memref<200x64x4096xf32, #tpu.memory_space<hbm>> -> memref<1x8x128xf32, #tpu.memory_space<hbm>>
      %dma_start3A_542 = tpu.memref_squeeze %dma_start3A_541 : memref<1x8x128xf32, #tpu.memory_space<hbm>> -> memref<8x128xf32, #tpu.memory_space<hbm>>
      %dma_start3A_543 = arith.constant 8 : i32
      %dma_start3A_544 = tpu.memref_slice %arg5[%shift_right_arithmetic3A_506, %dma_start3A_543, %mul3A_512] : memref<200x64x4096xf32, #tpu.memory_space<hbm>> -> memref<1x8x128xf32, #tpu.memory_space<hbm>>
      %dma_start3A_545 = tpu.memref_squeeze %dma_start3A_544 : memref<1x8x128xf32, #tpu.memory_space<hbm>> -> memref<8x128xf32, #tpu.memory_space<hbm>>
      %dma_start3A_546 = arith.constant 8 : i32
      %dma_start3A_547 = arith.constant 0 : i32
      %dma_start3A_548 = tpu.memref_slice %arg16[%dma_start3A_546, %dma_start3A_547] : memref<64x128xf32, #tpu.memory_space<vmem>> -> memref<8x128xf32, #tpu.memory_space<vmem>>
      tpu.enqueue_dma source(%dma_start3A_548 : memref<8x128xf32, #tpu.memory_space<vmem>>) target(%dma_start3A_545 : memref<8x128xf32, #tpu.memory_space<hbm>>) target_semaphore(%arg22 : memref<!tpu.dma_semaphore, #tpu.memory_space<semaphore_mem>>)
      %dma_start3A_549 = arith.constant 16 : i32
      %dma_start3A_550 = arith.constant 0 : i32
      %dma_start3A_551 = tpu.memref_slice %arg16[%dma_start3A_549, %dma_start3A_550] : memref<64x128xf32, #tpu.memory_space<vmem>> -> memref<8x128xf32, #tpu.memory_space<vmem>>
      %dma_start3A_552 = arith.constant 16 : i32
      %dma_start3A_553 = tpu.memref_slice %arg5[%shift_right_arithmetic3A_506, %dma_start3A_552, %mul3A_514] : memref<200x64x4096xf32, #tpu.memory_space<hbm>> -> memref<1x8x128xf32, #tpu.memory_space<hbm>>
      %dma_start3A_554 = tpu.memref_squeeze %dma_start3A_553 : memref<1x8x128xf32, #tpu.memory_space<hbm>> -> memref<8x128xf32, #tpu.memory_space<hbm>>
      %dma_start3A_555 = arith.constant 16 : i32
      %dma_start3A_556 = tpu.memref_slice %arg5[%shift_right_arithmetic3A_506, %dma_start3A_555, %mul3A_514] : memref<200x64x4096xf32, #tpu.memory_space<hbm>> -> memref<1x8x128xf32, #tpu.memory_space<hbm>>
      %dma_start3A_557 = tpu.memref_squeeze %dma_start3A_556 : memref<1x8x128xf32, #tpu.memory_space<hbm>> -> memref<8x128xf32, #tpu.memory_space<hbm>>
      %dma_start3A_558 = arith.constant 16 : i32
      %dma_start3A_559 = arith.constant 0 : i32
      %dma_start3A_560 = tpu.memref_slice %arg16[%dma_start3A_558, %dma_start3A_559] : memref<64x128xf32, #tpu.memory_space<vmem>> -> memref<8x128xf32, #tpu.memory_space<vmem>>
      tpu.enqueue_dma source(%dma_start3A_560 : memref<8x128xf32, #tpu.memory_space<vmem>>) target(%dma_start3A_557 : memref<8x128xf32, #tpu.memory_space<hbm>>) target_semaphore(%arg22 : memref<!tpu.dma_semaphore, #tpu.memory_space<semaphore_mem>>)
      %dma_start3A_561 = arith.constant 24 : i32
      %dma_start3A_562 = arith.constant 0 : i32
      %dma_start3A_563 = tpu.memref_slice %arg16[%dma_start3A_561, %dma_start3A_562] : memref<64x128xf32, #tpu.memory_space<vmem>> -> memref<8x128xf32, #tpu.memory_space<vmem>>
      %dma_start3A_564 = arith.constant 24 : i32
      %dma_start3A_565 = tpu.memref_slice %arg5[%shift_right_arithmetic3A_506, %dma_start3A_564, %mul3A_516] : memref<200x64x4096xf32, #tpu.memory_space<hbm>> -> memref<1x8x128xf32, #tpu.memory_space<hbm>>
      %dma_start3A_566 = tpu.memref_squeeze %dma_start3A_565 : memref<1x8x128xf32, #tpu.memory_space<hbm>> -> memref<8x128xf32, #tpu.memory_space<hbm>>
      %dma_start3A_567 = arith.constant 24 : i32
      %dma_start3A_568 = tpu.memref_slice %arg5[%shift_right_arithmetic3A_506, %dma_start3A_567, %mul3A_516] : memref<200x64x4096xf32, #tpu.memory_space<hbm>> -> memref<1x8x128xf32, #tpu.memory_space<hbm>>
      %dma_start3A_569 = tpu.memref_squeeze %dma_start3A_568 : memref<1x8x128xf32, #tpu.memory_space<hbm>> -> memref<8x128xf32, #tpu.memory_space<hbm>>
      %dma_start3A_570 = arith.constant 24 : i32
      %dma_start3A_571 = arith.constant 0 : i32
      %dma_start3A_572 = tpu.memref_slice %arg16[%dma_start3A_570, %dma_start3A_571] : memref<64x128xf32, #tpu.memory_space<vmem>> -> memref<8x128xf32, #tpu.memory_space<vmem>>
      tpu.enqueue_dma source(%dma_start3A_572 : memref<8x128xf32, #tpu.memory_space<vmem>>) target(%dma_start3A_569 : memref<8x128xf32, #tpu.memory_space<hbm>>) target_semaphore(%arg22 : memref<!tpu.dma_semaphore, #tpu.memory_space<semaphore_mem>>)
      %dma_start3A_573 = arith.constant 32 : i32
      %dma_start3A_574 = arith.constant 0 : i32
      %dma_start3A_575 = tpu.memref_slice %arg16[%dma_start3A_573, %dma_start3A_574] : memref<64x128xf32, #tpu.memory_space<vmem>> -> memref<8x128xf32, #tpu.memory_space<vmem>>
      %dma_start3A_576 = arith.constant 32 : i32
      %dma_start3A_577 = tpu.memref_slice %arg5[%shift_right_arithmetic3A_506, %dma_start3A_576, %mul3A_518] : memref<200x64x4096xf32, #tpu.memory_space<hbm>> -> memref<1x8x128xf32, #tpu.memory_space<hbm>>
      %dma_start3A_578 = tpu.memref_squeeze %dma_start3A_577 : memref<1x8x128xf32, #tpu.memory_space<hbm>> -> memref<8x128xf32, #tpu.memory_space<hbm>>
      %dma_start3A_579 = arith.constant 32 : i32
      %dma_start3A_580 = tpu.memref_slice %arg5[%shift_right_arithmetic3A_506, %dma_start3A_579, %mul3A_518] : memref<200x64x4096xf32, #tpu.memory_space<hbm>> -> memref<1x8x128xf32, #tpu.memory_space<hbm>>
      %dma_start3A_581 = tpu.memref_squeeze %dma_start3A_580 : memref<1x8x128xf32, #tpu.memory_space<hbm>> -> memref<8x128xf32, #tpu.memory_space<hbm>>
      %dma_start3A_582 = arith.constant 32 : i32
      %dma_start3A_583 = arith.constant 0 : i32
      %dma_start3A_584 = tpu.memref_slice %arg16[%dma_start3A_582, %dma_start3A_583] : memref<64x128xf32, #tpu.memory_space<vmem>> -> memref<8x128xf32, #tpu.memory_space<vmem>>
      tpu.enqueue_dma source(%dma_start3A_584 : memref<8x128xf32, #tpu.memory_space<vmem>>) target(%dma_start3A_581 : memref<8x128xf32, #tpu.memory_space<hbm>>) target_semaphore(%arg22 : memref<!tpu.dma_semaphore, #tpu.memory_space<semaphore_mem>>)
      %dma_start3A_585 = arith.constant 40 : i32
      %dma_start3A_586 = arith.constant 0 : i32
      %dma_start3A_587 = tpu.memref_slice %arg16[%dma_start3A_585, %dma_start3A_586] : memref<64x128xf32, #tpu.memory_space<vmem>> -> memref<8x128xf32, #tpu.memory_space<vmem>>
      %dma_start3A_588 = arith.constant 40 : i32
      %dma_start3A_589 = tpu.memref_slice %arg5[%shift_right_arithmetic3A_506, %dma_start3A_588, %mul3A_520] : memref<200x64x4096xf32, #tpu.memory_space<hbm>> -> memref<1x8x128xf32, #tpu.memory_space<hbm>>
      %dma_start3A_590 = tpu.memref_squeeze %dma_start3A_589 : memref<1x8x128xf32, #tpu.memory_space<hbm>> -> memref<8x128xf32, #tpu.memory_space<hbm>>
      %dma_start3A_591 = arith.constant 40 : i32
      %dma_start3A_592 = tpu.memref_slice %arg5[%shift_right_arithmetic3A_506, %dma_start3A_591, %mul3A_520] : memref<200x64x4096xf32, #tpu.memory_space<hbm>> -> memref<1x8x128xf32, #tpu.memory_space<hbm>>
      %dma_start3A_593 = tpu.memref_squeeze %dma_start3A_592 : memref<1x8x128xf32, #tpu.memory_space<hbm>> -> memref<8x128xf32, #tpu.memory_space<hbm>>
      %dma_start3A_594 = arith.constant 40 : i32
      %dma_start3A_595 = arith.constant 0 : i32
      %dma_start3A_596 = tpu.memref_slice %arg16[%dma_start3A_594, %dma_start3A_595] : memref<64x128xf32, #tpu.memory_space<vmem>> -> memref<8x128xf32, #tpu.memory_space<vmem>>
      tpu.enqueue_dma source(%dma_start3A_596 : memref<8x128xf32, #tpu.memory_space<vmem>>) target(%dma_start3A_593 : memref<8x128xf32, #tpu.memory_space<hbm>>) target_semaphore(%arg22 : memref<!tpu.dma_semaphore, #tpu.memory_space<semaphore_mem>>)
      %dma_start3A_597 = arith.constant 48 : i32
      %dma_start3A_598 = arith.constant 0 : i32
      %dma_start3A_599 = tpu.memref_slice %arg16[%dma_start3A_597, %dma_start3A_598] : memref<64x128xf32, #tpu.memory_space<vmem>> -> memref<8x128xf32, #tpu.memory_space<vmem>>
      %dma_start3A_600 = arith.constant 48 : i32
      %dma_start3A_601 = tpu.memref_slice %arg5[%shift_right_arithmetic3A_506, %dma_start3A_600, %mul3A_522] : memref<200x64x4096xf32, #tpu.memory_space<hbm>> -> memref<1x8x128xf32, #tpu.memory_space<hbm>>
      %dma_start3A_602 = tpu.memref_squeeze %dma_start3A_601 : memref<1x8x128xf32, #tpu.memory_space<hbm>> -> memref<8x128xf32, #tpu.memory_space<hbm>>
      %dma_start3A_603 = arith.constant 48 : i32
      %dma_start3A_604 = tpu.memref_slice %arg5[%shift_right_arithmetic3A_506, %dma_start3A_603, %mul3A_522] : memref<200x64x4096xf32, #tpu.memory_space<hbm>> -> memref<1x8x128xf32, #tpu.memory_space<hbm>>
      %dma_start3A_605 = tpu.memref_squeeze %dma_start3A_604 : memref<1x8x128xf32, #tpu.memory_space<hbm>> -> memref<8x128xf32, #tpu.memory_space<hbm>>
      %dma_start3A_606 = arith.constant 48 : i32
      %dma_start3A_607 = arith.constant 0 : i32
      %dma_start3A_608 = tpu.memref_slice %arg16[%dma_start3A_606, %dma_start3A_607] : memref<64x128xf32, #tpu.memory_space<vmem>> -> memref<8x128xf32, #tpu.memory_space<vmem>>
      tpu.enqueue_dma source(%dma_start3A_608 : memref<8x128xf32, #tpu.memory_space<vmem>>) target(%dma_start3A_605 : memref<8x128xf32, #tpu.memory_space<hbm>>) target_semaphore(%arg22 : memref<!tpu.dma_semaphore, #tpu.memory_space<semaphore_mem>>)
      %dma_start3A_609 = arith.constant 56 : i32
      %dma_start3A_610 = arith.constant 0 : i32
      %dma_start3A_611 = tpu.memref_slice %arg16[%dma_start3A_609, %dma_start3A_610] : memref<64x128xf32, #tpu.memory_space<vmem>> -> memref<8x128xf32, #tpu.memory_space<vmem>>
      %dma_start3A_612 = arith.constant 56 : i32
      %dma_start3A_613 = tpu.memref_slice %arg5[%shift_right_arithmetic3A_506, %dma_start3A_612, %mul3A_524] : memref<200x64x4096xf32, #tpu.memory_space<hbm>> -> memref<1x8x128xf32, #tpu.memory_space<hbm>>
      %dma_start3A_614 = tpu.memref_squeeze %dma_start3A_613 : memref<1x8x128xf32, #tpu.memory_space<hbm>> -> memref<8x128xf32, #tpu.memory_space<hbm>>
      %dma_start3A_615 = arith.constant 56 : i32
      %dma_start3A_616 = tpu.memref_slice %arg5[%shift_right_arithmetic3A_506, %dma_start3A_615, %mul3A_524] : memref<200x64x4096xf32, #tpu.memory_space<hbm>> -> memref<1x8x128xf32, #tpu.memory_space<hbm>>
      %dma_start3A_617 = tpu.memref_squeeze %dma_start3A_616 : memref<1x8x128xf32, #tpu.memory_space<hbm>> -> memref<8x128xf32, #tpu.memory_space<hbm>>
      %dma_start3A_618 = arith.constant 56 : i32
      %dma_start3A_619 = arith.constant 0 : i32
      %dma_start3A_620 = tpu.memref_slice %arg16[%dma_start3A_618, %dma_start3A_619] : memref<64x128xf32, #tpu.memory_space<vmem>> -> memref<8x128xf32, #tpu.memory_space<vmem>>
      tpu.enqueue_dma source(%dma_start3A_620 : memref<8x128xf32, #tpu.memory_space<vmem>>) target(%dma_start3A_617 : memref<8x128xf32, #tpu.memory_space<hbm>>) target_semaphore(%arg22 : memref<!tpu.dma_semaphore, #tpu.memory_space<semaphore_mem>>)
      %mul3A_621 = arith.constant 2 : i32
      %mul3A_622 = arith.muli %mul3A_621, %add3A_455 : i32
      %add3A_623 = arith.addi %mul3A_2, %mul3A_622 : i32
      %add3A_624 = arith.constant 1 : i32
      %add3A_625 = arith.addi %add3A_623, %add3A_624 : i32
      %mul3A_626 = arith.constant 2 : i32
      %mul3A_627 = arith.muli %mul3A_626, %add3A_455 : i32
      %add3A_628 = arith.constant 1 : i32
      %add3A_629 = arith.addi %mul3A_627, %add3A_628 : i32
      %lt3A_630 = arith.constant 199 : i32
      %lt3A_631 = arith.cmpi slt, %add3A_629, %lt3A_630 : i32
      %convert_element_type3A_632 = arith.extui %lt3A_631 : i1 to i32
      %cond3A_633 = arith.constant 0 : i32
      %cond3A_634 = arith.cmpi ne, %convert_element_type3A_632, %cond3A_633 : i32
      scf.if %cond3A_634 {
        %add3A_790 = arith.constant 1 : i32
        %add3A_791 = arith.addi %add3A_625, %add3A_790 : i32
        %shift_right_arithmetic3A_792 = arith.constant 5 : i32
        %shift_right_arithmetic3A_793 = arith.shrsi %add3A_791, %shift_right_arithmetic3A_792 : i32
        %and3A_794 = arith.constant 31 : i32
        %and3A_795 = arith.andi %add3A_791, %and3A_794 : i32
        %mul3A_796 = arith.constant 128 : i32
        %mul3A_797 = arith.muli %and3A_795, %mul3A_796 : i32
        %dma_wait3A_798 = tpu.memref_slice %arg2[%shift_right_arithmetic3A_793, %mul3A_797] : memref<200x4096xi32, #tpu.memory_space<hbm>> -> memref<1x128xi32, #tpu.memory_space<hbm>>
        %dma_wait3A_799 = tpu.memref_slice %arg2[%shift_right_arithmetic3A_793, %mul3A_797] : memref<200x4096xi32, #tpu.memory_space<hbm>> -> memref<1x128xi32, #tpu.memory_space<hbm>>
        tpu.wait_dma2 semaphore(%arg18 : memref<!tpu.dma_semaphore, #tpu.memory_space<semaphore_mem>>) src(%dma_wait3A_799 : memref<1x128xi32, #tpu.memory_space<hbm>>) dst(%arg7 : memref<1x128xi32, #tpu.memory_space<vmem>>)
        %get3A_800 = arith.constant 0 : i32
        %get3A_801 = arith.index_cast %get3A_800 : i32 to index
        %get3A_802 = arith.constant 0 : index
        %get3A_803 = tpu.vector_load %arg7[%get3A_801, %get3A_802] {strides = array<i32>} : memref<1x128xi32, #tpu.memory_space<vmem>>, vector<16xi32>,
        %shift_right_logical3A_804 = arith.constant 1 : i32
        %shift_right_logical3A_805 = vector.broadcast %shift_right_logical3A_804 : i32 to vector<16xi32>
        %shift_right_logical3A_806 = arith.shrui %get3A_803, %shift_right_logical3A_805 : vector<16xi32>
        %swap3A_807 = arith.constant 0 : index
        %swap3A_808 = tpu.vector_load %arg9[%swap3A_807] {strides = array<i32>} : memref<128xi32, #tpu.memory_space<vmem>>, vector<16xi32>,
        tpu.vector_store %arg9[%swap3A_807], %shift_right_logical3A_806 {strides = array<i32>} : memref<128xi32, #tpu.memory_space<vmem>>, vector<16xi32>,
        %and3A_809 = arith.constant 1 : i32
        %and3A_810 = vector.broadcast %and3A_809 : i32 to vector<16xi32>
        %and3A_811 = arith.andi %get3A_803, %and3A_810 : vector<16xi32>
        %shift_left3A_812 = arith.constant 6 : i32
        %shift_left3A_813 = vector.broadcast %shift_left3A_812 : i32 to vector<16xi32>
        %shift_left3A_814 = arith.shli %and3A_811, %shift_left3A_813 : vector<16xi32>
        %swap3A_815 = arith.constant 0 : index
        %swap3A_816 = tpu.vector_load %arg11[%swap3A_815] {strides = array<i32>} : memref<144xi32, #tpu.memory_space<vmem>>, vector<16xi32>,
        tpu.vector_store %arg11[%swap3A_815], %shift_left3A_814 {strides = array<i32>} : memref<144xi32, #tpu.memory_space<vmem>>, vector<16xi32>,
        %get3A_817 = arith.constant 0 : i32
        %get3A_818 = arith.index_cast %get3A_817 : i32 to index
        %get3A_819 = arith.constant 16 : index
        %get3A_820 = tpu.vector_load %arg7[%get3A_818, %get3A_819] {strides = array<i32>} : memref<1x128xi32, #tpu.memory_space<vmem>>, vector<16xi32>,
        %shift_right_logical3A_821 = arith.constant 1 : i32
        %shift_right_logical3A_822 = vector.broadcast %shift_right_logical3A_821 : i32 to vector<16xi32>
        %shift_right_logical3A_823 = arith.shrui %get3A_820, %shift_right_logical3A_822 : vector<16xi32>
        %swap3A_824 = arith.constant 16 : index
        %swap3A_825 = tpu.vector_load %arg9[%swap3A_824] {strides = array<i32>} : memref<128xi32, #tpu.memory_space<vmem>>, vector<16xi32>,
        tpu.vector_store %arg9[%swap3A_824], %shift_right_logical3A_823 {strides = array<i32>} : memref<128xi32, #tpu.memory_space<vmem>>, vector<16xi32>,
        %and3A_826 = arith.constant 1 : i32
        %and3A_827 = vector.broadcast %and3A_826 : i32 to vector<16xi32>
        %and3A_828 = arith.andi %get3A_820, %and3A_827 : vector<16xi32>
        %shift_left3A_829 = arith.constant 6 : i32
        %shift_left3A_830 = vector.broadcast %shift_left3A_829 : i32 to vector<16xi32>
        %shift_left3A_831 = arith.shli %and3A_828, %shift_left3A_830 : vector<16xi32>
        %swap3A_832 = arith.constant 16 : index
        %swap3A_833 = tpu.vector_load %arg11[%swap3A_832] {strides = array<i32>} : memref<144xi32, #tpu.memory_space<vmem>>, vector<16xi32>,
        tpu.vector_store %arg11[%swap3A_832], %shift_left3A_831 {strides = array<i32>} : memref<144xi32, #tpu.memory_space<vmem>>, vector<16xi32>,
        %get3A_834 = arith.constant 0 : i32
        %get3A_835 = arith.index_cast %get3A_834 : i32 to index
        %get3A_836 = arith.constant 32 : index
        %get3A_837 = tpu.vector_load %arg7[%get3A_835, %get3A_836] {strides = array<i32>} : memref<1x128xi32, #tpu.memory_space<vmem>>, vector<16xi32>,
        %shift_right_logical3A_838 = arith.constant 1 : i32
        %shift_right_logical3A_839 = vector.broadcast %shift_right_logical3A_838 : i32 to vector<16xi32>
        %shift_right_logical3A_840 = arith.shrui %get3A_837, %shift_right_logical3A_839 : vector<16xi32>
        %swap3A_841 = arith.constant 32 : index
        %swap3A_842 = tpu.vector_load %arg9[%swap3A_841] {strides = array<i32>} : memref<128xi32, #tpu.memory_space<vmem>>, vector<16xi32>,
        tpu.vector_store %arg9[%swap3A_841], %shift_right_logical3A_840 {strides = array<i32>} : memref<128xi32, #tpu.memory_space<vmem>>, vector<16xi32>,
        %and3A_843 = arith.constant 1 : i32
        %and3A_844 = vector.broadcast %and3A_843 : i32 to vector<16xi32>
        %and3A_845 = arith.andi %get3A_837, %and3A_844 : vector<16xi32>
        %shift_left3A_846 = arith.constant 6 : i32
        %shift_left3A_847 = vector.broadcast %shift_left3A_846 : i32 to vector<16xi32>
        %shift_left3A_848 = arith.shli %and3A_845, %shift_left3A_847 : vector<16xi32>
        %swap3A_849 = arith.constant 32 : index
        %swap3A_850 = tpu.vector_load %arg11[%swap3A_849] {strides = array<i32>} : memref<144xi32, #tpu.memory_space<vmem>>, vector<16xi32>,
        tpu.vector_store %arg11[%swap3A_849], %shift_left3A_848 {strides = array<i32>} : memref<144xi32, #tpu.memory_space<vmem>>, vector<16xi32>,
        %get3A_851 = arith.constant 0 : i32
        %get3A_852 = arith.index_cast %get3A_851 : i32 to index
        %get3A_853 = arith.constant 48 : index
        %get3A_854 = tpu.vector_load %arg7[%get3A_852, %get3A_853] {strides = array<i32>} : memref<1x128xi32, #tpu.memory_space<vmem>>, vector<16xi32>,
        %shift_right_logical3A_855 = arith.constant 1 : i32
        %shift_right_logical3A_856 = vector.broadcast %shift_right_logical3A_855 : i32 to vector<16xi32>
        %shift_right_logical3A_857 = arith.shrui %get3A_854, %shift_right_logical3A_856 : vector<16xi32>
        %swap3A_858 = arith.constant 48 : index
        %swap3A_859 = tpu.vector_load %arg9[%swap3A_858] {strides = array<i32>} : memref<128xi32, #tpu.memory_space<vmem>>, vector<16xi32>,
        tpu.vector_store %arg9[%swap3A_858], %shift_right_logical3A_857 {strides = array<i32>} : memref<128xi32, #tpu.memory_space<vmem>>, vector<16xi32>,
        %and3A_860 = arith.constant 1 : i32
        %and3A_861 = vector.broadcast %and3A_860 : i32 to vector<16xi32>
        %and3A_862 = arith.andi %get3A_854, %and3A_861 : vector<16xi32>
        %shift_left3A_863 = arith.constant 6 : i32
        %shift_left3A_864 = vector.broadcast %shift_left3A_863 : i32 to vector<16xi32>
        %shift_left3A_865 = arith.shli %and3A_862, %shift_left3A_864 : vector<16xi32>
        %swap3A_866 = arith.constant 48 : index
        %swap3A_867 = tpu.vector_load %arg11[%swap3A_866] {strides = array<i32>} : memref<144xi32, #tpu.memory_space<vmem>>, vector<16xi32>,
        tpu.vector_store %arg11[%swap3A_866], %shift_left3A_865 {strides = array<i32>} : memref<144xi32, #tpu.memory_space<vmem>>, vector<16xi32>,
        %get3A_868 = arith.constant 0 : i32
        %get3A_869 = arith.index_cast %get3A_868 : i32 to index
        %get3A_870 = arith.constant 64 : index
        %get3A_871 = tpu.vector_load %arg7[%get3A_869, %get3A_870] {strides = array<i32>} : memref<1x128xi32, #tpu.memory_space<vmem>>, vector<16xi32>,
        %shift_right_logical3A_872 = arith.constant 1 : i32
        %shift_right_logical3A_873 = vector.broadcast %shift_right_logical3A_872 : i32 to vector<16xi32>
        %shift_right_logical3A_874 = arith.shrui %get3A_871, %shift_right_logical3A_873 : vector<16xi32>
        %swap3A_875 = arith.constant 64 : index
        %swap3A_876 = tpu.vector_load %arg9[%swap3A_875] {strides = array<i32>} : memref<128xi32, #tpu.memory_space<vmem>>, vector<16xi32>,
        tpu.vector_store %arg9[%swap3A_875], %shift_right_logical3A_874 {strides = array<i32>} : memref<128xi32, #tpu.memory_space<vmem>>, vector<16xi32>,
        %and3A_877 = arith.constant 1 : i32
        %and3A_878 = vector.broadcast %and3A_877 : i32 to vector<16xi32>
        %and3A_879 = arith.andi %get3A_871, %and3A_878 : vector<16xi32>
        %shift_left3A_880 = arith.constant 6 : i32
        %shift_left3A_881 = vector.broadcast %shift_left3A_880 : i32 to vector<16xi32>
        %shift_left3A_882 = arith.shli %and3A_879, %shift_left3A_881 : vector<16xi32>
        %swap3A_883 = arith.constant 64 : index
        %swap3A_884 = tpu.vector_load %arg11[%swap3A_883] {strides = array<i32>} : memref<144xi32, #tpu.memory_space<vmem>>, vector<16xi32>,
        tpu.vector_store %arg11[%swap3A_883], %shift_left3A_882 {strides = array<i32>} : memref<144xi32, #tpu.memory_space<vmem>>, vector<16xi32>,
        %get3A_885 = arith.constant 0 : i32
        %get3A_886 = arith.index_cast %get3A_885 : i32 to index
        %get3A_887 = arith.constant 80 : index
        %get3A_888 = tpu.vector_load %arg7[%get3A_886, %get3A_887] {strides = array<i32>} : memref<1x128xi32, #tpu.memory_space<vmem>>, vector<16xi32>,
        %shift_right_logical3A_889 = arith.constant 1 : i32
        %shift_right_logical3A_890 = vector.broadcast %shift_right_logical3A_889 : i32 to vector<16xi32>
        %shift_right_logical3A_891 = arith.shrui %get3A_888, %shift_right_logical3A_890 : vector<16xi32>
        %swap3A_892 = arith.constant 80 : index
        %swap3A_893 = tpu.vector_load %arg9[%swap3A_892] {strides = array<i32>} : memref<128xi32, #tpu.memory_space<vmem>>, vector<16xi32>,
        tpu.vector_store %arg9[%swap3A_892], %shift_right_logical3A_891 {strides = array<i32>} : memref<128xi32, #tpu.memory_space<vmem>>, vector<16xi32>,
        %and3A_894 = arith.constant 1 : i32
        %and3A_895 = vector.broadcast %and3A_894 : i32 to vector<16xi32>
        %and3A_896 = arith.andi %get3A_888, %and3A_895 : vector<16xi32>
        %shift_left3A_897 = arith.constant 6 : i32
        %shift_left3A_898 = vector.broadcast %shift_left3A_897 : i32 to vector<16xi32>
        %shift_left3A_899 = arith.shli %and3A_896, %shift_left3A_898 : vector<16xi32>
        %swap3A_900 = arith.constant 80 : index
        %swap3A_901 = tpu.vector_load %arg11[%swap3A_900] {strides = array<i32>} : memref<144xi32, #tpu.memory_space<vmem>>, vector<16xi32>,
        tpu.vector_store %arg11[%swap3A_900], %shift_left3A_899 {strides = array<i32>} : memref<144xi32, #tpu.memory_space<vmem>>, vector<16xi32>,
        %get3A_902 = arith.constant 0 : i32
        %get3A_903 = arith.index_cast %get3A_902 : i32 to index
        %get3A_904 = arith.constant 96 : index
        %get3A_905 = tpu.vector_load %arg7[%get3A_903, %get3A_904] {strides = array<i32>} : memref<1x128xi32, #tpu.memory_space<vmem>>, vector<16xi32>,
        %shift_right_logical3A_906 = arith.constant 1 : i32
        %shift_right_logical3A_907 = vector.broadcast %shift_right_logical3A_906 : i32 to vector<16xi32>
        %shift_right_logical3A_908 = arith.shrui %get3A_905, %shift_right_logical3A_907 : vector<16xi32>
        %swap3A_909 = arith.constant 96 : index
        %swap3A_910 = tpu.vector_load %arg9[%swap3A_909] {strides = array<i32>} : memref<128xi32, #tpu.memory_space<vmem>>, vector<16xi32>,
        tpu.vector_store %arg9[%swap3A_909], %shift_right_logical3A_908 {strides = array<i32>} : memref<128xi32, #tpu.memory_space<vmem>>, vector<16xi32>,
        %and3A_911 = arith.constant 1 : i32
        %and3A_912 = vector.broadcast %and3A_911 : i32 to vector<16xi32>
        %and3A_913 = arith.andi %get3A_905, %and3A_912 : vector<16xi32>
        %shift_left3A_914 = arith.constant 6 : i32
        %shift_left3A_915 = vector.broadcast %shift_left3A_914 : i32 to vector<16xi32>
        %shift_left3A_916 = arith.shli %and3A_913, %shift_left3A_915 : vector<16xi32>
        %swap3A_917 = arith.constant 96 : index
        %swap3A_918 = tpu.vector_load %arg11[%swap3A_917] {strides = array<i32>} : memref<144xi32, #tpu.memory_space<vmem>>, vector<16xi32>,
        tpu.vector_store %arg11[%swap3A_917], %shift_left3A_916 {strides = array<i32>} : memref<144xi32, #tpu.memory_space<vmem>>, vector<16xi32>,
        %get3A_919 = arith.constant 0 : i32
        %get3A_920 = arith.index_cast %get3A_919 : i32 to index
        %get3A_921 = arith.constant 112 : index
        %get3A_922 = tpu.vector_load %arg7[%get3A_920, %get3A_921] {strides = array<i32>} : memref<1x128xi32, #tpu.memory_space<vmem>>, vector<16xi32>,
        %shift_right_logical3A_923 = arith.constant 1 : i32
        %shift_right_logical3A_924 = vector.broadcast %shift_right_logical3A_923 : i32 to vector<16xi32>
        %shift_right_logical3A_925 = arith.shrui %get3A_922, %shift_right_logical3A_924 : vector<16xi32>
        %swap3A_926 = arith.constant 112 : index
        %swap3A_927 = tpu.vector_load %arg9[%swap3A_926] {strides = array<i32>} : memref<128xi32, #tpu.memory_space<vmem>>, vector<16xi32>,
        tpu.vector_store %arg9[%swap3A_926], %shift_right_logical3A_925 {strides = array<i32>} : memref<128xi32, #tpu.memory_space<vmem>>, vector<16xi32>,
        %and3A_928 = arith.constant 1 : i32
        %and3A_929 = vector.broadcast %and3A_928 : i32 to vector<16xi32>
        %and3A_930 = arith.andi %get3A_922, %and3A_929 : vector<16xi32>
        %shift_left3A_931 = arith.constant 6 : i32
        %shift_left3A_932 = vector.broadcast %shift_left3A_931 : i32 to vector<16xi32>
        %shift_left3A_933 = arith.shli %and3A_930, %shift_left3A_932 : vector<16xi32>
        %swap3A_934 = arith.constant 112 : index
        %swap3A_935 = tpu.vector_load %arg11[%swap3A_934] {strides = array<i32>} : memref<144xi32, #tpu.memory_space<vmem>>, vector<16xi32>,
        tpu.vector_store %arg11[%swap3A_934], %shift_left3A_933 {strides = array<i32>} : memref<144xi32, #tpu.memory_space<vmem>>, vector<16xi32>,
        %dma_start3A_936 = arith.constant 0 : i32
        %dma_start3A_937 = arith.constant 0 : i32
        %dma_start3A_938 = tpu.memref_slice %arg3[%dma_start3A_936, %dma_start3A_937] : memref<500000x128xf32, #tpu.memory_space<hbm>> -> memref<500000x128xf32, #tpu.memory_space<hbm>>
        tpu.enqueue_indirect_dma source(%dma_start3A_938 : memref<500000x128xf32, #tpu.memory_space<hbm>>) target(%arg13 : memref<128x128xf32, #tpu.memory_space<vmem>>) offsets(%arg9 : memref<128xi32, #tpu.memory_space<vmem>>) semaphore(%arg20 : memref<!tpu.dma_semaphore, #tpu.memory_space<semaphore_mem>>)
      } else {
      }
      %lt3A_635 = arith.constant 198 : i32
      %lt3A_636 = arith.cmpi slt, %add3A_629, %lt3A_635 : i32
      %convert_element_type3A_637 = arith.extui %lt3A_636 : i1 to i32
      %cond3A_638 = arith.constant 0 : i32
      %cond3A_639 = arith.cmpi ne, %convert_element_type3A_637, %cond3A_638 : i32
      scf.if %cond3A_639 {
        %add3A_790 = arith.constant 2 : i32
        %add3A_791 = arith.addi %add3A_625, %add3A_790 : i32
        %shift_right_arithmetic3A_792 = arith.constant 5 : i32
        %shift_right_arithmetic3A_793 = arith.shrsi %add3A_791, %shift_right_arithmetic3A_792 : i32
        %and3A_794 = arith.constant 31 : i32
        %and3A_795 = arith.andi %add3A_791, %and3A_794 : i32
        %mul3A_796 = arith.constant 128 : i32
        %mul3A_797 = arith.muli %and3A_795, %mul3A_796 : i32
        %dma_start3A_798 = tpu.memref_slice %arg2[%shift_right_arithmetic3A_793, %mul3A_797] : memref<200x4096xi32, #tpu.memory_space<hbm>> -> memref<1x128xi32, #tpu.memory_space<hbm>>
        %dma_start3A_799 = tpu.memref_slice %arg2[%shift_right_arithmetic3A_793, %mul3A_797] : memref<200x4096xi32, #tpu.memory_space<hbm>> -> memref<1x128xi32, #tpu.memory_space<hbm>>
        tpu.enqueue_dma source(%dma_start3A_799 : memref<1x128xi32, #tpu.memory_space<hbm>>) target(%arg8 : memref<1x128xi32, #tpu.memory_space<vmem>>) target_semaphore(%arg19 : memref<!tpu.dma_semaphore, #tpu.memory_space<semaphore_mem>>)
      } else {
      }
      %dma_wait3A_640 = arith.constant 0 : i32
      %dma_wait3A_641 = arith.constant 0 : i32
      %dma_wait3A_642 = tpu.memref_slice %arg3[%dma_wait3A_640, %dma_wait3A_641] : memref<500000x128xf32, #tpu.memory_space<hbm>> -> memref<500000x128xf32, #tpu.memory_space<hbm>>
      tpu.wait_indirect_dma semaphore(%arg21 : memref<!tpu.dma_semaphore, #tpu.memory_space<semaphore_mem>>) src(%dma_wait3A_642 : memref<500000x128xf32, #tpu.memory_space<hbm>>) dst(%arg14 : memref<128x128xf32, #tpu.memory_space<vmem>>)
      %ge3A_643 = arith.constant 2 : i32
      %ge3A_644 = arith.cmpi sge, %add3A_629, %ge3A_643 : i32
      %convert_element_type3A_645 = arith.extui %ge3A_644 : i1 to i32
      %cond3A_646 = arith.constant 0 : i32
      %cond3A_647 = arith.cmpi ne, %convert_element_type3A_645, %cond3A_646 : i32
      scf.if %cond3A_647 {
        %sub3A_790 = arith.constant 2 : i32
        %sub3A_791 = arith.subi %add3A_625, %sub3A_790 : i32
        %shift_right_arithmetic3A_792 = arith.constant 5 : i32
        %shift_right_arithmetic3A_793 = arith.shrsi %sub3A_791, %shift_right_arithmetic3A_792 : i32
        %and3A_794 = arith.constant 31 : i32
        %and3A_795 = arith.andi %sub3A_791, %and3A_794 : i32
        %mul3A_796 = arith.constant 128 : i32
        %mul3A_797 = arith.muli %and3A_795, %mul3A_796 : i32
        %mul3A_798 = arith.constant 128 : i32
        %mul3A_799 = arith.muli %and3A_795, %mul3A_798 : i32
        %mul3A_800 = arith.constant 128 : i32
        %mul3A_801 = arith.muli %and3A_795, %mul3A_800 : i32
        %mul3A_802 = arith.constant 128 : i32
        %mul3A_803 = arith.muli %and3A_795, %mul3A_802 : i32
        %mul3A_804 = arith.constant 128 : i32
        %mul3A_805 = arith.muli %and3A_795, %mul3A_804 : i32
        %mul3A_806 = arith.constant 128 : i32
        %mul3A_807 = arith.muli %and3A_795, %mul3A_806 : i32
        %mul3A_808 = arith.constant 128 : i32
        %mul3A_809 = arith.muli %and3A_795, %mul3A_808 : i32
        %mul3A_810 = arith.constant 128 : i32
        %mul3A_811 = arith.muli %and3A_795, %mul3A_810 : i32
        %dma_wait3A_812 = arith.constant 0 : i32
        %dma_wait3A_813 = arith.constant 0 : i32
        %dma_wait3A_814 = tpu.memref_slice %arg17[%dma_wait3A_812, %dma_wait3A_813] : memref<64x128xf32, #tpu.memory_space<vmem>> -> memref<8x128xf32, #tpu.memory_space<vmem>>
        %dma_wait3A_815 = arith.constant 0 : i32
        %dma_wait3A_816 = tpu.memref_slice %arg5[%shift_right_arithmetic3A_793, %dma_wait3A_815, %mul3A_797] : memref<200x64x4096xf32, #tpu.memory_space<hbm>> -> memref<1x8x128xf32, #tpu.memory_space<hbm>>
        %dma_wait3A_817 = tpu.memref_squeeze %dma_wait3A_816 : memref<1x8x128xf32, #tpu.memory_space<hbm>> -> memref<8x128xf32, #tpu.memory_space<hbm>>
        %dma_wait3A_818 = arith.constant 0 : i32
        %dma_wait3A_819 = tpu.memref_slice %arg5[%shift_right_arithmetic3A_793, %dma_wait3A_818, %mul3A_797] : memref<200x64x4096xf32, #tpu.memory_space<hbm>> -> memref<1x8x128xf32, #tpu.memory_space<hbm>>
        %dma_wait3A_820 = tpu.memref_squeeze %dma_wait3A_819 : memref<1x8x128xf32, #tpu.memory_space<hbm>> -> memref<8x128xf32, #tpu.memory_space<hbm>>
        %dma_wait3A_821 = arith.constant 0 : i32
        %dma_wait3A_822 = arith.constant 0 : i32
        %dma_wait3A_823 = tpu.memref_slice %arg17[%dma_wait3A_821, %dma_wait3A_822] : memref<64x128xf32, #tpu.memory_space<vmem>> -> memref<8x128xf32, #tpu.memory_space<vmem>>
        tpu.wait_dma2 semaphore(%arg23 : memref<!tpu.dma_semaphore, #tpu.memory_space<semaphore_mem>>) src(%dma_wait3A_823 : memref<8x128xf32, #tpu.memory_space<vmem>>) dst(%dma_wait3A_820 : memref<8x128xf32, #tpu.memory_space<hbm>>)
        %dma_wait3A_824 = arith.constant 8 : i32
        %dma_wait3A_825 = arith.constant 0 : i32
        %dma_wait3A_826 = tpu.memref_slice %arg17[%dma_wait3A_824, %dma_wait3A_825] : memref<64x128xf32, #tpu.memory_space<vmem>> -> memref<8x128xf32, #tpu.memory_space<vmem>>
        %dma_wait3A_827 = arith.constant 8 : i32
        %dma_wait3A_828 = tpu.memref_slice %arg5[%shift_right_arithmetic3A_793, %dma_wait3A_827, %mul3A_799] : memref<200x64x4096xf32, #tpu.memory_space<hbm>> -> memref<1x8x128xf32, #tpu.memory_space<hbm>>
        %dma_wait3A_829 = tpu.memref_squeeze %dma_wait3A_828 : memref<1x8x128xf32, #tpu.memory_space<hbm>> -> memref<8x128xf32, #tpu.memory_space<hbm>>
        %dma_wait3A_830 = arith.constant 8 : i32
        %dma_wait3A_831 = tpu.memref_slice %arg5[%shift_right_arithmetic3A_793, %dma_wait3A_830, %mul3A_799] : memref<200x64x4096xf32, #tpu.memory_space<hbm>> -> memref<1x8x128xf32, #tpu.memory_space<hbm>>
        %dma_wait3A_832 = tpu.memref_squeeze %dma_wait3A_831 : memref<1x8x128xf32, #tpu.memory_space<hbm>> -> memref<8x128xf32, #tpu.memory_space<hbm>>
        %dma_wait3A_833 = arith.constant 8 : i32
        %dma_wait3A_834 = arith.constant 0 : i32
        %dma_wait3A_835 = tpu.memref_slice %arg17[%dma_wait3A_833, %dma_wait3A_834] : memref<64x128xf32, #tpu.memory_space<vmem>> -> memref<8x128xf32, #tpu.memory_space<vmem>>
        tpu.wait_dma2 semaphore(%arg23 : memref<!tpu.dma_semaphore, #tpu.memory_space<semaphore_mem>>) src(%dma_wait3A_835 : memref<8x128xf32, #tpu.memory_space<vmem>>) dst(%dma_wait3A_832 : memref<8x128xf32, #tpu.memory_space<hbm>>)
        %dma_wait3A_836 = arith.constant 16 : i32
        %dma_wait3A_837 = arith.constant 0 : i32
        %dma_wait3A_838 = tpu.memref_slice %arg17[%dma_wait3A_836, %dma_wait3A_837] : memref<64x128xf32, #tpu.memory_space<vmem>> -> memref<8x128xf32, #tpu.memory_space<vmem>>
        %dma_wait3A_839 = arith.constant 16 : i32
        %dma_wait3A_840 = tpu.memref_slice %arg5[%shift_right_arithmetic3A_793, %dma_wait3A_839, %mul3A_801] : memref<200x64x4096xf32, #tpu.memory_space<hbm>> -> memref<1x8x128xf32, #tpu.memory_space<hbm>>
        %dma_wait3A_841 = tpu.memref_squeeze %dma_wait3A_840 : memref<1x8x128xf32, #tpu.memory_space<hbm>> -> memref<8x128xf32, #tpu.memory_space<hbm>>
        %dma_wait3A_842 = arith.constant 16 : i32
        %dma_wait3A_843 = tpu.memref_slice %arg5[%shift_right_arithmetic3A_793, %dma_wait3A_842, %mul3A_801] : memref<200x64x4096xf32, #tpu.memory_space<hbm>> -> memref<1x8x128xf32, #tpu.memory_space<hbm>>
        %dma_wait3A_844 = tpu.memref_squeeze %dma_wait3A_843 : memref<1x8x128xf32, #tpu.memory_space<hbm>> -> memref<8x128xf32, #tpu.memory_space<hbm>>
        %dma_wait3A_845 = arith.constant 16 : i32
        %dma_wait3A_846 = arith.constant 0 : i32
        %dma_wait3A_847 = tpu.memref_slice %arg17[%dma_wait3A_845, %dma_wait3A_846] : memref<64x128xf32, #tpu.memory_space<vmem>> -> memref<8x128xf32, #tpu.memory_space<vmem>>
        tpu.wait_dma2 semaphore(%arg23 : memref<!tpu.dma_semaphore, #tpu.memory_space<semaphore_mem>>) src(%dma_wait3A_847 : memref<8x128xf32, #tpu.memory_space<vmem>>) dst(%dma_wait3A_844 : memref<8x128xf32, #tpu.memory_space<hbm>>)
        %dma_wait3A_848 = arith.constant 24 : i32
        %dma_wait3A_849 = arith.constant 0 : i32
        %dma_wait3A_850 = tpu.memref_slice %arg17[%dma_wait3A_848, %dma_wait3A_849] : memref<64x128xf32, #tpu.memory_space<vmem>> -> memref<8x128xf32, #tpu.memory_space<vmem>>
        %dma_wait3A_851 = arith.constant 24 : i32
        %dma_wait3A_852 = tpu.memref_slice %arg5[%shift_right_arithmetic3A_793, %dma_wait3A_851, %mul3A_803] : memref<200x64x4096xf32, #tpu.memory_space<hbm>> -> memref<1x8x128xf32, #tpu.memory_space<hbm>>
        %dma_wait3A_853 = tpu.memref_squeeze %dma_wait3A_852 : memref<1x8x128xf32, #tpu.memory_space<hbm>> -> memref<8x128xf32, #tpu.memory_space<hbm>>
        %dma_wait3A_854 = arith.constant 24 : i32
        %dma_wait3A_855 = tpu.memref_slice %arg5[%shift_right_arithmetic3A_793, %dma_wait3A_854, %mul3A_803] : memref<200x64x4096xf32, #tpu.memory_space<hbm>> -> memref<1x8x128xf32, #tpu.memory_space<hbm>>
        %dma_wait3A_856 = tpu.memref_squeeze %dma_wait3A_855 : memref<1x8x128xf32, #tpu.memory_space<hbm>> -> memref<8x128xf32, #tpu.memory_space<hbm>>
        %dma_wait3A_857 = arith.constant 24 : i32
        %dma_wait3A_858 = arith.constant 0 : i32
        %dma_wait3A_859 = tpu.memref_slice %arg17[%dma_wait3A_857, %dma_wait3A_858] : memref<64x128xf32, #tpu.memory_space<vmem>> -> memref<8x128xf32, #tpu.memory_space<vmem>>
        tpu.wait_dma2 semaphore(%arg23 : memref<!tpu.dma_semaphore, #tpu.memory_space<semaphore_mem>>) src(%dma_wait3A_859 : memref<8x128xf32, #tpu.memory_space<vmem>>) dst(%dma_wait3A_856 : memref<8x128xf32, #tpu.memory_space<hbm>>)
        %dma_wait3A_860 = arith.constant 32 : i32
        %dma_wait3A_861 = arith.constant 0 : i32
        %dma_wait3A_862 = tpu.memref_slice %arg17[%dma_wait3A_860, %dma_wait3A_861] : memref<64x128xf32, #tpu.memory_space<vmem>> -> memref<8x128xf32, #tpu.memory_space<vmem>>
        %dma_wait3A_863 = arith.constant 32 : i32
        %dma_wait3A_864 = tpu.memref_slice %arg5[%shift_right_arithmetic3A_793, %dma_wait3A_863, %mul3A_805] : memref<200x64x4096xf32, #tpu.memory_space<hbm>> -> memref<1x8x128xf32, #tpu.memory_space<hbm>>
        %dma_wait3A_865 = tpu.memref_squeeze %dma_wait3A_864 : memref<1x8x128xf32, #tpu.memory_space<hbm>> -> memref<8x128xf32, #tpu.memory_space<hbm>>
        %dma_wait3A_866 = arith.constant 32 : i32
        %dma_wait3A_867 = tpu.memref_slice %arg5[%shift_right_arithmetic3A_793, %dma_wait3A_866, %mul3A_805] : memref<200x64x4096xf32, #tpu.memory_space<hbm>> -> memref<1x8x128xf32, #tpu.memory_space<hbm>>
        %dma_wait3A_868 = tpu.memref_squeeze %dma_wait3A_867 : memref<1x8x128xf32, #tpu.memory_space<hbm>> -> memref<8x128xf32, #tpu.memory_space<hbm>>
        %dma_wait3A_869 = arith.constant 32 : i32
        %dma_wait3A_870 = arith.constant 0 : i32
        %dma_wait3A_871 = tpu.memref_slice %arg17[%dma_wait3A_869, %dma_wait3A_870] : memref<64x128xf32, #tpu.memory_space<vmem>> -> memref<8x128xf32, #tpu.memory_space<vmem>>
        tpu.wait_dma2 semaphore(%arg23 : memref<!tpu.dma_semaphore, #tpu.memory_space<semaphore_mem>>) src(%dma_wait3A_871 : memref<8x128xf32, #tpu.memory_space<vmem>>) dst(%dma_wait3A_868 : memref<8x128xf32, #tpu.memory_space<hbm>>)
        %dma_wait3A_872 = arith.constant 40 : i32
        %dma_wait3A_873 = arith.constant 0 : i32
        %dma_wait3A_874 = tpu.memref_slice %arg17[%dma_wait3A_872, %dma_wait3A_873] : memref<64x128xf32, #tpu.memory_space<vmem>> -> memref<8x128xf32, #tpu.memory_space<vmem>>
        %dma_wait3A_875 = arith.constant 40 : i32
        %dma_wait3A_876 = tpu.memref_slice %arg5[%shift_right_arithmetic3A_793, %dma_wait3A_875, %mul3A_807] : memref<200x64x4096xf32, #tpu.memory_space<hbm>> -> memref<1x8x128xf32, #tpu.memory_space<hbm>>
        %dma_wait3A_877 = tpu.memref_squeeze %dma_wait3A_876 : memref<1x8x128xf32, #tpu.memory_space<hbm>> -> memref<8x128xf32, #tpu.memory_space<hbm>>
        %dma_wait3A_878 = arith.constant 40 : i32
        %dma_wait3A_879 = tpu.memref_slice %arg5[%shift_right_arithmetic3A_793, %dma_wait3A_878, %mul3A_807] : memref<200x64x4096xf32, #tpu.memory_space<hbm>> -> memref<1x8x128xf32, #tpu.memory_space<hbm>>
        %dma_wait3A_880 = tpu.memref_squeeze %dma_wait3A_879 : memref<1x8x128xf32, #tpu.memory_space<hbm>> -> memref<8x128xf32, #tpu.memory_space<hbm>>
        %dma_wait3A_881 = arith.constant 40 : i32
        %dma_wait3A_882 = arith.constant 0 : i32
        %dma_wait3A_883 = tpu.memref_slice %arg17[%dma_wait3A_881, %dma_wait3A_882] : memref<64x128xf32, #tpu.memory_space<vmem>> -> memref<8x128xf32, #tpu.memory_space<vmem>>
        tpu.wait_dma2 semaphore(%arg23 : memref<!tpu.dma_semaphore, #tpu.memory_space<semaphore_mem>>) src(%dma_wait3A_883 : memref<8x128xf32, #tpu.memory_space<vmem>>) dst(%dma_wait3A_880 : memref<8x128xf32, #tpu.memory_space<hbm>>)
        %dma_wait3A_884 = arith.constant 48 : i32
        %dma_wait3A_885 = arith.constant 0 : i32
        %dma_wait3A_886 = tpu.memref_slice %arg17[%dma_wait3A_884, %dma_wait3A_885] : memref<64x128xf32, #tpu.memory_space<vmem>> -> memref<8x128xf32, #tpu.memory_space<vmem>>
        %dma_wait3A_887 = arith.constant 48 : i32
        %dma_wait3A_888 = tpu.memref_slice %arg5[%shift_right_arithmetic3A_793, %dma_wait3A_887, %mul3A_809] : memref<200x64x4096xf32, #tpu.memory_space<hbm>> -> memref<1x8x128xf32, #tpu.memory_space<hbm>>
        %dma_wait3A_889 = tpu.memref_squeeze %dma_wait3A_888 : memref<1x8x128xf32, #tpu.memory_space<hbm>> -> memref<8x128xf32, #tpu.memory_space<hbm>>
        %dma_wait3A_890 = arith.constant 48 : i32
        %dma_wait3A_891 = tpu.memref_slice %arg5[%shift_right_arithmetic3A_793, %dma_wait3A_890, %mul3A_809] : memref<200x64x4096xf32, #tpu.memory_space<hbm>> -> memref<1x8x128xf32, #tpu.memory_space<hbm>>
        %dma_wait3A_892 = tpu.memref_squeeze %dma_wait3A_891 : memref<1x8x128xf32, #tpu.memory_space<hbm>> -> memref<8x128xf32, #tpu.memory_space<hbm>>
        %dma_wait3A_893 = arith.constant 48 : i32
        %dma_wait3A_894 = arith.constant 0 : i32
        %dma_wait3A_895 = tpu.memref_slice %arg17[%dma_wait3A_893, %dma_wait3A_894] : memref<64x128xf32, #tpu.memory_space<vmem>> -> memref<8x128xf32, #tpu.memory_space<vmem>>
        tpu.wait_dma2 semaphore(%arg23 : memref<!tpu.dma_semaphore, #tpu.memory_space<semaphore_mem>>) src(%dma_wait3A_895 : memref<8x128xf32, #tpu.memory_space<vmem>>) dst(%dma_wait3A_892 : memref<8x128xf32, #tpu.memory_space<hbm>>)
        %dma_wait3A_896 = arith.constant 56 : i32
        %dma_wait3A_897 = arith.constant 0 : i32
        %dma_wait3A_898 = tpu.memref_slice %arg17[%dma_wait3A_896, %dma_wait3A_897] : memref<64x128xf32, #tpu.memory_space<vmem>> -> memref<8x128xf32, #tpu.memory_space<vmem>>
        %dma_wait3A_899 = arith.constant 56 : i32
        %dma_wait3A_900 = tpu.memref_slice %arg5[%shift_right_arithmetic3A_793, %dma_wait3A_899, %mul3A_811] : memref<200x64x4096xf32, #tpu.memory_space<hbm>> -> memref<1x8x128xf32, #tpu.memory_space<hbm>>
        %dma_wait3A_901 = tpu.memref_squeeze %dma_wait3A_900 : memref<1x8x128xf32, #tpu.memory_space<hbm>> -> memref<8x128xf32, #tpu.memory_space<hbm>>
        %dma_wait3A_902 = arith.constant 56 : i32
        %dma_wait3A_903 = tpu.memref_slice %arg5[%shift_right_arithmetic3A_793, %dma_wait3A_902, %mul3A_811] : memref<200x64x4096xf32, #tpu.memory_space<hbm>> -> memref<1x8x128xf32, #tpu.memory_space<hbm>>
        %dma_wait3A_904 = tpu.memref_squeeze %dma_wait3A_903 : memref<1x8x128xf32, #tpu.memory_space<hbm>> -> memref<8x128xf32, #tpu.memory_space<hbm>>
        %dma_wait3A_905 = arith.constant 56 : i32
        %dma_wait3A_906 = arith.constant 0 : i32
        %dma_wait3A_907 = tpu.memref_slice %arg17[%dma_wait3A_905, %dma_wait3A_906] : memref<64x128xf32, #tpu.memory_space<vmem>> -> memref<8x128xf32, #tpu.memory_space<vmem>>
        tpu.wait_dma2 semaphore(%arg23 : memref<!tpu.dma_semaphore, #tpu.memory_space<semaphore_mem>>) src(%dma_wait3A_907 : memref<8x128xf32, #tpu.memory_space<vmem>>) dst(%dma_wait3A_904 : memref<8x128xf32, #tpu.memory_space<hbm>>)
      } else {
      }
      %shift_right_arithmetic3A_648 = arith.constant 5 : i32
      %shift_right_arithmetic3A_649 = arith.shrsi %add3A_625, %shift_right_arithmetic3A_648 : i32
      %and3A_650 = arith.constant 31 : i32
      %and3A_651 = arith.andi %add3A_625, %and3A_650 : i32
      %get3A_652 = arith.index_cast %shift_right_arithmetic3A_649 : i32 to index
      %get3A_653 = arith.constant 0 : index
      %get3A_654 = tpu.vector_load %arg6[%get3A_652, %get3A_653] {strides = array<i32>} : memref<200x128xf32, #tpu.memory_space<vmem>>, vector<16xf32>,
      %get3A_655 = arith.index_cast %shift_right_arithmetic3A_649 : i32 to index
      %get3A_656 = arith.constant 16 : index
      %get3A_657 = tpu.vector_load %arg6[%get3A_655, %get3A_656] {strides = array<i32>} : memref<200x128xf32, #tpu.memory_space<vmem>>, vector<16xf32>,
      %get3A_658 = arith.index_cast %shift_right_arithmetic3A_649 : i32 to index
      %get3A_659 = arith.constant 32 : index
      %get3A_660 = tpu.vector_load %arg6[%get3A_658, %get3A_659] {strides = array<i32>} : memref<200x128xf32, #tpu.memory_space<vmem>>, vector<16xf32>,
      %get3A_661 = arith.index_cast %shift_right_arithmetic3A_649 : i32 to index
      %get3A_662 = arith.constant 48 : index
      %get3A_663 = tpu.vector_load %arg6[%get3A_661, %get3A_662] {strides = array<i32>} : memref<200x128xf32, #tpu.memory_space<vmem>>, vector<16xf32>,
      %scan3A_664 = arith.constant 0 : i32
      %scan3A_665 = arith.constant 128 : i32
      %scan3A_666 = arith.addi %scan3A_664, %scan3A_665 : i32
      %scan3A_667 = arith.constant 1 : i32
      scf.for %scan3A_790 = %scan3A_664 to %scan3A_666 step %scan3A_667  : i32 {
        %mul3A_791 = arith.constant 1 : i32
        %mul3A_792 = arith.muli %scan3A_790, %mul3A_791 : i32
        %add3A_793 = arith.constant 0 : i32
        %add3A_794 = arith.addi %add3A_793, %mul3A_792 : i32
        %broadcast_in_dim3A = vector.broadcast %add3A_794 : i32 to vector<16xi32>
        %gather3A = tpu.vector_load_idx %arg12[%broadcast_in_dim3A] : memref<144xi32, #tpu.memory_space<vmem>>[vector<16xi32>], vector<16xi32>,
        %mul3A_795 = arith.constant 137 : i32
        %mul3A_796 = vector.broadcast %mul3A_795 : i32 to vector<16xi32>
        %mul3A_797 = arith.muli %gather3A, %mul3A_796 : vector<16xi32>
        %eq3A = arith.constant 0 : i32
        %eq3A_798 = vector.broadcast %eq3A : i32 to vector<16xi32>
        %eq3A_799 = arith.cmpi eq, %gather3A, %eq3A_798 : vector<16xi32>
        %not3A = arith.constant dense<true> : vector<16xi1>
        %not3A_800 = arith.xori %eq3A_799, %not3A : vector<16xi1>
        %get3A_801 = arith.index_cast %add3A_794 : i32 to index
        %get3A_802 = arith.constant 0 : index
        %get3A_803 = tpu.vector_load %arg14[%get3A_801, %get3A_802] {strides = array<i32>} : memref<128x128xf32, #tpu.memory_space<vmem>>, vector<16xf32>,
        %sub3A_804 = arith.subi %mul3A_8, %mul3A_797 : vector<16xi32>
        %add3A_805 = arith.addi %sub3A_804, %broadcast_in_dim3A : vector<16xi32>
        %mul3A_806 = arith.constant 8.000000e+00 : f32
        %mul3A_807 = vector.broadcast %mul3A_806 : f32 to vector<16xf32>
        %mul3A_808 = arith.mulf %get3A_803, %mul3A_807 : vector<16xf32>
        %add3A_809 = arith.addf %mul3A_808, %get3A_654 : vector<16xf32>
        tpu.vector_store_idx %arg15[%add3A_805], %add3A_809 masked %eq3A_799 : memref<8768xf32, #tpu.memory_space<vmem>>[vector<16xi32>], vector<16xf32>, vector<16xi1>
        %get3A_810 = arith.index_cast %add3A_794 : i32 to index
        %get3A_811 = arith.constant 16 : index
        %get3A_812 = tpu.vector_load %arg14[%get3A_810, %get3A_811] {strides = array<i32>} : memref<128x128xf32, #tpu.memory_space<vmem>>, vector<16xf32>,
        %sub3A_813 = arith.subi %mul3A_14, %mul3A_797 : vector<16xi32>
        %add3A_814 = arith.addi %sub3A_813, %broadcast_in_dim3A : vector<16xi32>
        %mul3A_815 = arith.constant 8.000000e+00 : f32
        %mul3A_816 = vector.broadcast %mul3A_815 : f32 to vector<16xf32>
        %mul3A_817 = arith.mulf %get3A_812, %mul3A_816 : vector<16xf32>
        %add3A_818 = arith.addf %mul3A_817, %get3A_657 : vector<16xf32>
        tpu.vector_store_idx %arg15[%add3A_814], %add3A_818 masked %eq3A_799 : memref<8768xf32, #tpu.memory_space<vmem>>[vector<16xi32>], vector<16xf32>, vector<16xi1>
        %get3A_819 = arith.index_cast %add3A_794 : i32 to index
        %get3A_820 = arith.constant 32 : index
        %get3A_821 = tpu.vector_load %arg14[%get3A_819, %get3A_820] {strides = array<i32>} : memref<128x128xf32, #tpu.memory_space<vmem>>, vector<16xf32>,
        %sub3A_822 = arith.subi %mul3A_20, %mul3A_797 : vector<16xi32>
        %add3A_823 = arith.addi %sub3A_822, %broadcast_in_dim3A : vector<16xi32>
        %mul3A_824 = arith.constant 8.000000e+00 : f32
        %mul3A_825 = vector.broadcast %mul3A_824 : f32 to vector<16xf32>
        %mul3A_826 = arith.mulf %get3A_821, %mul3A_825 : vector<16xf32>
        %add3A_827 = arith.addf %mul3A_826, %get3A_660 : vector<16xf32>
        tpu.vector_store_idx %arg15[%add3A_823], %add3A_827 masked %eq3A_799 : memref<8768xf32, #tpu.memory_space<vmem>>[vector<16xi32>], vector<16xf32>, vector<16xi1>
        %get3A_828 = arith.index_cast %add3A_794 : i32 to index
        %get3A_829 = arith.constant 48 : index
        %get3A_830 = tpu.vector_load %arg14[%get3A_828, %get3A_829] {strides = array<i32>} : memref<128x128xf32, #tpu.memory_space<vmem>>, vector<16xf32>,
        %sub3A_831 = arith.subi %mul3A_26, %mul3A_797 : vector<16xi32>
        %add3A_832 = arith.addi %sub3A_831, %broadcast_in_dim3A : vector<16xi32>
        %mul3A_833 = arith.constant 8.000000e+00 : f32
        %mul3A_834 = vector.broadcast %mul3A_833 : f32 to vector<16xf32>
        %mul3A_835 = arith.mulf %get3A_830, %mul3A_834 : vector<16xf32>
        %add3A_836 = arith.addf %mul3A_835, %get3A_663 : vector<16xf32>
        tpu.vector_store_idx %arg15[%add3A_832], %add3A_836 masked %eq3A_799 : memref<8768xf32, #tpu.memory_space<vmem>>[vector<16xi32>], vector<16xf32>, vector<16xi1>
        %get3A_837 = arith.index_cast %add3A_794 : i32 to index
        %get3A_838 = arith.constant 64 : index
        %get3A_839 = tpu.vector_load %arg14[%get3A_837, %get3A_838] {strides = array<i32>} : memref<128x128xf32, #tpu.memory_space<vmem>>, vector<16xf32>,
        %sub3A_840 = arith.subi %mul3A_32, %mul3A_797 : vector<16xi32>
        %add3A_841 = arith.addi %sub3A_840, %broadcast_in_dim3A : vector<16xi32>
        %mul3A_842 = arith.constant 8.000000e+00 : f32
        %mul3A_843 = vector.broadcast %mul3A_842 : f32 to vector<16xf32>
        %mul3A_844 = arith.mulf %get3A_839, %mul3A_843 : vector<16xf32>
        %add3A_845 = arith.addf %mul3A_844, %get3A_654 : vector<16xf32>
        tpu.vector_store_idx %arg15[%add3A_841], %add3A_845 masked %not3A_800 : memref<8768xf32, #tpu.memory_space<vmem>>[vector<16xi32>], vector<16xf32>, vector<16xi1>
        %get3A_846 = arith.index_cast %add3A_794 : i32 to index
        %get3A_847 = arith.constant 80 : index
        %get3A_848 = tpu.vector_load %arg14[%get3A_846, %get3A_847] {strides = array<i32>} : memref<128x128xf32, #tpu.memory_space<vmem>>, vector<16xf32>,
        %sub3A_849 = arith.subi %mul3A_38, %mul3A_797 : vector<16xi32>
        %add3A_850 = arith.addi %sub3A_849, %broadcast_in_dim3A : vector<16xi32>
        %mul3A_851 = arith.constant 8.000000e+00 : f32
        %mul3A_852 = vector.broadcast %mul3A_851 : f32 to vector<16xf32>
        %mul3A_853 = arith.mulf %get3A_848, %mul3A_852 : vector<16xf32>
        %add3A_854 = arith.addf %mul3A_853, %get3A_657 : vector<16xf32>
        tpu.vector_store_idx %arg15[%add3A_850], %add3A_854 masked %not3A_800 : memref<8768xf32, #tpu.memory_space<vmem>>[vector<16xi32>], vector<16xf32>, vector<16xi1>
        %get3A_855 = arith.index_cast %add3A_794 : i32 to index
        %get3A_856 = arith.constant 96 : index
        %get3A_857 = tpu.vector_load %arg14[%get3A_855, %get3A_856] {strides = array<i32>} : memref<128x128xf32, #tpu.memory_space<vmem>>, vector<16xf32>,
        %sub3A_858 = arith.subi %mul3A_44, %mul3A_797 : vector<16xi32>
        %add3A_859 = arith.addi %sub3A_858, %broadcast_in_dim3A : vector<16xi32>
        %mul3A_860 = arith.constant 8.000000e+00 : f32
        %mul3A_861 = vector.broadcast %mul3A_860 : f32 to vector<16xf32>
        %mul3A_862 = arith.mulf %get3A_857, %mul3A_861 : vector<16xf32>
        %add3A_863 = arith.addf %mul3A_862, %get3A_660 : vector<16xf32>
        tpu.vector_store_idx %arg15[%add3A_859], %add3A_863 masked %not3A_800 : memref<8768xf32, #tpu.memory_space<vmem>>[vector<16xi32>], vector<16xf32>, vector<16xi1>
        %get3A_864 = arith.index_cast %add3A_794 : i32 to index
        %get3A_865 = arith.constant 112 : index
        %get3A_866 = tpu.vector_load %arg14[%get3A_864, %get3A_865] {strides = array<i32>} : memref<128x128xf32, #tpu.memory_space<vmem>>, vector<16xf32>,
        %sub3A_867 = arith.subi %mul3A_50, %mul3A_797 : vector<16xi32>
        %add3A_868 = arith.addi %sub3A_867, %broadcast_in_dim3A : vector<16xi32>
        %mul3A_869 = arith.constant 8.000000e+00 : f32
        %mul3A_870 = vector.broadcast %mul3A_869 : f32 to vector<16xf32>
        %mul3A_871 = arith.mulf %get3A_866, %mul3A_870 : vector<16xf32>
        %add3A_872 = arith.addf %mul3A_871, %get3A_663 : vector<16xf32>
        tpu.vector_store_idx %arg15[%add3A_868], %add3A_872 masked %not3A_800 : memref<8768xf32, #tpu.memory_space<vmem>>[vector<16xi32>], vector<16xf32>, vector<16xi1>
      }
      %scan3A_668 = arith.constant 128 : i32
      %scan3A_669 = arith.constant 0 : i32
      %scan3A_670 = arith.constant 64 : i32
      %scan3A_671 = arith.addi %scan3A_669, %scan3A_670 : i32
      %scan3A_672 = arith.constant 8 : i32
      scf.for %scan3A_790 = %scan3A_669 to %scan3A_671 step %scan3A_672  : i32 {
        %mul3A_791 = arith.constant 1 : i32
        %mul3A_792 = arith.muli %scan3A_790, %mul3A_791 : i32
        %add3A_793 = arith.constant 0 : i32
        %add3A_794 = arith.addi %add3A_793, %mul3A_792 : i32
        %mul3A_795 = arith.constant 137 : i32
        %mul3A_796 = arith.muli %add3A_794, %mul3A_795 : i32
        %add3A_797 = arith.constant 0 : i32
        %add3A_798 = arith.addi %mul3A_796, %add3A_797 : i32
        %get3A_799 = arith.index_cast %add3A_798 : i32 to index
        %get3A_800 = tpu.vector_load %arg15[%get3A_799] {strides = array<i32>} : memref<8768xf32, #tpu.memory_space<vmem>>, vector<16xf32>,
        %swap3A_801 = arith.index_cast %add3A_794 : i32 to index
        %swap3A_802 = arith.constant 0 : index
        %swap3A_803 = tpu.vector_load %arg17[%swap3A_801, %swap3A_802] {strides = array<i32>} : memref<64x128xf32, #tpu.memory_space<vmem>>, vector<16xf32>,
        tpu.vector_store %arg17[%swap3A_801, %swap3A_802], %get3A_800 {strides = array<i32>} : memref<64x128xf32, #tpu.memory_space<vmem>>, vector<16xf32>,
        %mul3A_804 = arith.constant 137 : i32
        %mul3A_805 = arith.muli %add3A_794, %mul3A_804 : i32
        %add3A_806 = arith.constant 16 : i32
        %add3A_807 = arith.addi %mul3A_805, %add3A_806 : i32
        %get3A_808 = arith.index_cast %add3A_807 : i32 to index
        %get3A_809 = tpu.vector_load %arg15[%get3A_808] {strides = array<i32>} : memref<8768xf32, #tpu.memory_space<vmem>>, vector<16xf32>,
        %swap3A_810 = arith.index_cast %add3A_794 : i32 to index
        %swap3A_811 = arith.constant 16 : index
        %swap3A_812 = tpu.vector_load %arg17[%swap3A_810, %swap3A_811] {strides = array<i32>} : memref<64x128xf32, #tpu.memory_space<vmem>>, vector<16xf32>,
        tpu.vector_store %arg17[%swap3A_810, %swap3A_811], %get3A_809 {strides = array<i32>} : memref<64x128xf32, #tpu.memory_space<vmem>>, vector<16xf32>,
        %mul3A_813 = arith.constant 137 : i32
        %mul3A_814 = arith.muli %add3A_794, %mul3A_813 : i32
        %add3A_815 = arith.constant 32 : i32
        %add3A_816 = arith.addi %mul3A_814, %add3A_815 : i32
        %get3A_817 = arith.index_cast %add3A_816 : i32 to index
        %get3A_818 = tpu.vector_load %arg15[%get3A_817] {strides = array<i32>} : memref<8768xf32, #tpu.memory_space<vmem>>, vector<16xf32>,
        %swap3A_819 = arith.index_cast %add3A_794 : i32 to index
        %swap3A_820 = arith.constant 32 : index
        %swap3A_821 = tpu.vector_load %arg17[%swap3A_819, %swap3A_820] {strides = array<i32>} : memref<64x128xf32, #tpu.memory_space<vmem>>, vector<16xf32>,
        tpu.vector_store %arg17[%swap3A_819, %swap3A_820], %get3A_818 {strides = array<i32>} : memref<64x128xf32, #tpu.memory_space<vmem>>, vector<16xf32>,
        %mul3A_822 = arith.constant 137 : i32
        %mul3A_823 = arith.muli %add3A_794, %mul3A_822 : i32
        %add3A_824 = arith.constant 48 : i32
        %add3A_825 = arith.addi %mul3A_823, %add3A_824 : i32
        %get3A_826 = arith.index_cast %add3A_825 : i32 to index
        %get3A_827 = tpu.vector_load %arg15[%get3A_826] {strides = array<i32>} : memref<8768xf32, #tpu.memory_space<vmem>>, vector<16xf32>,
        %swap3A_828 = arith.index_cast %add3A_794 : i32 to index
        %swap3A_829 = arith.constant 48 : index
        %swap3A_830 = tpu.vector_load %arg17[%swap3A_828, %swap3A_829] {strides = array<i32>} : memref<64x128xf32, #tpu.memory_space<vmem>>, vector<16xf32>,
        tpu.vector_store %arg17[%swap3A_828, %swap3A_829], %get3A_827 {strides = array<i32>} : memref<64x128xf32, #tpu.memory_space<vmem>>, vector<16xf32>,
        %mul3A_831 = arith.constant 137 : i32
        %mul3A_832 = arith.muli %add3A_794, %mul3A_831 : i32
        %add3A_833 = arith.constant 64 : i32
        %add3A_834 = arith.addi %mul3A_832, %add3A_833 : i32
        %get3A_835 = arith.index_cast %add3A_834 : i32 to index
        %get3A_836 = tpu.vector_load %arg15[%get3A_835] {strides = array<i32>} : memref<8768xf32, #tpu.memory_space<vmem>>, vector<16xf32>,
        %swap3A_837 = arith.index_cast %add3A_794 : i32 to index
        %swap3A_838 = arith.constant 64 : index
        %swap3A_839 = tpu.vector_load %arg17[%swap3A_837, %swap3A_838] {strides = array<i32>} : memref<64x128xf32, #tpu.memory_space<vmem>>, vector<16xf32>,
        tpu.vector_store %arg17[%swap3A_837, %swap3A_838], %get3A_836 {strides = array<i32>} : memref<64x128xf32, #tpu.memory_space<vmem>>, vector<16xf32>,
        %mul3A_840 = arith.constant 137 : i32
        %mul3A_841 = arith.muli %add3A_794, %mul3A_840 : i32
        %add3A_842 = arith.constant 80 : i32
        %add3A_843 = arith.addi %mul3A_841, %add3A_842 : i32
        %get3A_844 = arith.index_cast %add3A_843 : i32 to index
        %get3A_845 = tpu.vector_load %arg15[%get3A_844] {strides = array<i32>} : memref<8768xf32, #tpu.memory_space<vmem>>, vector<16xf32>,
        %swap3A_846 = arith.index_cast %add3A_794 : i32 to index
        %swap3A_847 = arith.constant 80 : index
        %swap3A_848 = tpu.vector_load %arg17[%swap3A_846, %swap3A_847] {strides = array<i32>} : memref<64x128xf32, #tpu.memory_space<vmem>>, vector<16xf32>,
        tpu.vector_store %arg17[%swap3A_846, %swap3A_847], %get3A_845 {strides = array<i32>} : memref<64x128xf32, #tpu.memory_space<vmem>>, vector<16xf32>,
        %mul3A_849 = arith.constant 137 : i32
        %mul3A_850 = arith.muli %add3A_794, %mul3A_849 : i32
        %add3A_851 = arith.constant 96 : i32
        %add3A_852 = arith.addi %mul3A_850, %add3A_851 : i32
        %get3A_853 = arith.index_cast %add3A_852 : i32 to index
        %get3A_854 = tpu.vector_load %arg15[%get3A_853] {strides = array<i32>} : memref<8768xf32, #tpu.memory_space<vmem>>, vector<16xf32>,
        %swap3A_855 = arith.index_cast %add3A_794 : i32 to index
        %swap3A_856 = arith.constant 96 : index
        %swap3A_857 = tpu.vector_load %arg17[%swap3A_855, %swap3A_856] {strides = array<i32>} : memref<64x128xf32, #tpu.memory_space<vmem>>, vector<16xf32>,
        tpu.vector_store %arg17[%swap3A_855, %swap3A_856], %get3A_854 {strides = array<i32>} : memref<64x128xf32, #tpu.memory_space<vmem>>, vector<16xf32>,
        %mul3A_858 = arith.constant 137 : i32
        %mul3A_859 = arith.muli %add3A_794, %mul3A_858 : i32
        %add3A_860 = arith.constant 112 : i32
        %add3A_861 = arith.addi %mul3A_859, %add3A_860 : i32
        %get3A_862 = arith.index_cast %add3A_861 : i32 to index
        %get3A_863 = tpu.vector_load %arg15[%get3A_862] {strides = array<i32>} : memref<8768xf32, #tpu.memory_space<vmem>>, vector<16xf32>,
        %swap3A_864 = arith.index_cast %add3A_794 : i32 to index
        %swap3A_865 = arith.constant 112 : index
        %swap3A_866 = tpu.vector_load %arg17[%swap3A_864, %swap3A_865] {strides = array<i32>} : memref<64x128xf32, #tpu.memory_space<vmem>>, vector<16xf32>,
        tpu.vector_store %arg17[%swap3A_864, %swap3A_865], %get3A_863 {strides = array<i32>} : memref<64x128xf32, #tpu.memory_space<vmem>>, vector<16xf32>,
        %scan3A_867 = arith.constant 1 : i32
        %scan3A_868 = arith.addi %scan3A_790, %scan3A_867 : i32
        %mul3A_869 = arith.constant 1 : i32
        %mul3A_870 = arith.muli %scan3A_868, %mul3A_869 : i32
        %add3A_871 = arith.constant 0 : i32
        %add3A_872 = arith.addi %add3A_871, %mul3A_870 : i32
        %mul3A_873 = arith.constant 137 : i32
        %mul3A_874 = arith.muli %add3A_872, %mul3A_873 : i32
        %add3A_875 = arith.constant 0 : i32
        %add3A_876 = arith.addi %mul3A_874, %add3A_875 : i32
        %get3A_877 = arith.index_cast %add3A_876 : i32 to index
        %get3A_878 = tpu.vector_load %arg15[%get3A_877] {strides = array<i32>} : memref<8768xf32, #tpu.memory_space<vmem>>, vector<16xf32>,
        %swap3A_879 = arith.index_cast %add3A_872 : i32 to index
        %swap3A_880 = arith.constant 0 : index
        %swap3A_881 = tpu.vector_load %arg17[%swap3A_879, %swap3A_880] {strides = array<i32>} : memref<64x128xf32, #tpu.memory_space<vmem>>, vector<16xf32>,
        tpu.vector_store %arg17[%swap3A_879, %swap3A_880], %get3A_878 {strides = array<i32>} : memref<64x128xf32, #tpu.memory_space<vmem>>, vector<16xf32>,
        %mul3A_882 = arith.constant 137 : i32
        %mul3A_883 = arith.muli %add3A_872, %mul3A_882 : i32
        %add3A_884 = arith.constant 16 : i32
        %add3A_885 = arith.addi %mul3A_883, %add3A_884 : i32
        %get3A_886 = arith.index_cast %add3A_885 : i32 to index
        %get3A_887 = tpu.vector_load %arg15[%get3A_886] {strides = array<i32>} : memref<8768xf32, #tpu.memory_space<vmem>>, vector<16xf32>,
        %swap3A_888 = arith.index_cast %add3A_872 : i32 to index
        %swap3A_889 = arith.constant 16 : index
        %swap3A_890 = tpu.vector_load %arg17[%swap3A_888, %swap3A_889] {strides = array<i32>} : memref<64x128xf32, #tpu.memory_space<vmem>>, vector<16xf32>,
        tpu.vector_store %arg17[%swap3A_888, %swap3A_889], %get3A_887 {strides = array<i32>} : memref<64x128xf32, #tpu.memory_space<vmem>>, vector<16xf32>,
        %mul3A_891 = arith.constant 137 : i32
        %mul3A_892 = arith.muli %add3A_872, %mul3A_891 : i32
        %add3A_893 = arith.constant 32 : i32
        %add3A_894 = arith.addi %mul3A_892, %add3A_893 : i32
        %get3A_895 = arith.index_cast %add3A_894 : i32 to index
        %get3A_896 = tpu.vector_load %arg15[%get3A_895] {strides = array<i32>} : memref<8768xf32, #tpu.memory_space<vmem>>, vector<16xf32>,
        %swap3A_897 = arith.index_cast %add3A_872 : i32 to index
        %swap3A_898 = arith.constant 32 : index
        %swap3A_899 = tpu.vector_load %arg17[%swap3A_897, %swap3A_898] {strides = array<i32>} : memref<64x128xf32, #tpu.memory_space<vmem>>, vector<16xf32>,
        tpu.vector_store %arg17[%swap3A_897, %swap3A_898], %get3A_896 {strides = array<i32>} : memref<64x128xf32, #tpu.memory_space<vmem>>, vector<16xf32>,
        %mul3A_900 = arith.constant 137 : i32
        %mul3A_901 = arith.muli %add3A_872, %mul3A_900 : i32
        %add3A_902 = arith.constant 48 : i32
        %add3A_903 = arith.addi %mul3A_901, %add3A_902 : i32
        %get3A_904 = arith.index_cast %add3A_903 : i32 to index
        %get3A_905 = tpu.vector_load %arg15[%get3A_904] {strides = array<i32>} : memref<8768xf32, #tpu.memory_space<vmem>>, vector<16xf32>,
        %swap3A_906 = arith.index_cast %add3A_872 : i32 to index
        %swap3A_907 = arith.constant 48 : index
        %swap3A_908 = tpu.vector_load %arg17[%swap3A_906, %swap3A_907] {strides = array<i32>} : memref<64x128xf32, #tpu.memory_space<vmem>>, vector<16xf32>,
        tpu.vector_store %arg17[%swap3A_906, %swap3A_907], %get3A_905 {strides = array<i32>} : memref<64x128xf32, #tpu.memory_space<vmem>>, vector<16xf32>,
        %mul3A_909 = arith.constant 137 : i32
        %mul3A_910 = arith.muli %add3A_872, %mul3A_909 : i32
        %add3A_911 = arith.constant 64 : i32
        %add3A_912 = arith.addi %mul3A_910, %add3A_911 : i32
        %get3A_913 = arith.index_cast %add3A_912 : i32 to index
        %get3A_914 = tpu.vector_load %arg15[%get3A_913] {strides = array<i32>} : memref<8768xf32, #tpu.memory_space<vmem>>, vector<16xf32>,
        %swap3A_915 = arith.index_cast %add3A_872 : i32 to index
        %swap3A_916 = arith.constant 64 : index
        %swap3A_917 = tpu.vector_load %arg17[%swap3A_915, %swap3A_916] {strides = array<i32>} : memref<64x128xf32, #tpu.memory_space<vmem>>, vector<16xf32>,
        tpu.vector_store %arg17[%swap3A_915, %swap3A_916], %get3A_914 {strides = array<i32>} : memref<64x128xf32, #tpu.memory_space<vmem>>, vector<16xf32>,
        %mul3A_918 = arith.constant 137 : i32
        %mul3A_919 = arith.muli %add3A_872, %mul3A_918 : i32
        %add3A_920 = arith.constant 80 : i32
        %add3A_921 = arith.addi %mul3A_919, %add3A_920 : i32
        %get3A_922 = arith.index_cast %add3A_921 : i32 to index
        %get3A_923 = tpu.vector_load %arg15[%get3A_922] {strides = array<i32>} : memref<8768xf32, #tpu.memory_space<vmem>>, vector<16xf32>,
        %swap3A_924 = arith.index_cast %add3A_872 : i32 to index
        %swap3A_925 = arith.constant 80 : index
        %swap3A_926 = tpu.vector_load %arg17[%swap3A_924, %swap3A_925] {strides = array<i32>} : memref<64x128xf32, #tpu.memory_space<vmem>>, vector<16xf32>,
        tpu.vector_store %arg17[%swap3A_924, %swap3A_925], %get3A_923 {strides = array<i32>} : memref<64x128xf32, #tpu.memory_space<vmem>>, vector<16xf32>,
        %mul3A_927 = arith.constant 137 : i32
        %mul3A_928 = arith.muli %add3A_872, %mul3A_927 : i32
        %add3A_929 = arith.constant 96 : i32
        %add3A_930 = arith.addi %mul3A_928, %add3A_929 : i32
        %get3A_931 = arith.index_cast %add3A_930 : i32 to index
        %get3A_932 = tpu.vector_load %arg15[%get3A_931] {strides = array<i32>} : memref<8768xf32, #tpu.memory_space<vmem>>, vector<16xf32>,
        %swap3A_933 = arith.index_cast %add3A_872 : i32 to index
        %swap3A_934 = arith.constant 96 : index
        %swap3A_935 = tpu.vector_load %arg17[%swap3A_933, %swap3A_934] {strides = array<i32>} : memref<64x128xf32, #tpu.memory_space<vmem>>, vector<16xf32>,
        tpu.vector_store %arg17[%swap3A_933, %swap3A_934], %get3A_932 {strides = array<i32>} : memref<64x128xf32, #tpu.memory_space<vmem>>, vector<16xf32>,
        %mul3A_936 = arith.constant 137 : i32
        %mul3A_937 = arith.muli %add3A_872, %mul3A_936 : i32
        %add3A_938 = arith.constant 112 : i32
        %add3A_939 = arith.addi %mul3A_937, %add3A_938 : i32
        %get3A_940 = arith.index_cast %add3A_939 : i32 to index
        %get3A_941 = tpu.vector_load %arg15[%get3A_940] {strides = array<i32>} : memref<8768xf32, #tpu.memory_space<vmem>>, vector<16xf32>,
        %swap3A_942 = arith.index_cast %add3A_872 : i32 to index
        %swap3A_943 = arith.constant 112 : index
        %swap3A_944 = tpu.vector_load %arg17[%swap3A_942, %swap3A_943] {strides = array<i32>} : memref<64x128xf32, #tpu.memory_space<vmem>>, vector<16xf32>,
        tpu.vector_store %arg17[%swap3A_942, %swap3A_943], %get3A_941 {strides = array<i32>} : memref<64x128xf32, #tpu.memory_space<vmem>>, vector<16xf32>,
        %scan3A_945 = arith.constant 2 : i32
        %scan3A_946 = arith.addi %scan3A_790, %scan3A_945 : i32
        %mul3A_947 = arith.constant 1 : i32
        %mul3A_948 = arith.muli %scan3A_946, %mul3A_947 : i32
        %add3A_949 = arith.constant 0 : i32
        %add3A_950 = arith.addi %add3A_949, %mul3A_948 : i32
        %mul3A_951 = arith.constant 137 : i32
        %mul3A_952 = arith.muli %add3A_950, %mul3A_951 : i32
        %add3A_953 = arith.constant 0 : i32
        %add3A_954 = arith.addi %mul3A_952, %add3A_953 : i32
        %get3A_955 = arith.index_cast %add3A_954 : i32 to index
        %get3A_956 = tpu.vector_load %arg15[%get3A_955] {strides = array<i32>} : memref<8768xf32, #tpu.memory_space<vmem>>, vector<16xf32>,
        %swap3A_957 = arith.index_cast %add3A_950 : i32 to index
        %swap3A_958 = arith.constant 0 : index
        %swap3A_959 = tpu.vector_load %arg17[%swap3A_957, %swap3A_958] {strides = array<i32>} : memref<64x128xf32, #tpu.memory_space<vmem>>, vector<16xf32>,
        tpu.vector_store %arg17[%swap3A_957, %swap3A_958], %get3A_956 {strides = array<i32>} : memref<64x128xf32, #tpu.memory_space<vmem>>, vector<16xf32>,
        %mul3A_960 = arith.constant 137 : i32
        %mul3A_961 = arith.muli %add3A_950, %mul3A_960 : i32
        %add3A_962 = arith.constant 16 : i32
        %add3A_963 = arith.addi %mul3A_961, %add3A_962 : i32
        %get3A_964 = arith.index_cast %add3A_963 : i32 to index
        %get3A_965 = tpu.vector_load %arg15[%get3A_964] {strides = array<i32>} : memref<8768xf32, #tpu.memory_space<vmem>>, vector<16xf32>,
        %swap3A_966 = arith.index_cast %add3A_950 : i32 to index
        %swap3A_967 = arith.constant 16 : index
        %swap3A_968 = tpu.vector_load %arg17[%swap3A_966, %swap3A_967] {strides = array<i32>} : memref<64x128xf32, #tpu.memory_space<vmem>>, vector<16xf32>,
        tpu.vector_store %arg17[%swap3A_966, %swap3A_967], %get3A_965 {strides = array<i32>} : memref<64x128xf32, #tpu.memory_space<vmem>>, vector<16xf32>,
        %mul3A_969 = arith.constant 137 : i32
        %mul3A_970 = arith.muli %add3A_950, %mul3A_969 : i32
        %add3A_971 = arith.constant 32 : i32
        %add3A_972 = arith.addi %mul3A_970, %add3A_971 : i32
        %get3A_973 = arith.index_cast %add3A_972 : i32 to index
        %get3A_974 = tpu.vector_load %arg15[%get3A_973] {strides = array<i32>} : memref<8768xf32, #tpu.memory_space<vmem>>, vector<16xf32>,
        %swap3A_975 = arith.index_cast %add3A_950 : i32 to index
        %swap3A_976 = arith.constant 32 : index
        %swap3A_977 = tpu.vector_load %arg17[%swap3A_975, %swap3A_976] {strides = array<i32>} : memref<64x128xf32, #tpu.memory_space<vmem>>, vector<16xf32>,
        tpu.vector_store %arg17[%swap3A_975, %swap3A_976], %get3A_974 {strides = array<i32>} : memref<64x128xf32, #tpu.memory_space<vmem>>, vector<16xf32>,
        %mul3A_978 = arith.constant 137 : i32
        %mul3A_979 = arith.muli %add3A_950, %mul3A_978 : i32
        %add3A_980 = arith.constant 48 : i32
        %add3A_981 = arith.addi %mul3A_979, %add3A_980 : i32
        %get3A_982 = arith.index_cast %add3A_981 : i32 to index
        %get3A_983 = tpu.vector_load %arg15[%get3A_982] {strides = array<i32>} : memref<8768xf32, #tpu.memory_space<vmem>>, vector<16xf32>,
        %swap3A_984 = arith.index_cast %add3A_950 : i32 to index
        %swap3A_985 = arith.constant 48 : index
        %swap3A_986 = tpu.vector_load %arg17[%swap3A_984, %swap3A_985] {strides = array<i32>} : memref<64x128xf32, #tpu.memory_space<vmem>>, vector<16xf32>,
        tpu.vector_store %arg17[%swap3A_984, %swap3A_985], %get3A_983 {strides = array<i32>} : memref<64x128xf32, #tpu.memory_space<vmem>>, vector<16xf32>,
        %mul3A_987 = arith.constant 137 : i32
        %mul3A_988 = arith.muli %add3A_950, %mul3A_987 : i32
        %add3A_989 = arith.constant 64 : i32
        %add3A_990 = arith.addi %mul3A_988, %add3A_989 : i32
        %get3A_991 = arith.index_cast %add3A_990 : i32 to index
        %get3A_992 = tpu.vector_load %arg15[%get3A_991] {strides = array<i32>} : memref<8768xf32, #tpu.memory_space<vmem>>, vector<16xf32>,
        %swap3A_993 = arith.index_cast %add3A_950 : i32 to index
        %swap3A_994 = arith.constant 64 : index
        %swap3A_995 = tpu.vector_load %arg17[%swap3A_993, %swap3A_994] {strides = array<i32>} : memref<64x128xf32, #tpu.memory_space<vmem>>, vector<16xf32>,
        tpu.vector_store %arg17[%swap3A_993, %swap3A_994], %get3A_992 {strides = array<i32>} : memref<64x128xf32, #tpu.memory_space<vmem>>, vector<16xf32>,
        %mul3A_996 = arith.constant 137 : i32
        %mul3A_997 = arith.muli %add3A_950, %mul3A_996 : i32
        %add3A_998 = arith.constant 80 : i32
        %add3A_999 = arith.addi %mul3A_997, %add3A_998 : i32
        %get3A_1000 = arith.index_cast %add3A_999 : i32 to index
        %get3A_1001 = tpu.vector_load %arg15[%get3A_1000] {strides = array<i32>} : memref<8768xf32, #tpu.memory_space<vmem>>, vector<16xf32>,
        %swap3A_1002 = arith.index_cast %add3A_950 : i32 to index
        %swap3A_1003 = arith.constant 80 : index
        %swap3A_1004 = tpu.vector_load %arg17[%swap3A_1002, %swap3A_1003] {strides = array<i32>} : memref<64x128xf32, #tpu.memory_space<vmem>>, vector<16xf32>,
        tpu.vector_store %arg17[%swap3A_1002, %swap3A_1003], %get3A_1001 {strides = array<i32>} : memref<64x128xf32, #tpu.memory_space<vmem>>, vector<16xf32>,
        %mul3A_1005 = arith.constant 137 : i32
        %mul3A_1006 = arith.muli %add3A_950, %mul3A_1005 : i32
        %add3A_1007 = arith.constant 96 : i32
        %add3A_1008 = arith.addi %mul3A_1006, %add3A_1007 : i32
        %get3A_1009 = arith.index_cast %add3A_1008 : i32 to index
        %get3A_1010 = tpu.vector_load %arg15[%get3A_1009] {strides = array<i32>} : memref<8768xf32, #tpu.memory_space<vmem>>, vector<16xf32>,
        %swap3A_1011 = arith.index_cast %add3A_950 : i32 to index
        %swap3A_1012 = arith.constant 96 : index
        %swap3A_1013 = tpu.vector_load %arg17[%swap3A_1011, %swap3A_1012] {strides = array<i32>} : memref<64x128xf32, #tpu.memory_space<vmem>>, vector<16xf32>,
        tpu.vector_store %arg17[%swap3A_1011, %swap3A_1012], %get3A_1010 {strides = array<i32>} : memref<64x128xf32, #tpu.memory_space<vmem>>, vector<16xf32>,
        %mul3A_1014 = arith.constant 137 : i32
        %mul3A_1015 = arith.muli %add3A_950, %mul3A_1014 : i32
        %add3A_1016 = arith.constant 112 : i32
        %add3A_1017 = arith.addi %mul3A_1015, %add3A_1016 : i32
        %get3A_1018 = arith.index_cast %add3A_1017 : i32 to index
        %get3A_1019 = tpu.vector_load %arg15[%get3A_1018] {strides = array<i32>} : memref<8768xf32, #tpu.memory_space<vmem>>, vector<16xf32>,
        %swap3A_1020 = arith.index_cast %add3A_950 : i32 to index
        %swap3A_1021 = arith.constant 112 : index
        %swap3A_1022 = tpu.vector_load %arg17[%swap3A_1020, %swap3A_1021] {strides = array<i32>} : memref<64x128xf32, #tpu.memory_space<vmem>>, vector<16xf32>,
        tpu.vector_store %arg17[%swap3A_1020, %swap3A_1021], %get3A_1019 {strides = array<i32>} : memref<64x128xf32, #tpu.memory_space<vmem>>, vector<16xf32>,
        %scan3A_1023 = arith.constant 3 : i32
        %scan3A_1024 = arith.addi %scan3A_790, %scan3A_1023 : i32
        %mul3A_1025 = arith.constant 1 : i32
        %mul3A_1026 = arith.muli %scan3A_1024, %mul3A_1025 : i32
        %add3A_1027 = arith.constant 0 : i32
        %add3A_1028 = arith.addi %add3A_1027, %mul3A_1026 : i32
        %mul3A_1029 = arith.constant 137 : i32
        %mul3A_1030 = arith.muli %add3A_1028, %mul3A_1029 : i32
        %add3A_1031 = arith.constant 0 : i32
        %add3A_1032 = arith.addi %mul3A_1030, %add3A_1031 : i32
        %get3A_1033 = arith.index_cast %add3A_1032 : i32 to index
        %get3A_1034 = tpu.vector_load %arg15[%get3A_1033] {strides = array<i32>} : memref<8768xf32, #tpu.memory_space<vmem>>, vector<16xf32>,
        %swap3A_1035 = arith.index_cast %add3A_1028 : i32 to index
        %swap3A_1036 = arith.constant 0 : index
        %swap3A_1037 = tpu.vector_load %arg17[%swap3A_1035, %swap3A_1036] {strides = array<i32>} : memref<64x128xf32, #tpu.memory_space<vmem>>, vector<16xf32>,
        tpu.vector_store %arg17[%swap3A_1035, %swap3A_1036], %get3A_1034 {strides = array<i32>} : memref<64x128xf32, #tpu.memory_space<vmem>>, vector<16xf32>,
        %mul3A_1038 = arith.constant 137 : i32
        %mul3A_1039 = arith.muli %add3A_1028, %mul3A_1038 : i32
        %add3A_1040 = arith.constant 16 : i32
        %add3A_1041 = arith.addi %mul3A_1039, %add3A_1040 : i32
        %get3A_1042 = arith.index_cast %add3A_1041 : i32 to index
        %get3A_1043 = tpu.vector_load %arg15[%get3A_1042] {strides = array<i32>} : memref<8768xf32, #tpu.memory_space<vmem>>, vector<16xf32>,
        %swap3A_1044 = arith.index_cast %add3A_1028 : i32 to index
        %swap3A_1045 = arith.constant 16 : index
        %swap3A_1046 = tpu.vector_load %arg17[%swap3A_1044, %swap3A_1045] {strides = array<i32>} : memref<64x128xf32, #tpu.memory_space<vmem>>, vector<16xf32>,
        tpu.vector_store %arg17[%swap3A_1044, %swap3A_1045], %get3A_1043 {strides = array<i32>} : memref<64x128xf32, #tpu.memory_space<vmem>>, vector<16xf32>,
        %mul3A_1047 = arith.constant 137 : i32
        %mul3A_1048 = arith.muli %add3A_1028, %mul3A_1047 : i32
        %add3A_1049 = arith.constant 32 : i32
        %add3A_1050 = arith.addi %mul3A_1048, %add3A_1049 : i32
        %get3A_1051 = arith.index_cast %add3A_1050 : i32 to index
        %get3A_1052 = tpu.vector_load %arg15[%get3A_1051] {strides = array<i32>} : memref<8768xf32, #tpu.memory_space<vmem>>, vector<16xf32>,
        %swap3A_1053 = arith.index_cast %add3A_1028 : i32 to index
        %swap3A_1054 = arith.constant 32 : index
        %swap3A_1055 = tpu.vector_load %arg17[%swap3A_1053, %swap3A_1054] {strides = array<i32>} : memref<64x128xf32, #tpu.memory_space<vmem>>, vector<16xf32>,
        tpu.vector_store %arg17[%swap3A_1053, %swap3A_1054], %get3A_1052 {strides = array<i32>} : memref<64x128xf32, #tpu.memory_space<vmem>>, vector<16xf32>,
        %mul3A_1056 = arith.constant 137 : i32
        %mul3A_1057 = arith.muli %add3A_1028, %mul3A_1056 : i32
        %add3A_1058 = arith.constant 48 : i32
        %add3A_1059 = arith.addi %mul3A_1057, %add3A_1058 : i32
        %get3A_1060 = arith.index_cast %add3A_1059 : i32 to index
        %get3A_1061 = tpu.vector_load %arg15[%get3A_1060] {strides = array<i32>} : memref<8768xf32, #tpu.memory_space<vmem>>, vector<16xf32>,
        %swap3A_1062 = arith.index_cast %add3A_1028 : i32 to index
        %swap3A_1063 = arith.constant 48 : index
        %swap3A_1064 = tpu.vector_load %arg17[%swap3A_1062, %swap3A_1063] {strides = array<i32>} : memref<64x128xf32, #tpu.memory_space<vmem>>, vector<16xf32>,
        tpu.vector_store %arg17[%swap3A_1062, %swap3A_1063], %get3A_1061 {strides = array<i32>} : memref<64x128xf32, #tpu.memory_space<vmem>>, vector<16xf32>,
        %mul3A_1065 = arith.constant 137 : i32
        %mul3A_1066 = arith.muli %add3A_1028, %mul3A_1065 : i32
        %add3A_1067 = arith.constant 64 : i32
        %add3A_1068 = arith.addi %mul3A_1066, %add3A_1067 : i32
        %get3A_1069 = arith.index_cast %add3A_1068 : i32 to index
        %get3A_1070 = tpu.vector_load %arg15[%get3A_1069] {strides = array<i32>} : memref<8768xf32, #tpu.memory_space<vmem>>, vector<16xf32>,
        %swap3A_1071 = arith.index_cast %add3A_1028 : i32 to index
        %swap3A_1072 = arith.constant 64 : index
        %swap3A_1073 = tpu.vector_load %arg17[%swap3A_1071, %swap3A_1072] {strides = array<i32>} : memref<64x128xf32, #tpu.memory_space<vmem>>, vector<16xf32>,
        tpu.vector_store %arg17[%swap3A_1071, %swap3A_1072], %get3A_1070 {strides = array<i32>} : memref<64x128xf32, #tpu.memory_space<vmem>>, vector<16xf32>,
        %mul3A_1074 = arith.constant 137 : i32
        %mul3A_1075 = arith.muli %add3A_1028, %mul3A_1074 : i32
        %add3A_1076 = arith.constant 80 : i32
        %add3A_1077 = arith.addi %mul3A_1075, %add3A_1076 : i32
        %get3A_1078 = arith.index_cast %add3A_1077 : i32 to index
        %get3A_1079 = tpu.vector_load %arg15[%get3A_1078] {strides = array<i32>} : memref<8768xf32, #tpu.memory_space<vmem>>, vector<16xf32>,
        %swap3A_1080 = arith.index_cast %add3A_1028 : i32 to index
        %swap3A_1081 = arith.constant 80 : index
        %swap3A_1082 = tpu.vector_load %arg17[%swap3A_1080, %swap3A_1081] {strides = array<i32>} : memref<64x128xf32, #tpu.memory_space<vmem>>, vector<16xf32>,
        tpu.vector_store %arg17[%swap3A_1080, %swap3A_1081], %get3A_1079 {strides = array<i32>} : memref<64x128xf32, #tpu.memory_space<vmem>>, vector<16xf32>,
        %mul3A_1083 = arith.constant 137 : i32
        %mul3A_1084 = arith.muli %add3A_1028, %mul3A_1083 : i32
        %add3A_1085 = arith.constant 96 : i32
        %add3A_1086 = arith.addi %mul3A_1084, %add3A_1085 : i32
        %get3A_1087 = arith.index_cast %add3A_1086 : i32 to index
        %get3A_1088 = tpu.vector_load %arg15[%get3A_1087] {strides = array<i32>} : memref<8768xf32, #tpu.memory_space<vmem>>, vector<16xf32>,
        %swap3A_1089 = arith.index_cast %add3A_1028 : i32 to index
        %swap3A_1090 = arith.constant 96 : index
        %swap3A_1091 = tpu.vector_load %arg17[%swap3A_1089, %swap3A_1090] {strides = array<i32>} : memref<64x128xf32, #tpu.memory_space<vmem>>, vector<16xf32>,
        tpu.vector_store %arg17[%swap3A_1089, %swap3A_1090], %get3A_1088 {strides = array<i32>} : memref<64x128xf32, #tpu.memory_space<vmem>>, vector<16xf32>,
        %mul3A_1092 = arith.constant 137 : i32
        %mul3A_1093 = arith.muli %add3A_1028, %mul3A_1092 : i32
        %add3A_1094 = arith.constant 112 : i32
        %add3A_1095 = arith.addi %mul3A_1093, %add3A_1094 : i32
        %get3A_1096 = arith.index_cast %add3A_1095 : i32 to index
        %get3A_1097 = tpu.vector_load %arg15[%get3A_1096] {strides = array<i32>} : memref<8768xf32, #tpu.memory_space<vmem>>, vector<16xf32>,
        %swap3A_1098 = arith.index_cast %add3A_1028 : i32 to index
        %swap3A_1099 = arith.constant 112 : index
        %swap3A_1100 = tpu.vector_load %arg17[%swap3A_1098, %swap3A_1099] {strides = array<i32>} : memref<64x128xf32, #tpu.memory_space<vmem>>, vector<16xf32>,
        tpu.vector_store %arg17[%swap3A_1098, %swap3A_1099], %get3A_1097 {strides = array<i32>} : memref<64x128xf32, #tpu.memory_space<vmem>>, vector<16xf32>,
        %scan3A_1101 = arith.constant 4 : i32
        %scan3A_1102 = arith.addi %scan3A_790, %scan3A_1101 : i32
        %mul3A_1103 = arith.constant 1 : i32
        %mul3A_1104 = arith.muli %scan3A_1102, %mul3A_1103 : i32
        %add3A_1105 = arith.constant 0 : i32
        %add3A_1106 = arith.addi %add3A_1105, %mul3A_1104 : i32
        %mul3A_1107 = arith.constant 137 : i32
        %mul3A_1108 = arith.muli %add3A_1106, %mul3A_1107 : i32
        %add3A_1109 = arith.constant 0 : i32
        %add3A_1110 = arith.addi %mul3A_1108, %add3A_1109 : i32
        %get3A_1111 = arith.index_cast %add3A_1110 : i32 to index
        %get3A_1112 = tpu.vector_load %arg15[%get3A_1111] {strides = array<i32>} : memref<8768xf32, #tpu.memory_space<vmem>>, vector<16xf32>,
        %swap3A_1113 = arith.index_cast %add3A_1106 : i32 to index
        %swap3A_1114 = arith.constant 0 : index
        %swap3A_1115 = tpu.vector_load %arg17[%swap3A_1113, %swap3A_1114] {strides = array<i32>} : memref<64x128xf32, #tpu.memory_space<vmem>>, vector<16xf32>,
        tpu.vector_store %arg17[%swap3A_1113, %swap3A_1114], %get3A_1112 {strides = array<i32>} : memref<64x128xf32, #tpu.memory_space<vmem>>, vector<16xf32>,
        %mul3A_1116 = arith.constant 137 : i32
        %mul3A_1117 = arith.muli %add3A_1106, %mul3A_1116 : i32
        %add3A_1118 = arith.constant 16 : i32
        %add3A_1119 = arith.addi %mul3A_1117, %add3A_1118 : i32
        %get3A_1120 = arith.index_cast %add3A_1119 : i32 to index
        %get3A_1121 = tpu.vector_load %arg15[%get3A_1120] {strides = array<i32>} : memref<8768xf32, #tpu.memory_space<vmem>>, vector<16xf32>,
        %swap3A_1122 = arith.index_cast %add3A_1106 : i32 to index
        %swap3A_1123 = arith.constant 16 : index
        %swap3A_1124 = tpu.vector_load %arg17[%swap3A_1122, %swap3A_1123] {strides = array<i32>} : memref<64x128xf32, #tpu.memory_space<vmem>>, vector<16xf32>,
        tpu.vector_store %arg17[%swap3A_1122, %swap3A_1123], %get3A_1121 {strides = array<i32>} : memref<64x128xf32, #tpu.memory_space<vmem>>, vector<16xf32>,
        %mul3A_1125 = arith.constant 137 : i32
        %mul3A_1126 = arith.muli %add3A_1106, %mul3A_1125 : i32
        %add3A_1127 = arith.constant 32 : i32
        %add3A_1128 = arith.addi %mul3A_1126, %add3A_1127 : i32
        %get3A_1129 = arith.index_cast %add3A_1128 : i32 to index
        %get3A_1130 = tpu.vector_load %arg15[%get3A_1129] {strides = array<i32>} : memref<8768xf32, #tpu.memory_space<vmem>>, vector<16xf32>,
        %swap3A_1131 = arith.index_cast %add3A_1106 : i32 to index
        %swap3A_1132 = arith.constant 32 : index
        %swap3A_1133 = tpu.vector_load %arg17[%swap3A_1131, %swap3A_1132] {strides = array<i32>} : memref<64x128xf32, #tpu.memory_space<vmem>>, vector<16xf32>,
        tpu.vector_store %arg17[%swap3A_1131, %swap3A_1132], %get3A_1130 {strides = array<i32>} : memref<64x128xf32, #tpu.memory_space<vmem>>, vector<16xf32>,
        %mul3A_1134 = arith.constant 137 : i32
        %mul3A_1135 = arith.muli %add3A_1106, %mul3A_1134 : i32
        %add3A_1136 = arith.constant 48 : i32
        %add3A_1137 = arith.addi %mul3A_1135, %add3A_1136 : i32
        %get3A_1138 = arith.index_cast %add3A_1137 : i32 to index
        %get3A_1139 = tpu.vector_load %arg15[%get3A_1138] {strides = array<i32>} : memref<8768xf32, #tpu.memory_space<vmem>>, vector<16xf32>,
        %swap3A_1140 = arith.index_cast %add3A_1106 : i32 to index
        %swap3A_1141 = arith.constant 48 : index
        %swap3A_1142 = tpu.vector_load %arg17[%swap3A_1140, %swap3A_1141] {strides = array<i32>} : memref<64x128xf32, #tpu.memory_space<vmem>>, vector<16xf32>,
        tpu.vector_store %arg17[%swap3A_1140, %swap3A_1141], %get3A_1139 {strides = array<i32>} : memref<64x128xf32, #tpu.memory_space<vmem>>, vector<16xf32>,
        %mul3A_1143 = arith.constant 137 : i32
        %mul3A_1144 = arith.muli %add3A_1106, %mul3A_1143 : i32
        %add3A_1145 = arith.constant 64 : i32
        %add3A_1146 = arith.addi %mul3A_1144, %add3A_1145 : i32
        %get3A_1147 = arith.index_cast %add3A_1146 : i32 to index
        %get3A_1148 = tpu.vector_load %arg15[%get3A_1147] {strides = array<i32>} : memref<8768xf32, #tpu.memory_space<vmem>>, vector<16xf32>,
        %swap3A_1149 = arith.index_cast %add3A_1106 : i32 to index
        %swap3A_1150 = arith.constant 64 : index
        %swap3A_1151 = tpu.vector_load %arg17[%swap3A_1149, %swap3A_1150] {strides = array<i32>} : memref<64x128xf32, #tpu.memory_space<vmem>>, vector<16xf32>,
        tpu.vector_store %arg17[%swap3A_1149, %swap3A_1150], %get3A_1148 {strides = array<i32>} : memref<64x128xf32, #tpu.memory_space<vmem>>, vector<16xf32>,
        %mul3A_1152 = arith.constant 137 : i32
        %mul3A_1153 = arith.muli %add3A_1106, %mul3A_1152 : i32
        %add3A_1154 = arith.constant 80 : i32
        %add3A_1155 = arith.addi %mul3A_1153, %add3A_1154 : i32
        %get3A_1156 = arith.index_cast %add3A_1155 : i32 to index
        %get3A_1157 = tpu.vector_load %arg15[%get3A_1156] {strides = array<i32>} : memref<8768xf32, #tpu.memory_space<vmem>>, vector<16xf32>,
        %swap3A_1158 = arith.index_cast %add3A_1106 : i32 to index
        %swap3A_1159 = arith.constant 80 : index
        %swap3A_1160 = tpu.vector_load %arg17[%swap3A_1158, %swap3A_1159] {strides = array<i32>} : memref<64x128xf32, #tpu.memory_space<vmem>>, vector<16xf32>,
        tpu.vector_store %arg17[%swap3A_1158, %swap3A_1159], %get3A_1157 {strides = array<i32>} : memref<64x128xf32, #tpu.memory_space<vmem>>, vector<16xf32>,
        %mul3A_1161 = arith.constant 137 : i32
        %mul3A_1162 = arith.muli %add3A_1106, %mul3A_1161 : i32
        %add3A_1163 = arith.constant 96 : i32
        %add3A_1164 = arith.addi %mul3A_1162, %add3A_1163 : i32
        %get3A_1165 = arith.index_cast %add3A_1164 : i32 to index
        %get3A_1166 = tpu.vector_load %arg15[%get3A_1165] {strides = array<i32>} : memref<8768xf32, #tpu.memory_space<vmem>>, vector<16xf32>,
        %swap3A_1167 = arith.index_cast %add3A_1106 : i32 to index
        %swap3A_1168 = arith.constant 96 : index
        %swap3A_1169 = tpu.vector_load %arg17[%swap3A_1167, %swap3A_1168] {strides = array<i32>} : memref<64x128xf32, #tpu.memory_space<vmem>>, vector<16xf32>,
        tpu.vector_store %arg17[%swap3A_1167, %swap3A_1168], %get3A_1166 {strides = array<i32>} : memref<64x128xf32, #tpu.memory_space<vmem>>, vector<16xf32>,
        %mul3A_1170 = arith.constant 137 : i32
        %mul3A_1171 = arith.muli %add3A_1106, %mul3A_1170 : i32
        %add3A_1172 = arith.constant 112 : i32
        %add3A_1173 = arith.addi %mul3A_1171, %add3A_1172 : i32
        %get3A_1174 = arith.index_cast %add3A_1173 : i32 to index
        %get3A_1175 = tpu.vector_load %arg15[%get3A_1174] {strides = array<i32>} : memref<8768xf32, #tpu.memory_space<vmem>>, vector<16xf32>,
        %swap3A_1176 = arith.index_cast %add3A_1106 : i32 to index
        %swap3A_1177 = arith.constant 112 : index
        %swap3A_1178 = tpu.vector_load %arg17[%swap3A_1176, %swap3A_1177] {strides = array<i32>} : memref<64x128xf32, #tpu.memory_space<vmem>>, vector<16xf32>,
        tpu.vector_store %arg17[%swap3A_1176, %swap3A_1177], %get3A_1175 {strides = array<i32>} : memref<64x128xf32, #tpu.memory_space<vmem>>, vector<16xf32>,
        %scan3A_1179 = arith.constant 5 : i32
        %scan3A_1180 = arith.addi %scan3A_790, %scan3A_1179 : i32
        %mul3A_1181 = arith.constant 1 : i32
        %mul3A_1182 = arith.muli %scan3A_1180, %mul3A_1181 : i32
        %add3A_1183 = arith.constant 0 : i32
        %add3A_1184 = arith.addi %add3A_1183, %mul3A_1182 : i32
        %mul3A_1185 = arith.constant 137 : i32
        %mul3A_1186 = arith.muli %add3A_1184, %mul3A_1185 : i32
        %add3A_1187 = arith.constant 0 : i32
        %add3A_1188 = arith.addi %mul3A_1186, %add3A_1187 : i32
        %get3A_1189 = arith.index_cast %add3A_1188 : i32 to index
        %get3A_1190 = tpu.vector_load %arg15[%get3A_1189] {strides = array<i32>} : memref<8768xf32, #tpu.memory_space<vmem>>, vector<16xf32>,
        %swap3A_1191 = arith.index_cast %add3A_1184 : i32 to index
        %swap3A_1192 = arith.constant 0 : index
        %swap3A_1193 = tpu.vector_load %arg17[%swap3A_1191, %swap3A_1192] {strides = array<i32>} : memref<64x128xf32, #tpu.memory_space<vmem>>, vector<16xf32>,
        tpu.vector_store %arg17[%swap3A_1191, %swap3A_1192], %get3A_1190 {strides = array<i32>} : memref<64x128xf32, #tpu.memory_space<vmem>>, vector<16xf32>,
        %mul3A_1194 = arith.constant 137 : i32
        %mul3A_1195 = arith.muli %add3A_1184, %mul3A_1194 : i32
        %add3A_1196 = arith.constant 16 : i32
        %add3A_1197 = arith.addi %mul3A_1195, %add3A_1196 : i32
        %get3A_1198 = arith.index_cast %add3A_1197 : i32 to index
        %get3A_1199 = tpu.vector_load %arg15[%get3A_1198] {strides = array<i32>} : memref<8768xf32, #tpu.memory_space<vmem>>, vector<16xf32>,
        %swap3A_1200 = arith.index_cast %add3A_1184 : i32 to index
        %swap3A_1201 = arith.constant 16 : index
        %swap3A_1202 = tpu.vector_load %arg17[%swap3A_1200, %swap3A_1201] {strides = array<i32>} : memref<64x128xf32, #tpu.memory_space<vmem>>, vector<16xf32>,
        tpu.vector_store %arg17[%swap3A_1200, %swap3A_1201], %get3A_1199 {strides = array<i32>} : memref<64x128xf32, #tpu.memory_space<vmem>>, vector<16xf32>,
        %mul3A_1203 = arith.constant 137 : i32
        %mul3A_1204 = arith.muli %add3A_1184, %mul3A_1203 : i32
        %add3A_1205 = arith.constant 32 : i32
        %add3A_1206 = arith.addi %mul3A_1204, %add3A_1205 : i32
        %get3A_1207 = arith.index_cast %add3A_1206 : i32 to index
        %get3A_1208 = tpu.vector_load %arg15[%get3A_1207] {strides = array<i32>} : memref<8768xf32, #tpu.memory_space<vmem>>, vector<16xf32>,
        %swap3A_1209 = arith.index_cast %add3A_1184 : i32 to index
        %swap3A_1210 = arith.constant 32 : index
        %swap3A_1211 = tpu.vector_load %arg17[%swap3A_1209, %swap3A_1210] {strides = array<i32>} : memref<64x128xf32, #tpu.memory_space<vmem>>, vector<16xf32>,
        tpu.vector_store %arg17[%swap3A_1209, %swap3A_1210], %get3A_1208 {strides = array<i32>} : memref<64x128xf32, #tpu.memory_space<vmem>>, vector<16xf32>,
        %mul3A_1212 = arith.constant 137 : i32
        %mul3A_1213 = arith.muli %add3A_1184, %mul3A_1212 : i32
        %add3A_1214 = arith.constant 48 : i32
        %add3A_1215 = arith.addi %mul3A_1213, %add3A_1214 : i32
        %get3A_1216 = arith.index_cast %add3A_1215 : i32 to index
        %get3A_1217 = tpu.vector_load %arg15[%get3A_1216] {strides = array<i32>} : memref<8768xf32, #tpu.memory_space<vmem>>, vector<16xf32>,
        %swap3A_1218 = arith.index_cast %add3A_1184 : i32 to index
        %swap3A_1219 = arith.constant 48 : index
        %swap3A_1220 = tpu.vector_load %arg17[%swap3A_1218, %swap3A_1219] {strides = array<i32>} : memref<64x128xf32, #tpu.memory_space<vmem>>, vector<16xf32>,
        tpu.vector_store %arg17[%swap3A_1218, %swap3A_1219], %get3A_1217 {strides = array<i32>} : memref<64x128xf32, #tpu.memory_space<vmem>>, vector<16xf32>,
        %mul3A_1221 = arith.constant 137 : i32
        %mul3A_1222 = arith.muli %add3A_1184, %mul3A_1221 : i32
        %add3A_1223 = arith.constant 64 : i32
        %add3A_1224 = arith.addi %mul3A_1222, %add3A_1223 : i32
        %get3A_1225 = arith.index_cast %add3A_1224 : i32 to index
        %get3A_1226 = tpu.vector_load %arg15[%get3A_1225] {strides = array<i32>} : memref<8768xf32, #tpu.memory_space<vmem>>, vector<16xf32>,
        %swap3A_1227 = arith.index_cast %add3A_1184 : i32 to index
        %swap3A_1228 = arith.constant 64 : index
        %swap3A_1229 = tpu.vector_load %arg17[%swap3A_1227, %swap3A_1228] {strides = array<i32>} : memref<64x128xf32, #tpu.memory_space<vmem>>, vector<16xf32>,
        tpu.vector_store %arg17[%swap3A_1227, %swap3A_1228], %get3A_1226 {strides = array<i32>} : memref<64x128xf32, #tpu.memory_space<vmem>>, vector<16xf32>,
        %mul3A_1230 = arith.constant 137 : i32
        %mul3A_1231 = arith.muli %add3A_1184, %mul3A_1230 : i32
        %add3A_1232 = arith.constant 80 : i32
        %add3A_1233 = arith.addi %mul3A_1231, %add3A_1232 : i32
        %get3A_1234 = arith.index_cast %add3A_1233 : i32 to index
        %get3A_1235 = tpu.vector_load %arg15[%get3A_1234] {strides = array<i32>} : memref<8768xf32, #tpu.memory_space<vmem>>, vector<16xf32>,
        %swap3A_1236 = arith.index_cast %add3A_1184 : i32 to index
        %swap3A_1237 = arith.constant 80 : index
        %swap3A_1238 = tpu.vector_load %arg17[%swap3A_1236, %swap3A_1237] {strides = array<i32>} : memref<64x128xf32, #tpu.memory_space<vmem>>, vector<16xf32>,
        tpu.vector_store %arg17[%swap3A_1236, %swap3A_1237], %get3A_1235 {strides = array<i32>} : memref<64x128xf32, #tpu.memory_space<vmem>>, vector<16xf32>,
        %mul3A_1239 = arith.constant 137 : i32
        %mul3A_1240 = arith.muli %add3A_1184, %mul3A_1239 : i32
        %add3A_1241 = arith.constant 96 : i32
        %add3A_1242 = arith.addi %mul3A_1240, %add3A_1241 : i32
        %get3A_1243 = arith.index_cast %add3A_1242 : i32 to index
        %get3A_1244 = tpu.vector_load %arg15[%get3A_1243] {strides = array<i32>} : memref<8768xf32, #tpu.memory_space<vmem>>, vector<16xf32>,
        %swap3A_1245 = arith.index_cast %add3A_1184 : i32 to index
        %swap3A_1246 = arith.constant 96 : index
        %swap3A_1247 = tpu.vector_load %arg17[%swap3A_1245, %swap3A_1246] {strides = array<i32>} : memref<64x128xf32, #tpu.memory_space<vmem>>, vector<16xf32>,
        tpu.vector_store %arg17[%swap3A_1245, %swap3A_1246], %get3A_1244 {strides = array<i32>} : memref<64x128xf32, #tpu.memory_space<vmem>>, vector<16xf32>,
        %mul3A_1248 = arith.constant 137 : i32
        %mul3A_1249 = arith.muli %add3A_1184, %mul3A_1248 : i32
        %add3A_1250 = arith.constant 112 : i32
        %add3A_1251 = arith.addi %mul3A_1249, %add3A_1250 : i32
        %get3A_1252 = arith.index_cast %add3A_1251 : i32 to index
        %get3A_1253 = tpu.vector_load %arg15[%get3A_1252] {strides = array<i32>} : memref<8768xf32, #tpu.memory_space<vmem>>, vector<16xf32>,
        %swap3A_1254 = arith.index_cast %add3A_1184 : i32 to index
        %swap3A_1255 = arith.constant 112 : index
        %swap3A_1256 = tpu.vector_load %arg17[%swap3A_1254, %swap3A_1255] {strides = array<i32>} : memref<64x128xf32, #tpu.memory_space<vmem>>, vector<16xf32>,
        tpu.vector_store %arg17[%swap3A_1254, %swap3A_1255], %get3A_1253 {strides = array<i32>} : memref<64x128xf32, #tpu.memory_space<vmem>>, vector<16xf32>,
        %scan3A_1257 = arith.constant 6 : i32
        %scan3A_1258 = arith.addi %scan3A_790, %scan3A_1257 : i32
        %mul3A_1259 = arith.constant 1 : i32
        %mul3A_1260 = arith.muli %scan3A_1258, %mul3A_1259 : i32
        %add3A_1261 = arith.constant 0 : i32
        %add3A_1262 = arith.addi %add3A_1261, %mul3A_1260 : i32
        %mul3A_1263 = arith.constant 137 : i32
        %mul3A_1264 = arith.muli %add3A_1262, %mul3A_1263 : i32
        %add3A_1265 = arith.constant 0 : i32
        %add3A_1266 = arith.addi %mul3A_1264, %add3A_1265 : i32
        %get3A_1267 = arith.index_cast %add3A_1266 : i32 to index
        %get3A_1268 = tpu.vector_load %arg15[%get3A_1267] {strides = array<i32>} : memref<8768xf32, #tpu.memory_space<vmem>>, vector<16xf32>,
        %swap3A_1269 = arith.index_cast %add3A_1262 : i32 to index
        %swap3A_1270 = arith.constant 0 : index
        %swap3A_1271 = tpu.vector_load %arg17[%swap3A_1269, %swap3A_1270] {strides = array<i32>} : memref<64x128xf32, #tpu.memory_space<vmem>>, vector<16xf32>,
        tpu.vector_store %arg17[%swap3A_1269, %swap3A_1270], %get3A_1268 {strides = array<i32>} : memref<64x128xf32, #tpu.memory_space<vmem>>, vector<16xf32>,
        %mul3A_1272 = arith.constant 137 : i32
        %mul3A_1273 = arith.muli %add3A_1262, %mul3A_1272 : i32
        %add3A_1274 = arith.constant 16 : i32
        %add3A_1275 = arith.addi %mul3A_1273, %add3A_1274 : i32
        %get3A_1276 = arith.index_cast %add3A_1275 : i32 to index
        %get3A_1277 = tpu.vector_load %arg15[%get3A_1276] {strides = array<i32>} : memref<8768xf32, #tpu.memory_space<vmem>>, vector<16xf32>,
        %swap3A_1278 = arith.index_cast %add3A_1262 : i32 to index
        %swap3A_1279 = arith.constant 16 : index
        %swap3A_1280 = tpu.vector_load %arg17[%swap3A_1278, %swap3A_1279] {strides = array<i32>} : memref<64x128xf32, #tpu.memory_space<vmem>>, vector<16xf32>,
        tpu.vector_store %arg17[%swap3A_1278, %swap3A_1279], %get3A_1277 {strides = array<i32>} : memref<64x128xf32, #tpu.memory_space<vmem>>, vector<16xf32>,
        %mul3A_1281 = arith.constant 137 : i32
        %mul3A_1282 = arith.muli %add3A_1262, %mul3A_1281 : i32
        %add3A_1283 = arith.constant 32 : i32
        %add3A_1284 = arith.addi %mul3A_1282, %add3A_1283 : i32
        %get3A_1285 = arith.index_cast %add3A_1284 : i32 to index
        %get3A_1286 = tpu.vector_load %arg15[%get3A_1285] {strides = array<i32>} : memref<8768xf32, #tpu.memory_space<vmem>>, vector<16xf32>,
        %swap3A_1287 = arith.index_cast %add3A_1262 : i32 to index
        %swap3A_1288 = arith.constant 32 : index
        %swap3A_1289 = tpu.vector_load %arg17[%swap3A_1287, %swap3A_1288] {strides = array<i32>} : memref<64x128xf32, #tpu.memory_space<vmem>>, vector<16xf32>,
        tpu.vector_store %arg17[%swap3A_1287, %swap3A_1288], %get3A_1286 {strides = array<i32>} : memref<64x128xf32, #tpu.memory_space<vmem>>, vector<16xf32>,
        %mul3A_1290 = arith.constant 137 : i32
        %mul3A_1291 = arith.muli %add3A_1262, %mul3A_1290 : i32
        %add3A_1292 = arith.constant 48 : i32
        %add3A_1293 = arith.addi %mul3A_1291, %add3A_1292 : i32
        %get3A_1294 = arith.index_cast %add3A_1293 : i32 to index
        %get3A_1295 = tpu.vector_load %arg15[%get3A_1294] {strides = array<i32>} : memref<8768xf32, #tpu.memory_space<vmem>>, vector<16xf32>,
        %swap3A_1296 = arith.index_cast %add3A_1262 : i32 to index
        %swap3A_1297 = arith.constant 48 : index
        %swap3A_1298 = tpu.vector_load %arg17[%swap3A_1296, %swap3A_1297] {strides = array<i32>} : memref<64x128xf32, #tpu.memory_space<vmem>>, vector<16xf32>,
        tpu.vector_store %arg17[%swap3A_1296, %swap3A_1297], %get3A_1295 {strides = array<i32>} : memref<64x128xf32, #tpu.memory_space<vmem>>, vector<16xf32>,
        %mul3A_1299 = arith.constant 137 : i32
        %mul3A_1300 = arith.muli %add3A_1262, %mul3A_1299 : i32
        %add3A_1301 = arith.constant 64 : i32
        %add3A_1302 = arith.addi %mul3A_1300, %add3A_1301 : i32
        %get3A_1303 = arith.index_cast %add3A_1302 : i32 to index
        %get3A_1304 = tpu.vector_load %arg15[%get3A_1303] {strides = array<i32>} : memref<8768xf32, #tpu.memory_space<vmem>>, vector<16xf32>,
        %swap3A_1305 = arith.index_cast %add3A_1262 : i32 to index
        %swap3A_1306 = arith.constant 64 : index
        %swap3A_1307 = tpu.vector_load %arg17[%swap3A_1305, %swap3A_1306] {strides = array<i32>} : memref<64x128xf32, #tpu.memory_space<vmem>>, vector<16xf32>,
        tpu.vector_store %arg17[%swap3A_1305, %swap3A_1306], %get3A_1304 {strides = array<i32>} : memref<64x128xf32, #tpu.memory_space<vmem>>, vector<16xf32>,
        %mul3A_1308 = arith.constant 137 : i32
        %mul3A_1309 = arith.muli %add3A_1262, %mul3A_1308 : i32
        %add3A_1310 = arith.constant 80 : i32
        %add3A_1311 = arith.addi %mul3A_1309, %add3A_1310 : i32
        %get3A_1312 = arith.index_cast %add3A_1311 : i32 to index
        %get3A_1313 = tpu.vector_load %arg15[%get3A_1312] {strides = array<i32>} : memref<8768xf32, #tpu.memory_space<vmem>>, vector<16xf32>,
        %swap3A_1314 = arith.index_cast %add3A_1262 : i32 to index
        %swap3A_1315 = arith.constant 80 : index
        %swap3A_1316 = tpu.vector_load %arg17[%swap3A_1314, %swap3A_1315] {strides = array<i32>} : memref<64x128xf32, #tpu.memory_space<vmem>>, vector<16xf32>,
        tpu.vector_store %arg17[%swap3A_1314, %swap3A_1315], %get3A_1313 {strides = array<i32>} : memref<64x128xf32, #tpu.memory_space<vmem>>, vector<16xf32>,
        %mul3A_1317 = arith.constant 137 : i32
        %mul3A_1318 = arith.muli %add3A_1262, %mul3A_1317 : i32
        %add3A_1319 = arith.constant 96 : i32
        %add3A_1320 = arith.addi %mul3A_1318, %add3A_1319 : i32
        %get3A_1321 = arith.index_cast %add3A_1320 : i32 to index
        %get3A_1322 = tpu.vector_load %arg15[%get3A_1321] {strides = array<i32>} : memref<8768xf32, #tpu.memory_space<vmem>>, vector<16xf32>,
        %swap3A_1323 = arith.index_cast %add3A_1262 : i32 to index
        %swap3A_1324 = arith.constant 96 : index
        %swap3A_1325 = tpu.vector_load %arg17[%swap3A_1323, %swap3A_1324] {strides = array<i32>} : memref<64x128xf32, #tpu.memory_space<vmem>>, vector<16xf32>,
        tpu.vector_store %arg17[%swap3A_1323, %swap3A_1324], %get3A_1322 {strides = array<i32>} : memref<64x128xf32, #tpu.memory_space<vmem>>, vector<16xf32>,
        %mul3A_1326 = arith.constant 137 : i32
        %mul3A_1327 = arith.muli %add3A_1262, %mul3A_1326 : i32
        %add3A_1328 = arith.constant 112 : i32
        %add3A_1329 = arith.addi %mul3A_1327, %add3A_1328 : i32
        %get3A_1330 = arith.index_cast %add3A_1329 : i32 to index
        %get3A_1331 = tpu.vector_load %arg15[%get3A_1330] {strides = array<i32>} : memref<8768xf32, #tpu.memory_space<vmem>>, vector<16xf32>,
        %swap3A_1332 = arith.index_cast %add3A_1262 : i32 to index
        %swap3A_1333 = arith.constant 112 : index
        %swap3A_1334 = tpu.vector_load %arg17[%swap3A_1332, %swap3A_1333] {strides = array<i32>} : memref<64x128xf32, #tpu.memory_space<vmem>>, vector<16xf32>,
        tpu.vector_store %arg17[%swap3A_1332, %swap3A_1333], %get3A_1331 {strides = array<i32>} : memref<64x128xf32, #tpu.memory_space<vmem>>, vector<16xf32>,
        %scan3A_1335 = arith.constant 7 : i32
        %scan3A_1336 = arith.addi %scan3A_790, %scan3A_1335 : i32
        %mul3A_1337 = arith.constant 1 : i32
        %mul3A_1338 = arith.muli %scan3A_1336, %mul3A_1337 : i32
        %add3A_1339 = arith.constant 0 : i32
        %add3A_1340 = arith.addi %add3A_1339, %mul3A_1338 : i32
        %mul3A_1341 = arith.constant 137 : i32
        %mul3A_1342 = arith.muli %add3A_1340, %mul3A_1341 : i32
        %add3A_1343 = arith.constant 0 : i32
        %add3A_1344 = arith.addi %mul3A_1342, %add3A_1343 : i32
        %get3A_1345 = arith.index_cast %add3A_1344 : i32 to index
        %get3A_1346 = tpu.vector_load %arg15[%get3A_1345] {strides = array<i32>} : memref<8768xf32, #tpu.memory_space<vmem>>, vector<16xf32>,
        %swap3A_1347 = arith.index_cast %add3A_1340 : i32 to index
        %swap3A_1348 = arith.constant 0 : index
        %swap3A_1349 = tpu.vector_load %arg17[%swap3A_1347, %swap3A_1348] {strides = array<i32>} : memref<64x128xf32, #tpu.memory_space<vmem>>, vector<16xf32>,
        tpu.vector_store %arg17[%swap3A_1347, %swap3A_1348], %get3A_1346 {strides = array<i32>} : memref<64x128xf32, #tpu.memory_space<vmem>>, vector<16xf32>,
        %mul3A_1350 = arith.constant 137 : i32
        %mul3A_1351 = arith.muli %add3A_1340, %mul3A_1350 : i32
        %add3A_1352 = arith.constant 16 : i32
        %add3A_1353 = arith.addi %mul3A_1351, %add3A_1352 : i32
        %get3A_1354 = arith.index_cast %add3A_1353 : i32 to index
        %get3A_1355 = tpu.vector_load %arg15[%get3A_1354] {strides = array<i32>} : memref<8768xf32, #tpu.memory_space<vmem>>, vector<16xf32>,
        %swap3A_1356 = arith.index_cast %add3A_1340 : i32 to index
        %swap3A_1357 = arith.constant 16 : index
        %swap3A_1358 = tpu.vector_load %arg17[%swap3A_1356, %swap3A_1357] {strides = array<i32>} : memref<64x128xf32, #tpu.memory_space<vmem>>, vector<16xf32>,
        tpu.vector_store %arg17[%swap3A_1356, %swap3A_1357], %get3A_1355 {strides = array<i32>} : memref<64x128xf32, #tpu.memory_space<vmem>>, vector<16xf32>,
        %mul3A_1359 = arith.constant 137 : i32
        %mul3A_1360 = arith.muli %add3A_1340, %mul3A_1359 : i32
        %add3A_1361 = arith.constant 32 : i32
        %add3A_1362 = arith.addi %mul3A_1360, %add3A_1361 : i32
        %get3A_1363 = arith.index_cast %add3A_1362 : i32 to index
        %get3A_1364 = tpu.vector_load %arg15[%get3A_1363] {strides = array<i32>} : memref<8768xf32, #tpu.memory_space<vmem>>, vector<16xf32>,
        %swap3A_1365 = arith.index_cast %add3A_1340 : i32 to index
        %swap3A_1366 = arith.constant 32 : index
        %swap3A_1367 = tpu.vector_load %arg17[%swap3A_1365, %swap3A_1366] {strides = array<i32>} : memref<64x128xf32, #tpu.memory_space<vmem>>, vector<16xf32>,
        tpu.vector_store %arg17[%swap3A_1365, %swap3A_1366], %get3A_1364 {strides = array<i32>} : memref<64x128xf32, #tpu.memory_space<vmem>>, vector<16xf32>,
        %mul3A_1368 = arith.constant 137 : i32
        %mul3A_1369 = arith.muli %add3A_1340, %mul3A_1368 : i32
        %add3A_1370 = arith.constant 48 : i32
        %add3A_1371 = arith.addi %mul3A_1369, %add3A_1370 : i32
        %get3A_1372 = arith.index_cast %add3A_1371 : i32 to index
        %get3A_1373 = tpu.vector_load %arg15[%get3A_1372] {strides = array<i32>} : memref<8768xf32, #tpu.memory_space<vmem>>, vector<16xf32>,
        %swap3A_1374 = arith.index_cast %add3A_1340 : i32 to index
        %swap3A_1375 = arith.constant 48 : index
        %swap3A_1376 = tpu.vector_load %arg17[%swap3A_1374, %swap3A_1375] {strides = array<i32>} : memref<64x128xf32, #tpu.memory_space<vmem>>, vector<16xf32>,
        tpu.vector_store %arg17[%swap3A_1374, %swap3A_1375], %get3A_1373 {strides = array<i32>} : memref<64x128xf32, #tpu.memory_space<vmem>>, vector<16xf32>,
        %mul3A_1377 = arith.constant 137 : i32
        %mul3A_1378 = arith.muli %add3A_1340, %mul3A_1377 : i32
        %add3A_1379 = arith.constant 64 : i32
        %add3A_1380 = arith.addi %mul3A_1378, %add3A_1379 : i32
        %get3A_1381 = arith.index_cast %add3A_1380 : i32 to index
        %get3A_1382 = tpu.vector_load %arg15[%get3A_1381] {strides = array<i32>} : memref<8768xf32, #tpu.memory_space<vmem>>, vector<16xf32>,
        %swap3A_1383 = arith.index_cast %add3A_1340 : i32 to index
        %swap3A_1384 = arith.constant 64 : index
        %swap3A_1385 = tpu.vector_load %arg17[%swap3A_1383, %swap3A_1384] {strides = array<i32>} : memref<64x128xf32, #tpu.memory_space<vmem>>, vector<16xf32>,
        tpu.vector_store %arg17[%swap3A_1383, %swap3A_1384], %get3A_1382 {strides = array<i32>} : memref<64x128xf32, #tpu.memory_space<vmem>>, vector<16xf32>,
        %mul3A_1386 = arith.constant 137 : i32
        %mul3A_1387 = arith.muli %add3A_1340, %mul3A_1386 : i32
        %add3A_1388 = arith.constant 80 : i32
        %add3A_1389 = arith.addi %mul3A_1387, %add3A_1388 : i32
        %get3A_1390 = arith.index_cast %add3A_1389 : i32 to index
        %get3A_1391 = tpu.vector_load %arg15[%get3A_1390] {strides = array<i32>} : memref<8768xf32, #tpu.memory_space<vmem>>, vector<16xf32>,
        %swap3A_1392 = arith.index_cast %add3A_1340 : i32 to index
        %swap3A_1393 = arith.constant 80 : index
        %swap3A_1394 = tpu.vector_load %arg17[%swap3A_1392, %swap3A_1393] {strides = array<i32>} : memref<64x128xf32, #tpu.memory_space<vmem>>, vector<16xf32>,
        tpu.vector_store %arg17[%swap3A_1392, %swap3A_1393], %get3A_1391 {strides = array<i32>} : memref<64x128xf32, #tpu.memory_space<vmem>>, vector<16xf32>,
        %mul3A_1395 = arith.constant 137 : i32
        %mul3A_1396 = arith.muli %add3A_1340, %mul3A_1395 : i32
        %add3A_1397 = arith.constant 96 : i32
        %add3A_1398 = arith.addi %mul3A_1396, %add3A_1397 : i32
        %get3A_1399 = arith.index_cast %add3A_1398 : i32 to index
        %get3A_1400 = tpu.vector_load %arg15[%get3A_1399] {strides = array<i32>} : memref<8768xf32, #tpu.memory_space<vmem>>, vector<16xf32>,
        %swap3A_1401 = arith.index_cast %add3A_1340 : i32 to index
        %swap3A_1402 = arith.constant 96 : index
        %swap3A_1403 = tpu.vector_load %arg17[%swap3A_1401, %swap3A_1402] {strides = array<i32>} : memref<64x128xf32, #tpu.memory_space<vmem>>, vector<16xf32>,
        tpu.vector_store %arg17[%swap3A_1401, %swap3A_1402], %get3A_1400 {strides = array<i32>} : memref<64x128xf32, #tpu.memory_space<vmem>>, vector<16xf32>,
        %mul3A_1404 = arith.constant 137 : i32
        %mul3A_1405 = arith.muli %add3A_1340, %mul3A_1404 : i32
        %add3A_1406 = arith.constant 112 : i32
        %add3A_1407 = arith.addi %mul3A_1405, %add3A_1406 : i32
        %get3A_1408 = arith.index_cast %add3A_1407 : i32 to index
        %get3A_1409 = tpu.vector_load %arg15[%get3A_1408] {strides = array<i32>} : memref<8768xf32, #tpu.memory_space<vmem>>, vector<16xf32>,
        %swap3A_1410 = arith.index_cast %add3A_1340 : i32 to index
        %swap3A_1411 = arith.constant 112 : index
        %swap3A_1412 = tpu.vector_load %arg17[%swap3A_1410, %swap3A_1411] {strides = array<i32>} : memref<64x128xf32, #tpu.memory_space<vmem>>, vector<16xf32>,
        tpu.vector_store %arg17[%swap3A_1410, %swap3A_1411], %get3A_1409 {strides = array<i32>} : memref<64x128xf32, #tpu.memory_space<vmem>>, vector<16xf32>,
      }
      %scan3A_673 = arith.constant 64 : i32
      %shift_right_arithmetic3A_674 = arith.constant 5 : i32
      %shift_right_arithmetic3A_675 = arith.shrsi %add3A_625, %shift_right_arithmetic3A_674 : i32
      %and3A_676 = arith.constant 31 : i32
      %and3A_677 = arith.andi %add3A_625, %and3A_676 : i32
      %mul3A_678 = arith.constant 128 : i32
      %mul3A_679 = arith.muli %and3A_677, %mul3A_678 : i32
      %mul3A_680 = arith.constant 128 : i32
      %mul3A_681 = arith.muli %and3A_677, %mul3A_680 : i32
      %mul3A_682 = arith.constant 128 : i32
      %mul3A_683 = arith.muli %and3A_677, %mul3A_682 : i32
      %mul3A_684 = arith.constant 128 : i32
      %mul3A_685 = arith.muli %and3A_677, %mul3A_684 : i32
      %mul3A_686 = arith.constant 128 : i32
      %mul3A_687 = arith.muli %and3A_677, %mul3A_686 : i32
      %mul3A_688 = arith.constant 128 : i32
      %mul3A_689 = arith.muli %and3A_677, %mul3A_688 : i32
      %mul3A_690 = arith.constant 128 : i32
      %mul3A_691 = arith.muli %and3A_677, %mul3A_690 : i32
      %mul3A_692 = arith.constant 128 : i32
      %mul3A_693 = arith.muli %and3A_677, %mul3A_692 : i32
      %dma_start3A_694 = arith.constant 0 : i32
      %dma_start3A_695 = arith.constant 0 : i32
      %dma_start3A_696 = tpu.memref_slice %arg17[%dma_start3A_694, %dma_start3A_695] : memref<64x128xf32, #tpu.memory_space<vmem>> -> memref<8x128xf32, #tpu.memory_space<vmem>>
      %dma_start3A_697 = arith.constant 0 : i32
      %dma_start3A_698 = tpu.memref_slice %arg5[%shift_right_arithmetic3A_675, %dma_start3A_697, %mul3A_679] : memref<200x64x4096xf32, #tpu.memory_space<hbm>> -> memref<1x8x128xf32, #tpu.memory_space<hbm>>
      %dma_start3A_699 = tpu.memref_squeeze %dma_start3A_698 : memref<1x8x128xf32, #tpu.memory_space<hbm>> -> memref<8x128xf32, #tpu.memory_space<hbm>>
      %dma_start3A_700 = arith.constant 0 : i32
      %dma_start3A_701 = tpu.memref_slice %arg5[%shift_right_arithmetic3A_675, %dma_start3A_700, %mul3A_679] : memref<200x64x4096xf32, #tpu.memory_space<hbm>> -> memref<1x8x128xf32, #tpu.memory_space<hbm>>
      %dma_start3A_702 = tpu.memref_squeeze %dma_start3A_701 : memref<1x8x128xf32, #tpu.memory_space<hbm>> -> memref<8x128xf32, #tpu.memory_space<hbm>>
      %dma_start3A_703 = arith.constant 0 : i32
      %dma_start3A_704 = arith.constant 0 : i32
      %dma_start3A_705 = tpu.memref_slice %arg17[%dma_start3A_703, %dma_start3A_704] : memref<64x128xf32, #tpu.memory_space<vmem>> -> memref<8x128xf32, #tpu.memory_space<vmem>>
      tpu.enqueue_dma source(%dma_start3A_705 : memref<8x128xf32, #tpu.memory_space<vmem>>) target(%dma_start3A_702 : memref<8x128xf32, #tpu.memory_space<hbm>>) target_semaphore(%arg23 : memref<!tpu.dma_semaphore, #tpu.memory_space<semaphore_mem>>)
      %dma_start3A_706 = arith.constant 8 : i32
      %dma_start3A_707 = arith.constant 0 : i32
      %dma_start3A_708 = tpu.memref_slice %arg17[%dma_start3A_706, %dma_start3A_707] : memref<64x128xf32, #tpu.memory_space<vmem>> -> memref<8x128xf32, #tpu.memory_space<vmem>>
      %dma_start3A_709 = arith.constant 8 : i32
      %dma_start3A_710 = tpu.memref_slice %arg5[%shift_right_arithmetic3A_675, %dma_start3A_709, %mul3A_681] : memref<200x64x4096xf32, #tpu.memory_space<hbm>> -> memref<1x8x128xf32, #tpu.memory_space<hbm>>
      %dma_start3A_711 = tpu.memref_squeeze %dma_start3A_710 : memref<1x8x128xf32, #tpu.memory_space<hbm>> -> memref<8x128xf32, #tpu.memory_space<hbm>>
      %dma_start3A_712 = arith.constant 8 : i32
      %dma_start3A_713 = tpu.memref_slice %arg5[%shift_right_arithmetic3A_675, %dma_start3A_712, %mul3A_681] : memref<200x64x4096xf32, #tpu.memory_space<hbm>> -> memref<1x8x128xf32, #tpu.memory_space<hbm>>
      %dma_start3A_714 = tpu.memref_squeeze %dma_start3A_713 : memref<1x8x128xf32, #tpu.memory_space<hbm>> -> memref<8x128xf32, #tpu.memory_space<hbm>>
      %dma_start3A_715 = arith.constant 8 : i32
      %dma_start3A_716 = arith.constant 0 : i32
      %dma_start3A_717 = tpu.memref_slice %arg17[%dma_start3A_715, %dma_start3A_716] : memref<64x128xf32, #tpu.memory_space<vmem>> -> memref<8x128xf32, #tpu.memory_space<vmem>>
      tpu.enqueue_dma source(%dma_start3A_717 : memref<8x128xf32, #tpu.memory_space<vmem>>) target(%dma_start3A_714 : memref<8x128xf32, #tpu.memory_space<hbm>>) target_semaphore(%arg23 : memref<!tpu.dma_semaphore, #tpu.memory_space<semaphore_mem>>)
      %dma_start3A_718 = arith.constant 16 : i32
      %dma_start3A_719 = arith.constant 0 : i32
      %dma_start3A_720 = tpu.memref_slice %arg17[%dma_start3A_718, %dma_start3A_719] : memref<64x128xf32, #tpu.memory_space<vmem>> -> memref<8x128xf32, #tpu.memory_space<vmem>>
      %dma_start3A_721 = arith.constant 16 : i32
      %dma_start3A_722 = tpu.memref_slice %arg5[%shift_right_arithmetic3A_675, %dma_start3A_721, %mul3A_683] : memref<200x64x4096xf32, #tpu.memory_space<hbm>> -> memref<1x8x128xf32, #tpu.memory_space<hbm>>
      %dma_start3A_723 = tpu.memref_squeeze %dma_start3A_722 : memref<1x8x128xf32, #tpu.memory_space<hbm>> -> memref<8x128xf32, #tpu.memory_space<hbm>>
      %dma_start3A_724 = arith.constant 16 : i32
      %dma_start3A_725 = tpu.memref_slice %arg5[%shift_right_arithmetic3A_675, %dma_start3A_724, %mul3A_683] : memref<200x64x4096xf32, #tpu.memory_space<hbm>> -> memref<1x8x128xf32, #tpu.memory_space<hbm>>
      %dma_start3A_726 = tpu.memref_squeeze %dma_start3A_725 : memref<1x8x128xf32, #tpu.memory_space<hbm>> -> memref<8x128xf32, #tpu.memory_space<hbm>>
      %dma_start3A_727 = arith.constant 16 : i32
      %dma_start3A_728 = arith.constant 0 : i32
      %dma_start3A_729 = tpu.memref_slice %arg17[%dma_start3A_727, %dma_start3A_728] : memref<64x128xf32, #tpu.memory_space<vmem>> -> memref<8x128xf32, #tpu.memory_space<vmem>>
      tpu.enqueue_dma source(%dma_start3A_729 : memref<8x128xf32, #tpu.memory_space<vmem>>) target(%dma_start3A_726 : memref<8x128xf32, #tpu.memory_space<hbm>>) target_semaphore(%arg23 : memref<!tpu.dma_semaphore, #tpu.memory_space<semaphore_mem>>)
      %dma_start3A_730 = arith.constant 24 : i32
      %dma_start3A_731 = arith.constant 0 : i32
      %dma_start3A_732 = tpu.memref_slice %arg17[%dma_start3A_730, %dma_start3A_731] : memref<64x128xf32, #tpu.memory_space<vmem>> -> memref<8x128xf32, #tpu.memory_space<vmem>>
      %dma_start3A_733 = arith.constant 24 : i32
      %dma_start3A_734 = tpu.memref_slice %arg5[%shift_right_arithmetic3A_675, %dma_start3A_733, %mul3A_685] : memref<200x64x4096xf32, #tpu.memory_space<hbm>> -> memref<1x8x128xf32, #tpu.memory_space<hbm>>
      %dma_start3A_735 = tpu.memref_squeeze %dma_start3A_734 : memref<1x8x128xf32, #tpu.memory_space<hbm>> -> memref<8x128xf32, #tpu.memory_space<hbm>>
      %dma_start3A_736 = arith.constant 24 : i32
      %dma_start3A_737 = tpu.memref_slice %arg5[%shift_right_arithmetic3A_675, %dma_start3A_736, %mul3A_685] : memref<200x64x4096xf32, #tpu.memory_space<hbm>> -> memref<1x8x128xf32, #tpu.memory_space<hbm>>
      %dma_start3A_738 = tpu.memref_squeeze %dma_start3A_737 : memref<1x8x128xf32, #tpu.memory_space<hbm>> -> memref<8x128xf32, #tpu.memory_space<hbm>>
      %dma_start3A_739 = arith.constant 24 : i32
      %dma_start3A_740 = arith.constant 0 : i32
      %dma_start3A_741 = tpu.memref_slice %arg17[%dma_start3A_739, %dma_start3A_740] : memref<64x128xf32, #tpu.memory_space<vmem>> -> memref<8x128xf32, #tpu.memory_space<vmem>>
      tpu.enqueue_dma source(%dma_start3A_741 : memref<8x128xf32, #tpu.memory_space<vmem>>) target(%dma_start3A_738 : memref<8x128xf32, #tpu.memory_space<hbm>>) target_semaphore(%arg23 : memref<!tpu.dma_semaphore, #tpu.memory_space<semaphore_mem>>)
      %dma_start3A_742 = arith.constant 32 : i32
      %dma_start3A_743 = arith.constant 0 : i32
      %dma_start3A_744 = tpu.memref_slice %arg17[%dma_start3A_742, %dma_start3A_743] : memref<64x128xf32, #tpu.memory_space<vmem>> -> memref<8x128xf32, #tpu.memory_space<vmem>>
      %dma_start3A_745 = arith.constant 32 : i32
      %dma_start3A_746 = tpu.memref_slice %arg5[%shift_right_arithmetic3A_675, %dma_start3A_745, %mul3A_687] : memref<200x64x4096xf32, #tpu.memory_space<hbm>> -> memref<1x8x128xf32, #tpu.memory_space<hbm>>
      %dma_start3A_747 = tpu.memref_squeeze %dma_start3A_746 : memref<1x8x128xf32, #tpu.memory_space<hbm>> -> memref<8x128xf32, #tpu.memory_space<hbm>>
      %dma_start3A_748 = arith.constant 32 : i32
      %dma_start3A_749 = tpu.memref_slice %arg5[%shift_right_arithmetic3A_675, %dma_start3A_748, %mul3A_687] : memref<200x64x4096xf32, #tpu.memory_space<hbm>> -> memref<1x8x128xf32, #tpu.memory_space<hbm>>
      %dma_start3A_750 = tpu.memref_squeeze %dma_start3A_749 : memref<1x8x128xf32, #tpu.memory_space<hbm>> -> memref<8x128xf32, #tpu.memory_space<hbm>>
      %dma_start3A_751 = arith.constant 32 : i32
      %dma_start3A_752 = arith.constant 0 : i32
      %dma_start3A_753 = tpu.memref_slice %arg17[%dma_start3A_751, %dma_start3A_752] : memref<64x128xf32, #tpu.memory_space<vmem>> -> memref<8x128xf32, #tpu.memory_space<vmem>>
      tpu.enqueue_dma source(%dma_start3A_753 : memref<8x128xf32, #tpu.memory_space<vmem>>) target(%dma_start3A_750 : memref<8x128xf32, #tpu.memory_space<hbm>>) target_semaphore(%arg23 : memref<!tpu.dma_semaphore, #tpu.memory_space<semaphore_mem>>)
      %dma_start3A_754 = arith.constant 40 : i32
      %dma_start3A_755 = arith.constant 0 : i32
      %dma_start3A_756 = tpu.memref_slice %arg17[%dma_start3A_754, %dma_start3A_755] : memref<64x128xf32, #tpu.memory_space<vmem>> -> memref<8x128xf32, #tpu.memory_space<vmem>>
      %dma_start3A_757 = arith.constant 40 : i32
      %dma_start3A_758 = tpu.memref_slice %arg5[%shift_right_arithmetic3A_675, %dma_start3A_757, %mul3A_689] : memref<200x64x4096xf32, #tpu.memory_space<hbm>> -> memref<1x8x128xf32, #tpu.memory_space<hbm>>
      %dma_start3A_759 = tpu.memref_squeeze %dma_start3A_758 : memref<1x8x128xf32, #tpu.memory_space<hbm>> -> memref<8x128xf32, #tpu.memory_space<hbm>>
      %dma_start3A_760 = arith.constant 40 : i32
      %dma_start3A_761 = tpu.memref_slice %arg5[%shift_right_arithmetic3A_675, %dma_start3A_760, %mul3A_689] : memref<200x64x4096xf32, #tpu.memory_space<hbm>> -> memref<1x8x128xf32, #tpu.memory_space<hbm>>
      %dma_start3A_762 = tpu.memref_squeeze %dma_start3A_761 : memref<1x8x128xf32, #tpu.memory_space<hbm>> -> memref<8x128xf32, #tpu.memory_space<hbm>>
      %dma_start3A_763 = arith.constant 40 : i32
      %dma_start3A_764 = arith.constant 0 : i32
      %dma_start3A_765 = tpu.memref_slice %arg17[%dma_start3A_763, %dma_start3A_764] : memref<64x128xf32, #tpu.memory_space<vmem>> -> memref<8x128xf32, #tpu.memory_space<vmem>>
      tpu.enqueue_dma source(%dma_start3A_765 : memref<8x128xf32, #tpu.memory_space<vmem>>) target(%dma_start3A_762 : memref<8x128xf32, #tpu.memory_space<hbm>>) target_semaphore(%arg23 : memref<!tpu.dma_semaphore, #tpu.memory_space<semaphore_mem>>)
      %dma_start3A_766 = arith.constant 48 : i32
      %dma_start3A_767 = arith.constant 0 : i32
      %dma_start3A_768 = tpu.memref_slice %arg17[%dma_start3A_766, %dma_start3A_767] : memref<64x128xf32, #tpu.memory_space<vmem>> -> memref<8x128xf32, #tpu.memory_space<vmem>>
      %dma_start3A_769 = arith.constant 48 : i32
      %dma_start3A_770 = tpu.memref_slice %arg5[%shift_right_arithmetic3A_675, %dma_start3A_769, %mul3A_691] : memref<200x64x4096xf32, #tpu.memory_space<hbm>> -> memref<1x8x128xf32, #tpu.memory_space<hbm>>
      %dma_start3A_771 = tpu.memref_squeeze %dma_start3A_770 : memref<1x8x128xf32, #tpu.memory_space<hbm>> -> memref<8x128xf32, #tpu.memory_space<hbm>>
      %dma_start3A_772 = arith.constant 48 : i32
      %dma_start3A_773 = tpu.memref_slice %arg5[%shift_right_arithmetic3A_675, %dma_start3A_772, %mul3A_691] : memref<200x64x4096xf32, #tpu.memory_space<hbm>> -> memref<1x8x128xf32, #tpu.memory_space<hbm>>
      %dma_start3A_774 = tpu.memref_squeeze %dma_start3A_773 : memref<1x8x128xf32, #tpu.memory_space<hbm>> -> memref<8x128xf32, #tpu.memory_space<hbm>>
      %dma_start3A_775 = arith.constant 48 : i32
      %dma_start3A_776 = arith.constant 0 : i32
      %dma_start3A_777 = tpu.memref_slice %arg17[%dma_start3A_775, %dma_start3A_776] : memref<64x128xf32, #tpu.memory_space<vmem>> -> memref<8x128xf32, #tpu.memory_space<vmem>>
      tpu.enqueue_dma source(%dma_start3A_777 : memref<8x128xf32, #tpu.memory_space<vmem>>) target(%dma_start3A_774 : memref<8x128xf32, #tpu.memory_space<hbm>>) target_semaphore(%arg23 : memref<!tpu.dma_semaphore, #tpu.memory_space<semaphore_mem>>)
      %dma_start3A_778 = arith.constant 56 : i32
      %dma_start3A_779 = arith.constant 0 : i32
      %dma_start3A_780 = tpu.memref_slice %arg17[%dma_start3A_778, %dma_start3A_779] : memref<64x128xf32, #tpu.memory_space<vmem>> -> memref<8x128xf32, #tpu.memory_space<vmem>>
      %dma_start3A_781 = arith.constant 56 : i32
      %dma_start3A_782 = tpu.memref_slice %arg5[%shift_right_arithmetic3A_675, %dma_start3A_781, %mul3A_693] : memref<200x64x4096xf32, #tpu.memory_space<hbm>> -> memref<1x8x128xf32, #tpu.memory_space<hbm>>
      %dma_start3A_783 = tpu.memref_squeeze %dma_start3A_782 : memref<1x8x128xf32, #tpu.memory_space<hbm>> -> memref<8x128xf32, #tpu.memory_space<hbm>>
      %dma_start3A_784 = arith.constant 56 : i32
      %dma_start3A_785 = tpu.memref_slice %arg5[%shift_right_arithmetic3A_675, %dma_start3A_784, %mul3A_693] : memref<200x64x4096xf32, #tpu.memory_space<hbm>> -> memref<1x8x128xf32, #tpu.memory_space<hbm>>
      %dma_start3A_786 = tpu.memref_squeeze %dma_start3A_785 : memref<1x8x128xf32, #tpu.memory_space<hbm>> -> memref<8x128xf32, #tpu.memory_space<hbm>>
      %dma_start3A_787 = arith.constant 56 : i32
      %dma_start3A_788 = arith.constant 0 : i32
      %dma_start3A_789 = tpu.memref_slice %arg17[%dma_start3A_787, %dma_start3A_788] : memref<64x128xf32, #tpu.memory_space<vmem>> -> memref<8x128xf32, #tpu.memory_space<vmem>>
      tpu.enqueue_dma source(%dma_start3A_789 : memref<8x128xf32, #tpu.memory_space<vmem>>) target(%dma_start3A_786 : memref<8x128xf32, #tpu.memory_space<hbm>>) target_semaphore(%arg23 : memref<!tpu.dma_semaphore, #tpu.memory_space<semaphore_mem>>)
    }
    %scan3A_211 = arith.constant 100 : i32
    %add3A_212 = arith.constant 200 : i32
    %add3A_213 = arith.addi %mul3A_2, %add3A_212 : i32
    %sub3A = arith.constant 2 : i32
    %sub3A_214 = arith.subi %add3A_213, %sub3A : i32
    %shift_right_arithmetic3A_215 = arith.constant 5 : i32
    %shift_right_arithmetic3A_216 = arith.shrsi %sub3A_214, %shift_right_arithmetic3A_215 : i32
    %and3A_217 = arith.constant 31 : i32
    %and3A_218 = arith.andi %sub3A_214, %and3A_217 : i32
    %mul3A_219 = arith.constant 128 : i32
    %mul3A_220 = arith.muli %and3A_218, %mul3A_219 : i32
    %mul3A_221 = arith.constant 128 : i32
    %mul3A_222 = arith.muli %and3A_218, %mul3A_221 : i32
    %mul3A_223 = arith.constant 128 : i32
    %mul3A_224 = arith.muli %and3A_218, %mul3A_223 : i32
    %mul3A_225 = arith.constant 128 : i32
    %mul3A_226 = arith.muli %and3A_218, %mul3A_225 : i32
    %mul3A_227 = arith.constant 128 : i32
    %mul3A_228 = arith.muli %and3A_218, %mul3A_227 : i32
    %mul3A_229 = arith.constant 128 : i32
    %mul3A_230 = arith.muli %and3A_218, %mul3A_229 : i32
    %mul3A_231 = arith.constant 128 : i32
    %mul3A_232 = arith.muli %and3A_218, %mul3A_231 : i32
    %mul3A_233 = arith.constant 128 : i32
    %mul3A_234 = arith.muli %and3A_218, %mul3A_233 : i32
    %dma_wait3A_235 = arith.constant 0 : i32
    %dma_wait3A_236 = arith.constant 0 : i32
    %dma_wait3A_237 = tpu.memref_slice %arg16[%dma_wait3A_235, %dma_wait3A_236] : memref<64x128xf32, #tpu.memory_space<vmem>> -> memref<8x128xf32, #tpu.memory_space<vmem>>
    %dma_wait3A_238 = arith.constant 0 : i32
    %dma_wait3A_239 = tpu.memref_slice %arg5[%shift_right_arithmetic3A_216, %dma_wait3A_238, %mul3A_220] : memref<200x64x4096xf32, #tpu.memory_space<hbm>> -> memref<1x8x128xf32, #tpu.memory_space<hbm>>
    %dma_wait3A_240 = tpu.memref_squeeze %dma_wait3A_239 : memref<1x8x128xf32, #tpu.memory_space<hbm>> -> memref<8x128xf32, #tpu.memory_space<hbm>>
    %dma_wait3A_241 = arith.constant 0 : i32
    %dma_wait3A_242 = tpu.memref_slice %arg5[%shift_right_arithmetic3A_216, %dma_wait3A_241, %mul3A_220] : memref<200x64x4096xf32, #tpu.memory_space<hbm>> -> memref<1x8x128xf32, #tpu.memory_space<hbm>>
    %dma_wait3A_243 = tpu.memref_squeeze %dma_wait3A_242 : memref<1x8x128xf32, #tpu.memory_space<hbm>> -> memref<8x128xf32, #tpu.memory_space<hbm>>
    %dma_wait3A_244 = arith.constant 0 : i32
    %dma_wait3A_245 = arith.constant 0 : i32
    %dma_wait3A_246 = tpu.memref_slice %arg16[%dma_wait3A_244, %dma_wait3A_245] : memref<64x128xf32, #tpu.memory_space<vmem>> -> memref<8x128xf32, #tpu.memory_space<vmem>>
    tpu.wait_dma2 semaphore(%arg22 : memref<!tpu.dma_semaphore, #tpu.memory_space<semaphore_mem>>) src(%dma_wait3A_246 : memref<8x128xf32, #tpu.memory_space<vmem>>) dst(%dma_wait3A_243 : memref<8x128xf32, #tpu.memory_space<hbm>>)
    %dma_wait3A_247 = arith.constant 8 : i32
    %dma_wait3A_248 = arith.constant 0 : i32
    %dma_wait3A_249 = tpu.memref_slice %arg16[%dma_wait3A_247, %dma_wait3A_248] : memref<64x128xf32, #tpu.memory_space<vmem>> -> memref<8x128xf32, #tpu.memory_space<vmem>>
    %dma_wait3A_250 = arith.constant 8 : i32
    %dma_wait3A_251 = tpu.memref_slice %arg5[%shift_right_arithmetic3A_216, %dma_wait3A_250, %mul3A_222] : memref<200x64x4096xf32, #tpu.memory_space<hbm>> -> memref<1x8x128xf32, #tpu.memory_space<hbm>>
    %dma_wait3A_252 = tpu.memref_squeeze %dma_wait3A_251 : memref<1x8x128xf32, #tpu.memory_space<hbm>> -> memref<8x128xf32, #tpu.memory_space<hbm>>
    %dma_wait3A_253 = arith.constant 8 : i32
    %dma_wait3A_254 = tpu.memref_slice %arg5[%shift_right_arithmetic3A_216, %dma_wait3A_253, %mul3A_222] : memref<200x64x4096xf32, #tpu.memory_space<hbm>> -> memref<1x8x128xf32, #tpu.memory_space<hbm>>
    %dma_wait3A_255 = tpu.memref_squeeze %dma_wait3A_254 : memref<1x8x128xf32, #tpu.memory_space<hbm>> -> memref<8x128xf32, #tpu.memory_space<hbm>>
    %dma_wait3A_256 = arith.constant 8 : i32
    %dma_wait3A_257 = arith.constant 0 : i32
    %dma_wait3A_258 = tpu.memref_slice %arg16[%dma_wait3A_256, %dma_wait3A_257] : memref<64x128xf32, #tpu.memory_space<vmem>> -> memref<8x128xf32, #tpu.memory_space<vmem>>
    tpu.wait_dma2 semaphore(%arg22 : memref<!tpu.dma_semaphore, #tpu.memory_space<semaphore_mem>>) src(%dma_wait3A_258 : memref<8x128xf32, #tpu.memory_space<vmem>>) dst(%dma_wait3A_255 : memref<8x128xf32, #tpu.memory_space<hbm>>)
    %dma_wait3A_259 = arith.constant 16 : i32
    %dma_wait3A_260 = arith.constant 0 : i32
    %dma_wait3A_261 = tpu.memref_slice %arg16[%dma_wait3A_259, %dma_wait3A_260] : memref<64x128xf32, #tpu.memory_space<vmem>> -> memref<8x128xf32, #tpu.memory_space<vmem>>
    %dma_wait3A_262 = arith.constant 16 : i32
    %dma_wait3A_263 = tpu.memref_slice %arg5[%shift_right_arithmetic3A_216, %dma_wait3A_262, %mul3A_224] : memref<200x64x4096xf32, #tpu.memory_space<hbm>> -> memref<1x8x128xf32, #tpu.memory_space<hbm>>
    %dma_wait3A_264 = tpu.memref_squeeze %dma_wait3A_263 : memref<1x8x128xf32, #tpu.memory_space<hbm>> -> memref<8x128xf32, #tpu.memory_space<hbm>>
    %dma_wait3A_265 = arith.constant 16 : i32
    %dma_wait3A_266 = tpu.memref_slice %arg5[%shift_right_arithmetic3A_216, %dma_wait3A_265, %mul3A_224] : memref<200x64x4096xf32, #tpu.memory_space<hbm>> -> memref<1x8x128xf32, #tpu.memory_space<hbm>>
    %dma_wait3A_267 = tpu.memref_squeeze %dma_wait3A_266 : memref<1x8x128xf32, #tpu.memory_space<hbm>> -> memref<8x128xf32, #tpu.memory_space<hbm>>
    %dma_wait3A_268 = arith.constant 16 : i32
    %dma_wait3A_269 = arith.constant 0 : i32
    %dma_wait3A_270 = tpu.memref_slice %arg16[%dma_wait3A_268, %dma_wait3A_269] : memref<64x128xf32, #tpu.memory_space<vmem>> -> memref<8x128xf32, #tpu.memory_space<vmem>>
    tpu.wait_dma2 semaphore(%arg22 : memref<!tpu.dma_semaphore, #tpu.memory_space<semaphore_mem>>) src(%dma_wait3A_270 : memref<8x128xf32, #tpu.memory_space<vmem>>) dst(%dma_wait3A_267 : memref<8x128xf32, #tpu.memory_space<hbm>>)
    %dma_wait3A_271 = arith.constant 24 : i32
    %dma_wait3A_272 = arith.constant 0 : i32
    %dma_wait3A_273 = tpu.memref_slice %arg16[%dma_wait3A_271, %dma_wait3A_272] : memref<64x128xf32, #tpu.memory_space<vmem>> -> memref<8x128xf32, #tpu.memory_space<vmem>>
    %dma_wait3A_274 = arith.constant 24 : i32
    %dma_wait3A_275 = tpu.memref_slice %arg5[%shift_right_arithmetic3A_216, %dma_wait3A_274, %mul3A_226] : memref<200x64x4096xf32, #tpu.memory_space<hbm>> -> memref<1x8x128xf32, #tpu.memory_space<hbm>>
    %dma_wait3A_276 = tpu.memref_squeeze %dma_wait3A_275 : memref<1x8x128xf32, #tpu.memory_space<hbm>> -> memref<8x128xf32, #tpu.memory_space<hbm>>
    %dma_wait3A_277 = arith.constant 24 : i32
    %dma_wait3A_278 = tpu.memref_slice %arg5[%shift_right_arithmetic3A_216, %dma_wait3A_277, %mul3A_226] : memref<200x64x4096xf32, #tpu.memory_space<hbm>> -> memref<1x8x128xf32, #tpu.memory_space<hbm>>
    %dma_wait3A_279 = tpu.memref_squeeze %dma_wait3A_278 : memref<1x8x128xf32, #tpu.memory_space<hbm>> -> memref<8x128xf32, #tpu.memory_space<hbm>>
    %dma_wait3A_280 = arith.constant 24 : i32
    %dma_wait3A_281 = arith.constant 0 : i32
    %dma_wait3A_282 = tpu.memref_slice %arg16[%dma_wait3A_280, %dma_wait3A_281] : memref<64x128xf32, #tpu.memory_space<vmem>> -> memref<8x128xf32, #tpu.memory_space<vmem>>
    tpu.wait_dma2 semaphore(%arg22 : memref<!tpu.dma_semaphore, #tpu.memory_space<semaphore_mem>>) src(%dma_wait3A_282 : memref<8x128xf32, #tpu.memory_space<vmem>>) dst(%dma_wait3A_279 : memref<8x128xf32, #tpu.memory_space<hbm>>)
    %dma_wait3A_283 = arith.constant 32 : i32
    %dma_wait3A_284 = arith.constant 0 : i32
    %dma_wait3A_285 = tpu.memref_slice %arg16[%dma_wait3A_283, %dma_wait3A_284] : memref<64x128xf32, #tpu.memory_space<vmem>> -> memref<8x128xf32, #tpu.memory_space<vmem>>
    %dma_wait3A_286 = arith.constant 32 : i32
    %dma_wait3A_287 = tpu.memref_slice %arg5[%shift_right_arithmetic3A_216, %dma_wait3A_286, %mul3A_228] : memref<200x64x4096xf32, #tpu.memory_space<hbm>> -> memref<1x8x128xf32, #tpu.memory_space<hbm>>
    %dma_wait3A_288 = tpu.memref_squeeze %dma_wait3A_287 : memref<1x8x128xf32, #tpu.memory_space<hbm>> -> memref<8x128xf32, #tpu.memory_space<hbm>>
    %dma_wait3A_289 = arith.constant 32 : i32
    %dma_wait3A_290 = tpu.memref_slice %arg5[%shift_right_arithmetic3A_216, %dma_wait3A_289, %mul3A_228] : memref<200x64x4096xf32, #tpu.memory_space<hbm>> -> memref<1x8x128xf32, #tpu.memory_space<hbm>>
    %dma_wait3A_291 = tpu.memref_squeeze %dma_wait3A_290 : memref<1x8x128xf32, #tpu.memory_space<hbm>> -> memref<8x128xf32, #tpu.memory_space<hbm>>
    %dma_wait3A_292 = arith.constant 32 : i32
    %dma_wait3A_293 = arith.constant 0 : i32
    %dma_wait3A_294 = tpu.memref_slice %arg16[%dma_wait3A_292, %dma_wait3A_293] : memref<64x128xf32, #tpu.memory_space<vmem>> -> memref<8x128xf32, #tpu.memory_space<vmem>>
    tpu.wait_dma2 semaphore(%arg22 : memref<!tpu.dma_semaphore, #tpu.memory_space<semaphore_mem>>) src(%dma_wait3A_294 : memref<8x128xf32, #tpu.memory_space<vmem>>) dst(%dma_wait3A_291 : memref<8x128xf32, #tpu.memory_space<hbm>>)
    %dma_wait3A_295 = arith.constant 40 : i32
    %dma_wait3A_296 = arith.constant 0 : i32
    %dma_wait3A_297 = tpu.memref_slice %arg16[%dma_wait3A_295, %dma_wait3A_296] : memref<64x128xf32, #tpu.memory_space<vmem>> -> memref<8x128xf32, #tpu.memory_space<vmem>>
    %dma_wait3A_298 = arith.constant 40 : i32
    %dma_wait3A_299 = tpu.memref_slice %arg5[%shift_right_arithmetic3A_216, %dma_wait3A_298, %mul3A_230] : memref<200x64x4096xf32, #tpu.memory_space<hbm>> -> memref<1x8x128xf32, #tpu.memory_space<hbm>>
    %dma_wait3A_300 = tpu.memref_squeeze %dma_wait3A_299 : memref<1x8x128xf32, #tpu.memory_space<hbm>> -> memref<8x128xf32, #tpu.memory_space<hbm>>
    %dma_wait3A_301 = arith.constant 40 : i32
    %dma_wait3A_302 = tpu.memref_slice %arg5[%shift_right_arithmetic3A_216, %dma_wait3A_301, %mul3A_230] : memref<200x64x4096xf32, #tpu.memory_space<hbm>> -> memref<1x8x128xf32, #tpu.memory_space<hbm>>
    %dma_wait3A_303 = tpu.memref_squeeze %dma_wait3A_302 : memref<1x8x128xf32, #tpu.memory_space<hbm>> -> memref<8x128xf32, #tpu.memory_space<hbm>>
    %dma_wait3A_304 = arith.constant 40 : i32
    %dma_wait3A_305 = arith.constant 0 : i32
    %dma_wait3A_306 = tpu.memref_slice %arg16[%dma_wait3A_304, %dma_wait3A_305] : memref<64x128xf32, #tpu.memory_space<vmem>> -> memref<8x128xf32, #tpu.memory_space<vmem>>
    tpu.wait_dma2 semaphore(%arg22 : memref<!tpu.dma_semaphore, #tpu.memory_space<semaphore_mem>>) src(%dma_wait3A_306 : memref<8x128xf32, #tpu.memory_space<vmem>>) dst(%dma_wait3A_303 : memref<8x128xf32, #tpu.memory_space<hbm>>)
    %dma_wait3A_307 = arith.constant 48 : i32
    %dma_wait3A_308 = arith.constant 0 : i32
    %dma_wait3A_309 = tpu.memref_slice %arg16[%dma_wait3A_307, %dma_wait3A_308] : memref<64x128xf32, #tpu.memory_space<vmem>> -> memref<8x128xf32, #tpu.memory_space<vmem>>
    %dma_wait3A_310 = arith.constant 48 : i32
    %dma_wait3A_311 = tpu.memref_slice %arg5[%shift_right_arithmetic3A_216, %dma_wait3A_310, %mul3A_232] : memref<200x64x4096xf32, #tpu.memory_space<hbm>> -> memref<1x8x128xf32, #tpu.memory_space<hbm>>
    %dma_wait3A_312 = tpu.memref_squeeze %dma_wait3A_311 : memref<1x8x128xf32, #tpu.memory_space<hbm>> -> memref<8x128xf32, #tpu.memory_space<hbm>>
    %dma_wait3A_313 = arith.constant 48 : i32
    %dma_wait3A_314 = tpu.memref_slice %arg5[%shift_right_arithmetic3A_216, %dma_wait3A_313, %mul3A_232] : memref<200x64x4096xf32, #tpu.memory_space<hbm>> -> memref<1x8x128xf32, #tpu.memory_space<hbm>>
    %dma_wait3A_315 = tpu.memref_squeeze %dma_wait3A_314 : memref<1x8x128xf32, #tpu.memory_space<hbm>> -> memref<8x128xf32, #tpu.memory_space<hbm>>
    %dma_wait3A_316 = arith.constant 48 : i32
    %dma_wait3A_317 = arith.constant 0 : i32
    %dma_wait3A_318 = tpu.memref_slice %arg16[%dma_wait3A_316, %dma_wait3A_317] : memref<64x128xf32, #tpu.memory_space<vmem>> -> memref<8x128xf32, #tpu.memory_space<vmem>>
    tpu.wait_dma2 semaphore(%arg22 : memref<!tpu.dma_semaphore, #tpu.memory_space<semaphore_mem>>) src(%dma_wait3A_318 : memref<8x128xf32, #tpu.memory_space<vmem>>) dst(%dma_wait3A_315 : memref<8x128xf32, #tpu.memory_space<hbm>>)
    %dma_wait3A_319 = arith.constant 56 : i32
    %dma_wait3A_320 = arith.constant 0 : i32
    %dma_wait3A_321 = tpu.memref_slice %arg16[%dma_wait3A_319, %dma_wait3A_320] : memref<64x128xf32, #tpu.memory_space<vmem>> -> memref<8x128xf32, #tpu.memory_space<vmem>>
    %dma_wait3A_322 = arith.constant 56 : i32
    %dma_wait3A_323 = tpu.memref_slice %arg5[%shift_right_arithmetic3A_216, %dma_wait3A_322, %mul3A_234] : memref<200x64x4096xf32, #tpu.memory_space<hbm>> -> memref<1x8x128xf32, #tpu.memory_space<hbm>>
    %dma_wait3A_324 = tpu.memref_squeeze %dma_wait3A_323 : memref<1x8x128xf32, #tpu.memory_space<hbm>> -> memref<8x128xf32, #tpu.memory_space<hbm>>
    %dma_wait3A_325 = arith.constant 56 : i32
    %dma_wait3A_326 = tpu.memref_slice %arg5[%shift_right_arithmetic3A_216, %dma_wait3A_325, %mul3A_234] : memref<200x64x4096xf32, #tpu.memory_space<hbm>> -> memref<1x8x128xf32, #tpu.memory_space<hbm>>
    %dma_wait3A_327 = tpu.memref_squeeze %dma_wait3A_326 : memref<1x8x128xf32, #tpu.memory_space<hbm>> -> memref<8x128xf32, #tpu.memory_space<hbm>>
    %dma_wait3A_328 = arith.constant 56 : i32
    %dma_wait3A_329 = arith.constant 0 : i32
    %dma_wait3A_330 = tpu.memref_slice %arg16[%dma_wait3A_328, %dma_wait3A_329] : memref<64x128xf32, #tpu.memory_space<vmem>> -> memref<8x128xf32, #tpu.memory_space<vmem>>
    tpu.wait_dma2 semaphore(%arg22 : memref<!tpu.dma_semaphore, #tpu.memory_space<semaphore_mem>>) src(%dma_wait3A_330 : memref<8x128xf32, #tpu.memory_space<vmem>>) dst(%dma_wait3A_327 : memref<8x128xf32, #tpu.memory_space<hbm>>)
    %add3A_331 = arith.constant 200 : i32
    %add3A_332 = arith.addi %mul3A_2, %add3A_331 : i32
    %sub3A_333 = arith.constant 1 : i32
    %sub3A_334 = arith.subi %add3A_332, %sub3A_333 : i32
    %shift_right_arithmetic3A_335 = arith.constant 5 : i32
    %shift_right_arithmetic3A_336 = arith.shrsi %sub3A_334, %shift_right_arithmetic3A_335 : i32
    %and3A_337 = arith.constant 31 : i32
    %and3A_338 = arith.andi %sub3A_334, %and3A_337 : i32
    %mul3A_339 = arith.constant 128 : i32
    %mul3A_340 = arith.muli %and3A_338, %mul3A_339 : i32
    %mul3A_341 = arith.constant 128 : i32
    %mul3A_342 = arith.muli %and3A_338, %mul3A_341 : i32
    %mul3A_343 = arith.constant 128 : i32
    %mul3A_344 = arith.muli %and3A_338, %mul3A_343 : i32
    %mul3A_345 = arith.constant 128 : i32
    %mul3A_346 = arith.muli %and3A_338, %mul3A_345 : i32
    %mul3A_347 = arith.constant 128 : i32
    %mul3A_348 = arith.muli %and3A_338, %mul3A_347 : i32
    %mul3A_349 = arith.constant 128 : i32
    %mul3A_350 = arith.muli %and3A_338, %mul3A_349 : i32
    %mul3A_351 = arith.constant 128 : i32
    %mul3A_352 = arith.muli %and3A_338, %mul3A_351 : i32
    %mul3A_353 = arith.constant 128 : i32
    %mul3A_354 = arith.muli %and3A_338, %mul3A_353 : i32
    %dma_wait3A_355 = arith.constant 0 : i32
    %dma_wait3A_356 = arith.constant 0 : i32
    %dma_wait3A_357 = tpu.memref_slice %arg17[%dma_wait3A_355, %dma_wait3A_356] : memref<64x128xf32, #tpu.memory_space<vmem>> -> memref<8x128xf32, #tpu.memory_space<vmem>>
    %dma_wait3A_358 = arith.constant 0 : i32
    %dma_wait3A_359 = tpu.memref_slice %arg5[%shift_right_arithmetic3A_336, %dma_wait3A_358, %mul3A_340] : memref<200x64x4096xf32, #tpu.memory_space<hbm>> -> memref<1x8x128xf32, #tpu.memory_space<hbm>>
    %dma_wait3A_360 = tpu.memref_squeeze %dma_wait3A_359 : memref<1x8x128xf32, #tpu.memory_space<hbm>> -> memref<8x128xf32, #tpu.memory_space<hbm>>
    %dma_wait3A_361 = arith.constant 0 : i32
    %dma_wait3A_362 = tpu.memref_slice %arg5[%shift_right_arithmetic3A_336, %dma_wait3A_361, %mul3A_340] : memref<200x64x4096xf32, #tpu.memory_space<hbm>> -> memref<1x8x128xf32, #tpu.memory_space<hbm>>
    %dma_wait3A_363 = tpu.memref_squeeze %dma_wait3A_362 : memref<1x8x128xf32, #tpu.memory_space<hbm>> -> memref<8x128xf32, #tpu.memory_space<hbm>>
    %dma_wait3A_364 = arith.constant 0 : i32
    %dma_wait3A_365 = arith.constant 0 : i32
    %dma_wait3A_366 = tpu.memref_slice %arg17[%dma_wait3A_364, %dma_wait3A_365] : memref<64x128xf32, #tpu.memory_space<vmem>> -> memref<8x128xf32, #tpu.memory_space<vmem>>
    tpu.wait_dma2 semaphore(%arg23 : memref<!tpu.dma_semaphore, #tpu.memory_space<semaphore_mem>>) src(%dma_wait3A_366 : memref<8x128xf32, #tpu.memory_space<vmem>>) dst(%dma_wait3A_363 : memref<8x128xf32, #tpu.memory_space<hbm>>)
    %dma_wait3A_367 = arith.constant 8 : i32
    %dma_wait3A_368 = arith.constant 0 : i32
    %dma_wait3A_369 = tpu.memref_slice %arg17[%dma_wait3A_367, %dma_wait3A_368] : memref<64x128xf32, #tpu.memory_space<vmem>> -> memref<8x128xf32, #tpu.memory_space<vmem>>
    %dma_wait3A_370 = arith.constant 8 : i32
    %dma_wait3A_371 = tpu.memref_slice %arg5[%shift_right_arithmetic3A_336, %dma_wait3A_370, %mul3A_342] : memref<200x64x4096xf32, #tpu.memory_space<hbm>> -> memref<1x8x128xf32, #tpu.memory_space<hbm>>
    %dma_wait3A_372 = tpu.memref_squeeze %dma_wait3A_371 : memref<1x8x128xf32, #tpu.memory_space<hbm>> -> memref<8x128xf32, #tpu.memory_space<hbm>>
    %dma_wait3A_373 = arith.constant 8 : i32
    %dma_wait3A_374 = tpu.memref_slice %arg5[%shift_right_arithmetic3A_336, %dma_wait3A_373, %mul3A_342] : memref<200x64x4096xf32, #tpu.memory_space<hbm>> -> memref<1x8x128xf32, #tpu.memory_space<hbm>>
    %dma_wait3A_375 = tpu.memref_squeeze %dma_wait3A_374 : memref<1x8x128xf32, #tpu.memory_space<hbm>> -> memref<8x128xf32, #tpu.memory_space<hbm>>
    %dma_wait3A_376 = arith.constant 8 : i32
    %dma_wait3A_377 = arith.constant 0 : i32
    %dma_wait3A_378 = tpu.memref_slice %arg17[%dma_wait3A_376, %dma_wait3A_377] : memref<64x128xf32, #tpu.memory_space<vmem>> -> memref<8x128xf32, #tpu.memory_space<vmem>>
    tpu.wait_dma2 semaphore(%arg23 : memref<!tpu.dma_semaphore, #tpu.memory_space<semaphore_mem>>) src(%dma_wait3A_378 : memref<8x128xf32, #tpu.memory_space<vmem>>) dst(%dma_wait3A_375 : memref<8x128xf32, #tpu.memory_space<hbm>>)
    %dma_wait3A_379 = arith.constant 16 : i32
    %dma_wait3A_380 = arith.constant 0 : i32
    %dma_wait3A_381 = tpu.memref_slice %arg17[%dma_wait3A_379, %dma_wait3A_380] : memref<64x128xf32, #tpu.memory_space<vmem>> -> memref<8x128xf32, #tpu.memory_space<vmem>>
    %dma_wait3A_382 = arith.constant 16 : i32
    %dma_wait3A_383 = tpu.memref_slice %arg5[%shift_right_arithmetic3A_336, %dma_wait3A_382, %mul3A_344] : memref<200x64x4096xf32, #tpu.memory_space<hbm>> -> memref<1x8x128xf32, #tpu.memory_space<hbm>>
    %dma_wait3A_384 = tpu.memref_squeeze %dma_wait3A_383 : memref<1x8x128xf32, #tpu.memory_space<hbm>> -> memref<8x128xf32, #tpu.memory_space<hbm>>
    %dma_wait3A_385 = arith.constant 16 : i32
    %dma_wait3A_386 = tpu.memref_slice %arg5[%shift_right_arithmetic3A_336, %dma_wait3A_385, %mul3A_344] : memref<200x64x4096xf32, #tpu.memory_space<hbm>> -> memref<1x8x128xf32, #tpu.memory_space<hbm>>
    %dma_wait3A_387 = tpu.memref_squeeze %dma_wait3A_386 : memref<1x8x128xf32, #tpu.memory_space<hbm>> -> memref<8x128xf32, #tpu.memory_space<hbm>>
    %dma_wait3A_388 = arith.constant 16 : i32
    %dma_wait3A_389 = arith.constant 0 : i32
    %dma_wait3A_390 = tpu.memref_slice %arg17[%dma_wait3A_388, %dma_wait3A_389] : memref<64x128xf32, #tpu.memory_space<vmem>> -> memref<8x128xf32, #tpu.memory_space<vmem>>
    tpu.wait_dma2 semaphore(%arg23 : memref<!tpu.dma_semaphore, #tpu.memory_space<semaphore_mem>>) src(%dma_wait3A_390 : memref<8x128xf32, #tpu.memory_space<vmem>>) dst(%dma_wait3A_387 : memref<8x128xf32, #tpu.memory_space<hbm>>)
    %dma_wait3A_391 = arith.constant 24 : i32
    %dma_wait3A_392 = arith.constant 0 : i32
    %dma_wait3A_393 = tpu.memref_slice %arg17[%dma_wait3A_391, %dma_wait3A_392] : memref<64x128xf32, #tpu.memory_space<vmem>> -> memref<8x128xf32, #tpu.memory_space<vmem>>
    %dma_wait3A_394 = arith.constant 24 : i32
    %dma_wait3A_395 = tpu.memref_slice %arg5[%shift_right_arithmetic3A_336, %dma_wait3A_394, %mul3A_346] : memref<200x64x4096xf32, #tpu.memory_space<hbm>> -> memref<1x8x128xf32, #tpu.memory_space<hbm>>
    %dma_wait3A_396 = tpu.memref_squeeze %dma_wait3A_395 : memref<1x8x128xf32, #tpu.memory_space<hbm>> -> memref<8x128xf32, #tpu.memory_space<hbm>>
    %dma_wait3A_397 = arith.constant 24 : i32
    %dma_wait3A_398 = tpu.memref_slice %arg5[%shift_right_arithmetic3A_336, %dma_wait3A_397, %mul3A_346] : memref<200x64x4096xf32, #tpu.memory_space<hbm>> -> memref<1x8x128xf32, #tpu.memory_space<hbm>>
    %dma_wait3A_399 = tpu.memref_squeeze %dma_wait3A_398 : memref<1x8x128xf32, #tpu.memory_space<hbm>> -> memref<8x128xf32, #tpu.memory_space<hbm>>
    %dma_wait3A_400 = arith.constant 24 : i32
    %dma_wait3A_401 = arith.constant 0 : i32
    %dma_wait3A_402 = tpu.memref_slice %arg17[%dma_wait3A_400, %dma_wait3A_401] : memref<64x128xf32, #tpu.memory_space<vmem>> -> memref<8x128xf32, #tpu.memory_space<vmem>>
    tpu.wait_dma2 semaphore(%arg23 : memref<!tpu.dma_semaphore, #tpu.memory_space<semaphore_mem>>) src(%dma_wait3A_402 : memref<8x128xf32, #tpu.memory_space<vmem>>) dst(%dma_wait3A_399 : memref<8x128xf32, #tpu.memory_space<hbm>>)
    %dma_wait3A_403 = arith.constant 32 : i32
    %dma_wait3A_404 = arith.constant 0 : i32
    %dma_wait3A_405 = tpu.memref_slice %arg17[%dma_wait3A_403, %dma_wait3A_404] : memref<64x128xf32, #tpu.memory_space<vmem>> -> memref<8x128xf32, #tpu.memory_space<vmem>>
    %dma_wait3A_406 = arith.constant 32 : i32
    %dma_wait3A_407 = tpu.memref_slice %arg5[%shift_right_arithmetic3A_336, %dma_wait3A_406, %mul3A_348] : memref<200x64x4096xf32, #tpu.memory_space<hbm>> -> memref<1x8x128xf32, #tpu.memory_space<hbm>>
    %dma_wait3A_408 = tpu.memref_squeeze %dma_wait3A_407 : memref<1x8x128xf32, #tpu.memory_space<hbm>> -> memref<8x128xf32, #tpu.memory_space<hbm>>
    %dma_wait3A_409 = arith.constant 32 : i32
    %dma_wait3A_410 = tpu.memref_slice %arg5[%shift_right_arithmetic3A_336, %dma_wait3A_409, %mul3A_348] : memref<200x64x4096xf32, #tpu.memory_space<hbm>> -> memref<1x8x128xf32, #tpu.memory_space<hbm>>
    %dma_wait3A_411 = tpu.memref_squeeze %dma_wait3A_410 : memref<1x8x128xf32, #tpu.memory_space<hbm>> -> memref<8x128xf32, #tpu.memory_space<hbm>>
    %dma_wait3A_412 = arith.constant 32 : i32
    %dma_wait3A_413 = arith.constant 0 : i32
    %dma_wait3A_414 = tpu.memref_slice %arg17[%dma_wait3A_412, %dma_wait3A_413] : memref<64x128xf32, #tpu.memory_space<vmem>> -> memref<8x128xf32, #tpu.memory_space<vmem>>
    tpu.wait_dma2 semaphore(%arg23 : memref<!tpu.dma_semaphore, #tpu.memory_space<semaphore_mem>>) src(%dma_wait3A_414 : memref<8x128xf32, #tpu.memory_space<vmem>>) dst(%dma_wait3A_411 : memref<8x128xf32, #tpu.memory_space<hbm>>)
    %dma_wait3A_415 = arith.constant 40 : i32
    %dma_wait3A_416 = arith.constant 0 : i32
    %dma_wait3A_417 = tpu.memref_slice %arg17[%dma_wait3A_415, %dma_wait3A_416] : memref<64x128xf32, #tpu.memory_space<vmem>> -> memref<8x128xf32, #tpu.memory_space<vmem>>
    %dma_wait3A_418 = arith.constant 40 : i32
    %dma_wait3A_419 = tpu.memref_slice %arg5[%shift_right_arithmetic3A_336, %dma_wait3A_418, %mul3A_350] : memref<200x64x4096xf32, #tpu.memory_space<hbm>> -> memref<1x8x128xf32, #tpu.memory_space<hbm>>
    %dma_wait3A_420 = tpu.memref_squeeze %dma_wait3A_419 : memref<1x8x128xf32, #tpu.memory_space<hbm>> -> memref<8x128xf32, #tpu.memory_space<hbm>>
    %dma_wait3A_421 = arith.constant 40 : i32
    %dma_wait3A_422 = tpu.memref_slice %arg5[%shift_right_arithmetic3A_336, %dma_wait3A_421, %mul3A_350] : memref<200x64x4096xf32, #tpu.memory_space<hbm>> -> memref<1x8x128xf32, #tpu.memory_space<hbm>>
    %dma_wait3A_423 = tpu.memref_squeeze %dma_wait3A_422 : memref<1x8x128xf32, #tpu.memory_space<hbm>> -> memref<8x128xf32, #tpu.memory_space<hbm>>
    %dma_wait3A_424 = arith.constant 40 : i32
    %dma_wait3A_425 = arith.constant 0 : i32
    %dma_wait3A_426 = tpu.memref_slice %arg17[%dma_wait3A_424, %dma_wait3A_425] : memref<64x128xf32, #tpu.memory_space<vmem>> -> memref<8x128xf32, #tpu.memory_space<vmem>>
    tpu.wait_dma2 semaphore(%arg23 : memref<!tpu.dma_semaphore, #tpu.memory_space<semaphore_mem>>) src(%dma_wait3A_426 : memref<8x128xf32, #tpu.memory_space<vmem>>) dst(%dma_wait3A_423 : memref<8x128xf32, #tpu.memory_space<hbm>>)
    %dma_wait3A_427 = arith.constant 48 : i32
    %dma_wait3A_428 = arith.constant 0 : i32
    %dma_wait3A_429 = tpu.memref_slice %arg17[%dma_wait3A_427, %dma_wait3A_428] : memref<64x128xf32, #tpu.memory_space<vmem>> -> memref<8x128xf32, #tpu.memory_space<vmem>>
    %dma_wait3A_430 = arith.constant 48 : i32
    %dma_wait3A_431 = tpu.memref_slice %arg5[%shift_right_arithmetic3A_336, %dma_wait3A_430, %mul3A_352] : memref<200x64x4096xf32, #tpu.memory_space<hbm>> -> memref<1x8x128xf32, #tpu.memory_space<hbm>>
    %dma_wait3A_432 = tpu.memref_squeeze %dma_wait3A_431 : memref<1x8x128xf32, #tpu.memory_space<hbm>> -> memref<8x128xf32, #tpu.memory_space<hbm>>
    %dma_wait3A_433 = arith.constant 48 : i32
    %dma_wait3A_434 = tpu.memref_slice %arg5[%shift_right_arithmetic3A_336, %dma_wait3A_433, %mul3A_352] : memref<200x64x4096xf32, #tpu.memory_space<hbm>> -> memref<1x8x128xf32, #tpu.memory_space<hbm>>
    %dma_wait3A_435 = tpu.memref_squeeze %dma_wait3A_434 : memref<1x8x128xf32, #tpu.memory_space<hbm>> -> memref<8x128xf32, #tpu.memory_space<hbm>>
    %dma_wait3A_436 = arith.constant 48 : i32
    %dma_wait3A_437 = arith.constant 0 : i32
    %dma_wait3A_438 = tpu.memref_slice %arg17[%dma_wait3A_436, %dma_wait3A_437] : memref<64x128xf32, #tpu.memory_space<vmem>> -> memref<8x128xf32, #tpu.memory_space<vmem>>
    tpu.wait_dma2 semaphore(%arg23 : memref<!tpu.dma_semaphore, #tpu.memory_space<semaphore_mem>>) src(%dma_wait3A_438 : memref<8x128xf32, #tpu.memory_space<vmem>>) dst(%dma_wait3A_435 : memref<8x128xf32, #tpu.memory_space<hbm>>)
    %dma_wait3A_439 = arith.constant 56 : i32
    %dma_wait3A_440 = arith.constant 0 : i32
    %dma_wait3A_441 = tpu.memref_slice %arg17[%dma_wait3A_439, %dma_wait3A_440] : memref<64x128xf32, #tpu.memory_space<vmem>> -> memref<8x128xf32, #tpu.memory_space<vmem>>
    %dma_wait3A_442 = arith.constant 56 : i32
    %dma_wait3A_443 = tpu.memref_slice %arg5[%shift_right_arithmetic3A_336, %dma_wait3A_442, %mul3A_354] : memref<200x64x4096xf32, #tpu.memory_space<hbm>> -> memref<1x8x128xf32, #tpu.memory_space<hbm>>
    %dma_wait3A_444 = tpu.memref_squeeze %dma_wait3A_443 : memref<1x8x128xf32, #tpu.memory_space<hbm>> -> memref<8x128xf32, #tpu.memory_space<hbm>>
    %dma_wait3A_445 = arith.constant 56 : i32
    %dma_wait3A_446 = tpu.memref_slice %arg5[%shift_right_arithmetic3A_336, %dma_wait3A_445, %mul3A_354] : memref<200x64x4096xf32, #tpu.memory_space<hbm>> -> memref<1x8x128xf32, #tpu.memory_space<hbm>>
    %dma_wait3A_447 = tpu.memref_squeeze %dma_wait3A_446 : memref<1x8x128xf32, #tpu.memory_space<hbm>> -> memref<8x128xf32, #tpu.memory_space<hbm>>
    %dma_wait3A_448 = arith.constant 56 : i32
    %dma_wait3A_449 = arith.constant 0 : i32
    %dma_wait3A_450 = tpu.memref_slice %arg17[%dma_wait3A_448, %dma_wait3A_449] : memref<64x128xf32, #tpu.memory_space<vmem>> -> memref<8x128xf32, #tpu.memory_space<vmem>>
    tpu.wait_dma2 semaphore(%arg23 : memref<!tpu.dma_semaphore, #tpu.memory_space<semaphore_mem>>) src(%dma_wait3A_450 : memref<8x128xf32, #tpu.memory_space<vmem>>) dst(%dma_wait3A_447 : memref<8x128xf32, #tpu.memory_space<hbm>>)
    return
  }
}

</mosaic_0001>

<sc_bundles>
// kernel: kernel.3.cloned.1.call-start
scs
__scs_entry_jumppad:
0x0: {  	(pc) =	sbr.rel $0x88, $3  }
0x1: {  	(tag) =	ssettag $0x0;
	lr =	simm.s32 $0x1  }
0x2: {  	[smem:$0x3F9E] =	sst lr;
	_ =	strace $0xD0000000  }
0x3: {  	_ = 	snop  }
0x4: {  	_ = 	snop  }
0x5: {  	_ = 	snop  }
0x6: {  	_ = 	snop  }
0x7: {  	_ = 	snop  }
__scs_overlays_trampoline_lowered:
0x8: {  	[smem:$0x3FAD] =	sst s0  }
0x9: {  	[smem:$0x3FAE] =	sst s1  }
0xa: {  	[smem:$0x3FAF] =	sst s2  }
0xb: {  	[smem:$0x3FB0] =	sst s3  }
0xc: {  	[smem:$0x3FB1] =	sst s4  }
0xd: {  	[smem:$0x3FB2] =	sst s5  }
0xe: {  	[smem:$0x3FB3] =	sst s6  }
0xf: {  	[smem:$0x3FB4] =	sst s7  }
0x10: {  	[smem:$0x3FB5] =	sst s8  }
0x11: {  	[smem:$0x3FB6] =	sst s9;
	s0 =	simm.s32 @!p0 $0x0  }
0x12: {  	s1 =	sld [smem:$0x3F9C];
	s0 =	simm.s32 @p0 $0x1  }
0x13: {  	[smem:$0x3FB7] =	sst s0;
	s0 =	simm.s32 @!p1 $0x0  }
0x14: {  	s2 =	sld [smem:$0x3F9B];
	s0 =	simm.s32 @p1 $0x1  }
0x15: {  	[smem:$0x3FB8] =	sst s0;
	s0 =	simm.s32 @!p2 $0x0  }
0x16: {  	s3 =	sld [smem:$0x3FDB];
	s0 =	simm.s32 @p2 $0x1  }
0x17: {  	s4 =	simm.s32 $0x1BF5;
	[smem:$0x3FBA] =	sst s0  }
0x18: {  	s0 =	sld [smem:$0x3F9D];
	_ =	swait.ge [sflag:s4], $0x0  }
0x19: {  	s7 =	sld [smem:$0x3F9E]  }
0x1a: {  	s8 =	sadd.s32 $0xFFFFE003, lr  }
0x1b: {  	s9 =	sadd.s32 $0xFFFFFEF7, lr;
	s5 =	simm.s32 $0xFFFFFFFF;
	p2 =	slt.u32 s8, $0xFFFFF086  }
0x1c: {  	p1 =	slt.u32 s9, $0xF7A;
	s5 =	simm.s32 @!p2 $0x0  }
0x1d: {  	s5 =	simm.s32 @p1 $0x1;
	p0 =	seq.s32 s7, s2  }
0x1e: {  	s7 =	smul.u32 @!p0 $0xF7A, s2;
	p2 =	seq.s32 @!p0 s5, $0x0  }
0x1f: {  	s9 =	smul.u32 $0xF7A, s1;
	s8 =	simm.s32 @!p0 $0x1BF5;
	p2 =	por !p2, p0  }
0x20: {  	[sflag:s8] =	ssyncset.s32 @!p0 $0xFFFFF086;
	s6 =	sadd.s32 @!p0 s3, s7;
	s7 =	simm.s32 @!p0 $0x108  }
0x21: {  	s3 =	sadd.s32 s3, s9;
	s6 =	sadd.s32 @!p0 $0x88, s6;
	s7 =	simm.s32 @p2 $0x1082  }
0x22: {  	[simem:s7], [sflag:s8] =	dma.local @!p0 [hbm:s6], $0xF7A  }
0x23: {  	s9 =	sor.u32 $0xD0000000, s2;
	s6 =	simm.s32 $0x108;
	_ =	swait.ge @!p0 [sflag:s8], $0x0  }
0x24: {  	s3 =	sadd.s32 $0x88, s3;
	s6 =	simm.s32 @!p1 $0x1082;
	[sflag:s4] =	ssyncset.s32 $0xFFFFF086  }
0x25: {  	[simem:s6], [sflag:s4] =	dma.local [hbm:s3], $0xF7A  }
0x26: {  	[smem:$0x3F9E] =	sst s1;
	(tag) =	ssettag s2;
	_ =	strace s9  }
0x27: {  	s1 =	sld [smem:$0x3FAE]  }
0x28: {  	s2 =	sld [smem:$0x3FAF]  }
0x29: {  	s4 =	sld [smem:$0x3FB1]  }
0x2a: {  	p0 =	seq.s32 s5, $0x0;
	s5 =	sld [smem:$0x3FB2]  }
0x2b: {  	s6 =	sld [smem:$0x3FB3]  }
0x2c: {  	s7 =	sld [smem:$0x3FB4]  }
0x2d: {  	s3 =	simm.s32 $0x108;
	s8 =	sld [smem:$0x3FB5]  }
0x2e: {  	s3 =	simm.s32 @!p0 $0x1082;
	s9 =	sld [smem:$0x3FB6]  }
0x2f: {  	lr =	sadd.s32 s0, s3;
	s0 =	sld [smem:$0x3FAD]  }
0x30: {  	s3 =	sld [smem:$0x3FB0]  }
0x31: {  	[smem:$0x3FB9] =	sst s10  }
0x32: {  	s10 =	sld [smem:$0x3FB7];
	_ =	sdelay $0x3  }
0x33: {  	p0 =	seq.s32 s10, $0x1;
	s10 =	sld [smem:$0x3FB9];
	_ =	sdelay $0x3  }
0x34: {  	[smem:$0x3FB9] =	sst s10  }
0x35: {  	s10 =	sld [smem:$0x3FB8];
	_ =	sdelay $0x3  }
0x36: {  	p1 =	seq.s32 s10, $0x1;
	s10 =	sld [smem:$0x3FB9];
	_ =	sdelay $0x3  }
0x37: {  	[smem:$0x3FB9] =	sst s10  }
0x38: {  	s10 =	sld [smem:$0x3FBA]  }
0x39: {  	_ = 	snop;
	(pc) =	sbr.ind lr, $3  }
0x3a: {  	_ = 	snop  }
0x3b: {  	_ = 	snop  }
0x3c: {  	p2 =	seq.s32 s10, $0x1;
	s10 =	sld [smem:$0x3FB9]  }
0x3d: {  	_ =	shalt  }
0x3e: {  	_ =	shalt  }
0x3f: {  	_ =	shalt  }
0x40: {  	_ =	shalt  }
0x41: {  	_ =	shalt  }
0x42: {  	_ =	shalt  }
0x43: {  	_ =	shalt  }
0x44: {  	_ =	shalt  }
0x45: {  	_ =	shalt  }
0x46: {  	_ =	shalt  }
0x47: {  	_ =	shalt  }
0x48: {  	_ =	shalt  }
0x49: {  	_ =	shalt  }
0x4a: {  	_ =	shalt  }
0x4b: {  	_ =	shalt  }
0x4c: {  	_ =	shalt  }
0x4d: {  	_ =	shalt  }
0x4e: {  	_ =	shalt  }
0x4f: {  	_ =	shalt  }
0x50: {  	_ =	shalt  }
0x51: {  	_ =	shalt  }
0x52: {  	_ =	shalt  }
0x53: {  	_ =	shalt  }
0x54: {  	_ =	shalt  }
0x55: {  	_ =	shalt  }
0x56: {  	_ =	shalt  }
0x57: {  	_ =	shalt  }
0x58: {  	_ =	shalt  }
0x59: {  	_ =	shalt  }
0x5a: {  	_ =	shalt  }
0x5b: {  	_ =	shalt  }
0x5c: {  	_ =	shalt  }
0x5d: {  	_ =	shalt  }
0x5e: {  	_ =	shalt  }
0x5f: {  	_ =	shalt  }
0x60: {  	_ =	shalt  }
0x61: {  	_ =	shalt  }
0x62: {  	_ =	shalt  }
0x63: {  	_ =	shalt  }
0x64: {  	_ =	shalt  }
0x65: {  	_ =	shalt  }
0x66: {  	_ =	shalt  }
0x67: {  	_ =	shalt  }
0x68: {  	_ =	shalt  }
0x69: {  	_ =	shalt  }
0x6a: {  	_ =	shalt  }
0x6b: {  	_ =	shalt  }
0x6c: {  	_ =	shalt  }
0x6d: {  	_ =	shalt  }
0x6e: {  	_ =	shalt  }
0x6f: {  	_ =	shalt  }
0x70: {  	_ =	shalt  }
0x71: {  	_ =	shalt  }
0x72: {  	_ =	shalt  }
0x73: {  	_ =	shalt  }
0x74: {  	_ =	shalt  }
0x75: {  	_ =	shalt  }
0x76: {  	_ =	shalt  }
0x77: {  	_ =	shalt  }
0x78: {  	_ =	shalt  }
0x79: {  	_ =	shalt  }
0x7a: {  	_ =	shalt  }
0x7b: {  	_ =	shalt  }
0x7c: {  	_ =	shalt  }
0x7d: {  	_ =	shalt  }
0x7e: {  	_ =	shalt  }
0x7f: {  	_ =	shalt  }
0x80: {  	_ =	shalt  }
0x81: {  	_ =	shalt  }
0x82: {  	_ =	shalt  }
0x83: {  	_ =	shalt  }
0x84: {  	_ =	shalt  }
0x85: {  	_ =	shalt  }
0x86: {  	_ =	shalt  }
0x87: {  	_ =	shalt  }
.Lfunc_end0:
.L_simem_size_0:
called_computation_lowered:
.L_overlay_start_0:
0x88: {  	s2 =	sld [smem:$0x3FD9]  }
0x89: {  	s3 =	sld [smem:$0x3FFE];
	_ =	sdelay $0x1  }
0x8a: {  	s1 =	srdreg.scid  }
0x8b: {  	s0 =	sand.u32 $0x1, s1  }
0x8c: {  	s17 =	sshll.u32 s0, $0xA;
	s2 =	sadd.s32 s3, s2  }
0x8d: {  	s2 =	sadd.s32 s2, s17  }
0x8e: {  	[smem:$0x3FC5] =	sst s2  }
0x8f: {  	_ = 	snop  }
0x90: {  	s2 =	sld [smem:$0x3FC9]  }
0x91: {  	s18 =	sld [smem:$0x3FD0];
	(tm) =	ssettm $0x1  }
0x92: {  	s4 =	sld [smem:$0x3FFB];
	_ =	sdelay $0x3  }
0x93: {  	_ =	strace s4  }
0x94: {  	s4 =	sld [smem:$0x3FFC];
	_ =	sdelay $0x3  }
0x95: {  	_ =	strace s4  }
0x96: {  	s4 =	sld [smem:$0x3FFD];
	_ =	sdelay $0x3  }
0x97: {  	_ =	strace s4  }
0x98: {  	_ =	strace $0x8FFFFFFF  }
0x99: {  	s19 =	sld [smem:$0x3FDB];
	_ =	sdelay $0x1  }
0x9a: {  	s5 =	simm.s32 $_scs_section_size  }
0x9b: {  	s6 =	simm.s32 $_size__tile_overlayer_lowered;
	s7 =	simm.s32 $_tile_overlayer_lowered  }
0x9c: {  	s22 =	simm.s32 $0x1BFF;
	s21 =	sshll.u32 s7, $0x1;
	s4 =	sadd.s32 s5, s19  }
0x9d: {  	s8 =	simm.s32 $0x0;
	s20 =	sshll.u32 s6, $0x1;
	s6 =	sadd.s32 s21, s4  }
0x9e: {  	[timem:s8], [sflag:s22] =	dma.local [hbm:s6], s20  }
0x9f: {  	_ =	swait.ge [sflag:s22], s20  }
0xa0: {  	s5 =	ssub.s32 $0x0, s20;
	[sflag:s22] =	ssyncset.done $0x0  }
0xa1: {  	[sflag:s22] =	ssyncadd.s32 s5;
	_ =	sdelay $0x1  }
0xa2: {  	s23 =	simm.s32 $0x1B8B  }
0xa3: {  	_ =	swait.ge [sflag:s23], $0x1  }
0xa4: {  	[sflag:s23] =	ssyncset.done $0x0  }
0xa5: {  	s25 =	simm.s32 $0x1B8E;
	s24 =	sld [smem:$0x3FFE];
	[sflag:s23] =	ssyncadd.s32 $0xFFFFFFFF  }
0xa6: {  	s26 =	simm.s32 $execute0_lowered;
	[smem:$0x3FD2] =	sst s25  }
0xa7: {  	s6 =	sshll.u32 s26, $0x1;
	_ =	strace $0x80000046;
	[dreg:$0x1] =	wrdreg $0xFFFFFFFF  }
0xa8: {  	s28 =	simm.s32 $_size_execute0_lowered;
	s4 =	sadd.s32 s4, s6;
	[dreg:$0x0] =	wrdreg $0x0  }
0xa9: {  	s6 =	sshll.u32 s28, $0x1;
	[dreg:$0x2] =	wrdreg s4  }
0xaa: {  	[dreg:$0x3] =	wrdreg s6  }
0xab: {  	[dreg:$0x4] =	wrdreg $0xC0  }
0xac: {  	_ =	task [dreg:s8], $0x5FFFF  }
0xad: {  	[dreg:$0x1] =	wrdreg $0xFFFFFFFF  }
0xae: {  	[dreg:$0x0] =	wrdreg $0x60  }
0xaf: {  	[dreg:$0x2] =	wrdreg s2  }
0xb0: {  	[dreg:$0x3] =	wrdreg s24  }
0xb1: {  	[dreg:$0x4] =	wrdreg s18  }
0xb2: {  	[dreg:$0x5] =	wrdreg $0x9  }
0xb3: {  	_ =	task.clear_ibuf [dreg:s8], $0x6FFFF;
	_ =	strace $0x90000046  }
0xb4: {  	s29 =	simm.s32 $0x9;
	_ =	strace $0x80000048  }
0xb5: {  	_ =	swait.ge [sflag:s29], $0x1  }
0xb6: {  	[sflag:s29] =	ssyncadd.s32 $0xFFFFFFFF  }
0xb7: {  	_ =	strace $0x90000048  }
0xb8: {  	_ =	sfence  }
0xb9: {  	s30 =	sld [smem:$0x0];
	_ =	sdelay $0x2  }
0xba: {  	s31 =	sshll.u32 s1, $0xD;
	s1 =	sshrl.u32 s1, $0x2  }
0xbb: {  	s3 =	sand.u32 $0x4000, s31;
	s1 =	sadd.s32 s1, s30  }
0xbc: {  	s0 =	sor.u32 s3, s0;
	s1 =	sshll.u32 s1, $0x11  }
0xbd: {  	s0 =	sor.u32 s1, s0  }
0xbe: {  	s0 =	sadd.s32 $0x8F2B, s0  }
0xbf: {  	[sflag:s0] =	ssyncadd.remote.s32 $0x1  }
0xc0: {  	_ =	sfence.sel $0xFFFF  }
0xc1: {  	[dreg:$0x0] =	wrdreg $0xFFFFFFFF;
	(pc) =	sbr.abs _section_cstart, $3  }
0xc2: {  	[dreg:$0x1] =	wrdreg $0xFFFFFFFF  }
0xc3: {  	_ =	task.clear_ibuf [dreg:s8], $0x2FFFF;
	_ =	strace $0x9FFFFFFF  }
0xc4: {  	(tm) =	ssettm $0x7FFFFFFF  }
0xc5: {  	_ =	shalt  }
tec
execute0_lowered:
.L_overlay_start_1:
0x0: {  	(tag) =	ssettag $0x1  }
0x1: {  	s0 =	srdreg.scid;
	s1 =	rddreg [dreg:$0x0]  }
0x2: {  	s2 =	stileid.u32;
	s7 =	rddreg [dreg:$0x1]  }
0x3: {  	s3 =	rddreg [dreg:$0x2];
	s5 =	simm.s32 $0x0;
	s21 =	simm.s32 $0x1  }
0x4: {  	s22 =	simm.s32 $0x80;
	s25 =	simm.s32 $0x2;
	s29 =	simm.s32 $0x3  }
0x5: {  	s30 =	simm.s32 $0x6600;
	s31 =	simm.s32 $0xE800;
	s23 =	simm.s32 $0x4  }
0x6: {  	s24 =	simm.s32 $0x6700;
	s19 =	simm.s32 $0x13E80;
	s9 =	simm.s32 $0x14680  }
0x7: {  	s17 =	simm.s32 $0x6;
	s0 =	sand.u32 $0x1, s0;
	s2 =	sshll.u32 s2, $0x1  }
0x8: {  	[smem:$0x7FF] =	sst s5;
	s10 =	sadd.s32 $0x1000, s3;
	s11 =	sadd.s32 $0x2000, s3  }
0x9: {  	s12 =	sadd.s32 $0x3000, s3;
	s13 =	sadd.s32 $0x4000, s3;
	s2 =	sor.u32 s0, s2  }
0xa: {  	s14 =	sadd.s32 $0x5000, s3;
	s0 =	ssub.s32 $0x2, s0;
	s4 =	smul.u32 $0xC8, s2  }
0xb: {  	_ =	strace $0x80000047;
	s2 =	sshll.u32 s2, $0xA;
	s28 =	sshrl.u32 s0, $0x1  }
0xc: {  	s2 =	sand.u32 $0xC00, s2;
	s0 =	ssub.s32 s0, s28;
	s6 =	sshll.u32 s4, $0x4  }
0xd: {  	v0 =	vlaneseq.u32;
	s8 =	sshrl.u32 s4, $0x1;
	s0 =	smax.u32 s0, $0x1;
	s6 =	sand.u32 $0x1F000, s6  }
0xe: {  	v0 =	vmul.u32 $0x89, v0;
	s26 =	sand.u32 $0x70, s8;
	[dreg:$0x7] =	wrdreg s0;
	s2 =	sor.u32 s2, s6  }
0xf: {  	s6 =	sadd.s32 $0xF42C00, s7;
	s7 =	sadd.s32 $0x800, s7;
	s2 =	sor.u32 s26, s2  }
0x10: {  	s15 =	sadd.s32 $0x6000, s3;
	v1 =	vadd.s32 $0x890, v0;
	[dreg:$0x5] =	wrdreg s7;
	s2 =	sadd.s32 s1, s2  }
0x11: {  	s16 =	sadd.s32 $0x7000, s3;
	v2 =	vadd.s32 $0x1120, v0;
	v3 =	vadd.s32 $0x19B0, v0;
	v4 =	vadd.s32 $0x2240, v0;
	[dreg:$0x4] =	wrdreg s2;
	s2 =	sadd.s32 $0x80, s2  }
0x12: {  	v5 =	vadd.s32 $0x2AD0, v0;
	v6 =	vadd.s32 $0x3360, v0;
	v7 =	vadd.s32 $0x3BF0, v0;
	s8 =	simm.s32 $0x14280;
	[dreg:$0x6] =	wrdreg s2;
	s2 =	simm.s32 $0x0  }
.LBB2_1:
0x13: {  	[dreg:$0x8] =	wrdreg s2  }
0x14: {  	s0 =	rddreg [dreg:$0x5];
	s28 =	simm.s32 $0x7  }
0x15: {  	[tilespmem:s5], [sflag:$0x7] =	stream.linear.gather [hbm4b:s0+s5], $0x6400, $0x38;
	[tilespmem:$0x14A80] =	vst v63  }
0x16: {  	_ =	swait.ge [sflag:s28], $0x6400  }
0x17: {  	[sflag:s28] =	ssyncset.done $0x0  }
0x18: {  	s7 =	simm.s32 $0x6400;
	s2 =	rddreg [dreg:$0x4];
	[sflag:s28] =	ssyncadd.s32 $0xFFFF9C00  }
0x19: {  	[tilespmem:s7], [sflag:$0x1] =	stream.linear.gather [hbm4b:s2+s5], $0x80, $0x38;
	[tilespmem:$0x14A80] =	vst v63  }
0x1a: {  	s20 =	simm.s32 $0x6480;
	s18 =	rddreg [dreg:$0x6]  }
0x1b: {  	[tilespmem:s20], [sflag:$0x2] =	stream.linear.gather [hbm4b:s18+s5], $0x80, $0x38;
	[tilespmem:$0x14A80] =	vst v63  }
0x1c: {  	_ =	swait.ge [sflag:s21], $0x80  }
0x1d: {  	[sflag:s21] =	ssyncset.done $0x0  }
0x1e: {  	[sflag:s21] =	ssyncadd.s32 $0xFFFFFF80  }
0x1f: {  	v8 =	vld [tilespmem:$0x6400];
	_ =	sdelay $0x1  }
0x20: {  	v9 =	vld [tilespmem:$0x6410];
	_ =	sdelay $0x1  }
0x21: {  	v10 =	vld [tilespmem:$0x6420]  }
0x22: {  	v11 =	vshrl.u32 v8, $0x1;
	v8 =	vshll.u32 v8, $0x6  }
0x23: {  	v58 =	vld [tilespmem:$0x6430];
	[tilespmem:$0x6500] =	vst v11;
	v8 =	vand.u32 $0x40, v8  }
0x24: {  	[tilespmem:$0x6600] =	vst v8;
	v8 =	vshrl.u32 v9, $0x1;
	v9 =	vshll.u32 v9, $0x6  }
0x25: {  	v59 =	vld [tilespmem:$0x6440];
	[tilespmem:$0x6510] =	vst v8;
	v8 =	vand.u32 $0x40, v9  }
0x26: {  	[tilespmem:$0x6610] =	vst v8;
	v8 =	vshrl.u32 v10, $0x1;
	v10 =	vshll.u32 v10, $0x6  }
0x27: {  	v60 =	vld [tilespmem:$0x6450];
	[tilespmem:$0x6520] =	vst v8;
	v8 =	vand.u32 $0x40, v10  }
0x28: {  	v11 =	vshll.u32 v58, $0x6;
	[tilespmem:$0x6620] =	vst v8;
	v8 =	vshrl.u32 v58, $0x1  }
0x29: {  	v61 =	vld [tilespmem:$0x6460];
	[tilespmem:$0x6530] =	vst v8;
	v8 =	vand.u32 $0x40, v11  }
0x2a: {  	v9 =	vshll.u32 v59, $0x6;
	[tilespmem:$0x6630] =	vst v8;
	v8 =	vshrl.u32 v59, $0x1  }
0x2b: {  	v62 =	vld [tilespmem:$0x6470];
	[tilespmem:$0x6540] =	vst v8;
	v8 =	vand.u32 $0x40, v9  }
0x2c: {  	v10 =	vshll.u32 v60, $0x6;
	[tilespmem:$0x6640] =	vst v8;
	v8 =	vshrl.u32 v60, $0x1  }
0x2d: {  	[tilespmem:$0x6550] =	vst v8;
	v8 =	vand.u32 $0x40, v10  }
0x2e: {  	v63 =	vshll.u32 v61, $0x6;
	[tilespmem:$0x6650] =	vst v8;
	v8 =	vshrl.u32 v61, $0x1  }
0x2f: {  	[tilespmem:$0x6560] =	vst v8;
	v8 =	vand.u32 $0x40, v63  }
0x30: {  	v9 =	vshll.u32 v62, $0x6;
	[tilespmem:$0x6660] =	vst v8;
	v8 =	vshrl.u32 v62, $0x1  }
0x31: {  	[tilespmem:$0x6570] =	vst v8;
	v8 =	vand.u32 $0x40, v9  }
0x32: {  	s26 =	simm.s32 $0x6500;
	s28 =	simm.s32 $0x6800;
	s7 =	simm.s32 $0x0;
	[tilespmem:$0x6670] =	vst v8  }
0x33: {  	[tilespmem:s28], [sflag:$0x3] =	stream.indirect.gather [hbm4b:s6+s22], $0x80, s26, s22, $0xb8;
	[tilespmem:$0x14A80] =	vst v63  }
.LBB2_2:
0x34: {  	_ =	swait.ge [sflag:s25], $0x80  }
0x35: {  	[sflag:s25] =	ssyncset.done $0x0  }
0x36: {  	[sflag:s25] =	ssyncadd.s32 $0xFFFFFF80  }
0x37: {  	v8 =	vld [tilespmem:$0x6480];
	_ =	sdelay $0x1  }
0x38: {  	v9 =	vld [tilespmem:$0x6490];
	_ =	sdelay $0x1  }
0x39: {  	v10 =	vld [tilespmem:$0x64A0]  }
0x3a: {  	v11 =	vshrl.u32 v8, $0x1;
	v8 =	vshll.u32 v8, $0x6  }
0x3b: {  	[tilespmem:$0x6580] =	vst v11;
	v8 =	vand.u32 $0x40, v8;
	v11 =	vld [tilespmem:$0x64B0]  }
0x3c: {  	[tilespmem:$0x6700] =	vst v8;
	v8 =	vshrl.u32 v9, $0x1;
	v9 =	vshll.u32 v9, $0x6  }
0x3d: {  	[tilespmem:$0x6590] =	vst v8;
	v8 =	vand.u32 $0x40, v9;
	v9 =	vld [tilespmem:$0x64C0]  }
0x3e: {  	[tilespmem:$0x6710] =	vst v8;
	v8 =	vshrl.u32 v10, $0x1;
	v10 =	vshll.u32 v10, $0x6  }
0x3f: {  	[tilespmem:$0x65A0] =	vst v8;
	v8 =	vand.u32 $0x40, v10;
	v10 =	vld [tilespmem:$0x64D0]  }
0x40: {  	[tilespmem:$0x6720] =	vst v8;
	v8 =	vshrl.u32 v11, $0x1;
	v11 =	vshll.u32 v11, $0x6  }
0x41: {  	[tilespmem:$0x65B0] =	vst v8;
	v8 =	vand.u32 $0x40, v11;
	v11 =	vld [tilespmem:$0x64E0]  }
0x42: {  	[tilespmem:$0x6730] =	vst v8;
	v8 =	vshrl.u32 v9, $0x1;
	v9 =	vshll.u32 v9, $0x6  }
0x43: {  	[tilespmem:$0x65C0] =	vst v8;
	v8 =	vand.u32 $0x40, v9;
	v9 =	vld [tilespmem:$0x64F0]  }
0x44: {  	[tilespmem:$0x6740] =	vst v8;
	v8 =	vshrl.u32 v10, $0x1;
	v10 =	vshll.u32 v10, $0x6  }
0x45: {  	[tilespmem:$0x65D0] =	vst v8;
	v8 =	vand.u32 $0x40, v10  }
0x46: {  	[tilespmem:$0x6750] =	vst v8;
	v8 =	vshrl.u32 v11, $0x1;
	v10 =	vshll.u32 v11, $0x6  }
0x47: {  	[tilespmem:$0x65E0] =	vst v8;
	v8 =	vand.u32 $0x40, v10  }
0x48: {  	s0 =	sshll.u32 s7, $0x1;
	[tilespmem:$0x6760] =	vst v8;
	v8 =	vshrl.u32 v9, $0x1;
	v9 =	vshll.u32 v9, $0x6  }
0x49: {  	p0 =	seq.s32 s7, $0x63;
	s20 =	sadd.s32 s4, s0;
	[tilespmem:$0x65F0] =	vst v8;
	v8 =	vand.u32 $0x40, v9  }
0x4a: {  	s2 =	simm.s32 $0x6580;
	s18 =	simm.s32 $0xA800;
	s0 =	sadd.s32 @!p0 $0x2, s20;
	[tilespmem:$0x6770] =	vst v8  }
0x4b: {  	[tilespmem:s18], [sflag:$0x4] =	stream.indirect.gather [hbm4b:s6+s22], $0x80, s2, s22, $0xb8;
	[tilespmem:$0x14A80] =	vst v63  }
0x4c: {  	s2 =	sshll.u32 @!p0 s0, $0x7;
	s18 =	sshll.u32 @!p0 s0, $0xA  }
0x4d: {  	s0 =	sshll.u32 @!p0 s0, $0x2;
	s2 =	sand.u32 @!p0 $0xFFFF8000, s2;
	s18 =	sand.u32 @!p0 $0x7800, s18  }
0x4e: {  	s0 =	sand.u32 @!p0 $0x380, s0;
	s2 =	sor.u32 @!p0 s18, s2  }
0x4f: {  	s0 =	sor.u32 @!p0 s0, s2  }
0x50: {  	s0 =	sshrl.u32 @!p0 s0, $0x3  }
0x51: {  	s18 =	simm.s32 @!p0 $0x6400;
	s2 =	simm.s32 @!p0 $0x0;
	s0 =	sadd.s32 @!p0 s1, s0  }
0x52: {  	[tilespmem:s18], [sflag:$0x1] =	stream.linear.gather @!p0 [hbm4b:s0+s2], $0x80, $0x38;
	[tilespmem:$0x14A80] =	vst v63  }
0x53: {  	_ =	swait.ge [sflag:s29], $0x4000  }
0x54: {  	p0 =	seq.s32 s7, $0x0;
	[sflag:s29] =	ssyncset.done $0x0  }
0x55: {  	s0 =	simm.s32 @!p0 $0x5;
	[sflag:s29] =	ssyncadd.s32 $0xFFFFC000  }
0x56: {  	_ =	swait.ge @!p0 [sflag:s0], $0x400  }
0x57: {  	[sflag:s0] =	ssyncset.done @!p0 $0x0  }
0x58: {  	[sflag:s0] =	ssyncadd.s32 @!p0 $0xFFFFFC00  }
0x59: {  	_ =	swait.ge @!p0 [sflag:s0], $0x400  }
0x5a: {  	[sflag:s0] =	ssyncset.done @!p0 $0x0  }
0x5b: {  	[sflag:s0] =	ssyncadd.s32 @!p0 $0xFFFFFC00  }
0x5c: {  	_ =	swait.ge @!p0 [sflag:s0], $0x400  }
0x5d: {  	[sflag:s0] =	ssyncset.done @!p0 $0x0  }
0x5e: {  	[sflag:s0] =	ssyncadd.s32 @!p0 $0xFFFFFC00  }
0x5f: {  	_ =	swait.ge @!p0 [sflag:s0], $0x400  }
0x60: {  	[sflag:s0] =	ssyncset.done @!p0 $0x0  }
0x61: {  	[sflag:s0] =	ssyncadd.s32 @!p0 $0xFFFFFC00  }
0x62: {  	_ =	swait.ge @!p0 [sflag:s0], $0x400  }
0x63: {  	[sflag:s0] =	ssyncset.done @!p0 $0x0  }
0x64: {  	[sflag:s0] =	ssyncadd.s32 @!p0 $0xFFFFFC00  }
0x65: {  	_ =	swait.ge @!p0 [sflag:s0], $0x400  }
0x66: {  	[sflag:s0] =	ssyncset.done @!p0 $0x0  }
0x67: {  	[sflag:s0] =	ssyncadd.s32 @!p0 $0xFFFFFC00  }
0x68: {  	_ =	swait.ge @!p0 [sflag:s0], $0x400  }
0x69: {  	[sflag:s0] =	ssyncset.done @!p0 $0x0  }
0x6a: {  	[sflag:s0] =	ssyncadd.s32 @!p0 $0xFFFFFC00  }
0x6b: {  	_ =	swait.ge @!p0 [sflag:s0], $0x400  }
0x6c: {  	s28 =	sshll.u32 s20, $0x2;
	[sflag:s0] =	ssyncset.done @!p0 $0x0  }
0x6d: {  	s18 =	sand.u32 $0x3FFFFF80, s28;
	[sflag:s0] =	ssyncadd.s32 @!p0 $0xFFFFFC00  }
0x6e: {  	v8 =	vld [tilespmem:s18+$0x0]  }
0x6f: {  	v9 =	vld [tilespmem:s18+$0x10]  }
0x70: {  	v10 =	vld [tilespmem:s18+$0x20]  }
0x71: {  	s26 =	sshrl.u32 s20, $0x5;
	s2 =	simm.s32 $0x6840;
	s0 =	simm.s32 $0x0;
	v11 =	vld [tilespmem:s18+$0x30]  }
.LBB2_3:
0x72: {  	v12 =	vmov s0;
	_ =	sdelay $0x4  }
0x73: {  	v12 =	vld.idx.msk [tilespmem:v12+s30+$0x0], $0xffff;
	_ =	sdelay $0x3  }
0x74: {  	v13 =	vld [tilespmem:s2+$0xFFFFFFC0]  }
0x75: {  	v14 =	vmul.u32 $0xFFFFFF77, v12;
	_ =	sdelay $0x1  }
0x76: {  	vm0 =	veq.s32 v12, $0x0;
	v14 =	vadd.s32 s0, v14  }
0x77: {  	v15 =	vadd.s32 v0, v14  }
0x78: {  	v13 =	vmul.f32 $8.000000000e+00, v13;
	_ =	sdelay $0x1  }
0x79: {  	v13 =	vadd.f32 v13, v8;
	_ =	sdelay $0x1  }
0x7a: {  	[tilespmem:v15+s31+$0x0] =	vst.idx.msk vm0, v13  }
0x7b: {  	v13 =	vld [tilespmem:s2+$0xFFFFFFD0];
	_ =	sdelay $0x3  }
0x7c: {  	v57 =	vadd.s32 v1, v14  }
0x7d: {  	v13 =	vmul.f32 $8.000000000e+00, v13;
	_ =	sdelay $0x1  }
0x7e: {  	v13 =	vadd.f32 v13, v9;
	_ =	sdelay $0x1  }
0x7f: {  	[tilespmem:v57+s31+$0x0] =	vst.idx.msk vm0, v13  }
0x80: {  	v13 =	vld [tilespmem:s2+$0xFFFFFFE0];
	_ =	sdelay $0x3  }
0x81: {  	v58 =	vadd.s32 v2, v14  }
0x82: {  	v13 =	vmul.f32 $8.000000000e+00, v13;
	_ =	sdelay $0x1  }
0x83: {  	v13 =	vadd.f32 v13, v10;
	_ =	sdelay $0x1  }
0x84: {  	[tilespmem:v58+s31+$0x0] =	vst.idx.msk vm0, v13  }
0x85: {  	v13 =	vld [tilespmem:s2+$0xFFFFFFF0];
	_ =	sdelay $0x3  }
0x86: {  	v59 =	vadd.s32 v3, v14  }
0x87: {  	v13 =	vmul.f32 $8.000000000e+00, v13;
	_ =	sdelay $0x1  }
0x88: {  	v13 =	vadd.f32 v13, v11;
	_ =	sdelay $0x1  }
0x89: {  	[tilespmem:v59+s31+$0x0] =	vst.idx.msk vm0, v13  }
0x8a: {  	v13 =	vld [tilespmem:s2+$0x0];
	_ =	sdelay $0x2  }
0x8b: {  	vm15 =	vne.s32 v12, $0x0  }
0x8c: {  	v60 =	vadd.s32 v4, v14  }
0x8d: {  	v13 =	vmul.f32 $8.000000000e+00, v13;
	_ =	sdelay $0x1  }
0x8e: {  	v13 =	vadd.f32 v13, v8;
	_ =	sdelay $0x1  }
0x8f: {  	[tilespmem:v60+s31+$0x0] =	vst.idx.msk vm15, v13  }
0x90: {  	v12 =	vld [tilespmem:s2+$0x10];
	_ =	sdelay $0x3  }
0x91: {  	v61 =	vadd.s32 v5, v14  }
0x92: {  	v12 =	vmul.f32 $8.000000000e+00, v12;
	_ =	sdelay $0x1  }
0x93: {  	v12 =	vadd.f32 v12, v9;
	_ =	sdelay $0x1  }
0x94: {  	[tilespmem:v61+s31+$0x0] =	vst.idx.msk vm15, v12  }
0x95: {  	v12 =	vld [tilespmem:s2+$0x20];
	_ =	sdelay $0x3  }
0x96: {  	v62 =	vadd.s32 v6, v14  }
0x97: {  	v12 =	vmul.f32 $8.000000000e+00, v12;
	_ =	sdelay $0x1  }
0x98: {  	v12 =	vadd.f32 v12, v10;
	_ =	sdelay $0x1  }
0x99: {  	[tilespmem:v62+s31+$0x0] =	vst.idx.msk vm15, v12  }
0x9a: {  	v12 =	vld [tilespmem:s2+$0x30];
	_ =	sdelay $0x3  }
0x9b: {  	p1 =	sne.s32 s0, $0x7F;
	v63 =	vadd.s32 v7, v14  }
.Ltmp0:
0x9c: {  	v12 =	vmul.f32 $8.000000000e+00, v12;
	(pc) =	sbr.rel @p1 .LBB2_3-.Ltmp0, $3  }
0x9d: {  	_ = 	snop  }
0x9e: {  	v12 =	vadd.f32 v12, v11;
	_ =	sdelay $0x1  }
0x9f: {  	s0 =	sadd.s32 $0x1, s0;
	s2 =	sadd.s32 $0x80, s2;
	[tilespmem:v63+s31+$0x0] =	vst.idx.msk vm15, v12  }
0xa0: {  	s0 =	simm.s32 $0xEA24  }
0xa1: {  	v8 =	vld [tilespmem:s0+$0xFFFFFDDC];
	_ =	sdelay $0x3  }
0xa2: {  	s28 =	simm.s32 $0x10C80  }
0xa3: {  	[tilespmem:s28+$0xFFFFFE00] =	vst v8  }
0xa4: {  	v8 =	vld [tilespmem:s0+$0xFFFFFDEC];
	_ =	sdelay $0x4  }
0xa5: {  	[tilespmem:s28+$0xFFFFFE10] =	vst v8  }
0xa6: {  	v8 =	vld [tilespmem:s0+$0xFFFFFDFC];
	_ =	sdelay $0x4  }
0xa7: {  	[tilespmem:s28+$0xFFFFFE20] =	vst v8  }
0xa8: {  	v8 =	vld [tilespmem:s0+$0xFFFFFE0C];
	_ =	sdelay $0x4  }
0xa9: {  	[tilespmem:s28+$0xFFFFFE30] =	vst v8  }
0xaa: {  	v8 =	vld [tilespmem:s0+$0xFFFFFE1C];
	_ =	sdelay $0x4  }
0xab: {  	[tilespmem:s28+$0xFFFFFE40] =	vst v8  }
0xac: {  	v8 =	vld [tilespmem:s0+$0xFFFFFE2C];
	_ =	sdelay $0x4  }
0xad: {  	[tilespmem:s28+$0xFFFFFE50] =	vst v8  }
0xae: {  	v8 =	vld [tilespmem:s0+$0xFFFFFE3C];
	_ =	sdelay $0x4  }
0xaf: {  	[tilespmem:s28+$0xFFFFFE60] =	vst v8  }
0xb0: {  	v8 =	vld [tilespmem:s0+$0xFFFFFE4C];
	_ =	sdelay $0x4  }
0xb1: {  	[tilespmem:s28+$0xFFFFFE70] =	vst v8  }
0xb2: {  	v8 =	vld [tilespmem:s0+$0xFFFFFE65];
	_ =	sdelay $0x4  }
0xb3: {  	[tilespmem:s28+$0xFFFFFE80] =	vst v8  }
0xb4: {  	v8 =	vld [tilespmem:s0+$0xFFFFFE75];
	_ =	sdelay $0x4  }
0xb5: {  	[tilespmem:s28+$0xFFFFFE90] =	vst v8  }
0xb6: {  	v8 =	vld [tilespmem:s0+$0xFFFFFE85];
	_ =	sdelay $0x4  }
0xb7: {  	[tilespmem:s28+$0xFFFFFEA0] =	vst v8  }
0xb8: {  	v8 =	vld [tilespmem:s0+$0xFFFFFE95];
	_ =	sdelay $0x4  }
0xb9: {  	[tilespmem:s28+$0xFFFFFEB0] =	vst v8  }
0xba: {  	v8 =	vld [tilespmem:s0+$0xFFFFFEA5];
	_ =	sdelay $0x4  }
0xbb: {  	[tilespmem:s28+$0xFFFFFEC0] =	vst v8  }
0xbc: {  	v8 =	vld [tilespmem:s0+$0xFFFFFEB5];
	_ =	sdelay $0x4  }
0xbd: {  	[tilespmem:s28+$0xFFFFFED0] =	vst v8  }
0xbe: {  	v8 =	vld [tilespmem:s0+$0xFFFFFEC5];
	_ =	sdelay $0x4  }
0xbf: {  	[tilespmem:s28+$0xFFFFFEE0] =	vst v8  }
0xc0: {  	v8 =	vld [tilespmem:s0+$0xFFFFFED5];
	_ =	sdelay $0x4  }
0xc1: {  	[tilespmem:s28+$0xFFFFFEF0] =	vst v8  }
0xc2: {  	v8 =	vld [tilespmem:s0+$0xFFFFFEEE];
	_ =	sdelay $0x4  }
0xc3: {  	[tilespmem:s28+$0xFFFFFF00] =	vst v8  }
0xc4: {  	v8 =	vld [tilespmem:s0+$0xFFFFFEFE];
	_ =	sdelay $0x4  }
0xc5: {  	[tilespmem:s28+$0xFFFFFF10] =	vst v8  }
0xc6: {  	v8 =	vld [tilespmem:s0+$0xFFFFFF0E];
	_ =	sdelay $0x4  }
0xc7: {  	[tilespmem:s28+$0xFFFFFF20] =	vst v8  }
0xc8: {  	v8 =	vld [tilespmem:s0+$0xFFFFFF1E];
	_ =	sdelay $0x4  }
0xc9: {  	[tilespmem:s28+$0xFFFFFF30] =	vst v8  }
0xca: {  	v8 =	vld [tilespmem:s0+$0xFFFFFF2E];
	_ =	sdelay $0x4  }
0xcb: {  	[tilespmem:s28+$0xFFFFFF40] =	vst v8  }
0xcc: {  	v8 =	vld [tilespmem:s0+$0xFFFFFF3E];
	_ =	sdelay $0x4  }
0xcd: {  	[tilespmem:s28+$0xFFFFFF50] =	vst v8  }
0xce: {  	v8 =	vld [tilespmem:s0+$0xFFFFFF4E];
	_ =	sdelay $0x4  }
0xcf: {  	[tilespmem:s28+$0xFFFFFF60] =	vst v8  }
0xd0: {  	v8 =	vld [tilespmem:s0+$0xFFFFFF5E];
	_ =	sdelay $0x4  }
0xd1: {  	[tilespmem:s28+$0xFFFFFF70] =	vst v8  }
0xd2: {  	v8 =	vld [tilespmem:s0+$0xFFFFFF77];
	_ =	sdelay $0x4  }
0xd3: {  	[tilespmem:s28+$0xFFFFFF80] =	vst v8  }
0xd4: {  	v8 =	vld [tilespmem:s0+$0xFFFFFF87];
	_ =	sdelay $0x4  }
0xd5: {  	[tilespmem:s28+$0xFFFFFF90] =	vst v8  }
0xd6: {  	v8 =	vld [tilespmem:s0+$0xFFFFFF97];
	_ =	sdelay $0x4  }
0xd7: {  	[tilespmem:s28+$0xFFFFFFA0] =	vst v8  }
0xd8: {  	v8 =	vld [tilespmem:s0+$0xFFFFFFA7];
	_ =	sdelay $0x4  }
0xd9: {  	[tilespmem:s28+$0xFFFFFFB0] =	vst v8  }
0xda: {  	v8 =	vld [tilespmem:s0+$0xFFFFFFB7];
	_ =	sdelay $0x4  }
0xdb: {  	[tilespmem:s28+$0xFFFFFFC0] =	vst v8  }
0xdc: {  	v8 =	vld [tilespmem:s0+$0xFFFFFFC7];
	_ =	sdelay $0x4  }
0xdd: {  	[tilespmem:s28+$0xFFFFFFD0] =	vst v8  }
0xde: {  	v8 =	vld [tilespmem:s0+$0xFFFFFFD7];
	_ =	sdelay $0x4  }
0xdf: {  	[tilespmem:s28+$0xFFFFFFE0] =	vst v8  }
0xe0: {  	v8 =	vld [tilespmem:s0+$0xFFFFFFE7];
	_ =	sdelay $0x4  }
0xe1: {  	[tilespmem:s28+$0xFFFFFFF0] =	vst v8  }
0xe2: {  	v8 =	vld [tilespmem:s0+$0x0];
	_ =	sdelay $0x4  }
0xe3: {  	[tilespmem:s28+$0x0] =	vst v8  }
0xe4: {  	v8 =	vld [tilespmem:s0+$0x10];
	_ =	sdelay $0x4  }
0xe5: {  	[tilespmem:s28+$0x10] =	vst v8  }
0xe6: {  	v8 =	vld [tilespmem:s0+$0x20];
	_ =	sdelay $0x4  }
0xe7: {  	[tilespmem:s28+$0x20] =	vst v8  }
0xe8: {  	v8 =	vld [tilespmem:s0+$0x30];
	_ =	sdelay $0x4  }
0xe9: {  	[tilespmem:s28+$0x30] =	vst v8  }
0xea: {  	v8 =	vld [tilespmem:s0+$0x40];
	_ =	sdelay $0x4  }
0xeb: {  	[tilespmem:s28+$0x40] =	vst v8  }
0xec: {  	v8 =	vld [tilespmem:s0+$0x50];
	_ =	sdelay $0x4  }
0xed: {  	[tilespmem:s28+$0x50] =	vst v8  }
0xee: {  	v8 =	vld [tilespmem:s0+$0x60];
	_ =	sdelay $0x4  }
0xef: {  	[tilespmem:s28+$0x60] =	vst v8  }
0xf0: {  	v8 =	vld [tilespmem:s0+$0x70];
	_ =	sdelay $0x4  }
0xf1: {  	[tilespmem:s28+$0x70] =	vst v8  }
0xf2: {  	v8 =	vld [tilespmem:s0+$0x89];
	_ =	sdelay $0x4  }
0xf3: {  	[tilespmem:s28+$0x80] =	vst v8  }
0xf4: {  	v8 =	vld [tilespmem:s0+$0x99];
	_ =	sdelay $0x4  }
0xf5: {  	[tilespmem:s28+$0x90] =	vst v8  }
0xf6: {  	v8 =	vld [tilespmem:s0+$0xA9];
	_ =	sdelay $0x4  }
0xf7: {  	[tilespmem:s28+$0xA0] =	vst v8  }
0xf8: {  	v8 =	vld [tilespmem:s0+$0xB9];
	_ =	sdelay $0x4  }
0xf9: {  	[tilespmem:s28+$0xB0] =	vst v8  }
0xfa: {  	v8 =	vld [tilespmem:s0+$0xC9];
	_ =	sdelay $0x4  }
0xfb: {  	[tilespmem:s28+$0xC0] =	vst v8  }
0xfc: {  	v8 =	vld [tilespmem:s0+$0xD9];
	_ =	sdelay $0x4  }
0xfd: {  	[tilespmem:s28+$0xD0] =	vst v8  }
0xfe: {  	v8 =	vld [tilespmem:s0+$0xE9];
	_ =	sdelay $0x4  }
0xff: {  	[tilespmem:s28+$0xE0] =	vst v8  }
0x100: {  	v8 =	vld [tilespmem:s0+$0xF9];
	_ =	sdelay $0x4  }
0x101: {  	[tilespmem:s28+$0xF0] =	vst v8  }
0x102: {  	v8 =	vld [tilespmem:s0+$0x112];
	_ =	sdelay $0x4  }
0x103: {  	[tilespmem:s28+$0x100] =	vst v8  }
0x104: {  	v8 =	vld [tilespmem:s0+$0x122];
	_ =	sdelay $0x4  }
0x105: {  	[tilespmem:s28+$0x110] =	vst v8  }
0x106: {  	v8 =	vld [tilespmem:s0+$0x132];
	_ =	sdelay $0x4  }
0x107: {  	[tilespmem:s28+$0x120] =	vst v8  }
0x108: {  	v8 =	vld [tilespmem:s0+$0x142];
	_ =	sdelay $0x4  }
0x109: {  	[tilespmem:s28+$0x130] =	vst v8  }
0x10a: {  	v8 =	vld [tilespmem:s0+$0x152];
	_ =	sdelay $0x4  }
0x10b: {  	[tilespmem:s28+$0x140] =	vst v8  }
0x10c: {  	v8 =	vld [tilespmem:s0+$0x162];
	_ =	sdelay $0x4  }
0x10d: {  	[tilespmem:s28+$0x150] =	vst v8  }
0x10e: {  	v8 =	vld [tilespmem:s0+$0x172];
	_ =	sdelay $0x4  }
0x10f: {  	[tilespmem:s28+$0x160] =	vst v8  }
0x110: {  	v8 =	vld [tilespmem:s0+$0x182];
	_ =	sdelay $0x4  }
0x111: {  	[tilespmem:s28+$0x170] =	vst v8  }
0x112: {  	v8 =	vld [tilespmem:s0+$0x19B];
	_ =	sdelay $0x4  }
0x113: {  	[tilespmem:s28+$0x180] =	vst v8  }
0x114: {  	v8 =	vld [tilespmem:s0+$0x1AB];
	_ =	sdelay $0x4  }
0x115: {  	[tilespmem:s28+$0x190] =	vst v8  }
0x116: {  	v8 =	vld [tilespmem:s0+$0x1BB];
	_ =	sdelay $0x4  }
0x117: {  	[tilespmem:s28+$0x1A0] =	vst v8  }
0x118: {  	v8 =	vld [tilespmem:s0+$0x1CB];
	_ =	sdelay $0x4  }
0x119: {  	[tilespmem:s28+$0x1B0] =	vst v8  }
0x11a: {  	v8 =	vld [tilespmem:s0+$0x1DB];
	_ =	sdelay $0x4  }
0x11b: {  	[tilespmem:s28+$0x1C0] =	vst v8  }
0x11c: {  	v8 =	vld [tilespmem:s0+$0x1EB];
	_ =	sdelay $0x4  }
0x11d: {  	[tilespmem:s28+$0x1D0] =	vst v8  }
0x11e: {  	v8 =	vld [tilespmem:s0+$0x1FB];
	_ =	sdelay $0x4  }
0x11f: {  	[tilespmem:s28+$0x1E0] =	vst v8  }
0x120: {  	v8 =	vld [tilespmem:s0+$0x20B];
	_ =	sdelay $0x4  }
0x121: {  	s2 =	simm.s32 $0x0;
	s0 =	simm.s32 $0xEE6C;
	[tilespmem:s28+$0x1F0] =	vst v8  }
.LBB2_5:
0x122: {  	v8 =	vld [tilespmem:s0+$0xFFFFFDDC];
	s2 =	sadd.s32 $0x8, s2  }
0x123: {  	p1 =	slt.u32 s2, $0x38;
	_ =	sdelay $0x2  }
0x124: {  	s28 =	sadd.s32 $0x400, s28  }
0x125: {  	[tilespmem:s28+$0xFFFFFE00] =	vst v8  }
0x126: {  	v8 =	vld [tilespmem:s0+$0xFFFFFDEC];
	_ =	sdelay $0x4  }
0x127: {  	[tilespmem:s28+$0xFFFFFE10] =	vst v8  }
0x128: {  	v8 =	vld [tilespmem:s0+$0xFFFFFDFC];
	_ =	sdelay $0x4  }
0x129: {  	[tilespmem:s28+$0xFFFFFE20] =	vst v8  }
0x12a: {  	v8 =	vld [tilespmem:s0+$0xFFFFFE0C];
	_ =	sdelay $0x4  }
0x12b: {  	[tilespmem:s28+$0xFFFFFE30] =	vst v8  }
0x12c: {  	v8 =	vld [tilespmem:s0+$0xFFFFFE1C];
	_ =	sdelay $0x4  }
0x12d: {  	[tilespmem:s28+$0xFFFFFE40] =	vst v8  }
0x12e: {  	v8 =	vld [tilespmem:s0+$0xFFFFFE2C];
	_ =	sdelay $0x4  }
0x12f: {  	[tilespmem:s28+$0xFFFFFE50] =	vst v8  }
0x130: {  	v8 =	vld [tilespmem:s0+$0xFFFFFE3C];
	_ =	sdelay $0x4  }
0x131: {  	[tilespmem:s28+$0xFFFFFE60] =	vst v8  }
0x132: {  	v8 =	vld [tilespmem:s0+$0xFFFFFE4C];
	_ =	sdelay $0x4  }
0x133: {  	[tilespmem:s28+$0xFFFFFE70] =	vst v8  }
0x134: {  	v8 =	vld [tilespmem:s0+$0xFFFFFE65];
	_ =	sdelay $0x4  }
0x135: {  	[tilespmem:s28+$0xFFFFFE80] =	vst v8  }
0x136: {  	v8 =	vld [tilespmem:s0+$0xFFFFFE75];
	_ =	sdelay $0x4  }
0x137: {  	[tilespmem:s28+$0xFFFFFE90] =	vst v8  }
0x138: {  	v8 =	vld [tilespmem:s0+$0xFFFFFE85];
	_ =	sdelay $0x4  }
0x139: {  	[tilespmem:s28+$0xFFFFFEA0] =	vst v8  }
0x13a: {  	v8 =	vld [tilespmem:s0+$0xFFFFFE95];
	_ =	sdelay $0x4  }
0x13b: {  	[tilespmem:s28+$0xFFFFFEB0] =	vst v8  }
0x13c: {  	v8 =	vld [tilespmem:s0+$0xFFFFFEA5];
	_ =	sdelay $0x4  }
0x13d: {  	[tilespmem:s28+$0xFFFFFEC0] =	vst v8  }
0x13e: {  	v8 =	vld [tilespmem:s0+$0xFFFFFEB5];
	_ =	sdelay $0x4  }
0x13f: {  	[tilespmem:s28+$0xFFFFFED0] =	vst v8  }
0x140: {  	v8 =	vld [tilespmem:s0+$0xFFFFFEC5];
	_ =	sdelay $0x4  }
0x141: {  	[tilespmem:s28+$0xFFFFFEE0] =	vst v8  }
0x142: {  	v8 =	vld [tilespmem:s0+$0xFFFFFED5];
	_ =	sdelay $0x4  }
0x143: {  	[tilespmem:s28+$0xFFFFFEF0] =	vst v8  }
0x144: {  	v8 =	vld [tilespmem:s0+$0xFFFFFEEE];
	_ =	sdelay $0x4  }
0x145: {  	[tilespmem:s28+$0xFFFFFF00] =	vst v8  }
0x146: {  	v8 =	vld [tilespmem:s0+$0xFFFFFEFE];
	_ =	sdelay $0x4  }
0x147: {  	[tilespmem:s28+$0xFFFFFF10] =	vst v8  }
0x148: {  	v8 =	vld [tilespmem:s0+$0xFFFFFF0E];
	_ =	sdelay $0x4  }
0x149: {  	[tilespmem:s28+$0xFFFFFF20] =	vst v8  }
0x14a: {  	v8 =	vld [tilespmem:s0+$0xFFFFFF1E];
	_ =	sdelay $0x4  }
0x14b: {  	[tilespmem:s28+$0xFFFFFF30] =	vst v8  }
0x14c: {  	v8 =	vld [tilespmem:s0+$0xFFFFFF2E];
	_ =	sdelay $0x4  }
0x14d: {  	[tilespmem:s28+$0xFFFFFF40] =	vst v8  }
0x14e: {  	v8 =	vld [tilespmem:s0+$0xFFFFFF3E];
	_ =	sdelay $0x4  }
0x14f: {  	[tilespmem:s28+$0xFFFFFF50] =	vst v8  }
0x150: {  	v8 =	vld [tilespmem:s0+$0xFFFFFF4E];
	_ =	sdelay $0x4  }
0x151: {  	[tilespmem:s28+$0xFFFFFF60] =	vst v8  }
0x152: {  	v8 =	vld [tilespmem:s0+$0xFFFFFF5E];
	_ =	sdelay $0x4  }
0x153: {  	[tilespmem:s28+$0xFFFFFF70] =	vst v8  }
0x154: {  	v8 =	vld [tilespmem:s0+$0xFFFFFF77];
	_ =	sdelay $0x4  }
0x155: {  	[tilespmem:s28+$0xFFFFFF80] =	vst v8  }
0x156: {  	v8 =	vld [tilespmem:s0+$0xFFFFFF87];
	_ =	sdelay $0x4  }
0x157: {  	[tilespmem:s28+$0xFFFFFF90] =	vst v8  }
0x158: {  	v8 =	vld [tilespmem:s0+$0xFFFFFF97];
	_ =	sdelay $0x4  }
0x159: {  	[tilespmem:s28+$0xFFFFFFA0] =	vst v8  }
0x15a: {  	v8 =	vld [tilespmem:s0+$0xFFFFFFA7];
	_ =	sdelay $0x4  }
0x15b: {  	[tilespmem:s28+$0xFFFFFFB0] =	vst v8  }
0x15c: {  	v8 =	vld [tilespmem:s0+$0xFFFFFFB7];
	_ =	sdelay $0x4  }
0x15d: {  	[tilespmem:s28+$0xFFFFFFC0] =	vst v8  }
0x15e: {  	v8 =	vld [tilespmem:s0+$0xFFFFFFC7];
	_ =	sdelay $0x4  }
0x15f: {  	[tilespmem:s28+$0xFFFFFFD0] =	vst v8  }
0x160: {  	v8 =	vld [tilespmem:s0+$0xFFFFFFD7];
	_ =	sdelay $0x4  }
0x161: {  	[tilespmem:s28+$0xFFFFFFE0] =	vst v8  }
0x162: {  	v8 =	vld [tilespmem:s0+$0xFFFFFFE7];
	_ =	sdelay $0x4  }
0x163: {  	[tilespmem:s28+$0xFFFFFFF0] =	vst v8  }
0x164: {  	v8 =	vld [tilespmem:s0+$0x0];
	_ =	sdelay $0x4  }
0x165: {  	[tilespmem:s28+$0x0] =	vst v8  }
0x166: {  	v8 =	vld [tilespmem:s0+$0x10];
	_ =	sdelay $0x4  }
0x167: {  	[tilespmem:s28+$0x10] =	vst v8  }
0x168: {  	v8 =	vld [tilespmem:s0+$0x20];
	_ =	sdelay $0x4  }
0x169: {  	[tilespmem:s28+$0x20] =	vst v8  }
0x16a: {  	v8 =	vld [tilespmem:s0+$0x30];
	_ =	sdelay $0x4  }
0x16b: {  	[tilespmem:s28+$0x30] =	vst v8  }
0x16c: {  	v8 =	vld [tilespmem:s0+$0x40];
	_ =	sdelay $0x4  }
0x16d: {  	[tilespmem:s28+$0x40] =	vst v8  }
0x16e: {  	v8 =	vld [tilespmem:s0+$0x50];
	_ =	sdelay $0x4  }
0x16f: {  	[tilespmem:s28+$0x50] =	vst v8  }
0x170: {  	v8 =	vld [tilespmem:s0+$0x60];
	_ =	sdelay $0x4  }
0x171: {  	[tilespmem:s28+$0x60] =	vst v8  }
0x172: {  	v8 =	vld [tilespmem:s0+$0x70];
	_ =	sdelay $0x4  }
0x173: {  	[tilespmem:s28+$0x70] =	vst v8  }
0x174: {  	v8 =	vld [tilespmem:s0+$0x89];
	_ =	sdelay $0x4  }
0x175: {  	[tilespmem:s28+$0x80] =	vst v8  }
0x176: {  	v8 =	vld [tilespmem:s0+$0x99];
	_ =	sdelay $0x4  }
0x177: {  	[tilespmem:s28+$0x90] =	vst v8  }
0x178: {  	v8 =	vld [tilespmem:s0+$0xA9];
	_ =	sdelay $0x4  }
0x179: {  	[tilespmem:s28+$0xA0] =	vst v8  }
0x17a: {  	v8 =	vld [tilespmem:s0+$0xB9];
	_ =	sdelay $0x4  }
0x17b: {  	[tilespmem:s28+$0xB0] =	vst v8  }
0x17c: {  	v8 =	vld [tilespmem:s0+$0xC9];
	_ =	sdelay $0x4  }
0x17d: {  	[tilespmem:s28+$0xC0] =	vst v8  }
0x17e: {  	v8 =	vld [tilespmem:s0+$0xD9];
	_ =	sdelay $0x4  }
0x17f: {  	[tilespmem:s28+$0xD0] =	vst v8  }
0x180: {  	v8 =	vld [tilespmem:s0+$0xE9];
	_ =	sdelay $0x4  }
0x181: {  	[tilespmem:s28+$0xE0] =	vst v8  }
0x182: {  	v8 =	vld [tilespmem:s0+$0xF9];
	_ =	sdelay $0x4  }
0x183: {  	[tilespmem:s28+$0xF0] =	vst v8  }
0x184: {  	v8 =	vld [tilespmem:s0+$0x112];
	_ =	sdelay $0x4  }
0x185: {  	[tilespmem:s28+$0x100] =	vst v8  }
0x186: {  	v8 =	vld [tilespmem:s0+$0x122];
	_ =	sdelay $0x4  }
0x187: {  	[tilespmem:s28+$0x110] =	vst v8  }
0x188: {  	v8 =	vld [tilespmem:s0+$0x132];
	_ =	sdelay $0x4  }
0x189: {  	[tilespmem:s28+$0x120] =	vst v8  }
0x18a: {  	v8 =	vld [tilespmem:s0+$0x142];
	_ =	sdelay $0x4  }
0x18b: {  	[tilespmem:s28+$0x130] =	vst v8  }
0x18c: {  	v8 =	vld [tilespmem:s0+$0x152];
	_ =	sdelay $0x4  }
0x18d: {  	[tilespmem:s28+$0x140] =	vst v8  }
0x18e: {  	v8 =	vld [tilespmem:s0+$0x162];
	_ =	sdelay $0x4  }
0x18f: {  	[tilespmem:s28+$0x150] =	vst v8  }
0x190: {  	v8 =	vld [tilespmem:s0+$0x172];
	_ =	sdelay $0x4  }
0x191: {  	[tilespmem:s28+$0x160] =	vst v8  }
0x192: {  	v8 =	vld [tilespmem:s0+$0x182];
	_ =	sdelay $0x4  }
0x193: {  	[tilespmem:s28+$0x170] =	vst v8  }
0x194: {  	v8 =	vld [tilespmem:s0+$0x19B];
	_ =	sdelay $0x4  }
0x195: {  	[tilespmem:s28+$0x180] =	vst v8  }
0x196: {  	v8 =	vld [tilespmem:s0+$0x1AB];
	_ =	sdelay $0x4  }
0x197: {  	[tilespmem:s28+$0x190] =	vst v8  }
0x198: {  	v8 =	vld [tilespmem:s0+$0x1BB];
	_ =	sdelay $0x4  }
0x199: {  	[tilespmem:s28+$0x1A0] =	vst v8  }
0x19a: {  	v8 =	vld [tilespmem:s0+$0x1CB];
	_ =	sdelay $0x4  }
0x19b: {  	[tilespmem:s28+$0x1B0] =	vst v8  }
0x19c: {  	v8 =	vld [tilespmem:s0+$0x1DB];
	_ =	sdelay $0x4  }
0x19d: {  	[tilespmem:s28+$0x1C0] =	vst v8  }
0x19e: {  	v8 =	vld [tilespmem:s0+$0x1EB];
	_ =	sdelay $0x4  }
0x19f: {  	[tilespmem:s28+$0x1D0] =	vst v8  }
0x1a0: {  	v8 =	vld [tilespmem:s0+$0x1FB];
	_ =	sdelay $0x4  }
0x1a1: {  	[tilespmem:s28+$0x1E0] =	vst v8  }
0x1a2: {  	v8 =	vld [tilespmem:s0+$0x20B]  }
.Ltmp1:
0x1a3: {  	(pc) =	sbr.rel @p1 .LBB2_5-.Ltmp1, $2  }
0x1a4: {  	_ =	sdelay $0x2  }
0x1a5: {  	s0 =	sadd.s32 $0x448, s0;
	[tilespmem:s28+$0x1F0] =	vst v8  }
0x1a6: {  	s0 =	sshll.u32 s20, $0xA  }
0x1a7: {  	s2 =	sshll.u32 s26, $0x12;
	s0 =	sand.u32 $0x7800, s0  }
0x1a8: {  	s0 =	sor.u32 s0, s2  }
0x1a9: {  	s26 =	sshrl.u32 s0, $0x3  }
0x1aa: {  	s28 =	simm.s32 $0x10A80;
	s0 =	sadd.s32 s3, s26  }
0x1ab: {  	[hbm4b:s0+s5] =	stream.linear.scatter [tilespmem:s28], [sflag:$0x5], $0x400, $0x38;
	[tilespmem:$0x14A80] =	vst v63  }
0x1ac: {  	s2 =	sadd.s32 s26, s10;
	s28 =	simm.s32 $0x10E80  }
0x1ad: {  	[hbm4b:s2+s5] =	stream.linear.scatter [tilespmem:s28], [sflag:$0x5], $0x400, $0x38;
	[tilespmem:$0x14A80] =	vst v63  }
0x1ae: {  	s2 =	sadd.s32 s26, s11;
	s28 =	simm.s32 $0x11280  }
0x1af: {  	[hbm4b:s2+s5] =	stream.linear.scatter [tilespmem:s28], [sflag:$0x5], $0x400, $0x38;
	[tilespmem:$0x14A80] =	vst v63  }
0x1b0: {  	s2 =	sadd.s32 s26, s12;
	s28 =	simm.s32 $0x11680  }
0x1b1: {  	[hbm4b:s2+s5] =	stream.linear.scatter [tilespmem:s28], [sflag:$0x5], $0x400, $0x38;
	[tilespmem:$0x14A80] =	vst v63  }
0x1b2: {  	s2 =	sadd.s32 s26, s13;
	s28 =	simm.s32 $0x11A80  }
0x1b3: {  	[hbm4b:s2+s5] =	stream.linear.scatter [tilespmem:s28], [sflag:$0x5], $0x400, $0x38;
	[tilespmem:$0x14A80] =	vst v63  }
0x1b4: {  	p1 =	sgt.u32 s7, $0x62;
	s2 =	sadd.s32 s26, s14;
	s28 =	simm.s32 $0x11E80  }
0x1b5: {  	[hbm4b:s2+s5] =	stream.linear.scatter [tilespmem:s28], [sflag:$0x5], $0x400, $0x38;
	[tilespmem:$0x14A80] =	vst v63  }
.Ltmp2:
0x1b6: {  	_ = 	snop;
	(pc) =	sbr.rel @p1 .LBB2_9-.Ltmp2, $4  }
0x1b7: {  	s2 =	sadd.s32 s26, s15;
	s28 =	simm.s32 $0x12280  }
0x1b8: {  	[hbm4b:s2+s5] =	stream.linear.scatter [tilespmem:s28], [sflag:$0x5], $0x400, $0x38;
	[tilespmem:$0x14A80] =	vst v63  }
0x1b9: {  	s2 =	sadd.s32 s26, s16;
	s28 =	simm.s32 $0x12680  }
0x1ba: {  	[hbm4b:s2+s5] =	stream.linear.scatter [tilespmem:s28], [sflag:$0x5], $0x400, $0x38;
	[tilespmem:$0x14A80] =	vst v63  }
0x1bb: {  	_ =	swait.ge [sflag:s21], $0x80  }
0x1bc: {  	[sflag:s21] =	ssyncset.done $0x0  }
0x1bd: {  	[sflag:s21] =	ssyncadd.s32 $0xFFFFFF80  }
0x1be: {  	v8 =	vld [tilespmem:$0x6400];
	_ =	sdelay $0x1  }
0x1bf: {  	v9 =	vld [tilespmem:$0x6410];
	_ =	sdelay $0x1  }
0x1c0: {  	v10 =	vld [tilespmem:$0x6420]  }
0x1c1: {  	v11 =	vshrl.u32 v8, $0x1;
	v8 =	vshll.u32 v8, $0x6  }
0x1c2: {  	v58 =	vld [tilespmem:$0x6430];
	[tilespmem:$0x6500] =	vst v11;
	v8 =	vand.u32 $0x40, v8  }
0x1c3: {  	[tilespmem:$0x6600] =	vst v8;
	v8 =	vshrl.u32 v9, $0x1;
	v9 =	vshll.u32 v9, $0x6  }
0x1c4: {  	v59 =	vld [tilespmem:$0x6440];
	[tilespmem:$0x6510] =	vst v8;
	v8 =	vand.u32 $0x40, v9  }
0x1c5: {  	[tilespmem:$0x6610] =	vst v8;
	v8 =	vshrl.u32 v10, $0x1;
	v10 =	vshll.u32 v10, $0x6  }
0x1c6: {  	v60 =	vld [tilespmem:$0x6450];
	[tilespmem:$0x6520] =	vst v8;
	v8 =	vand.u32 $0x40, v10  }
0x1c7: {  	v11 =	vshll.u32 v58, $0x6;
	[tilespmem:$0x6620] =	vst v8;
	v8 =	vshrl.u32 v58, $0x1  }
0x1c8: {  	v61 =	vld [tilespmem:$0x6460];
	[tilespmem:$0x6530] =	vst v8;
	v8 =	vand.u32 $0x40, v11  }
0x1c9: {  	v9 =	vshll.u32 v59, $0x6;
	[tilespmem:$0x6630] =	vst v8;
	v8 =	vshrl.u32 v59, $0x1  }
0x1ca: {  	v62 =	vld [tilespmem:$0x6470];
	[tilespmem:$0x6540] =	vst v8;
	v8 =	vand.u32 $0x40, v9  }
0x1cb: {  	v10 =	vshll.u32 v60, $0x6;
	[tilespmem:$0x6640] =	vst v8;
	v8 =	vshrl.u32 v60, $0x1  }
0x1cc: {  	[tilespmem:$0x6550] =	vst v8;
	v8 =	vand.u32 $0x40, v10  }
0x1cd: {  	v63 =	vshll.u32 v61, $0x6;
	[tilespmem:$0x6650] =	vst v8;
	v8 =	vshrl.u32 v61, $0x1  }
.Ltmp3:
0x1ce: {  	[tilespmem:$0x6560] =	vst v8;
	v8 =	vand.u32 $0x40, v63;
	(pc) =	sbr.rel .LBB2_8-.Ltmp3, $4  }
0x1cf: {  	v9 =	vshll.u32 v62, $0x6;
	[tilespmem:$0x6660] =	vst v8;
	v8 =	vshrl.u32 v62, $0x1  }
0x1d0: {  	[tilespmem:$0x6570] =	vst v8;
	v8 =	vand.u32 $0x40, v9  }
0x1d1: {  	s0 =	simm.s32 $0x6500;
	s2 =	simm.s32 $0x6800;
	[tilespmem:$0x6670] =	vst v8  }
0x1d2: {  	[tilespmem:s2], [sflag:$0x3] =	stream.indirect.gather [hbm4b:s6+s22], $0x80, s0, s22, $0xb8;
	[tilespmem:$0x14A80] =	vst v63  }
.LBB2_9:
0x1d3: {  	p1 =	sne.s32 s7, $0x63  }
.Ltmp4:
0x1d4: {  	_ = 	snop;
	(pc) =	sbr.rel @p1 .LBB2_8-.Ltmp4, $1  }
0x1d5: {  	_ =	sdelay $0x3  }
.Ltmp5:
0x1d6: {  	(pc) =	sbr.rel .LBB2_11-.Ltmp5, $4  }
0x1d7: {  	_ = 	snop  }
0x1d8: {  	_ =	swait.ge [sflag:s23], $0x4000  }
0x1d9: {  	[sflag:s23] =	ssyncset.done $0x0  }
0x1da: {  	[sflag:s23] =	ssyncadd.s32 $0xFFFFC000  }
.LBB2_8:
0x1db: {  	s0 =	sadd.s32 $0x3, s20  }
0x1dc: {  	s2 =	sshll.u32 s0, $0x7;
	s20 =	sshll.u32 s0, $0xA  }
0x1dd: {  	s0 =	sshll.u32 s0, $0x2;
	s2 =	sand.u32 $0xFFFF8000, s2;
	s20 =	sand.u32 $0x7C00, s20  }
0x1de: {  	s0 =	sand.u32 $0x380, s0;
	s2 =	sor.u32 s20, s2  }
0x1df: {  	s0 =	sor.u32 s0, s2  }
0x1e0: {  	s0 =	sshrl.u32 s0, $0x3  }
.Ltmp6:
0x1e1: {  	s28 =	simm.s32 $0x6480;
	s0 =	sadd.s32 s1, s0;
	(pc) =	sbr.rel @p0 .LBB2_12-.Ltmp6, $4  }
0x1e2: {  	[tilespmem:s28], [sflag:$0x2] =	stream.linear.gather [hbm4b:s0+s5], $0x80, $0x38;
	[tilespmem:$0x14A80] =	vst v63  }
0x1e3: {  	_ =	swait.ge [sflag:s23], $0x4000  }
0x1e4: {  	[sflag:s23] =	ssyncset.done $0x0  }
0x1e5: {  	[sflag:s23] =	ssyncadd.s32 $0xFFFFC000  }
.LBB2_11:
0x1e6: {  	_ =	swait.ge [sflag:s17], $0x400  }
0x1e7: {  	[sflag:s17] =	ssyncset.done $0x0  }
0x1e8: {  	[sflag:s17] =	ssyncadd.s32 $0xFFFFFC00  }
0x1e9: {  	_ =	swait.ge [sflag:s17], $0x400  }
0x1ea: {  	[sflag:s17] =	ssyncset.done $0x0  }
0x1eb: {  	[sflag:s17] =	ssyncadd.s32 $0xFFFFFC00  }
0x1ec: {  	_ =	swait.ge [sflag:s17], $0x400  }
0x1ed: {  	[sflag:s17] =	ssyncset.done $0x0  }
0x1ee: {  	[sflag:s17] =	ssyncadd.s32 $0xFFFFFC00  }
0x1ef: {  	_ =	swait.ge [sflag:s17], $0x400  }
0x1f0: {  	[sflag:s17] =	ssyncset.done $0x0  }
0x1f1: {  	[sflag:s17] =	ssyncadd.s32 $0xFFFFFC00  }
0x1f2: {  	_ =	swait.ge [sflag:s17], $0x400  }
0x1f3: {  	[sflag:s17] =	ssyncset.done $0x0  }
0x1f4: {  	[sflag:s17] =	ssyncadd.s32 $0xFFFFFC00  }
0x1f5: {  	_ =	swait.ge [sflag:s17], $0x400  }
0x1f6: {  	[sflag:s17] =	ssyncset.done $0x0  }
0x1f7: {  	[sflag:s17] =	ssyncadd.s32 $0xFFFFFC00  }
0x1f8: {  	_ =	swait.ge [sflag:s17], $0x400  }
0x1f9: {  	[sflag:s17] =	ssyncset.done $0x0  }
0x1fa: {  	[sflag:s17] =	ssyncadd.s32 $0xFFFFFC00  }
0x1fb: {  	_ =	swait.ge [sflag:s17], $0x400  }
0x1fc: {  	[sflag:s17] =	ssyncset.done $0x0  }
0x1fd: {  	[sflag:s17] =	ssyncadd.s32 $0xFFFFFC00  }
.LBB2_12:
0x1fe: {  	v8 =	vld [tilespmem:s18+$0x0]  }
0x1ff: {  	v9 =	vld [tilespmem:s18+$0x10]  }
0x200: {  	v10 =	vld [tilespmem:s18+$0x20]  }
0x201: {  	v11 =	vld [tilespmem:s18+$0x30];
	s0 =	simm.s32 $0x0;
	s2 =	simm.s32 $0xA840  }
.LBB2_13:
0x202: {  	v12 =	vmov s0;
	_ =	sdelay $0x4  }
0x203: {  	v12 =	vld.idx.msk [tilespmem:v12+s24+$0x0], $0xffff;
	_ =	sdelay $0x3  }
0x204: {  	v13 =	vld [tilespmem:s2+$0xFFFFFFC0]  }
0x205: {  	v14 =	vmul.u32 $0xFFFFFF77, v12;
	_ =	sdelay $0x1  }
0x206: {  	vm0 =	veq.s32 v12, $0x0;
	v14 =	vadd.s32 s0, v14  }
0x207: {  	v15 =	vadd.s32 v0, v14  }
0x208: {  	v13 =	vmul.f32 $8.000000000e+00, v13;
	_ =	sdelay $0x1  }
0x209: {  	v13 =	vadd.f32 v13, v8;
	_ =	sdelay $0x1  }
0x20a: {  	[tilespmem:v15+s31+$0x0] =	vst.idx.msk vm0, v13  }
0x20b: {  	v13 =	vld [tilespmem:s2+$0xFFFFFFD0];
	_ =	sdelay $0x3  }
0x20c: {  	v57 =	vadd.s32 v1, v14  }
0x20d: {  	v13 =	vmul.f32 $8.000000000e+00, v13;
	_ =	sdelay $0x1  }
0x20e: {  	v13 =	vadd.f32 v13, v9;
	_ =	sdelay $0x1  }
0x20f: {  	[tilespmem:v57+s31+$0x0] =	vst.idx.msk vm0, v13  }
0x210: {  	v13 =	vld [tilespmem:s2+$0xFFFFFFE0];
	_ =	sdelay $0x3  }
0x211: {  	v58 =	vadd.s32 v2, v14  }
0x212: {  	v13 =	vmul.f32 $8.000000000e+00, v13;
	_ =	sdelay $0x1  }
0x213: {  	v13 =	vadd.f32 v13, v10;
	_ =	sdelay $0x1  }
0x214: {  	[tilespmem:v58+s31+$0x0] =	vst.idx.msk vm0, v13  }
0x215: {  	v13 =	vld [tilespmem:s2+$0xFFFFFFF0];
	_ =	sdelay $0x3  }
0x216: {  	v59 =	vadd.s32 v3, v14  }
0x217: {  	v13 =	vmul.f32 $8.000000000e+00, v13;
	_ =	sdelay $0x1  }
0x218: {  	v13 =	vadd.f32 v13, v11;
	_ =	sdelay $0x1  }
0x219: {  	[tilespmem:v59+s31+$0x0] =	vst.idx.msk vm0, v13  }
0x21a: {  	v13 =	vld [tilespmem:s2+$0x0];
	_ =	sdelay $0x2  }
0x21b: {  	vm15 =	vne.s32 v12, $0x0  }
0x21c: {  	v60 =	vadd.s32 v4, v14  }
0x21d: {  	v13 =	vmul.f32 $8.000000000e+00, v13;
	_ =	sdelay $0x1  }
0x21e: {  	v13 =	vadd.f32 v13, v8;
	_ =	sdelay $0x1  }
0x21f: {  	[tilespmem:v60+s31+$0x0] =	vst.idx.msk vm15, v13  }
0x220: {  	v12 =	vld [tilespmem:s2+$0x10];
	_ =	sdelay $0x3  }
0x221: {  	v61 =	vadd.s32 v5, v14  }
0x222: {  	v12 =	vmul.f32 $8.000000000e+00, v12;
	_ =	sdelay $0x1  }
0x223: {  	v12 =	vadd.f32 v12, v9;
	_ =	sdelay $0x1  }
0x224: {  	[tilespmem:v61+s31+$0x0] =	vst.idx.msk vm15, v12  }
0x225: {  	v12 =	vld [tilespmem:s2+$0x20];
	_ =	sdelay $0x3  }
0x226: {  	v62 =	vadd.s32 v6, v14  }
0x227: {  	v12 =	vmul.f32 $8.000000000e+00, v12;
	_ =	sdelay $0x1  }
0x228: {  	v12 =	vadd.f32 v12, v10;
	_ =	sdelay $0x1  }
0x229: {  	[tilespmem:v62+s31+$0x0] =	vst.idx.msk vm15, v12  }
0x22a: {  	v12 =	vld [tilespmem:s2+$0x30];
	_ =	sdelay $0x3  }
0x22b: {  	p0 =	sne.s32 s0, $0x7F;
	v63 =	vadd.s32 v7, v14  }
.Ltmp7:
0x22c: {  	v12 =	vmul.f32 $8.000000000e+00, v12;
	(pc) =	sbr.rel @p0 .LBB2_13-.Ltmp7, $3  }
0x22d: {  	_ = 	snop  }
0x22e: {  	v12 =	vadd.f32 v12, v11;
	_ =	sdelay $0x1  }
0x22f: {  	s0 =	sadd.s32 $0x1, s0;
	s2 =	sadd.s32 $0x80, s2;
	[tilespmem:v63+s31+$0x0] =	vst.idx.msk vm15, v12  }
0x230: {  	s0 =	simm.s32 $0xEA24  }
0x231: {  	v8 =	vld [tilespmem:s0+$0xFFFFFDDC];
	_ =	sdelay $0x3  }
0x232: {  	s18 =	simm.s32 $0x12C80  }
0x233: {  	[tilespmem:s18+$0xFFFFFE00] =	vst v8  }
0x234: {  	v8 =	vld [tilespmem:s0+$0xFFFFFDEC];
	_ =	sdelay $0x4  }
0x235: {  	[tilespmem:s18+$0xFFFFFE10] =	vst v8  }
0x236: {  	v8 =	vld [tilespmem:s0+$0xFFFFFDFC];
	_ =	sdelay $0x4  }
0x237: {  	[tilespmem:s18+$0xFFFFFE20] =	vst v8  }
0x238: {  	v8 =	vld [tilespmem:s0+$0xFFFFFE0C];
	_ =	sdelay $0x4  }
0x239: {  	[tilespmem:s18+$0xFFFFFE30] =	vst v8  }
0x23a: {  	v8 =	vld [tilespmem:s0+$0xFFFFFE1C];
	_ =	sdelay $0x4  }
0x23b: {  	[tilespmem:s18+$0xFFFFFE40] =	vst v8  }
0x23c: {  	v8 =	vld [tilespmem:s0+$0xFFFFFE2C];
	_ =	sdelay $0x4  }
0x23d: {  	[tilespmem:s18+$0xFFFFFE50] =	vst v8  }
0x23e: {  	v8 =	vld [tilespmem:s0+$0xFFFFFE3C];
	_ =	sdelay $0x4  }
0x23f: {  	[tilespmem:s18+$0xFFFFFE60] =	vst v8  }
0x240: {  	v8 =	vld [tilespmem:s0+$0xFFFFFE4C];
	_ =	sdelay $0x4  }
0x241: {  	[tilespmem:s18+$0xFFFFFE70] =	vst v8  }
0x242: {  	v8 =	vld [tilespmem:s0+$0xFFFFFE65];
	_ =	sdelay $0x4  }
0x243: {  	[tilespmem:s18+$0xFFFFFE80] =	vst v8  }
0x244: {  	v8 =	vld [tilespmem:s0+$0xFFFFFE75];
	_ =	sdelay $0x4  }
0x245: {  	[tilespmem:s18+$0xFFFFFE90] =	vst v8  }
0x246: {  	v8 =	vld [tilespmem:s0+$0xFFFFFE85];
	_ =	sdelay $0x4  }
0x247: {  	[tilespmem:s18+$0xFFFFFEA0] =	vst v8  }
0x248: {  	v8 =	vld [tilespmem:s0+$0xFFFFFE95];
	_ =	sdelay $0x4  }
0x249: {  	[tilespmem:s18+$0xFFFFFEB0] =	vst v8  }
0x24a: {  	v8 =	vld [tilespmem:s0+$0xFFFFFEA5];
	_ =	sdelay $0x4  }
0x24b: {  	[tilespmem:s18+$0xFFFFFEC0] =	vst v8  }
0x24c: {  	v8 =	vld [tilespmem:s0+$0xFFFFFEB5];
	_ =	sdelay $0x4  }
0x24d: {  	[tilespmem:s18+$0xFFFFFED0] =	vst v8  }
0x24e: {  	v8 =	vld [tilespmem:s0+$0xFFFFFEC5];
	_ =	sdelay $0x4  }
0x24f: {  	[tilespmem:s18+$0xFFFFFEE0] =	vst v8  }
0x250: {  	v8 =	vld [tilespmem:s0+$0xFFFFFED5];
	_ =	sdelay $0x4  }
0x251: {  	[tilespmem:s18+$0xFFFFFEF0] =	vst v8  }
0x252: {  	v8 =	vld [tilespmem:s0+$0xFFFFFEEE];
	_ =	sdelay $0x4  }
0x253: {  	[tilespmem:s18+$0xFFFFFF00] =	vst v8  }
0x254: {  	v8 =	vld [tilespmem:s0+$0xFFFFFEFE];
	_ =	sdelay $0x4  }
0x255: {  	[tilespmem:s18+$0xFFFFFF10] =	vst v8  }
0x256: {  	v8 =	vld [tilespmem:s0+$0xFFFFFF0E];
	_ =	sdelay $0x4  }
0x257: {  	[tilespmem:s18+$0xFFFFFF20] =	vst v8  }
0x258: {  	v8 =	vld [tilespmem:s0+$0xFFFFFF1E];
	_ =	sdelay $0x4  }
0x259: {  	[tilespmem:s18+$0xFFFFFF30] =	vst v8  }
0x25a: {  	v8 =	vld [tilespmem:s0+$0xFFFFFF2E];
	_ =	sdelay $0x4  }
0x25b: {  	[tilespmem:s18+$0xFFFFFF40] =	vst v8  }
0x25c: {  	v8 =	vld [tilespmem:s0+$0xFFFFFF3E];
	_ =	sdelay $0x4  }
0x25d: {  	[tilespmem:s18+$0xFFFFFF50] =	vst v8  }
0x25e: {  	v8 =	vld [tilespmem:s0+$0xFFFFFF4E];
	_ =	sdelay $0x4  }
0x25f: {  	[tilespmem:s18+$0xFFFFFF60] =	vst v8  }
0x260: {  	v8 =	vld [tilespmem:s0+$0xFFFFFF5E];
	_ =	sdelay $0x4  }
0x261: {  	[tilespmem:s18+$0xFFFFFF70] =	vst v8  }
0x262: {  	v8 =	vld [tilespmem:s0+$0xFFFFFF77];
	_ =	sdelay $0x4  }
0x263: {  	[tilespmem:s18+$0xFFFFFF80] =	vst v8  }
0x264: {  	v8 =	vld [tilespmem:s0+$0xFFFFFF87];
	_ =	sdelay $0x4  }
0x265: {  	[tilespmem:s18+$0xFFFFFF90] =	vst v8  }
0x266: {  	v8 =	vld [tilespmem:s0+$0xFFFFFF97];
	_ =	sdelay $0x4  }
0x267: {  	[tilespmem:s18+$0xFFFFFFA0] =	vst v8  }
0x268: {  	v8 =	vld [tilespmem:s0+$0xFFFFFFA7];
	_ =	sdelay $0x4  }
0x269: {  	[tilespmem:s18+$0xFFFFFFB0] =	vst v8  }
0x26a: {  	v8 =	vld [tilespmem:s0+$0xFFFFFFB7];
	_ =	sdelay $0x4  }
0x26b: {  	[tilespmem:s18+$0xFFFFFFC0] =	vst v8  }
0x26c: {  	v8 =	vld [tilespmem:s0+$0xFFFFFFC7];
	_ =	sdelay $0x4  }
0x26d: {  	[tilespmem:s18+$0xFFFFFFD0] =	vst v8  }
0x26e: {  	v8 =	vld [tilespmem:s0+$0xFFFFFFD7];
	_ =	sdelay $0x4  }
0x26f: {  	[tilespmem:s18+$0xFFFFFFE0] =	vst v8  }
0x270: {  	v8 =	vld [tilespmem:s0+$0xFFFFFFE7];
	_ =	sdelay $0x4  }
0x271: {  	[tilespmem:s18+$0xFFFFFFF0] =	vst v8  }
0x272: {  	v8 =	vld [tilespmem:s0+$0x0];
	_ =	sdelay $0x4  }
0x273: {  	[tilespmem:s18+$0x0] =	vst v8  }
0x274: {  	v8 =	vld [tilespmem:s0+$0x10];
	_ =	sdelay $0x4  }
0x275: {  	[tilespmem:s18+$0x10] =	vst v8  }
0x276: {  	v8 =	vld [tilespmem:s0+$0x20];
	_ =	sdelay $0x4  }
0x277: {  	[tilespmem:s18+$0x20] =	vst v8  }
0x278: {  	v8 =	vld [tilespmem:s0+$0x30];
	_ =	sdelay $0x4  }
0x279: {  	[tilespmem:s18+$0x30] =	vst v8  }
0x27a: {  	v8 =	vld [tilespmem:s0+$0x40];
	_ =	sdelay $0x4  }
0x27b: {  	[tilespmem:s18+$0x40] =	vst v8  }
0x27c: {  	v8 =	vld [tilespmem:s0+$0x50];
	_ =	sdelay $0x4  }
0x27d: {  	[tilespmem:s18+$0x50] =	vst v8  }
0x27e: {  	v8 =	vld [tilespmem:s0+$0x60];
	_ =	sdelay $0x4  }
0x27f: {  	[tilespmem:s18+$0x60] =	vst v8  }
0x280: {  	v8 =	vld [tilespmem:s0+$0x70];
	_ =	sdelay $0x4  }
0x281: {  	[tilespmem:s18+$0x70] =	vst v8  }
0x282: {  	v8 =	vld [tilespmem:s0+$0x89];
	_ =	sdelay $0x4  }
0x283: {  	[tilespmem:s18+$0x80] =	vst v8  }
0x284: {  	v8 =	vld [tilespmem:s0+$0x99];
	_ =	sdelay $0x4  }
0x285: {  	[tilespmem:s18+$0x90] =	vst v8  }
0x286: {  	v8 =	vld [tilespmem:s0+$0xA9];
	_ =	sdelay $0x4  }
0x287: {  	[tilespmem:s18+$0xA0] =	vst v8  }
0x288: {  	v8 =	vld [tilespmem:s0+$0xB9];
	_ =	sdelay $0x4  }
0x289: {  	[tilespmem:s18+$0xB0] =	vst v8  }
0x28a: {  	v8 =	vld [tilespmem:s0+$0xC9];
	_ =	sdelay $0x4  }
0x28b: {  	[tilespmem:s18+$0xC0] =	vst v8  }
0x28c: {  	v8 =	vld [tilespmem:s0+$0xD9];
	_ =	sdelay $0x4  }
0x28d: {  	[tilespmem:s18+$0xD0] =	vst v8  }
0x28e: {  	v8 =	vld [tilespmem:s0+$0xE9];
	_ =	sdelay $0x4  }
0x28f: {  	[tilespmem:s18+$0xE0] =	vst v8  }
0x290: {  	v8 =	vld [tilespmem:s0+$0xF9];
	_ =	sdelay $0x4  }
0x291: {  	[tilespmem:s18+$0xF0] =	vst v8  }
0x292: {  	v8 =	vld [tilespmem:s0+$0x112];
	_ =	sdelay $0x4  }
0x293: {  	[tilespmem:s18+$0x100] =	vst v8  }
0x294: {  	v8 =	vld [tilespmem:s0+$0x122];
	_ =	sdelay $0x4  }
0x295: {  	[tilespmem:s18+$0x110] =	vst v8  }
0x296: {  	v8 =	vld [tilespmem:s0+$0x132];
	_ =	sdelay $0x4  }
0x297: {  	[tilespmem:s18+$0x120] =	vst v8  }
0x298: {  	v8 =	vld [tilespmem:s0+$0x142];
	_ =	sdelay $0x4  }
0x299: {  	[tilespmem:s18+$0x130] =	vst v8  }
0x29a: {  	v8 =	vld [tilespmem:s0+$0x152];
	_ =	sdelay $0x4  }
0x29b: {  	[tilespmem:s18+$0x140] =	vst v8  }
0x29c: {  	v8 =	vld [tilespmem:s0+$0x162];
	_ =	sdelay $0x4  }
0x29d: {  	[tilespmem:s18+$0x150] =	vst v8  }
0x29e: {  	v8 =	vld [tilespmem:s0+$0x172];
	_ =	sdelay $0x4  }
0x29f: {  	[tilespmem:s18+$0x160] =	vst v8  }
0x2a0: {  	v8 =	vld [tilespmem:s0+$0x182];
	_ =	sdelay $0x4  }
0x2a1: {  	[tilespmem:s18+$0x170] =	vst v8  }
0x2a2: {  	v8 =	vld [tilespmem:s0+$0x19B];
	_ =	sdelay $0x4  }
0x2a3: {  	[tilespmem:s18+$0x180] =	vst v8  }
0x2a4: {  	v8 =	vld [tilespmem:s0+$0x1AB];
	_ =	sdelay $0x4  }
0x2a5: {  	[tilespmem:s18+$0x190] =	vst v8  }
0x2a6: {  	v8 =	vld [tilespmem:s0+$0x1BB];
	_ =	sdelay $0x4  }
0x2a7: {  	[tilespmem:s18+$0x1A0] =	vst v8  }
0x2a8: {  	v8 =	vld [tilespmem:s0+$0x1CB];
	_ =	sdelay $0x4  }
0x2a9: {  	[tilespmem:s18+$0x1B0] =	vst v8  }
0x2aa: {  	v8 =	vld [tilespmem:s0+$0x1DB];
	_ =	sdelay $0x4  }
0x2ab: {  	[tilespmem:s18+$0x1C0] =	vst v8  }
0x2ac: {  	v8 =	vld [tilespmem:s0+$0x1EB];
	_ =	sdelay $0x4  }
0x2ad: {  	[tilespmem:s18+$0x1D0] =	vst v8  }
0x2ae: {  	v8 =	vld [tilespmem:s0+$0x1FB];
	_ =	sdelay $0x4  }
0x2af: {  	[tilespmem:s18+$0x1E0] =	vst v8  }
0x2b0: {  	v8 =	vld [tilespmem:s0+$0x20B];
	_ =	sdelay $0x4  }
0x2b1: {  	s2 =	simm.s32 $0x0;
	s0 =	simm.s32 $0xEE6C;
	[tilespmem:s18+$0x1F0] =	vst v8  }
.LBB2_15:
0x2b2: {  	v8 =	vld [tilespmem:s0+$0xFFFFFDDC];
	s2 =	sadd.s32 $0x8, s2  }
0x2b3: {  	p0 =	slt.u32 s2, $0x38;
	_ =	sdelay $0x2  }
0x2b4: {  	s18 =	sadd.s32 $0x400, s18  }
0x2b5: {  	[tilespmem:s18+$0xFFFFFE00] =	vst v8  }
0x2b6: {  	v8 =	vld [tilespmem:s0+$0xFFFFFDEC];
	_ =	sdelay $0x4  }
0x2b7: {  	[tilespmem:s18+$0xFFFFFE10] =	vst v8  }
0x2b8: {  	v8 =	vld [tilespmem:s0+$0xFFFFFDFC];
	_ =	sdelay $0x4  }
0x2b9: {  	[tilespmem:s18+$0xFFFFFE20] =	vst v8  }
0x2ba: {  	v8 =	vld [tilespmem:s0+$0xFFFFFE0C];
	_ =	sdelay $0x4  }
0x2bb: {  	[tilespmem:s18+$0xFFFFFE30] =	vst v8  }
0x2bc: {  	v8 =	vld [tilespmem:s0+$0xFFFFFE1C];
	_ =	sdelay $0x4  }
0x2bd: {  	[tilespmem:s18+$0xFFFFFE40] =	vst v8  }
0x2be: {  	v8 =	vld [tilespmem:s0+$0xFFFFFE2C];
	_ =	sdelay $0x4  }
0x2bf: {  	[tilespmem:s18+$0xFFFFFE50] =	vst v8  }
0x2c0: {  	v8 =	vld [tilespmem:s0+$0xFFFFFE3C];
	_ =	sdelay $0x4  }
0x2c1: {  	[tilespmem:s18+$0xFFFFFE60] =	vst v8  }
0x2c2: {  	v8 =	vld [tilespmem:s0+$0xFFFFFE4C];
	_ =	sdelay $0x4  }
0x2c3: {  	[tilespmem:s18+$0xFFFFFE70] =	vst v8  }
0x2c4: {  	v8 =	vld [tilespmem:s0+$0xFFFFFE65];
	_ =	sdelay $0x4  }
0x2c5: {  	[tilespmem:s18+$0xFFFFFE80] =	vst v8  }
0x2c6: {  	v8 =	vld [tilespmem:s0+$0xFFFFFE75];
	_ =	sdelay $0x4  }
0x2c7: {  	[tilespmem:s18+$0xFFFFFE90] =	vst v8  }
0x2c8: {  	v8 =	vld [tilespmem:s0+$0xFFFFFE85];
	_ =	sdelay $0x4  }
0x2c9: {  	[tilespmem:s18+$0xFFFFFEA0] =	vst v8  }
0x2ca: {  	v8 =	vld [tilespmem:s0+$0xFFFFFE95];
	_ =	sdelay $0x4  }
0x2cb: {  	[tilespmem:s18+$0xFFFFFEB0] =	vst v8  }
0x2cc: {  	v8 =	vld [tilespmem:s0+$0xFFFFFEA5];
	_ =	sdelay $0x4  }
0x2cd: {  	[tilespmem:s18+$0xFFFFFEC0] =	vst v8  }
0x2ce: {  	v8 =	vld [tilespmem:s0+$0xFFFFFEB5];
	_ =	sdelay $0x4  }
0x2cf: {  	[tilespmem:s18+$0xFFFFFED0] =	vst v8  }
0x2d0: {  	v8 =	vld [tilespmem:s0+$0xFFFFFEC5];
	_ =	sdelay $0x4  }
0x2d1: {  	[tilespmem:s18+$0xFFFFFEE0] =	vst v8  }
0x2d2: {  	v8 =	vld [tilespmem:s0+$0xFFFFFED5];
	_ =	sdelay $0x4  }
0x2d3: {  	[tilespmem:s18+$0xFFFFFEF0] =	vst v8  }
0x2d4: {  	v8 =	vld [tilespmem:s0+$0xFFFFFEEE];
	_ =	sdelay $0x4  }
0x2d5: {  	[tilespmem:s18+$0xFFFFFF00] =	vst v8  }
0x2d6: {  	v8 =	vld [tilespmem:s0+$0xFFFFFEFE];
	_ =	sdelay $0x4  }
0x2d7: {  	[tilespmem:s18+$0xFFFFFF10] =	vst v8  }
0x2d8: {  	v8 =	vld [tilespmem:s0+$0xFFFFFF0E];
	_ =	sdelay $0x4  }
0x2d9: {  	[tilespmem:s18+$0xFFFFFF20] =	vst v8  }
0x2da: {  	v8 =	vld [tilespmem:s0+$0xFFFFFF1E];
	_ =	sdelay $0x4  }
0x2db: {  	[tilespmem:s18+$0xFFFFFF30] =	vst v8  }
0x2dc: {  	v8 =	vld [tilespmem:s0+$0xFFFFFF2E];
	_ =	sdelay $0x4  }
0x2dd: {  	[tilespmem:s18+$0xFFFFFF40] =	vst v8  }
0x2de: {  	v8 =	vld [tilespmem:s0+$0xFFFFFF3E];
	_ =	sdelay $0x4  }
0x2df: {  	[tilespmem:s18+$0xFFFFFF50] =	vst v8  }
0x2e0: {  	v8 =	vld [tilespmem:s0+$0xFFFFFF4E];
	_ =	sdelay $0x4  }
0x2e1: {  	[tilespmem:s18+$0xFFFFFF60] =	vst v8  }
0x2e2: {  	v8 =	vld [tilespmem:s0+$0xFFFFFF5E];
	_ =	sdelay $0x4  }
0x2e3: {  	[tilespmem:s18+$0xFFFFFF70] =	vst v8  }
0x2e4: {  	v8 =	vld [tilespmem:s0+$0xFFFFFF77];
	_ =	sdelay $0x4  }
0x2e5: {  	[tilespmem:s18+$0xFFFFFF80] =	vst v8  }
0x2e6: {  	v8 =	vld [tilespmem:s0+$0xFFFFFF87];
	_ =	sdelay $0x4  }
0x2e7: {  	[tilespmem:s18+$0xFFFFFF90] =	vst v8  }
0x2e8: {  	v8 =	vld [tilespmem:s0+$0xFFFFFF97];
	_ =	sdelay $0x4  }
0x2e9: {  	[tilespmem:s18+$0xFFFFFFA0] =	vst v8  }
0x2ea: {  	v8 =	vld [tilespmem:s0+$0xFFFFFFA7];
	_ =	sdelay $0x4  }
0x2eb: {  	[tilespmem:s18+$0xFFFFFFB0] =	vst v8  }
0x2ec: {  	v8 =	vld [tilespmem:s0+$0xFFFFFFB7];
	_ =	sdelay $0x4  }
0x2ed: {  	[tilespmem:s18+$0xFFFFFFC0] =	vst v8  }
0x2ee: {  	v8 =	vld [tilespmem:s0+$0xFFFFFFC7];
	_ =	sdelay $0x4  }
0x2ef: {  	[tilespmem:s18+$0xFFFFFFD0] =	vst v8  }
0x2f0: {  	v8 =	vld [tilespmem:s0+$0xFFFFFFD7];
	_ =	sdelay $0x4  }
0x2f1: {  	[tilespmem:s18+$0xFFFFFFE0] =	vst v8  }
0x2f2: {  	v8 =	vld [tilespmem:s0+$0xFFFFFFE7];
	_ =	sdelay $0x4  }
0x2f3: {  	[tilespmem:s18+$0xFFFFFFF0] =	vst v8  }
0x2f4: {  	v8 =	vld [tilespmem:s0+$0x0];
	_ =	sdelay $0x4  }
0x2f5: {  	[tilespmem:s18+$0x0] =	vst v8  }
0x2f6: {  	v8 =	vld [tilespmem:s0+$0x10];
	_ =	sdelay $0x4  }
0x2f7: {  	[tilespmem:s18+$0x10] =	vst v8  }
0x2f8: {  	v8 =	vld [tilespmem:s0+$0x20];
	_ =	sdelay $0x4  }
0x2f9: {  	[tilespmem:s18+$0x20] =	vst v8  }
0x2fa: {  	v8 =	vld [tilespmem:s0+$0x30];
	_ =	sdelay $0x4  }
0x2fb: {  	[tilespmem:s18+$0x30] =	vst v8  }
0x2fc: {  	v8 =	vld [tilespmem:s0+$0x40];
	_ =	sdelay $0x4  }
0x2fd: {  	[tilespmem:s18+$0x40] =	vst v8  }
0x2fe: {  	v8 =	vld [tilespmem:s0+$0x50];
	_ =	sdelay $0x4  }
0x2ff: {  	[tilespmem:s18+$0x50] =	vst v8  }
0x300: {  	v8 =	vld [tilespmem:s0+$0x60];
	_ =	sdelay $0x4  }
0x301: {  	[tilespmem:s18+$0x60] =	vst v8  }
0x302: {  	v8 =	vld [tilespmem:s0+$0x70];
	_ =	sdelay $0x4  }
0x303: {  	[tilespmem:s18+$0x70] =	vst v8  }
0x304: {  	v8 =	vld [tilespmem:s0+$0x89];
	_ =	sdelay $0x4  }
0x305: {  	[tilespmem:s18+$0x80] =	vst v8  }
0x306: {  	v8 =	vld [tilespmem:s0+$0x99];
	_ =	sdelay $0x4  }
0x307: {  	[tilespmem:s18+$0x90] =	vst v8  }
0x308: {  	v8 =	vld [tilespmem:s0+$0xA9];
	_ =	sdelay $0x4  }
0x309: {  	[tilespmem:s18+$0xA0] =	vst v8  }
0x30a: {  	v8 =	vld [tilespmem:s0+$0xB9];
	_ =	sdelay $0x4  }
0x30b: {  	[tilespmem:s18+$0xB0] =	vst v8  }
0x30c: {  	v8 =	vld [tilespmem:s0+$0xC9];
	_ =	sdelay $0x4  }
0x30d: {  	[tilespmem:s18+$0xC0] =	vst v8  }
0x30e: {  	v8 =	vld [tilespmem:s0+$0xD9];
	_ =	sdelay $0x4  }
0x30f: {  	[tilespmem:s18+$0xD0] =	vst v8  }
0x310: {  	v8 =	vld [tilespmem:s0+$0xE9];
	_ =	sdelay $0x4  }
0x311: {  	[tilespmem:s18+$0xE0] =	vst v8  }
0x312: {  	v8 =	vld [tilespmem:s0+$0xF9];
	_ =	sdelay $0x4  }
0x313: {  	[tilespmem:s18+$0xF0] =	vst v8  }
0x314: {  	v8 =	vld [tilespmem:s0+$0x112];
	_ =	sdelay $0x4  }
0x315: {  	[tilespmem:s18+$0x100] =	vst v8  }
0x316: {  	v8 =	vld [tilespmem:s0+$0x122];
	_ =	sdelay $0x4  }
0x317: {  	[tilespmem:s18+$0x110] =	vst v8  }
0x318: {  	v8 =	vld [tilespmem:s0+$0x132];
	_ =	sdelay $0x4  }
0x319: {  	[tilespmem:s18+$0x120] =	vst v8  }
0x31a: {  	v8 =	vld [tilespmem:s0+$0x142];
	_ =	sdelay $0x4  }
0x31b: {  	[tilespmem:s18+$0x130] =	vst v8  }
0x31c: {  	v8 =	vld [tilespmem:s0+$0x152];
	_ =	sdelay $0x4  }
0x31d: {  	[tilespmem:s18+$0x140] =	vst v8  }
0x31e: {  	v8 =	vld [tilespmem:s0+$0x162];
	_ =	sdelay $0x4  }
0x31f: {  	[tilespmem:s18+$0x150] =	vst v8  }
0x320: {  	v8 =	vld [tilespmem:s0+$0x172];
	_ =	sdelay $0x4  }
0x321: {  	[tilespmem:s18+$0x160] =	vst v8  }
0x322: {  	v8 =	vld [tilespmem:s0+$0x182];
	_ =	sdelay $0x4  }
0x323: {  	[tilespmem:s18+$0x170] =	vst v8  }
0x324: {  	v8 =	vld [tilespmem:s0+$0x19B];
	_ =	sdelay $0x4  }
0x325: {  	[tilespmem:s18+$0x180] =	vst v8  }
0x326: {  	v8 =	vld [tilespmem:s0+$0x1AB];
	_ =	sdelay $0x4  }
0x327: {  	[tilespmem:s18+$0x190] =	vst v8  }
0x328: {  	v8 =	vld [tilespmem:s0+$0x1BB];
	_ =	sdelay $0x4  }
0x329: {  	[tilespmem:s18+$0x1A0] =	vst v8  }
0x32a: {  	v8 =	vld [tilespmem:s0+$0x1CB];
	_ =	sdelay $0x4  }
0x32b: {  	[tilespmem:s18+$0x1B0] =	vst v8  }
0x32c: {  	v8 =	vld [tilespmem:s0+$0x1DB];
	_ =	sdelay $0x4  }
0x32d: {  	[tilespmem:s18+$0x1C0] =	vst v8  }
0x32e: {  	v8 =	vld [tilespmem:s0+$0x1EB];
	_ =	sdelay $0x4  }
0x32f: {  	[tilespmem:s18+$0x1D0] =	vst v8  }
0x330: {  	v8 =	vld [tilespmem:s0+$0x1FB];
	_ =	sdelay $0x4  }
0x331: {  	[tilespmem:s18+$0x1E0] =	vst v8  }
0x332: {  	v8 =	vld [tilespmem:s0+$0x20B]  }
.Ltmp8:
0x333: {  	(pc) =	sbr.rel @p0 .LBB2_15-.Ltmp8, $2  }
0x334: {  	_ =	sdelay $0x2  }
0x335: {  	s0 =	sadd.s32 $0x448, s0;
	[tilespmem:s18+$0x1F0] =	vst v8  }
0x336: {  	s0 =	sor.u32 $0x80, s26  }
0x337: {  	s18 =	simm.s32 $0x12A80;
	s2 =	sadd.s32 s3, s0  }
0x338: {  	[hbm4b:s2+s5] =	stream.linear.scatter [tilespmem:s18], [sflag:$0x6], $0x400, $0x38;
	[tilespmem:$0x14A80] =	vst v63  }
0x339: {  	s28 =	simm.s32 $0x12E80;
	s26 =	sadd.s32 s0, s10  }
0x33a: {  	[hbm4b:s26+s5] =	stream.linear.scatter [tilespmem:s28], [sflag:$0x6], $0x400, $0x38;
	[tilespmem:$0x14A80] =	vst v63  }
0x33b: {  	s20 =	simm.s32 $0x13280;
	s18 =	sadd.s32 s0, s11  }
0x33c: {  	[hbm4b:s18+s5] =	stream.linear.scatter [tilespmem:s20], [sflag:$0x6], $0x400, $0x38;
	[tilespmem:$0x14A80] =	vst v63  }
0x33d: {  	s26 =	sadd.s32 s0, s12;
	s28 =	simm.s32 $0x13680  }
0x33e: {  	[hbm4b:s26+s5] =	stream.linear.scatter [tilespmem:s28], [sflag:$0x6], $0x400, $0x38;
	[tilespmem:$0x14A80] =	vst v63  }
0x33f: {  	s7 =	sadd.s32 $0x1, s7;
	s18 =	sadd.s32 s0, s13;
	s20 =	simm.s32 $0x13A80  }
0x340: {  	[hbm4b:s18+s5] =	stream.linear.scatter [tilespmem:s20], [sflag:$0x6], $0x400, $0x38;
	[tilespmem:$0x14A80] =	vst v63  }
0x341: {  	p0 =	sne.s32 s7, $0x64;
	s26 =	sadd.s32 s0, s14  }
0x342: {  	[hbm4b:s26+s5] =	stream.linear.scatter [tilespmem:s19], [sflag:$0x6], $0x400, $0x38;
	[tilespmem:$0x14A80] =	vst v63  }
.Ltmp9:
0x343: {  	_ = 	snop;
	(pc) =	sbr.rel @p0 .LBB2_2-.Ltmp9, $4  }
0x344: {  	s28 =	sadd.s32 s0, s15  }
0x345: {  	[hbm4b:s28+s5] =	stream.linear.scatter [tilespmem:s8], [sflag:$0x6], $0x400, $0x38;
	[tilespmem:$0x14A80] =	vst v63  }
0x346: {  	s0 =	sadd.s32 s0, s16  }
0x347: {  	[hbm4b:s0+s5] =	stream.linear.scatter [tilespmem:s9], [sflag:$0x6], $0x400, $0x38;
	[tilespmem:$0x14A80] =	vst v63  }
0x348: {  	s0 =	simm.s32 $0x5  }
0x349: {  	_ =	swait.ge [sflag:s0], $0x400  }
0x34a: {  	[sflag:s0] =	ssyncset.done $0x0  }
0x34b: {  	[sflag:s0] =	ssyncadd.s32 $0xFFFFFC00  }
0x34c: {  	_ =	swait.ge [sflag:s0], $0x400  }
0x34d: {  	[sflag:s0] =	ssyncset.done $0x0  }
0x34e: {  	[sflag:s0] =	ssyncadd.s32 $0xFFFFFC00  }
0x34f: {  	_ =	swait.ge [sflag:s0], $0x400  }
0x350: {  	[sflag:s0] =	ssyncset.done $0x0  }
0x351: {  	[sflag:s0] =	ssyncadd.s32 $0xFFFFFC00  }
0x352: {  	_ =	swait.ge [sflag:s0], $0x400  }
0x353: {  	[sflag:s0] =	ssyncset.done $0x0  }
0x354: {  	[sflag:s0] =	ssyncadd.s32 $0xFFFFFC00  }
0x355: {  	_ =	swait.ge [sflag:s0], $0x400  }
0x356: {  	[sflag:s0] =	ssyncset.done $0x0  }
0x357: {  	[sflag:s0] =	ssyncadd.s32 $0xFFFFFC00  }
0x358: {  	_ =	swait.ge [sflag:s0], $0x400  }
0x359: {  	[sflag:s0] =	ssyncset.done $0x0  }
0x35a: {  	[sflag:s0] =	ssyncadd.s32 $0xFFFFFC00  }
0x35b: {  	_ =	swait.ge [sflag:s0], $0x400  }
0x35c: {  	[sflag:s0] =	ssyncset.done $0x0  }
0x35d: {  	[sflag:s0] =	ssyncadd.s32 $0xFFFFFC00  }
0x35e: {  	_ =	swait.ge [sflag:s0], $0x400  }
0x35f: {  	[sflag:s0] =	ssyncset.done $0x0  }
0x360: {  	[sflag:s0] =	ssyncadd.s32 $0xFFFFFC00  }
0x361: {  	_ =	swait.ge [sflag:s17], $0x400  }
0x362: {  	[sflag:s17] =	ssyncset.done $0x0  }
0x363: {  	[sflag:s17] =	ssyncadd.s32 $0xFFFFFC00  }
0x364: {  	_ =	swait.ge [sflag:s17], $0x400  }
0x365: {  	[sflag:s17] =	ssyncset.done $0x0  }
0x366: {  	[sflag:s17] =	ssyncadd.s32 $0xFFFFFC00  }
0x367: {  	_ =	swait.ge [sflag:s17], $0x400  }
0x368: {  	[sflag:s17] =	ssyncset.done $0x0  }
0x369: {  	[sflag:s17] =	ssyncadd.s32 $0xFFFFFC00  }
0x36a: {  	_ =	swait.ge [sflag:s17], $0x400  }
0x36b: {  	[sflag:s17] =	ssyncset.done $0x0  }
0x36c: {  	[sflag:s17] =	ssyncadd.s32 $0xFFFFFC00  }
0x36d: {  	_ =	swait.ge [sflag:s17], $0x400  }
0x36e: {  	[sflag:s17] =	ssyncset.done $0x0  }
0x36f: {  	[sflag:s17] =	ssyncadd.s32 $0xFFFFFC00  }
0x370: {  	_ =	swait.ge [sflag:s17], $0x400  }
0x371: {  	[sflag:s17] =	ssyncset.done $0x0  }
0x372: {  	[sflag:s17] =	ssyncadd.s32 $0xFFFFFC00  }
0x373: {  	_ =	swait.ge [sflag:s17], $0x400  }
0x374: {  	[sflag:s17] =	ssyncset.done $0x0  }
0x375: {  	[sflag:s17] =	ssyncadd.s32 $0xFFFFFC00  }
0x376: {  	_ =	swait.ge [sflag:s17], $0x400  }
0x377: {  	s2 =	rddreg [dreg:$0x8]  }
0x378: {  	s28 =	rddreg [dreg:$0x7];
	s2 =	sadd.s32 $0x1, s2  }
0x379: {  	p0 =	sne.s32 s2, s28  }
.Ltmp10:
0x37a: {  	_ = 	snop;
	(pc) =	sbr.rel @p0 .LBB2_1-.Ltmp10, $3  }
0x37b: {  	_ =	sdelay $0x1  }
0x37c: {  	[sflag:s17] =	ssyncset.done $0x0  }
0x37d: {  	[sflag:s17] =	ssyncadd.s32 $0xFFFFFC00  }
0x37e: {  	_ =	sfence.sel $0x180000  }
0x37f: {  	[bflag:$0x0] =	sbarrier.arrive $0xFFFF  }
0x380: {  	_ =	strace $0x90000047  }
0x381: {  	s0 =	stileid.u32;
	[bflag:$0x2] =	sbarrier.arrive $0xFFFF  }
0x382: {  	p0 =	sne.s32 s0, $0x0;
	s0 =	rddreg [dreg:$0x3]  }
0x383: {  	s0 =	sadd.s32 @!p0 $0x100000, s0  }
0x384: {  	[sflag:s0] =	ssyncadd.tile.s32 @!p0 $0x1;
	_ =	shalt  }
.Lfunc_end2:
_tile_overlayer_lowered:
.L_overlay_start_2:
0x385: {  	(tag) =	ssettag $0x2  }
0x386: {  	s0 =	rddreg [dreg:$0x0];
	s2 =	stileid.u32  }
0x387: {  	s1 =	rddreg [dreg:$0x1];
	p0 =	sne.s32 s2, $0x0  }
0x388: {  	s3 =	rddreg [dreg:$0x2];
	[bflag:$0x3] =	sbarrier.arrive $0xFFFF;
	s2 =	simm.s32 @!p0 $0x1C07  }
0x389: {  	[timem:s3], [sflag:s2] =	dma.local @!p0 [hbm:s0], s1  }
0x38a: {  	s0 =	simm.s32 @!p0 $0x7  }
0x38b: {  	_ =	swait.ge @!p0 [sflag:s0], s1  }
0x38c: {  	s1 =	ssub.s32 @!p0 $0x0, s1;
	[sflag:s0] =	ssyncset.done @!p0 $0x0  }
0x38d: {  	[sflag:s0] =	ssyncadd.s32 @!p0 s1  }
0x38e: {  	[bflag:$0x3] =	sbarrier.arrive $0xFFFF  }
0x38f: {  	_ =	shalt  }

</sc_bundles>
